<compile_context>
chip_gen: v7x
topology: tpu7x:2x2x1
jax: 0.10.2.dev20260603
libtpu: 0.0.44.dev20260713+nightly
codegen_flags: <defaults>
</compile_context>

<pallas_src>
import functools

import numpy as np
import jax
import jax.numpy as jnp
from jax import lax
from jax.experimental import pallas as pl
from jax.experimental.pallas import tpu as pltpu
from jax.experimental.pallas import tpu_sc as plsc

B = 4096
L = 200
H = 128
P = 208
NGROUPS = P // 16
NC, NS = 2, 16
TSCHUNK = 32
NW = NC * NS
ROWS_PER = B // NW

_W = (25, 25, 25, 25, 28)
_SHIFT = (12, 31, 7, 24, 60)
_COL0 = (0, 25, 50, 75, 100)
_ABS_BASE = (0, 300, 1075, 1250, 1850)
_INT_BASE = (0, 600, 2150, 2500, 3700)
ABS_FLAT = 3536
INT_FLAT = 7064


def _idiv(x, d):
    xf = x.astype(jnp.float32)
    q = (xf * np.float32(1.0 / d)).astype(jnp.int32)
    r = x - q * d
    q = jnp.where(r < 0, q - 1, q)
    r = jnp.where(r < 0, r + d, r)
    q = jnp.where(r >= d, q + 1, q)
    return q


def _decomp(ts):
    t1 = jnp.right_shift(ts, 7)
    days = _idiv(t1, 675)
    secs = ts - days * 86400
    hour = _idiv(secs, 3600)
    rem = secs - hour * 3600
    minute = _idiv(rem, 60)
    wk = days + 3
    weekday = wk - _idiv(wk, 7) * 7
    z = days + 719468
    era = _idiv(z, 146097)
    doe = z - era * 146097
    yoe = _idiv(doe - _idiv(doe, 1460) + _idiv(doe, 36524) - _idiv(doe, 146096), 365)
    doy = doe - (365 * yoe + _idiv(yoe, 4) - _idiv(yoe, 100))
    mp = _idiv(5 * doy + 2, 153)
    d = doy - _idiv(153 * mp + 2, 5) + 1
    m = jnp.where(mp < 10, mp + 3, mp - 9)
    return m - 1, d - 1, weekday, hour, minute


@functools.partial(
    pl.kernel,
    mesh=plsc.VectorSubcoreMesh(core_axis_name="c", subcore_axis_name="s"),
    compiler_params=pltpu.CompilerParams(needs_layout_passes=False),
    out_type=[
        jax.ShapeDtypeStruct((B, L + 1, H), jnp.float32),
        jax.ShapeDtypeStruct((B, L, H), jnp.float32),
    ],
    scratch_types=[
        pltpu.VMEM((ABS_FLAT,), jnp.float32),
        pltpu.VMEM((INT_FLAT,), jnp.float32),
        pltpu.VMEM((TSCHUNK, P), jnp.int32),
        pltpu.VMEM((ROWS_PER,), jnp.int32),
        pltpu.VMEM((5 * ROWS_PER,), jnp.int32),
        pltpu.VMEM((2 * P, H), jnp.float32),
        pltpu.VMEM((2 * P, H), jnp.float32),
        pltpu.SemaphoreType.DMA,
        pltpu.SemaphoreType.DMA,
        pltpu.SemaphoreType.DMA,
        pltpu.SemaphoreType.DMA,
    ],
)
def _sc_embed(ts_hbm, ct_hbm, ta_hbm, ti_hbm, abs_out, int_out,
              ta_v, ti_v, ts_v, ct_v, k_v, abs_buf, int_buf,
              sa0, sa1, si0, si1):
    wid = lax.axis_index("s") * NC + lax.axis_index("c")
    pltpu.sync_copy(ta_hbm, ta_v)
    pltpu.sync_copy(ti_hbm, ti_v)
    pltpu.sync_copy(ct_hbm.at[pl.ds(wid * ROWS_PER, ROWS_PER)], ct_v)

    lane = lax.iota(jnp.int32, 16)

    def cand_body(g, c0):
        comps = _decomp(ct_v[pl.ds(g * 16, 16)])
        for t in range(5):
            kprep = (comps[t] + _SHIFT[t]) * _W[t] + _INT_BASE[t]
            k_v[pl.ds(t * ROWS_PER + g * 16, 16)] = kprep
        return c0

    lax.fori_loop(jnp.int32(0), jnp.int32(ROWS_PER // 16), cand_body, 0)

    def row_body(i, carry):
        row = wid * ROWS_PER + i
        ir = i & (TSCHUNK - 1)
        slot = i & 1
        soff = slot * P

        @pl.when(ir == 0)
        def _ts():
            base = pl.multiple_of(row - ir, TSCHUNK)
            pltpu.sync_copy(ts_hbm.at[pl.ds(base, TSCHUNK)], ts_v)

        @pl.when(jnp.logical_and(i >= 2, slot == 0))
        def _w0():
            pltpu.make_async_copy(
                abs_buf.at[pl.ds(0, L + 1)], abs_out.at[row], sa0).wait()
            pltpu.make_async_copy(
                int_buf.at[pl.ds(0, L)], int_out.at[row], si0).wait()

        @pl.when(jnp.logical_and(i >= 2, slot == 1))
        def _w1():
            pltpu.make_async_copy(
                abs_buf.at[pl.ds(P, L + 1)], abs_out.at[row], sa1).wait()
            pltpu.make_async_copy(
                int_buf.at[pl.ds(P, L)], int_out.at[row], si1).wait()

        kb = tuple(
            plsc.load_gather(k_v, [jnp.full((16,), t * ROWS_PER, jnp.int32) + i])
            for t in range(5)
        )

        def group_body(g, c2):
            pos0 = g * 16
            comps = _decomp(ts_v[ir, pl.ds(pos0, 16)])
            rowflat = (lane + (pos0 + soff)) * H
            zero16 = jnp.zeros((16,), jnp.int32)
            for t in range(5):
                compw = comps[t] * _W[t]
                carry0 = (compw + _ABS_BASE[t],
                          kb[t] - compw,
                          rowflat + _COL0[t])

                @plsc.parallel_loop(jnp.int32(0), jnp.int32(_W[t]),
                                    jnp.int32(1),
                                    unroll=5 if _W[t] == 25 else 4,
                                    carry=carry0)
                def _col(cc, c, zero16=zero16):
                    ga, gi, fs = c
                    va = plsc.load_gather(ta_v, [ga])
                    plsc.store_scatter(abs_buf, [zero16, fs], va)
                    vi = plsc.load_gather(ti_v, [gi])
                    plsc.store_scatter(int_buf, [zero16, fs], vi)
                    return (ga + 1, gi + 1, fs + 1)
            return c2

        lax.fori_loop(jnp.int32(0), jnp.int32(NGROUPS), group_body, 0)

        @pl.when(slot == 0)
        def _s0():
            pltpu.make_async_copy(
                abs_buf.at[pl.ds(0, L + 1)], abs_out.at[row], sa0).start()
            pltpu.make_async_copy(
                int_buf.at[pl.ds(0, L)], int_out.at[row], si0).start()

        @pl.when(slot == 1)
        def _s1():
            pltpu.make_async_copy(
                abs_buf.at[pl.ds(P, L + 1)], abs_out.at[row], sa1).start()
            pltpu.make_async_copy(
                int_buf.at[pl.ds(P, L)], int_out.at[row], si1).start()

        return carry

    lax.fori_loop(jnp.int32(0), jnp.int32(ROWS_PER), row_body, 0)
    last = wid * ROWS_PER
    pltpu.make_async_copy(abs_buf.at[pl.ds(0, L + 1)], abs_out.at[last], sa0).wait()
    pltpu.make_async_copy(int_buf.at[pl.ds(0, L)], int_out.at[last], si0).wait()
    pltpu.make_async_copy(abs_buf.at[pl.ds(P, L + 1)], abs_out.at[last], sa1).wait()
    pltpu.make_async_copy(int_buf.at[pl.ds(P, L)], int_out.at[last], si1).wait()


def kernel(history_time, candidate_time, m_table, d_table, w_table, h_table,
           mi_table, m_int_table, d_int_table, w_int_table, h_int_table,
           mi_int_table):
    ht32 = history_time.astype(jnp.int32)
    ct32 = candidate_time.astype(jnp.int32)
    ts_pad = jnp.concatenate(
        [ht32, jnp.broadcast_to(ct32[:, None], (B, P - L))], axis=1)
    ta = jnp.concatenate([
        m_table.ravel(), d_table.ravel(), w_table.ravel(), h_table.ravel(),
        mi_table.ravel(), jnp.zeros((ABS_FLAT - 3530,), jnp.float32)])
    ti = jnp.concatenate([
        m_int_table.ravel(), d_int_table.ravel(), w_int_table.ravel(),
        h_int_table.ravel(), mi_int_table.ravel(),
        jnp.zeros((INT_FLAT - 7060,), jnp.float32)])
    return tuple(_sc_embed(ts_pad, ct32, ta, ti))

# --- scband reference (transcript-rebuilt; emitter-appended) ---
"""Pipeline reference for scband-time-embedding-month-62045097558239 (READ-ONLY COPY).

The authoritative reference and input builder live on the scoring server;
editing this copy changes nothing except your own understanding.
"""

import jax, jax.numpy as jnp
import numpy as np
jax.config.update("jax_enable_x64", True)

HIDDEN = 128
T = HIDDEN // 5          # 25
MI_DIM = HIDDEN - T * 4  # 28
B, L = 4096, 200
TS_MAX = 1700000000


def _civil_from_ts(ts):
    # UTC decomposition of unix timestamps (matches time.ctime on a UTC host)
    days = ts // 86400
    secs = ts - days * 86400
    hour = secs // 3600
    minute = (secs % 3600) // 60
    weekday = (days + 3) % 7  # Mon=0 ... Sun=6 (epoch day 0 was Thursday=3)
    # Howard Hinnant civil_from_days
    z = days + 719468
    era = z // 146097
    doe = z - era * 146097
    yoe = (doe - doe // 1460 + doe // 36524 - doe // 146096) // 365
    doy = doe - (365 * yoe + yoe // 4 - yoe // 100)
    mp = (5 * doy + 2) // 153
    d = doy - (153 * mp + 2) // 5 + 1
    m = jnp.where(mp < 10, mp + 3, mp - 9)
    # torch module maps month->0..11 and day->0..30
    return m - 1, d - 1, weekday, hour, minute


def setup_inputs(seed: int = 0) -> dict:
    key = jax.random.key(seed)
    ks = jax.random.split(key, 12)
    history_time = jax.random.randint(ks[0], (B, L), 0, TS_MAX, dtype=jnp.int64)
    candidate_time = jax.random.randint(ks[1], (B,), 0, TS_MAX, dtype=jnp.int64)

    def tab(k, n, d):
        return jax.random.normal(k, (n, d), dtype=jnp.float32)

    return {
        "history_time": history_time,
        "candidate_time": candidate_time,
        "m_table": tab(ks[2], 12, T),
        "d_table": tab(ks[3], 31, T),
        "w_table": tab(ks[4], 7, T),
        "h_table": tab(ks[5], 24, T),
        "mi_table": tab(ks[6], 60, MI_DIM),
        "m_int_table": tab(ks[7], 24, T),
        "d_int_table": tab(ks[8], 62, T),
        "w_int_table": tab(ks[9], 14, T),
        "h_int_table": tab(ks[10], 48, T),
        "mi_int_table": tab(ks[11], 120, MI_DIM),
    }


def reference(history_time, candidate_time, m_table, d_table, w_table, h_table,
              mi_table, m_int_table, d_int_table, w_int_table, h_int_table,
              mi_int_table):
    # concat history + candidate -> [B, L+1]
    bt = jnp.concatenate([history_time, candidate_time[:, None]], axis=1)
    bm, bd, bw, bh, bmi = _civil_from_ts(bt)

    # absolute embeddings, concat on feature dim -> [B, L+1, HIDDEN]
    abs_embedding = jnp.concatenate([
        jnp.take(m_table, bm, axis=0),
        jnp.take(d_table, bd, axis=0),
        jnp.take(w_table, bw, axis=0),
        jnp.take(h_table, bh, axis=0),
        jnp.take(mi_table, bmi, axis=0),
    ], axis=2)

    # interval indices: candidate component minus history components, shifted positive
    m_i = bm[:, -1:] - bm[:, :-1] + 12
    d_i = bd[:, -1:] - bd[:, :-1] + 31
    w_i = bw[:, -1:] - bw[:, :-1] + 7
    h_i = bh[:, -1:] - bh[:, :-1] + 24
    mi_i = bmi[:, -1:] - bmi[:, :-1] + 60

    interval_embedding = jnp.concatenate([
        jnp.take(m_int_table, m_i, axis=0),
        jnp.take(d_int_table, d_i, axis=0),
        jnp.take(w_int_table, w_i, axis=0),
        jnp.take(h_int_table, h_i, axis=0),
        jnp.take(mi_int_table, mi_i, axis=0),
    ], axis=2)

    return abs_embedding, interval_embedding

if __name__ == "__main__":
    import jax
    _d = setup_inputs()
    print(jax.jit(kernel)(*tuple(_d.values())))

</pallas_src>

<mosaic_0001>
#map = affine_map<(d0, d1) -> (0, 0)>
#map1 = affine_map<(d0, d1) -> (0)>
#map2 = affine_map<(d0, d1) -> (0, 0, 0)>
module attributes {stable_mosaic.version = 14 : i64} {
  func.func @_sc_embed(%arg0: i32, %arg1: i32, %arg2: memref<4096x208xi32, #tpu.memory_space<hbm>>, %arg3: memref<4096xi32, #tpu.memory_space<hbm>>, %arg4: memref<3536xf32, #tpu.memory_space<hbm>>, %arg5: memref<7064xf32, #tpu.memory_space<hbm>>, %arg6: memref<4096x201x128xf32, #tpu.memory_space<hbm>>, %arg7: memref<4096x200x128xf32, #tpu.memory_space<hbm>>, %arg8: memref<3536xf32, #tpu.memory_space<vmem>>, %arg9: memref<7064xf32, #tpu.memory_space<vmem>>, %arg10: memref<32x208xi32, #tpu.memory_space<vmem>>, %arg11: memref<128xi32, #tpu.memory_space<vmem>>, %arg12: memref<640xi32, #tpu.memory_space<vmem>>, %arg13: memref<416x128xf32, #tpu.memory_space<vmem>>, %arg14: memref<416x128xf32, #tpu.memory_space<vmem>>, %arg15: memref<!tpu.dma_semaphore, #tpu.memory_space<semaphore_mem>>, %arg16: memref<!tpu.dma_semaphore, #tpu.memory_space<semaphore_mem>>, %arg17: memref<!tpu.dma_semaphore, #tpu.memory_space<semaphore_mem>>, %arg18: memref<!tpu.dma_semaphore, #tpu.memory_space<semaphore_mem>>) attributes {dimension_semantics = [#tpu.dimension_semantics<core_parallel>, #tpu.dimension_semantics<subcore_parallel>], iteration_bounds = array<i64: 2, 16>, scalar_prefetch = 0 : i64, scratch_operands = 11 : i64, tpu.core_type = #tpu.core_type<sc_vector_subcore>, window_params = [{transform_indices = #map}, {transform_indices = #map1}, {transform_indices = #map1}, {transform_indices = #map1}, {transform_indices = #map2}, {transform_indices = #map2}]} {
    %mul3A = arith.constant 2 : i32
    %mul3A_0 = arith.muli %arg1, %mul3A : i32
    %add3A = arith.addi %mul3A_0, %arg0 : i32
    "tpu.region"() ({
      %run_scoped3A = tpu.sem_alloc : memref<!tpu.dma_semaphore, #tpu.memory_space<semaphore_mem>>
      tpu.enqueue_dma source(%arg4 : memref<3536xf32, #tpu.memory_space<hbm>>) target(%arg8 : memref<3536xf32, #tpu.memory_space<vmem>>) target_semaphore(%run_scoped3A : memref<!tpu.dma_semaphore, #tpu.memory_space<semaphore_mem>>)
      tpu.wait_dma2 semaphore(%run_scoped3A : memref<!tpu.dma_semaphore, #tpu.memory_space<semaphore_mem>>) src(%arg4 : memref<3536xf32, #tpu.memory_space<hbm>>) dst(%arg8 : memref<3536xf32, #tpu.memory_space<vmem>>)
      tpu.yield
    }) : () -> ()
    "tpu.region"() ({
      %run_scoped3A = tpu.sem_alloc : memref<!tpu.dma_semaphore, #tpu.memory_space<semaphore_mem>>
      tpu.enqueue_dma source(%arg5 : memref<7064xf32, #tpu.memory_space<hbm>>) target(%arg9 : memref<7064xf32, #tpu.memory_space<vmem>>) target_semaphore(%run_scoped3A : memref<!tpu.dma_semaphore, #tpu.memory_space<semaphore_mem>>)
      tpu.wait_dma2 semaphore(%run_scoped3A : memref<!tpu.dma_semaphore, #tpu.memory_space<semaphore_mem>>) src(%arg5 : memref<7064xf32, #tpu.memory_space<hbm>>) dst(%arg9 : memref<7064xf32, #tpu.memory_space<vmem>>)
      tpu.yield
    }) : () -> ()
    %mul3A_1 = arith.constant 128 : i32
    %mul3A_2 = arith.muli %add3A, %mul3A_1 : i32
    "tpu.region"() ({
      %run_scoped3A = tpu.sem_alloc : memref<!tpu.dma_semaphore, #tpu.memory_space<semaphore_mem>>
      %dma_start3A = tpu.memref_slice %arg3[%mul3A_2] : memref<4096xi32, #tpu.memory_space<hbm>> -> memref<128xi32, #tpu.memory_space<hbm>>
      %dma_start3A_81 = tpu.memref_slice %arg3[%mul3A_2] : memref<4096xi32, #tpu.memory_space<hbm>> -> memref<128xi32, #tpu.memory_space<hbm>>
      tpu.enqueue_dma source(%dma_start3A_81 : memref<128xi32, #tpu.memory_space<hbm>>) target(%arg11 : memref<128xi32, #tpu.memory_space<vmem>>) target_semaphore(%run_scoped3A : memref<!tpu.dma_semaphore, #tpu.memory_space<semaphore_mem>>)
      %dma_wait3A_82 = tpu.memref_slice %arg3[%mul3A_2] : memref<4096xi32, #tpu.memory_space<hbm>> -> memref<128xi32, #tpu.memory_space<hbm>>
      %dma_wait3A_83 = tpu.memref_slice %arg3[%mul3A_2] : memref<4096xi32, #tpu.memory_space<hbm>> -> memref<128xi32, #tpu.memory_space<hbm>>
      tpu.wait_dma2 semaphore(%run_scoped3A : memref<!tpu.dma_semaphore, #tpu.memory_space<semaphore_mem>>) src(%dma_wait3A_83 : memref<128xi32, #tpu.memory_space<hbm>>) dst(%arg11 : memref<128xi32, #tpu.memory_space<vmem>>)
      tpu.yield
    }) : () -> ()
    %iota3A = tpu.iota {dimensions = array<i32: 0>} : vector<16xi32>
    %while3A = arith.constant 0 : i64
    %while3A_3 = arith.constant 0 : i32
    %while3A_4 = arith.constant 8 : i32
    %while3A_5 = arith.subi %while3A_4, %while3A_3 : i32
    %while3A_6 = arith.addi %while3A_3, %while3A_5 : i32
    %while3A_7 = arith.constant 1 : i32
    %while3A_8 = arith.divsi %while3A_5, %while3A_7 : i32
    %while3A_9 = arith.muli %while3A_8, %while3A_7 : i32
    %while3A_10 = arith.addi %while3A_3, %while3A_9 : i32
    %while3A_11 = arith.constant 1 : i32
    scf.for %while3A_81 = %while3A_3 to %while3A_10 step %while3A_11  : i32 {
      %mul3A_82 = arith.constant 16 : i32
      %mul3A_83 = arith.muli %while3A_81, %mul3A_82 : i32
      %get3A = arith.index_cast %mul3A_83 : i32 to index
      %get3A_84 = tpu.vector_load %arg11[%get3A] {strides = array<i32>} : memref<128xi32, #tpu.memory_space<vmem>>, vector<16xi32>,
      %shift_right_arithmetic3A = arith.constant 7 : i32
      %shift_right_arithmetic3A_85 = vector.broadcast %shift_right_arithmetic3A : i32 to vector<16xi32>
      %shift_right_arithmetic3A_86 = arith.shrsi %get3A_84, %shift_right_arithmetic3A_85 : vector<16xi32>
      %convert_element_type3A = arith.sitofp %shift_right_arithmetic3A_86 : vector<16xi32> to vector<16xf32>
      %mul3A_87 = arith.constant 0.00148148148 : f32
      %mul3A_88 = vector.broadcast %mul3A_87 : f32 to vector<16xf32>
      %mul3A_89 = arith.mulf %convert_element_type3A, %mul3A_88 : vector<16xf32>
      %convert_element_type3A_90 = arith.fptosi %mul3A_89 : vector<16xf32> to vector<16xi32>
      %mul3A_91 = arith.constant 675 : i32
      %mul3A_92 = vector.broadcast %mul3A_91 : i32 to vector<16xi32>
      %mul3A_93 = arith.muli %convert_element_type3A_90, %mul3A_92 : vector<16xi32>
      %sub3A = arith.subi %shift_right_arithmetic3A_86, %mul3A_93 : vector<16xi32>
      %lt3A = arith.constant 0 : i32
      %lt3A_94 = vector.broadcast %lt3A : i32 to vector<16xi32>
      %lt3A_95 = arith.cmpi slt, %sub3A, %lt3A_94 : vector<16xi32>
      %sub3A_96 = arith.constant 1 : i32
      %sub3A_97 = vector.broadcast %sub3A_96 : i32 to vector<16xi32>
      %sub3A_98 = arith.subi %convert_element_type3A_90, %sub3A_97 : vector<16xi32>
      %select_n3A = arith.select %lt3A_95, %sub3A_98, %convert_element_type3A_90 : vector<16xi1>, vector<16xi32>
      %lt3A_99 = arith.constant 0 : i32
      %lt3A_100 = vector.broadcast %lt3A_99 : i32 to vector<16xi32>
      %lt3A_101 = arith.cmpi slt, %sub3A, %lt3A_100 : vector<16xi32>
      %add3A_102 = arith.constant 675 : i32
      %add3A_103 = vector.broadcast %add3A_102 : i32 to vector<16xi32>
      %add3A_104 = arith.addi %sub3A, %add3A_103 : vector<16xi32>
      %select_n3A_105 = arith.select %lt3A_101, %add3A_104, %sub3A : vector<16xi1>, vector<16xi32>
      %ge3A = arith.constant 675 : i32
      %ge3A_106 = vector.broadcast %ge3A : i32 to vector<16xi32>
      %ge3A_107 = arith.cmpi sge, %select_n3A_105, %ge3A_106 : vector<16xi32>
      %add3A_108 = arith.constant 1 : i32
      %add3A_109 = vector.broadcast %add3A_108 : i32 to vector<16xi32>
      %add3A_110 = arith.addi %select_n3A, %add3A_109 : vector<16xi32>
      %select_n3A_111 = arith.select %ge3A_107, %add3A_110, %select_n3A : vector<16xi1>, vector<16xi32>
      %mul3A_112 = arith.constant 86400 : i32
      %mul3A_113 = vector.broadcast %mul3A_112 : i32 to vector<16xi32>
      %mul3A_114 = arith.muli %select_n3A_111, %mul3A_113 : vector<16xi32>
      %sub3A_115 = arith.subi %get3A_84, %mul3A_114 : vector<16xi32>
      %convert_element_type3A_116 = arith.sitofp %sub3A_115 : vector<16xi32> to vector<16xf32>
      %mul3A_117 = arith.constant 2.77777785E-4 : f32
      %mul3A_118 = vector.broadcast %mul3A_117 : f32 to vector<16xf32>
      %mul3A_119 = arith.mulf %convert_element_type3A_116, %mul3A_118 : vector<16xf32>
      %convert_element_type3A_120 = arith.fptosi %mul3A_119 : vector<16xf32> to vector<16xi32>
      %mul3A_121 = arith.constant 3600 : i32
      %mul3A_122 = vector.broadcast %mul3A_121 : i32 to vector<16xi32>
      %mul3A_123 = arith.muli %convert_element_type3A_120, %mul3A_122 : vector<16xi32>
      %sub3A_124 = arith.subi %sub3A_115, %mul3A_123 : vector<16xi32>
      %lt3A_125 = arith.constant 0 : i32
      %lt3A_126 = vector.broadcast %lt3A_125 : i32 to vector<16xi32>
      %lt3A_127 = arith.cmpi slt, %sub3A_124, %lt3A_126 : vector<16xi32>
      %sub3A_128 = arith.constant 1 : i32
      %sub3A_129 = vector.broadcast %sub3A_128 : i32 to vector<16xi32>
      %sub3A_130 = arith.subi %convert_element_type3A_120, %sub3A_129 : vector<16xi32>
      %select_n3A_131 = arith.select %lt3A_127, %sub3A_130, %convert_element_type3A_120 : vector<16xi1>, vector<16xi32>
      %lt3A_132 = arith.constant 0 : i32
      %lt3A_133 = vector.broadcast %lt3A_132 : i32 to vector<16xi32>
      %lt3A_134 = arith.cmpi slt, %sub3A_124, %lt3A_133 : vector<16xi32>
      %add3A_135 = arith.constant 3600 : i32
      %add3A_136 = vector.broadcast %add3A_135 : i32 to vector<16xi32>
      %add3A_137 = arith.addi %sub3A_124, %add3A_136 : vector<16xi32>
      %select_n3A_138 = arith.select %lt3A_134, %add3A_137, %sub3A_124 : vector<16xi1>, vector<16xi32>
      %ge3A_139 = arith.constant 3600 : i32
      %ge3A_140 = vector.broadcast %ge3A_139 : i32 to vector<16xi32>
      %ge3A_141 = arith.cmpi sge, %select_n3A_138, %ge3A_140 : vector<16xi32>
      %add3A_142 = arith.constant 1 : i32
      %add3A_143 = vector.broadcast %add3A_142 : i32 to vector<16xi32>
      %add3A_144 = arith.addi %select_n3A_131, %add3A_143 : vector<16xi32>
      %select_n3A_145 = arith.select %ge3A_141, %add3A_144, %select_n3A_131 : vector<16xi1>, vector<16xi32>
      %mul3A_146 = arith.constant 3600 : i32
      %mul3A_147 = vector.broadcast %mul3A_146 : i32 to vector<16xi32>
      %mul3A_148 = arith.muli %select_n3A_145, %mul3A_147 : vector<16xi32>
      %sub3A_149 = arith.subi %sub3A_115, %mul3A_148 : vector<16xi32>
      %convert_element_type3A_150 = arith.sitofp %sub3A_149 : vector<16xi32> to vector<16xf32>
      %mul3A_151 = arith.constant 0.0166666675 : f32
      %mul3A_152 = vector.broadcast %mul3A_151 : f32 to vector<16xf32>
      %mul3A_153 = arith.mulf %convert_element_type3A_150, %mul3A_152 : vector<16xf32>
      %convert_element_type3A_154 = arith.fptosi %mul3A_153 : vector<16xf32> to vector<16xi32>
      %mul3A_155 = arith.constant 60 : i32
      %mul3A_156 = vector.broadcast %mul3A_155 : i32 to vector<16xi32>
      %mul3A_157 = arith.muli %convert_element_type3A_154, %mul3A_156 : vector<16xi32>
      %sub3A_158 = arith.subi %sub3A_149, %mul3A_157 : vector<16xi32>
      %lt3A_159 = arith.constant 0 : i32
      %lt3A_160 = vector.broadcast %lt3A_159 : i32 to vector<16xi32>
      %lt3A_161 = arith.cmpi slt, %sub3A_158, %lt3A_160 : vector<16xi32>
      %sub3A_162 = arith.constant 1 : i32
      %sub3A_163 = vector.broadcast %sub3A_162 : i32 to vector<16xi32>
      %sub3A_164 = arith.subi %convert_element_type3A_154, %sub3A_163 : vector<16xi32>
      %select_n3A_165 = arith.select %lt3A_161, %sub3A_164, %convert_element_type3A_154 : vector<16xi1>, vector<16xi32>
      %lt3A_166 = arith.constant 0 : i32
      %lt3A_167 = vector.broadcast %lt3A_166 : i32 to vector<16xi32>
      %lt3A_168 = arith.cmpi slt, %sub3A_158, %lt3A_167 : vector<16xi32>
      %add3A_169 = arith.constant 60 : i32
      %add3A_170 = vector.broadcast %add3A_169 : i32 to vector<16xi32>
      %add3A_171 = arith.addi %sub3A_158, %add3A_170 : vector<16xi32>
      %select_n3A_172 = arith.select %lt3A_168, %add3A_171, %sub3A_158 : vector<16xi1>, vector<16xi32>
      %ge3A_173 = arith.constant 60 : i32
      %ge3A_174 = vector.broadcast %ge3A_173 : i32 to vector<16xi32>
      %ge3A_175 = arith.cmpi sge, %select_n3A_172, %ge3A_174 : vector<16xi32>
      %add3A_176 = arith.constant 1 : i32
      %add3A_177 = vector.broadcast %add3A_176 : i32 to vector<16xi32>
      %add3A_178 = arith.addi %select_n3A_165, %add3A_177 : vector<16xi32>
      %select_n3A_179 = arith.select %ge3A_175, %add3A_178, %select_n3A_165 : vector<16xi1>, vector<16xi32>
      %add3A_180 = arith.constant 3 : i32
      %add3A_181 = vector.broadcast %add3A_180 : i32 to vector<16xi32>
      %add3A_182 = arith.addi %select_n3A_111, %add3A_181 : vector<16xi32>
      %convert_element_type3A_183 = arith.sitofp %add3A_182 : vector<16xi32> to vector<16xf32>
      %mul3A_184 = arith.constant 0.142857149 : f32
      %mul3A_185 = vector.broadcast %mul3A_184 : f32 to vector<16xf32>
      %mul3A_186 = arith.mulf %convert_element_type3A_183, %mul3A_185 : vector<16xf32>
      %convert_element_type3A_187 = arith.fptosi %mul3A_186 : vector<16xf32> to vector<16xi32>
      %mul3A_188 = arith.constant 7 : i32
      %mul3A_189 = vector.broadcast %mul3A_188 : i32 to vector<16xi32>
      %mul3A_190 = arith.muli %convert_element_type3A_187, %mul3A_189 : vector<16xi32>
      %sub3A_191 = arith.subi %add3A_182, %mul3A_190 : vector<16xi32>
      %lt3A_192 = arith.constant 0 : i32
      %lt3A_193 = vector.broadcast %lt3A_192 : i32 to vector<16xi32>
      %lt3A_194 = arith.cmpi slt, %sub3A_191, %lt3A_193 : vector<16xi32>
      %sub3A_195 = arith.constant 1 : i32
      %sub3A_196 = vector.broadcast %sub3A_195 : i32 to vector<16xi32>
      %sub3A_197 = arith.subi %convert_element_type3A_187, %sub3A_196 : vector<16xi32>
      %select_n3A_198 = arith.select %lt3A_194, %sub3A_197, %convert_element_type3A_187 : vector<16xi1>, vector<16xi32>
      %lt3A_199 = arith.constant 0 : i32
      %lt3A_200 = vector.broadcast %lt3A_199 : i32 to vector<16xi32>
      %lt3A_201 = arith.cmpi slt, %sub3A_191, %lt3A_200 : vector<16xi32>
      %add3A_202 = arith.constant 7 : i32
      %add3A_203 = vector.broadcast %add3A_202 : i32 to vector<16xi32>
      %add3A_204 = arith.addi %sub3A_191, %add3A_203 : vector<16xi32>
      %select_n3A_205 = arith.select %lt3A_201, %add3A_204, %sub3A_191 : vector<16xi1>, vector<16xi32>
      %ge3A_206 = arith.constant 7 : i32
      %ge3A_207 = vector.broadcast %ge3A_206 : i32 to vector<16xi32>
      %ge3A_208 = arith.cmpi sge, %select_n3A_205, %ge3A_207 : vector<16xi32>
      %add3A_209 = arith.constant 1 : i32
      %add3A_210 = vector.broadcast %add3A_209 : i32 to vector<16xi32>
      %add3A_211 = arith.addi %select_n3A_198, %add3A_210 : vector<16xi32>
      %select_n3A_212 = arith.select %ge3A_208, %add3A_211, %select_n3A_198 : vector<16xi1>, vector<16xi32>
      %mul3A_213 = arith.constant 7 : i32
      %mul3A_214 = vector.broadcast %mul3A_213 : i32 to vector<16xi32>
      %mul3A_215 = arith.muli %select_n3A_212, %mul3A_214 : vector<16xi32>
      %sub3A_216 = arith.subi %add3A_182, %mul3A_215 : vector<16xi32>
      %add3A_217 = arith.constant 719468 : i32
      %add3A_218 = vector.broadcast %add3A_217 : i32 to vector<16xi32>
      %add3A_219 = arith.addi %select_n3A_111, %add3A_218 : vector<16xi32>
      %convert_element_type3A_220 = arith.sitofp %add3A_219 : vector<16xi32> to vector<16xf32>
      %mul3A_221 = arith.constant 6.84476754E-6 : f32
      %mul3A_222 = vector.broadcast %mul3A_221 : f32 to vector<16xf32>
      %mul3A_223 = arith.mulf %convert_element_type3A_220, %mul3A_222 : vector<16xf32>
      %convert_element_type3A_224 = arith.fptosi %mul3A_223 : vector<16xf32> to vector<16xi32>
      %mul3A_225 = arith.constant 146097 : i32
      %mul3A_226 = vector.broadcast %mul3A_225 : i32 to vector<16xi32>
      %mul3A_227 = arith.muli %convert_element_type3A_224, %mul3A_226 : vector<16xi32>
      %sub3A_228 = arith.subi %add3A_219, %mul3A_227 : vector<16xi32>
      %lt3A_229 = arith.constant 0 : i32
      %lt3A_230 = vector.broadcast %lt3A_229 : i32 to vector<16xi32>
      %lt3A_231 = arith.cmpi slt, %sub3A_228, %lt3A_230 : vector<16xi32>
      %sub3A_232 = arith.constant 1 : i32
      %sub3A_233 = vector.broadcast %sub3A_232 : i32 to vector<16xi32>
      %sub3A_234 = arith.subi %convert_element_type3A_224, %sub3A_233 : vector<16xi32>
      %select_n3A_235 = arith.select %lt3A_231, %sub3A_234, %convert_element_type3A_224 : vector<16xi1>, vector<16xi32>
      %lt3A_236 = arith.constant 0 : i32
      %lt3A_237 = vector.broadcast %lt3A_236 : i32 to vector<16xi32>
      %lt3A_238 = arith.cmpi slt, %sub3A_228, %lt3A_237 : vector<16xi32>
      %add3A_239 = arith.constant 146097 : i32
      %add3A_240 = vector.broadcast %add3A_239 : i32 to vector<16xi32>
      %add3A_241 = arith.addi %sub3A_228, %add3A_240 : vector<16xi32>
      %select_n3A_242 = arith.select %lt3A_238, %add3A_241, %sub3A_228 : vector<16xi1>, vector<16xi32>
      %ge3A_243 = arith.constant 146097 : i32
      %ge3A_244 = vector.broadcast %ge3A_243 : i32 to vector<16xi32>
      %ge3A_245 = arith.cmpi sge, %select_n3A_242, %ge3A_244 : vector<16xi32>
      %add3A_246 = arith.constant 1 : i32
      %add3A_247 = vector.broadcast %add3A_246 : i32 to vector<16xi32>
      %add3A_248 = arith.addi %select_n3A_235, %add3A_247 : vector<16xi32>
      %select_n3A_249 = arith.select %ge3A_245, %add3A_248, %select_n3A_235 : vector<16xi1>, vector<16xi32>
      %mul3A_250 = arith.constant 146097 : i32
      %mul3A_251 = vector.broadcast %mul3A_250 : i32 to vector<16xi32>
      %mul3A_252 = arith.muli %select_n3A_249, %mul3A_251 : vector<16xi32>
      %sub3A_253 = arith.subi %add3A_219, %mul3A_252 : vector<16xi32>
      %convert_element_type3A_254 = arith.sitofp %sub3A_253 : vector<16xi32> to vector<16xf32>
      %mul3A_255 = arith.constant 6.84931525E-4 : f32
      %mul3A_256 = vector.broadcast %mul3A_255 : f32 to vector<16xf32>
      %mul3A_257 = arith.mulf %convert_element_type3A_254, %mul3A_256 : vector<16xf32>
      %convert_element_type3A_258 = arith.fptosi %mul3A_257 : vector<16xf32> to vector<16xi32>
      %mul3A_259 = arith.constant 1460 : i32
      %mul3A_260 = vector.broadcast %mul3A_259 : i32 to vector<16xi32>
      %mul3A_261 = arith.muli %convert_element_type3A_258, %mul3A_260 : vector<16xi32>
      %sub3A_262 = arith.subi %sub3A_253, %mul3A_261 : vector<16xi32>
      %lt3A_263 = arith.constant 0 : i32
      %lt3A_264 = vector.broadcast %lt3A_263 : i32 to vector<16xi32>
      %lt3A_265 = arith.cmpi slt, %sub3A_262, %lt3A_264 : vector<16xi32>
      %sub3A_266 = arith.constant 1 : i32
      %sub3A_267 = vector.broadcast %sub3A_266 : i32 to vector<16xi32>
      %sub3A_268 = arith.subi %convert_element_type3A_258, %sub3A_267 : vector<16xi32>
      %select_n3A_269 = arith.select %lt3A_265, %sub3A_268, %convert_element_type3A_258 : vector<16xi1>, vector<16xi32>
      %lt3A_270 = arith.constant 0 : i32
      %lt3A_271 = vector.broadcast %lt3A_270 : i32 to vector<16xi32>
      %lt3A_272 = arith.cmpi slt, %sub3A_262, %lt3A_271 : vector<16xi32>
      %add3A_273 = arith.constant 1460 : i32
      %add3A_274 = vector.broadcast %add3A_273 : i32 to vector<16xi32>
      %add3A_275 = arith.addi %sub3A_262, %add3A_274 : vector<16xi32>
      %select_n3A_276 = arith.select %lt3A_272, %add3A_275, %sub3A_262 : vector<16xi1>, vector<16xi32>
      %ge3A_277 = arith.constant 1460 : i32
      %ge3A_278 = vector.broadcast %ge3A_277 : i32 to vector<16xi32>
      %ge3A_279 = arith.cmpi sge, %select_n3A_276, %ge3A_278 : vector<16xi32>
      %add3A_280 = arith.constant 1 : i32
      %add3A_281 = vector.broadcast %add3A_280 : i32 to vector<16xi32>
      %add3A_282 = arith.addi %select_n3A_269, %add3A_281 : vector<16xi32>
      %select_n3A_283 = arith.select %ge3A_279, %add3A_282, %select_n3A_269 : vector<16xi1>, vector<16xi32>
      %sub3A_284 = arith.subi %sub3A_253, %select_n3A_283 : vector<16xi32>
      %convert_element_type3A_285 = arith.sitofp %sub3A_253 : vector<16xi32> to vector<16xf32>
      %mul3A_286 = arith.constant 2.73792575E-5 : f32
      %mul3A_287 = vector.broadcast %mul3A_286 : f32 to vector<16xf32>
      %mul3A_288 = arith.mulf %convert_element_type3A_285, %mul3A_287 : vector<16xf32>
      %convert_element_type3A_289 = arith.fptosi %mul3A_288 : vector<16xf32> to vector<16xi32>
      %mul3A_290 = arith.constant 36524 : i32
      %mul3A_291 = vector.broadcast %mul3A_290 : i32 to vector<16xi32>
      %mul3A_292 = arith.muli %convert_element_type3A_289, %mul3A_291 : vector<16xi32>
      %sub3A_293 = arith.subi %sub3A_253, %mul3A_292 : vector<16xi32>
      %lt3A_294 = arith.constant 0 : i32
      %lt3A_295 = vector.broadcast %lt3A_294 : i32 to vector<16xi32>
      %lt3A_296 = arith.cmpi slt, %sub3A_293, %lt3A_295 : vector<16xi32>
      %sub3A_297 = arith.constant 1 : i32
      %sub3A_298 = vector.broadcast %sub3A_297 : i32 to vector<16xi32>
      %sub3A_299 = arith.subi %convert_element_type3A_289, %sub3A_298 : vector<16xi32>
      %select_n3A_300 = arith.select %lt3A_296, %sub3A_299, %convert_element_type3A_289 : vector<16xi1>, vector<16xi32>
      %lt3A_301 = arith.constant 0 : i32
      %lt3A_302 = vector.broadcast %lt3A_301 : i32 to vector<16xi32>
      %lt3A_303 = arith.cmpi slt, %sub3A_293, %lt3A_302 : vector<16xi32>
      %add3A_304 = arith.constant 36524 : i32
      %add3A_305 = vector.broadcast %add3A_304 : i32 to vector<16xi32>
      %add3A_306 = arith.addi %sub3A_293, %add3A_305 : vector<16xi32>
      %select_n3A_307 = arith.select %lt3A_303, %add3A_306, %sub3A_293 : vector<16xi1>, vector<16xi32>
      %ge3A_308 = arith.constant 36524 : i32
      %ge3A_309 = vector.broadcast %ge3A_308 : i32 to vector<16xi32>
      %ge3A_310 = arith.cmpi sge, %select_n3A_307, %ge3A_309 : vector<16xi32>
      %add3A_311 = arith.constant 1 : i32
      %add3A_312 = vector.broadcast %add3A_311 : i32 to vector<16xi32>
      %add3A_313 = arith.addi %select_n3A_300, %add3A_312 : vector<16xi32>
      %select_n3A_314 = arith.select %ge3A_310, %add3A_313, %select_n3A_300 : vector<16xi1>, vector<16xi32>
      %add3A_315 = arith.addi %sub3A_284, %select_n3A_314 : vector<16xi32>
      %convert_element_type3A_316 = arith.sitofp %sub3A_253 : vector<16xi32> to vector<16xf32>
      %mul3A_317 = arith.constant 6.84481438E-6 : f32
      %mul3A_318 = vector.broadcast %mul3A_317 : f32 to vector<16xf32>
      %mul3A_319 = arith.mulf %convert_element_type3A_316, %mul3A_318 : vector<16xf32>
      %convert_element_type3A_320 = arith.fptosi %mul3A_319 : vector<16xf32> to vector<16xi32>
      %mul3A_321 = arith.constant 146096 : i32
      %mul3A_322 = vector.broadcast %mul3A_321 : i32 to vector<16xi32>
      %mul3A_323 = arith.muli %convert_element_type3A_320, %mul3A_322 : vector<16xi32>
      %sub3A_324 = arith.subi %sub3A_253, %mul3A_323 : vector<16xi32>
      %lt3A_325 = arith.constant 0 : i32
      %lt3A_326 = vector.broadcast %lt3A_325 : i32 to vector<16xi32>
      %lt3A_327 = arith.cmpi slt, %sub3A_324, %lt3A_326 : vector<16xi32>
      %sub3A_328 = arith.constant 1 : i32
      %sub3A_329 = vector.broadcast %sub3A_328 : i32 to vector<16xi32>
      %sub3A_330 = arith.subi %convert_element_type3A_320, %sub3A_329 : vector<16xi32>
      %select_n3A_331 = arith.select %lt3A_327, %sub3A_330, %convert_element_type3A_320 : vector<16xi1>, vector<16xi32>
      %lt3A_332 = arith.constant 0 : i32
      %lt3A_333 = vector.broadcast %lt3A_332 : i32 to vector<16xi32>
      %lt3A_334 = arith.cmpi slt, %sub3A_324, %lt3A_333 : vector<16xi32>
      %add3A_335 = arith.constant 146096 : i32
      %add3A_336 = vector.broadcast %add3A_335 : i32 to vector<16xi32>
      %add3A_337 = arith.addi %sub3A_324, %add3A_336 : vector<16xi32>
      %select_n3A_338 = arith.select %lt3A_334, %add3A_337, %sub3A_324 : vector<16xi1>, vector<16xi32>
      %ge3A_339 = arith.constant 146096 : i32
      %ge3A_340 = vector.broadcast %ge3A_339 : i32 to vector<16xi32>
      %ge3A_341 = arith.cmpi sge, %select_n3A_338, %ge3A_340 : vector<16xi32>
      %add3A_342 = arith.constant 1 : i32
      %add3A_343 = vector.broadcast %add3A_342 : i32 to vector<16xi32>
      %add3A_344 = arith.addi %select_n3A_331, %add3A_343 : vector<16xi32>
      %select_n3A_345 = arith.select %ge3A_341, %add3A_344, %select_n3A_331 : vector<16xi1>, vector<16xi32>
      %sub3A_346 = arith.subi %add3A_315, %select_n3A_345 : vector<16xi32>
      %convert_element_type3A_347 = arith.sitofp %sub3A_346 : vector<16xi32> to vector<16xf32>
      %mul3A_348 = arith.constant 0.0027397261 : f32
      %mul3A_349 = vector.broadcast %mul3A_348 : f32 to vector<16xf32>
      %mul3A_350 = arith.mulf %convert_element_type3A_347, %mul3A_349 : vector<16xf32>
      %convert_element_type3A_351 = arith.fptosi %mul3A_350 : vector<16xf32> to vector<16xi32>
      %mul3A_352 = arith.constant 365 : i32
      %mul3A_353 = vector.broadcast %mul3A_352 : i32 to vector<16xi32>
      %mul3A_354 = arith.muli %convert_element_type3A_351, %mul3A_353 : vector<16xi32>
      %sub3A_355 = arith.subi %sub3A_346, %mul3A_354 : vector<16xi32>
      %lt3A_356 = arith.constant 0 : i32
      %lt3A_357 = vector.broadcast %lt3A_356 : i32 to vector<16xi32>
      %lt3A_358 = arith.cmpi slt, %sub3A_355, %lt3A_357 : vector<16xi32>
      %sub3A_359 = arith.constant 1 : i32
      %sub3A_360 = vector.broadcast %sub3A_359 : i32 to vector<16xi32>
      %sub3A_361 = arith.subi %convert_element_type3A_351, %sub3A_360 : vector<16xi32>
      %select_n3A_362 = arith.select %lt3A_358, %sub3A_361, %convert_element_type3A_351 : vector<16xi1>, vector<16xi32>
      %lt3A_363 = arith.constant 0 : i32
      %lt3A_364 = vector.broadcast %lt3A_363 : i32 to vector<16xi32>
      %lt3A_365 = arith.cmpi slt, %sub3A_355, %lt3A_364 : vector<16xi32>
      %add3A_366 = arith.constant 365 : i32
      %add3A_367 = vector.broadcast %add3A_366 : i32 to vector<16xi32>
      %add3A_368 = arith.addi %sub3A_355, %add3A_367 : vector<16xi32>
      %select_n3A_369 = arith.select %lt3A_365, %add3A_368, %sub3A_355 : vector<16xi1>, vector<16xi32>
      %ge3A_370 = arith.constant 365 : i32
      %ge3A_371 = vector.broadcast %ge3A_370 : i32 to vector<16xi32>
      %ge3A_372 = arith.cmpi sge, %select_n3A_369, %ge3A_371 : vector<16xi32>
      %add3A_373 = arith.constant 1 : i32
      %add3A_374 = vector.broadcast %add3A_373 : i32 to vector<16xi32>
      %add3A_375 = arith.addi %select_n3A_362, %add3A_374 : vector<16xi32>
      %select_n3A_376 = arith.select %ge3A_372, %add3A_375, %select_n3A_362 : vector<16xi1>, vector<16xi32>
      %mul3A_377 = arith.constant 365 : i32
      %mul3A_378 = vector.broadcast %mul3A_377 : i32 to vector<16xi32>
      %mul3A_379 = arith.muli %mul3A_378, %select_n3A_376 : vector<16xi32>
      %convert_element_type3A_380 = arith.sitofp %select_n3A_376 : vector<16xi32> to vector<16xf32>
      %mul3A_381 = arith.constant 2.500000e-01 : f32
      %mul3A_382 = vector.broadcast %mul3A_381 : f32 to vector<16xf32>
      %mul3A_383 = arith.mulf %convert_element_type3A_380, %mul3A_382 : vector<16xf32>
      %convert_element_type3A_384 = arith.fptosi %mul3A_383 : vector<16xf32> to vector<16xi32>
      %mul3A_385 = arith.constant 4 : i32
      %mul3A_386 = vector.broadcast %mul3A_385 : i32 to vector<16xi32>
      %mul3A_387 = arith.muli %convert_element_type3A_384, %mul3A_386 : vector<16xi32>
      %sub3A_388 = arith.subi %select_n3A_376, %mul3A_387 : vector<16xi32>
      %lt3A_389 = arith.constant 0 : i32
      %lt3A_390 = vector.broadcast %lt3A_389 : i32 to vector<16xi32>
      %lt3A_391 = arith.cmpi slt, %sub3A_388, %lt3A_390 : vector<16xi32>
      %sub3A_392 = arith.constant 1 : i32
      %sub3A_393 = vector.broadcast %sub3A_392 : i32 to vector<16xi32>
      %sub3A_394 = arith.subi %convert_element_type3A_384, %sub3A_393 : vector<16xi32>
      %select_n3A_395 = arith.select %lt3A_391, %sub3A_394, %convert_element_type3A_384 : vector<16xi1>, vector<16xi32>
      %lt3A_396 = arith.constant 0 : i32
      %lt3A_397 = vector.broadcast %lt3A_396 : i32 to vector<16xi32>
      %lt3A_398 = arith.cmpi slt, %sub3A_388, %lt3A_397 : vector<16xi32>
      %add3A_399 = arith.constant 4 : i32
      %add3A_400 = vector.broadcast %add3A_399 : i32 to vector<16xi32>
      %add3A_401 = arith.addi %sub3A_388, %add3A_400 : vector<16xi32>
      %select_n3A_402 = arith.select %lt3A_398, %add3A_401, %sub3A_388 : vector<16xi1>, vector<16xi32>
      %ge3A_403 = arith.constant 4 : i32
      %ge3A_404 = vector.broadcast %ge3A_403 : i32 to vector<16xi32>
      %ge3A_405 = arith.cmpi sge, %select_n3A_402, %ge3A_404 : vector<16xi32>
      %add3A_406 = arith.constant 1 : i32
      %add3A_407 = vector.broadcast %add3A_406 : i32 to vector<16xi32>
      %add3A_408 = arith.addi %select_n3A_395, %add3A_407 : vector<16xi32>
      %select_n3A_409 = arith.select %ge3A_405, %add3A_408, %select_n3A_395 : vector<16xi1>, vector<16xi32>
      %add3A_410 = arith.addi %mul3A_379, %select_n3A_409 : vector<16xi32>
      %convert_element_type3A_411 = arith.sitofp %select_n3A_376 : vector<16xi32> to vector<16xf32>
      %mul3A_412 = arith.constant 0.00999999977 : f32
      %mul3A_413 = vector.broadcast %mul3A_412 : f32 to vector<16xf32>
      %mul3A_414 = arith.mulf %convert_element_type3A_411, %mul3A_413 : vector<16xf32>
      %convert_element_type3A_415 = arith.fptosi %mul3A_414 : vector<16xf32> to vector<16xi32>
      %mul3A_416 = arith.constant 100 : i32
      %mul3A_417 = vector.broadcast %mul3A_416 : i32 to vector<16xi32>
      %mul3A_418 = arith.muli %convert_element_type3A_415, %mul3A_417 : vector<16xi32>
      %sub3A_419 = arith.subi %select_n3A_376, %mul3A_418 : vector<16xi32>
      %lt3A_420 = arith.constant 0 : i32
      %lt3A_421 = vector.broadcast %lt3A_420 : i32 to vector<16xi32>
      %lt3A_422 = arith.cmpi slt, %sub3A_419, %lt3A_421 : vector<16xi32>
      %sub3A_423 = arith.constant 1 : i32
      %sub3A_424 = vector.broadcast %sub3A_423 : i32 to vector<16xi32>
      %sub3A_425 = arith.subi %convert_element_type3A_415, %sub3A_424 : vector<16xi32>
      %select_n3A_426 = arith.select %lt3A_422, %sub3A_425, %convert_element_type3A_415 : vector<16xi1>, vector<16xi32>
      %lt3A_427 = arith.constant 0 : i32
      %lt3A_428 = vector.broadcast %lt3A_427 : i32 to vector<16xi32>
      %lt3A_429 = arith.cmpi slt, %sub3A_419, %lt3A_428 : vector<16xi32>
      %add3A_430 = arith.constant 100 : i32
      %add3A_431 = vector.broadcast %add3A_430 : i32 to vector<16xi32>
      %add3A_432 = arith.addi %sub3A_419, %add3A_431 : vector<16xi32>
      %select_n3A_433 = arith.select %lt3A_429, %add3A_432, %sub3A_419 : vector<16xi1>, vector<16xi32>
      %ge3A_434 = arith.constant 100 : i32
      %ge3A_435 = vector.broadcast %ge3A_434 : i32 to vector<16xi32>
      %ge3A_436 = arith.cmpi sge, %select_n3A_433, %ge3A_435 : vector<16xi32>
      %add3A_437 = arith.constant 1 : i32
      %add3A_438 = vector.broadcast %add3A_437 : i32 to vector<16xi32>
      %add3A_439 = arith.addi %select_n3A_426, %add3A_438 : vector<16xi32>
      %select_n3A_440 = arith.select %ge3A_436, %add3A_439, %select_n3A_426 : vector<16xi1>, vector<16xi32>
      %sub3A_441 = arith.subi %add3A_410, %select_n3A_440 : vector<16xi32>
      %sub3A_442 = arith.subi %sub3A_253, %sub3A_441 : vector<16xi32>
      %mul3A_443 = arith.constant 5 : i32
      %mul3A_444 = vector.broadcast %mul3A_443 : i32 to vector<16xi32>
      %mul3A_445 = arith.muli %mul3A_444, %sub3A_442 : vector<16xi32>
      %add3A_446 = arith.constant 2 : i32
      %add3A_447 = vector.broadcast %add3A_446 : i32 to vector<16xi32>
      %add3A_448 = arith.addi %mul3A_445, %add3A_447 : vector<16xi32>
      %convert_element_type3A_449 = arith.sitofp %add3A_448 : vector<16xi32> to vector<16xf32>
      %mul3A_450 = arith.constant 0.00653594779 : f32
      %mul3A_451 = vector.broadcast %mul3A_450 : f32 to vector<16xf32>
      %mul3A_452 = arith.mulf %convert_element_type3A_449, %mul3A_451 : vector<16xf32>
      %convert_element_type3A_453 = arith.fptosi %mul3A_452 : vector<16xf32> to vector<16xi32>
      %mul3A_454 = arith.constant 153 : i32
      %mul3A_455 = vector.broadcast %mul3A_454 : i32 to vector<16xi32>
      %mul3A_456 = arith.muli %convert_element_type3A_453, %mul3A_455 : vector<16xi32>
      %sub3A_457 = arith.subi %add3A_448, %mul3A_456 : vector<16xi32>
      %lt3A_458 = arith.constant 0 : i32
      %lt3A_459 = vector.broadcast %lt3A_458 : i32 to vector<16xi32>
      %lt3A_460 = arith.cmpi slt, %sub3A_457, %lt3A_459 : vector<16xi32>
      %sub3A_461 = arith.constant 1 : i32
      %sub3A_462 = vector.broadcast %sub3A_461 : i32 to vector<16xi32>
      %sub3A_463 = arith.subi %convert_element_type3A_453, %sub3A_462 : vector<16xi32>
      %select_n3A_464 = arith.select %lt3A_460, %sub3A_463, %convert_element_type3A_453 : vector<16xi1>, vector<16xi32>
      %lt3A_465 = arith.constant 0 : i32
      %lt3A_466 = vector.broadcast %lt3A_465 : i32 to vector<16xi32>
      %lt3A_467 = arith.cmpi slt, %sub3A_457, %lt3A_466 : vector<16xi32>
      %add3A_468 = arith.constant 153 : i32
      %add3A_469 = vector.broadcast %add3A_468 : i32 to vector<16xi32>
      %add3A_470 = arith.addi %sub3A_457, %add3A_469 : vector<16xi32>
      %select_n3A_471 = arith.select %lt3A_467, %add3A_470, %sub3A_457 : vector<16xi1>, vector<16xi32>
      %ge3A_472 = arith.constant 153 : i32
      %ge3A_473 = vector.broadcast %ge3A_472 : i32 to vector<16xi32>
      %ge3A_474 = arith.cmpi sge, %select_n3A_471, %ge3A_473 : vector<16xi32>
      %add3A_475 = arith.constant 1 : i32
      %add3A_476 = vector.broadcast %add3A_475 : i32 to vector<16xi32>
      %add3A_477 = arith.addi %select_n3A_464, %add3A_476 : vector<16xi32>
      %select_n3A_478 = arith.select %ge3A_474, %add3A_477, %select_n3A_464 : vector<16xi1>, vector<16xi32>
      %mul3A_479 = arith.constant 153 : i32
      %mul3A_480 = vector.broadcast %mul3A_479 : i32 to vector<16xi32>
      %mul3A_481 = arith.muli %mul3A_480, %select_n3A_478 : vector<16xi32>
      %add3A_482 = arith.constant 2 : i32
      %add3A_483 = vector.broadcast %add3A_482 : i32 to vector<16xi32>
      %add3A_484 = arith.addi %mul3A_481, %add3A_483 : vector<16xi32>
      %convert_element_type3A_485 = arith.sitofp %add3A_484 : vector<16xi32> to vector<16xf32>
      %mul3A_486 = arith.constant 2.000000e-01 : f32
      %mul3A_487 = vector.broadcast %mul3A_486 : f32 to vector<16xf32>
      %mul3A_488 = arith.mulf %convert_element_type3A_485, %mul3A_487 : vector<16xf32>
      %convert_element_type3A_489 = arith.fptosi %mul3A_488 : vector<16xf32> to vector<16xi32>
      %mul3A_490 = arith.constant 5 : i32
      %mul3A_491 = vector.broadcast %mul3A_490 : i32 to vector<16xi32>
      %mul3A_492 = arith.muli %convert_element_type3A_489, %mul3A_491 : vector<16xi32>
      %sub3A_493 = arith.subi %add3A_484, %mul3A_492 : vector<16xi32>
      %lt3A_494 = arith.constant 0 : i32
      %lt3A_495 = vector.broadcast %lt3A_494 : i32 to vector<16xi32>
      %lt3A_496 = arith.cmpi slt, %sub3A_493, %lt3A_495 : vector<16xi32>
      %sub3A_497 = arith.constant 1 : i32
      %sub3A_498 = vector.broadcast %sub3A_497 : i32 to vector<16xi32>
      %sub3A_499 = arith.subi %convert_element_type3A_489, %sub3A_498 : vector<16xi32>
      %select_n3A_500 = arith.select %lt3A_496, %sub3A_499, %convert_element_type3A_489 : vector<16xi1>, vector<16xi32>
      %lt3A_501 = arith.constant 0 : i32
      %lt3A_502 = vector.broadcast %lt3A_501 : i32 to vector<16xi32>
      %lt3A_503 = arith.cmpi slt, %sub3A_493, %lt3A_502 : vector<16xi32>
      %add3A_504 = arith.constant 5 : i32
      %add3A_505 = vector.broadcast %add3A_504 : i32 to vector<16xi32>
      %add3A_506 = arith.addi %sub3A_493, %add3A_505 : vector<16xi32>
      %select_n3A_507 = arith.select %lt3A_503, %add3A_506, %sub3A_493 : vector<16xi1>, vector<16xi32>
      %ge3A_508 = arith.constant 5 : i32
      %ge3A_509 = vector.broadcast %ge3A_508 : i32 to vector<16xi32>
      %ge3A_510 = arith.cmpi sge, %select_n3A_507, %ge3A_509 : vector<16xi32>
      %add3A_511 = arith.constant 1 : i32
      %add3A_512 = vector.broadcast %add3A_511 : i32 to vector<16xi32>
      %add3A_513 = arith.addi %select_n3A_500, %add3A_512 : vector<16xi32>
      %select_n3A_514 = arith.select %ge3A_510, %add3A_513, %select_n3A_500 : vector<16xi1>, vector<16xi32>
      %sub3A_515 = arith.subi %sub3A_442, %select_n3A_514 : vector<16xi32>
      %add3A_516 = arith.constant 1 : i32
      %add3A_517 = vector.broadcast %add3A_516 : i32 to vector<16xi32>
      %add3A_518 = arith.addi %sub3A_515, %add3A_517 : vector<16xi32>
      %lt3A_519 = arith.constant 10 : i32
      %lt3A_520 = vector.broadcast %lt3A_519 : i32 to vector<16xi32>
      %lt3A_521 = arith.cmpi slt, %select_n3A_478, %lt3A_520 : vector<16xi32>
      %add3A_522 = arith.constant 3 : i32
      %add3A_523 = vector.broadcast %add3A_522 : i32 to vector<16xi32>
      %add3A_524 = arith.addi %select_n3A_478, %add3A_523 : vector<16xi32>
      %sub3A_525 = arith.constant 9 : i32
      %sub3A_526 = vector.broadcast %sub3A_525 : i32 to vector<16xi32>
      %sub3A_527 = arith.subi %select_n3A_478, %sub3A_526 : vector<16xi32>
      %select_n3A_528 = arith.select %lt3A_521, %add3A_524, %sub3A_527 : vector<16xi1>, vector<16xi32>
      %sub3A_529 = arith.constant 1 : i32
      %sub3A_530 = vector.broadcast %sub3A_529 : i32 to vector<16xi32>
      %sub3A_531 = arith.subi %select_n3A_528, %sub3A_530 : vector<16xi32>
      %sub3A_532 = arith.constant 1 : i32
      %sub3A_533 = vector.broadcast %sub3A_532 : i32 to vector<16xi32>
      %sub3A_534 = arith.subi %add3A_518, %sub3A_533 : vector<16xi32>
      %add3A_535 = arith.constant 12 : i32
      %add3A_536 = vector.broadcast %add3A_535 : i32 to vector<16xi32>
      %add3A_537 = arith.addi %sub3A_531, %add3A_536 : vector<16xi32>
      %mul3A_538 = arith.constant 25 : i32
      %mul3A_539 = vector.broadcast %mul3A_538 : i32 to vector<16xi32>
      %mul3A_540 = arith.muli %add3A_537, %mul3A_539 : vector<16xi32>
      %add3A_541 = arith.constant 0 : i32
      %add3A_542 = vector.broadcast %add3A_541 : i32 to vector<16xi32>
      %add3A_543 = arith.addi %mul3A_540, %add3A_542 : vector<16xi32>
      %mul3A_544 = arith.constant 16 : i32
      %mul3A_545 = arith.muli %while3A_81, %mul3A_544 : i32
      %add3A_546 = arith.constant 0 : i32
      %add3A_547 = arith.addi %add3A_546, %mul3A_545 : i32
      %swap3A = arith.index_cast %add3A_547 : i32 to index
      %swap3A_548 = tpu.vector_load %arg12[%swap3A] {strides = array<i32>} : memref<640xi32, #tpu.memory_space<vmem>>, vector<16xi32>,
      tpu.vector_store %arg12[%swap3A], %add3A_543 {strides = array<i32>} : memref<640xi32, #tpu.memory_space<vmem>>, vector<16xi32>,
      %add3A_549 = arith.constant 31 : i32
      %add3A_550 = vector.broadcast %add3A_549 : i32 to vector<16xi32>
      %add3A_551 = arith.addi %sub3A_534, %add3A_550 : vector<16xi32>
      %mul3A_552 = arith.constant 25 : i32
      %mul3A_553 = vector.broadcast %mul3A_552 : i32 to vector<16xi32>
      %mul3A_554 = arith.muli %add3A_551, %mul3A_553 : vector<16xi32>
      %add3A_555 = arith.constant 600 : i32
      %add3A_556 = vector.broadcast %add3A_555 : i32 to vector<16xi32>
      %add3A_557 = arith.addi %mul3A_554, %add3A_556 : vector<16xi32>
      %mul3A_558 = arith.constant 16 : i32
      %mul3A_559 = arith.muli %while3A_81, %mul3A_558 : i32
      %add3A_560 = arith.constant 128 : i32
      %add3A_561 = arith.addi %add3A_560, %mul3A_559 : i32
      %swap3A_562 = arith.index_cast %add3A_561 : i32 to index
      %swap3A_563 = tpu.vector_load %arg12[%swap3A_562] {strides = array<i32>} : memref<640xi32, #tpu.memory_space<vmem>>, vector<16xi32>,
      tpu.vector_store %arg12[%swap3A_562], %add3A_557 {strides = array<i32>} : memref<640xi32, #tpu.memory_space<vmem>>, vector<16xi32>,
      %add3A_564 = arith.constant 7 : i32
      %add3A_565 = vector.broadcast %add3A_564 : i32 to vector<16xi32>
      %add3A_566 = arith.addi %sub3A_216, %add3A_565 : vector<16xi32>
      %mul3A_567 = arith.constant 25 : i32
      %mul3A_568 = vector.broadcast %mul3A_567 : i32 to vector<16xi32>
      %mul3A_569 = arith.muli %add3A_566, %mul3A_568 : vector<16xi32>
      %add3A_570 = arith.constant 2150 : i32
      %add3A_571 = vector.broadcast %add3A_570 : i32 to vector<16xi32>
      %add3A_572 = arith.addi %mul3A_569, %add3A_571 : vector<16xi32>
      %mul3A_573 = arith.constant 16 : i32
      %mul3A_574 = arith.muli %while3A_81, %mul3A_573 : i32
      %add3A_575 = arith.constant 256 : i32
      %add3A_576 = arith.addi %add3A_575, %mul3A_574 : i32
      %swap3A_577 = arith.index_cast %add3A_576 : i32 to index
      %swap3A_578 = tpu.vector_load %arg12[%swap3A_577] {strides = array<i32>} : memref<640xi32, #tpu.memory_space<vmem>>, vector<16xi32>,
      tpu.vector_store %arg12[%swap3A_577], %add3A_572 {strides = array<i32>} : memref<640xi32, #tpu.memory_space<vmem>>, vector<16xi32>,
      %add3A_579 = arith.constant 24 : i32
      %add3A_580 = vector.broadcast %add3A_579 : i32 to vector<16xi32>
      %add3A_581 = arith.addi %select_n3A_145, %add3A_580 : vector<16xi32>
      %mul3A_582 = arith.constant 25 : i32
      %mul3A_583 = vector.broadcast %mul3A_582 : i32 to vector<16xi32>
      %mul3A_584 = arith.muli %add3A_581, %mul3A_583 : vector<16xi32>
      %add3A_585 = arith.constant 2500 : i32
      %add3A_586 = vector.broadcast %add3A_585 : i32 to vector<16xi32>
      %add3A_587 = arith.addi %mul3A_584, %add3A_586 : vector<16xi32>
      %mul3A_588 = arith.constant 16 : i32
      %mul3A_589 = arith.muli %while3A_81, %mul3A_588 : i32
      %add3A_590 = arith.constant 384 : i32
      %add3A_591 = arith.addi %add3A_590, %mul3A_589 : i32
      %swap3A_592 = arith.index_cast %add3A_591 : i32 to index
      %swap3A_593 = tpu.vector_load %arg12[%swap3A_592] {strides = array<i32>} : memref<640xi32, #tpu.memory_space<vmem>>, vector<16xi32>,
      tpu.vector_store %arg12[%swap3A_592], %add3A_587 {strides = array<i32>} : memref<640xi32, #tpu.memory_space<vmem>>, vector<16xi32>,
      %add3A_594 = arith.constant 60 : i32
      %add3A_595 = vector.broadcast %add3A_594 : i32 to vector<16xi32>
      %add3A_596 = arith.addi %select_n3A_179, %add3A_595 : vector<16xi32>
      %mul3A_597 = arith.constant 28 : i32
      %mul3A_598 = vector.broadcast %mul3A_597 : i32 to vector<16xi32>
      %mul3A_599 = arith.muli %add3A_596, %mul3A_598 : vector<16xi32>
      %add3A_600 = arith.constant 3700 : i32
      %add3A_601 = vector.broadcast %add3A_600 : i32 to vector<16xi32>
      %add3A_602 = arith.addi %mul3A_599, %add3A_601 : vector<16xi32>
      %mul3A_603 = arith.constant 16 : i32
      %mul3A_604 = arith.muli %while3A_81, %mul3A_603 : i32
      %add3A_605 = arith.constant 512 : i32
      %add3A_606 = arith.addi %add3A_605, %mul3A_604 : i32
      %swap3A_607 = arith.index_cast %add3A_606 : i32 to index
      %swap3A_608 = tpu.vector_load %arg12[%swap3A_607] {strides = array<i32>} : memref<640xi32, #tpu.memory_space<vmem>>, vector<16xi32>,
      tpu.vector_store %arg12[%swap3A_607], %add3A_602 {strides = array<i32>} : memref<640xi32, #tpu.memory_space<vmem>>, vector<16xi32>,
    }
    %while3A_12 = arith.constant 1 : i32
    scf.for %while3A_81 = %while3A_10 to %while3A_6 step %while3A_12  : i32 {
      %mul3A_82 = arith.constant 16 : i32
      %mul3A_83 = arith.muli %while3A_81, %mul3A_82 : i32
      %get3A = arith.index_cast %mul3A_83 : i32 to index
      %get3A_84 = tpu.vector_load %arg11[%get3A] {strides = array<i32>} : memref<128xi32, #tpu.memory_space<vmem>>, vector<16xi32>,
      %shift_right_arithmetic3A = arith.constant 7 : i32
      %shift_right_arithmetic3A_85 = vector.broadcast %shift_right_arithmetic3A : i32 to vector<16xi32>
      %shift_right_arithmetic3A_86 = arith.shrsi %get3A_84, %shift_right_arithmetic3A_85 : vector<16xi32>
      %convert_element_type3A = arith.sitofp %shift_right_arithmetic3A_86 : vector<16xi32> to vector<16xf32>
      %mul3A_87 = arith.constant 0.00148148148 : f32
      %mul3A_88 = vector.broadcast %mul3A_87 : f32 to vector<16xf32>
      %mul3A_89 = arith.mulf %convert_element_type3A, %mul3A_88 : vector<16xf32>
      %convert_element_type3A_90 = arith.fptosi %mul3A_89 : vector<16xf32> to vector<16xi32>
      %mul3A_91 = arith.constant 675 : i32
      %mul3A_92 = vector.broadcast %mul3A_91 : i32 to vector<16xi32>
      %mul3A_93 = arith.muli %convert_element_type3A_90, %mul3A_92 : vector<16xi32>
      %sub3A = arith.subi %shift_right_arithmetic3A_86, %mul3A_93 : vector<16xi32>
      %lt3A = arith.constant 0 : i32
      %lt3A_94 = vector.broadcast %lt3A : i32 to vector<16xi32>
      %lt3A_95 = arith.cmpi slt, %sub3A, %lt3A_94 : vector<16xi32>
      %sub3A_96 = arith.constant 1 : i32
      %sub3A_97 = vector.broadcast %sub3A_96 : i32 to vector<16xi32>
      %sub3A_98 = arith.subi %convert_element_type3A_90, %sub3A_97 : vector<16xi32>
      %select_n3A = arith.select %lt3A_95, %sub3A_98, %convert_element_type3A_90 : vector<16xi1>, vector<16xi32>
      %lt3A_99 = arith.constant 0 : i32
      %lt3A_100 = vector.broadcast %lt3A_99 : i32 to vector<16xi32>
      %lt3A_101 = arith.cmpi slt, %sub3A, %lt3A_100 : vector<16xi32>
      %add3A_102 = arith.constant 675 : i32
      %add3A_103 = vector.broadcast %add3A_102 : i32 to vector<16xi32>
      %add3A_104 = arith.addi %sub3A, %add3A_103 : vector<16xi32>
      %select_n3A_105 = arith.select %lt3A_101, %add3A_104, %sub3A : vector<16xi1>, vector<16xi32>
      %ge3A = arith.constant 675 : i32
      %ge3A_106 = vector.broadcast %ge3A : i32 to vector<16xi32>
      %ge3A_107 = arith.cmpi sge, %select_n3A_105, %ge3A_106 : vector<16xi32>
      %add3A_108 = arith.constant 1 : i32
      %add3A_109 = vector.broadcast %add3A_108 : i32 to vector<16xi32>
      %add3A_110 = arith.addi %select_n3A, %add3A_109 : vector<16xi32>
      %select_n3A_111 = arith.select %ge3A_107, %add3A_110, %select_n3A : vector<16xi1>, vector<16xi32>
      %mul3A_112 = arith.constant 86400 : i32
      %mul3A_113 = vector.broadcast %mul3A_112 : i32 to vector<16xi32>
      %mul3A_114 = arith.muli %select_n3A_111, %mul3A_113 : vector<16xi32>
      %sub3A_115 = arith.subi %get3A_84, %mul3A_114 : vector<16xi32>
      %convert_element_type3A_116 = arith.sitofp %sub3A_115 : vector<16xi32> to vector<16xf32>
      %mul3A_117 = arith.constant 2.77777785E-4 : f32
      %mul3A_118 = vector.broadcast %mul3A_117 : f32 to vector<16xf32>
      %mul3A_119 = arith.mulf %convert_element_type3A_116, %mul3A_118 : vector<16xf32>
      %convert_element_type3A_120 = arith.fptosi %mul3A_119 : vector<16xf32> to vector<16xi32>
      %mul3A_121 = arith.constant 3600 : i32
      %mul3A_122 = vector.broadcast %mul3A_121 : i32 to vector<16xi32>
      %mul3A_123 = arith.muli %convert_element_type3A_120, %mul3A_122 : vector<16xi32>
      %sub3A_124 = arith.subi %sub3A_115, %mul3A_123 : vector<16xi32>
      %lt3A_125 = arith.constant 0 : i32
      %lt3A_126 = vector.broadcast %lt3A_125 : i32 to vector<16xi32>
      %lt3A_127 = arith.cmpi slt, %sub3A_124, %lt3A_126 : vector<16xi32>
      %sub3A_128 = arith.constant 1 : i32
      %sub3A_129 = vector.broadcast %sub3A_128 : i32 to vector<16xi32>
      %sub3A_130 = arith.subi %convert_element_type3A_120, %sub3A_129 : vector<16xi32>
      %select_n3A_131 = arith.select %lt3A_127, %sub3A_130, %convert_element_type3A_120 : vector<16xi1>, vector<16xi32>
      %lt3A_132 = arith.constant 0 : i32
      %lt3A_133 = vector.broadcast %lt3A_132 : i32 to vector<16xi32>
      %lt3A_134 = arith.cmpi slt, %sub3A_124, %lt3A_133 : vector<16xi32>
      %add3A_135 = arith.constant 3600 : i32
      %add3A_136 = vector.broadcast %add3A_135 : i32 to vector<16xi32>
      %add3A_137 = arith.addi %sub3A_124, %add3A_136 : vector<16xi32>
      %select_n3A_138 = arith.select %lt3A_134, %add3A_137, %sub3A_124 : vector<16xi1>, vector<16xi32>
      %ge3A_139 = arith.constant 3600 : i32
      %ge3A_140 = vector.broadcast %ge3A_139 : i32 to vector<16xi32>
      %ge3A_141 = arith.cmpi sge, %select_n3A_138, %ge3A_140 : vector<16xi32>
      %add3A_142 = arith.constant 1 : i32
      %add3A_143 = vector.broadcast %add3A_142 : i32 to vector<16xi32>
      %add3A_144 = arith.addi %select_n3A_131, %add3A_143 : vector<16xi32>
      %select_n3A_145 = arith.select %ge3A_141, %add3A_144, %select_n3A_131 : vector<16xi1>, vector<16xi32>
      %mul3A_146 = arith.constant 3600 : i32
      %mul3A_147 = vector.broadcast %mul3A_146 : i32 to vector<16xi32>
      %mul3A_148 = arith.muli %select_n3A_145, %mul3A_147 : vector<16xi32>
      %sub3A_149 = arith.subi %sub3A_115, %mul3A_148 : vector<16xi32>
      %convert_element_type3A_150 = arith.sitofp %sub3A_149 : vector<16xi32> to vector<16xf32>
      %mul3A_151 = arith.constant 0.0166666675 : f32
      %mul3A_152 = vector.broadcast %mul3A_151 : f32 to vector<16xf32>
      %mul3A_153 = arith.mulf %convert_element_type3A_150, %mul3A_152 : vector<16xf32>
      %convert_element_type3A_154 = arith.fptosi %mul3A_153 : vector<16xf32> to vector<16xi32>
      %mul3A_155 = arith.constant 60 : i32
      %mul3A_156 = vector.broadcast %mul3A_155 : i32 to vector<16xi32>
      %mul3A_157 = arith.muli %convert_element_type3A_154, %mul3A_156 : vector<16xi32>
      %sub3A_158 = arith.subi %sub3A_149, %mul3A_157 : vector<16xi32>
      %lt3A_159 = arith.constant 0 : i32
      %lt3A_160 = vector.broadcast %lt3A_159 : i32 to vector<16xi32>
      %lt3A_161 = arith.cmpi slt, %sub3A_158, %lt3A_160 : vector<16xi32>
      %sub3A_162 = arith.constant 1 : i32
      %sub3A_163 = vector.broadcast %sub3A_162 : i32 to vector<16xi32>
      %sub3A_164 = arith.subi %convert_element_type3A_154, %sub3A_163 : vector<16xi32>
      %select_n3A_165 = arith.select %lt3A_161, %sub3A_164, %convert_element_type3A_154 : vector<16xi1>, vector<16xi32>
      %lt3A_166 = arith.constant 0 : i32
      %lt3A_167 = vector.broadcast %lt3A_166 : i32 to vector<16xi32>
      %lt3A_168 = arith.cmpi slt, %sub3A_158, %lt3A_167 : vector<16xi32>
      %add3A_169 = arith.constant 60 : i32
      %add3A_170 = vector.broadcast %add3A_169 : i32 to vector<16xi32>
      %add3A_171 = arith.addi %sub3A_158, %add3A_170 : vector<16xi32>
      %select_n3A_172 = arith.select %lt3A_168, %add3A_171, %sub3A_158 : vector<16xi1>, vector<16xi32>
      %ge3A_173 = arith.constant 60 : i32
      %ge3A_174 = vector.broadcast %ge3A_173 : i32 to vector<16xi32>
      %ge3A_175 = arith.cmpi sge, %select_n3A_172, %ge3A_174 : vector<16xi32>
      %add3A_176 = arith.constant 1 : i32
      %add3A_177 = vector.broadcast %add3A_176 : i32 to vector<16xi32>
      %add3A_178 = arith.addi %select_n3A_165, %add3A_177 : vector<16xi32>
      %select_n3A_179 = arith.select %ge3A_175, %add3A_178, %select_n3A_165 : vector<16xi1>, vector<16xi32>
      %add3A_180 = arith.constant 3 : i32
      %add3A_181 = vector.broadcast %add3A_180 : i32 to vector<16xi32>
      %add3A_182 = arith.addi %select_n3A_111, %add3A_181 : vector<16xi32>
      %convert_element_type3A_183 = arith.sitofp %add3A_182 : vector<16xi32> to vector<16xf32>
      %mul3A_184 = arith.constant 0.142857149 : f32
      %mul3A_185 = vector.broadcast %mul3A_184 : f32 to vector<16xf32>
      %mul3A_186 = arith.mulf %convert_element_type3A_183, %mul3A_185 : vector<16xf32>
      %convert_element_type3A_187 = arith.fptosi %mul3A_186 : vector<16xf32> to vector<16xi32>
      %mul3A_188 = arith.constant 7 : i32
      %mul3A_189 = vector.broadcast %mul3A_188 : i32 to vector<16xi32>
      %mul3A_190 = arith.muli %convert_element_type3A_187, %mul3A_189 : vector<16xi32>
      %sub3A_191 = arith.subi %add3A_182, %mul3A_190 : vector<16xi32>
      %lt3A_192 = arith.constant 0 : i32
      %lt3A_193 = vector.broadcast %lt3A_192 : i32 to vector<16xi32>
      %lt3A_194 = arith.cmpi slt, %sub3A_191, %lt3A_193 : vector<16xi32>
      %sub3A_195 = arith.constant 1 : i32
      %sub3A_196 = vector.broadcast %sub3A_195 : i32 to vector<16xi32>
      %sub3A_197 = arith.subi %convert_element_type3A_187, %sub3A_196 : vector<16xi32>
      %select_n3A_198 = arith.select %lt3A_194, %sub3A_197, %convert_element_type3A_187 : vector<16xi1>, vector<16xi32>
      %lt3A_199 = arith.constant 0 : i32
      %lt3A_200 = vector.broadcast %lt3A_199 : i32 to vector<16xi32>
      %lt3A_201 = arith.cmpi slt, %sub3A_191, %lt3A_200 : vector<16xi32>
      %add3A_202 = arith.constant 7 : i32
      %add3A_203 = vector.broadcast %add3A_202 : i32 to vector<16xi32>
      %add3A_204 = arith.addi %sub3A_191, %add3A_203 : vector<16xi32>
      %select_n3A_205 = arith.select %lt3A_201, %add3A_204, %sub3A_191 : vector<16xi1>, vector<16xi32>
      %ge3A_206 = arith.constant 7 : i32
      %ge3A_207 = vector.broadcast %ge3A_206 : i32 to vector<16xi32>
      %ge3A_208 = arith.cmpi sge, %select_n3A_205, %ge3A_207 : vector<16xi32>
      %add3A_209 = arith.constant 1 : i32
      %add3A_210 = vector.broadcast %add3A_209 : i32 to vector<16xi32>
      %add3A_211 = arith.addi %select_n3A_198, %add3A_210 : vector<16xi32>
      %select_n3A_212 = arith.select %ge3A_208, %add3A_211, %select_n3A_198 : vector<16xi1>, vector<16xi32>
      %mul3A_213 = arith.constant 7 : i32
      %mul3A_214 = vector.broadcast %mul3A_213 : i32 to vector<16xi32>
      %mul3A_215 = arith.muli %select_n3A_212, %mul3A_214 : vector<16xi32>
      %sub3A_216 = arith.subi %add3A_182, %mul3A_215 : vector<16xi32>
      %add3A_217 = arith.constant 719468 : i32
      %add3A_218 = vector.broadcast %add3A_217 : i32 to vector<16xi32>
      %add3A_219 = arith.addi %select_n3A_111, %add3A_218 : vector<16xi32>
      %convert_element_type3A_220 = arith.sitofp %add3A_219 : vector<16xi32> to vector<16xf32>
      %mul3A_221 = arith.constant 6.84476754E-6 : f32
      %mul3A_222 = vector.broadcast %mul3A_221 : f32 to vector<16xf32>
      %mul3A_223 = arith.mulf %convert_element_type3A_220, %mul3A_222 : vector<16xf32>
      %convert_element_type3A_224 = arith.fptosi %mul3A_223 : vector<16xf32> to vector<16xi32>
      %mul3A_225 = arith.constant 146097 : i32
      %mul3A_226 = vector.broadcast %mul3A_225 : i32 to vector<16xi32>
      %mul3A_227 = arith.muli %convert_element_type3A_224, %mul3A_226 : vector<16xi32>
      %sub3A_228 = arith.subi %add3A_219, %mul3A_227 : vector<16xi32>
      %lt3A_229 = arith.constant 0 : i32
      %lt3A_230 = vector.broadcast %lt3A_229 : i32 to vector<16xi32>
      %lt3A_231 = arith.cmpi slt, %sub3A_228, %lt3A_230 : vector<16xi32>
      %sub3A_232 = arith.constant 1 : i32
      %sub3A_233 = vector.broadcast %sub3A_232 : i32 to vector<16xi32>
      %sub3A_234 = arith.subi %convert_element_type3A_224, %sub3A_233 : vector<16xi32>
      %select_n3A_235 = arith.select %lt3A_231, %sub3A_234, %convert_element_type3A_224 : vector<16xi1>, vector<16xi32>
      %lt3A_236 = arith.constant 0 : i32
      %lt3A_237 = vector.broadcast %lt3A_236 : i32 to vector<16xi32>
      %lt3A_238 = arith.cmpi slt, %sub3A_228, %lt3A_237 : vector<16xi32>
      %add3A_239 = arith.constant 146097 : i32
      %add3A_240 = vector.broadcast %add3A_239 : i32 to vector<16xi32>
      %add3A_241 = arith.addi %sub3A_228, %add3A_240 : vector<16xi32>
      %select_n3A_242 = arith.select %lt3A_238, %add3A_241, %sub3A_228 : vector<16xi1>, vector<16xi32>
      %ge3A_243 = arith.constant 146097 : i32
      %ge3A_244 = vector.broadcast %ge3A_243 : i32 to vector<16xi32>
      %ge3A_245 = arith.cmpi sge, %select_n3A_242, %ge3A_244 : vector<16xi32>
      %add3A_246 = arith.constant 1 : i32
      %add3A_247 = vector.broadcast %add3A_246 : i32 to vector<16xi32>
      %add3A_248 = arith.addi %select_n3A_235, %add3A_247 : vector<16xi32>
      %select_n3A_249 = arith.select %ge3A_245, %add3A_248, %select_n3A_235 : vector<16xi1>, vector<16xi32>
      %mul3A_250 = arith.constant 146097 : i32
      %mul3A_251 = vector.broadcast %mul3A_250 : i32 to vector<16xi32>
      %mul3A_252 = arith.muli %select_n3A_249, %mul3A_251 : vector<16xi32>
      %sub3A_253 = arith.subi %add3A_219, %mul3A_252 : vector<16xi32>
      %convert_element_type3A_254 = arith.sitofp %sub3A_253 : vector<16xi32> to vector<16xf32>
      %mul3A_255 = arith.constant 6.84931525E-4 : f32
      %mul3A_256 = vector.broadcast %mul3A_255 : f32 to vector<16xf32>
      %mul3A_257 = arith.mulf %convert_element_type3A_254, %mul3A_256 : vector<16xf32>
      %convert_element_type3A_258 = arith.fptosi %mul3A_257 : vector<16xf32> to vector<16xi32>
      %mul3A_259 = arith.constant 1460 : i32
      %mul3A_260 = vector.broadcast %mul3A_259 : i32 to vector<16xi32>
      %mul3A_261 = arith.muli %convert_element_type3A_258, %mul3A_260 : vector<16xi32>
      %sub3A_262 = arith.subi %sub3A_253, %mul3A_261 : vector<16xi32>
      %lt3A_263 = arith.constant 0 : i32
      %lt3A_264 = vector.broadcast %lt3A_263 : i32 to vector<16xi32>
      %lt3A_265 = arith.cmpi slt, %sub3A_262, %lt3A_264 : vector<16xi32>
      %sub3A_266 = arith.constant 1 : i32
      %sub3A_267 = vector.broadcast %sub3A_266 : i32 to vector<16xi32>
      %sub3A_268 = arith.subi %convert_element_type3A_258, %sub3A_267 : vector<16xi32>
      %select_n3A_269 = arith.select %lt3A_265, %sub3A_268, %convert_element_type3A_258 : vector<16xi1>, vector<16xi32>
      %lt3A_270 = arith.constant 0 : i32
      %lt3A_271 = vector.broadcast %lt3A_270 : i32 to vector<16xi32>
      %lt3A_272 = arith.cmpi slt, %sub3A_262, %lt3A_271 : vector<16xi32>
      %add3A_273 = arith.constant 1460 : i32
      %add3A_274 = vector.broadcast %add3A_273 : i32 to vector<16xi32>
      %add3A_275 = arith.addi %sub3A_262, %add3A_274 : vector<16xi32>
      %select_n3A_276 = arith.select %lt3A_272, %add3A_275, %sub3A_262 : vector<16xi1>, vector<16xi32>
      %ge3A_277 = arith.constant 1460 : i32
      %ge3A_278 = vector.broadcast %ge3A_277 : i32 to vector<16xi32>
      %ge3A_279 = arith.cmpi sge, %select_n3A_276, %ge3A_278 : vector<16xi32>
      %add3A_280 = arith.constant 1 : i32
      %add3A_281 = vector.broadcast %add3A_280 : i32 to vector<16xi32>
      %add3A_282 = arith.addi %select_n3A_269, %add3A_281 : vector<16xi32>
      %select_n3A_283 = arith.select %ge3A_279, %add3A_282, %select_n3A_269 : vector<16xi1>, vector<16xi32>
      %sub3A_284 = arith.subi %sub3A_253, %select_n3A_283 : vector<16xi32>
      %convert_element_type3A_285 = arith.sitofp %sub3A_253 : vector<16xi32> to vector<16xf32>
      %mul3A_286 = arith.constant 2.73792575E-5 : f32
      %mul3A_287 = vector.broadcast %mul3A_286 : f32 to vector<16xf32>
      %mul3A_288 = arith.mulf %convert_element_type3A_285, %mul3A_287 : vector<16xf32>
      %convert_element_type3A_289 = arith.fptosi %mul3A_288 : vector<16xf32> to vector<16xi32>
      %mul3A_290 = arith.constant 36524 : i32
      %mul3A_291 = vector.broadcast %mul3A_290 : i32 to vector<16xi32>
      %mul3A_292 = arith.muli %convert_element_type3A_289, %mul3A_291 : vector<16xi32>
      %sub3A_293 = arith.subi %sub3A_253, %mul3A_292 : vector<16xi32>
      %lt3A_294 = arith.constant 0 : i32
      %lt3A_295 = vector.broadcast %lt3A_294 : i32 to vector<16xi32>
      %lt3A_296 = arith.cmpi slt, %sub3A_293, %lt3A_295 : vector<16xi32>
      %sub3A_297 = arith.constant 1 : i32
      %sub3A_298 = vector.broadcast %sub3A_297 : i32 to vector<16xi32>
      %sub3A_299 = arith.subi %convert_element_type3A_289, %sub3A_298 : vector<16xi32>
      %select_n3A_300 = arith.select %lt3A_296, %sub3A_299, %convert_element_type3A_289 : vector<16xi1>, vector<16xi32>
      %lt3A_301 = arith.constant 0 : i32
      %lt3A_302 = vector.broadcast %lt3A_301 : i32 to vector<16xi32>
      %lt3A_303 = arith.cmpi slt, %sub3A_293, %lt3A_302 : vector<16xi32>
      %add3A_304 = arith.constant 36524 : i32
      %add3A_305 = vector.broadcast %add3A_304 : i32 to vector<16xi32>
      %add3A_306 = arith.addi %sub3A_293, %add3A_305 : vector<16xi32>
      %select_n3A_307 = arith.select %lt3A_303, %add3A_306, %sub3A_293 : vector<16xi1>, vector<16xi32>
      %ge3A_308 = arith.constant 36524 : i32
      %ge3A_309 = vector.broadcast %ge3A_308 : i32 to vector<16xi32>
      %ge3A_310 = arith.cmpi sge, %select_n3A_307, %ge3A_309 : vector<16xi32>
      %add3A_311 = arith.constant 1 : i32
      %add3A_312 = vector.broadcast %add3A_311 : i32 to vector<16xi32>
      %add3A_313 = arith.addi %select_n3A_300, %add3A_312 : vector<16xi32>
      %select_n3A_314 = arith.select %ge3A_310, %add3A_313, %select_n3A_300 : vector<16xi1>, vector<16xi32>
      %add3A_315 = arith.addi %sub3A_284, %select_n3A_314 : vector<16xi32>
      %convert_element_type3A_316 = arith.sitofp %sub3A_253 : vector<16xi32> to vector<16xf32>
      %mul3A_317 = arith.constant 6.84481438E-6 : f32
      %mul3A_318 = vector.broadcast %mul3A_317 : f32 to vector<16xf32>
      %mul3A_319 = arith.mulf %convert_element_type3A_316, %mul3A_318 : vector<16xf32>
      %convert_element_type3A_320 = arith.fptosi %mul3A_319 : vector<16xf32> to vector<16xi32>
      %mul3A_321 = arith.constant 146096 : i32
      %mul3A_322 = vector.broadcast %mul3A_321 : i32 to vector<16xi32>
      %mul3A_323 = arith.muli %convert_element_type3A_320, %mul3A_322 : vector<16xi32>
      %sub3A_324 = arith.subi %sub3A_253, %mul3A_323 : vector<16xi32>
      %lt3A_325 = arith.constant 0 : i32
      %lt3A_326 = vector.broadcast %lt3A_325 : i32 to vector<16xi32>
      %lt3A_327 = arith.cmpi slt, %sub3A_324, %lt3A_326 : vector<16xi32>
      %sub3A_328 = arith.constant 1 : i32
      %sub3A_329 = vector.broadcast %sub3A_328 : i32 to vector<16xi32>
      %sub3A_330 = arith.subi %convert_element_type3A_320, %sub3A_329 : vector<16xi32>
      %select_n3A_331 = arith.select %lt3A_327, %sub3A_330, %convert_element_type3A_320 : vector<16xi1>, vector<16xi32>
      %lt3A_332 = arith.constant 0 : i32
      %lt3A_333 = vector.broadcast %lt3A_332 : i32 to vector<16xi32>
      %lt3A_334 = arith.cmpi slt, %sub3A_324, %lt3A_333 : vector<16xi32>
      %add3A_335 = arith.constant 146096 : i32
      %add3A_336 = vector.broadcast %add3A_335 : i32 to vector<16xi32>
      %add3A_337 = arith.addi %sub3A_324, %add3A_336 : vector<16xi32>
      %select_n3A_338 = arith.select %lt3A_334, %add3A_337, %sub3A_324 : vector<16xi1>, vector<16xi32>
      %ge3A_339 = arith.constant 146096 : i32
      %ge3A_340 = vector.broadcast %ge3A_339 : i32 to vector<16xi32>
      %ge3A_341 = arith.cmpi sge, %select_n3A_338, %ge3A_340 : vector<16xi32>
      %add3A_342 = arith.constant 1 : i32
      %add3A_343 = vector.broadcast %add3A_342 : i32 to vector<16xi32>
      %add3A_344 = arith.addi %select_n3A_331, %add3A_343 : vector<16xi32>
      %select_n3A_345 = arith.select %ge3A_341, %add3A_344, %select_n3A_331 : vector<16xi1>, vector<16xi32>
      %sub3A_346 = arith.subi %add3A_315, %select_n3A_345 : vector<16xi32>
      %convert_element_type3A_347 = arith.sitofp %sub3A_346 : vector<16xi32> to vector<16xf32>
      %mul3A_348 = arith.constant 0.0027397261 : f32
      %mul3A_349 = vector.broadcast %mul3A_348 : f32 to vector<16xf32>
      %mul3A_350 = arith.mulf %convert_element_type3A_347, %mul3A_349 : vector<16xf32>
      %convert_element_type3A_351 = arith.fptosi %mul3A_350 : vector<16xf32> to vector<16xi32>
      %mul3A_352 = arith.constant 365 : i32
      %mul3A_353 = vector.broadcast %mul3A_352 : i32 to vector<16xi32>
      %mul3A_354 = arith.muli %convert_element_type3A_351, %mul3A_353 : vector<16xi32>
      %sub3A_355 = arith.subi %sub3A_346, %mul3A_354 : vector<16xi32>
      %lt3A_356 = arith.constant 0 : i32
      %lt3A_357 = vector.broadcast %lt3A_356 : i32 to vector<16xi32>
      %lt3A_358 = arith.cmpi slt, %sub3A_355, %lt3A_357 : vector<16xi32>
      %sub3A_359 = arith.constant 1 : i32
      %sub3A_360 = vector.broadcast %sub3A_359 : i32 to vector<16xi32>
      %sub3A_361 = arith.subi %convert_element_type3A_351, %sub3A_360 : vector<16xi32>
      %select_n3A_362 = arith.select %lt3A_358, %sub3A_361, %convert_element_type3A_351 : vector<16xi1>, vector<16xi32>
      %lt3A_363 = arith.constant 0 : i32
      %lt3A_364 = vector.broadcast %lt3A_363 : i32 to vector<16xi32>
      %lt3A_365 = arith.cmpi slt, %sub3A_355, %lt3A_364 : vector<16xi32>
      %add3A_366 = arith.constant 365 : i32
      %add3A_367 = vector.broadcast %add3A_366 : i32 to vector<16xi32>
      %add3A_368 = arith.addi %sub3A_355, %add3A_367 : vector<16xi32>
      %select_n3A_369 = arith.select %lt3A_365, %add3A_368, %sub3A_355 : vector<16xi1>, vector<16xi32>
      %ge3A_370 = arith.constant 365 : i32
      %ge3A_371 = vector.broadcast %ge3A_370 : i32 to vector<16xi32>
      %ge3A_372 = arith.cmpi sge, %select_n3A_369, %ge3A_371 : vector<16xi32>
      %add3A_373 = arith.constant 1 : i32
      %add3A_374 = vector.broadcast %add3A_373 : i32 to vector<16xi32>
      %add3A_375 = arith.addi %select_n3A_362, %add3A_374 : vector<16xi32>
      %select_n3A_376 = arith.select %ge3A_372, %add3A_375, %select_n3A_362 : vector<16xi1>, vector<16xi32>
      %mul3A_377 = arith.constant 365 : i32
      %mul3A_378 = vector.broadcast %mul3A_377 : i32 to vector<16xi32>
      %mul3A_379 = arith.muli %mul3A_378, %select_n3A_376 : vector<16xi32>
      %convert_element_type3A_380 = arith.sitofp %select_n3A_376 : vector<16xi32> to vector<16xf32>
      %mul3A_381 = arith.constant 2.500000e-01 : f32
      %mul3A_382 = vector.broadcast %mul3A_381 : f32 to vector<16xf32>
      %mul3A_383 = arith.mulf %convert_element_type3A_380, %mul3A_382 : vector<16xf32>
      %convert_element_type3A_384 = arith.fptosi %mul3A_383 : vector<16xf32> to vector<16xi32>
      %mul3A_385 = arith.constant 4 : i32
      %mul3A_386 = vector.broadcast %mul3A_385 : i32 to vector<16xi32>
      %mul3A_387 = arith.muli %convert_element_type3A_384, %mul3A_386 : vector<16xi32>
      %sub3A_388 = arith.subi %select_n3A_376, %mul3A_387 : vector<16xi32>
      %lt3A_389 = arith.constant 0 : i32
      %lt3A_390 = vector.broadcast %lt3A_389 : i32 to vector<16xi32>
      %lt3A_391 = arith.cmpi slt, %sub3A_388, %lt3A_390 : vector<16xi32>
      %sub3A_392 = arith.constant 1 : i32
      %sub3A_393 = vector.broadcast %sub3A_392 : i32 to vector<16xi32>
      %sub3A_394 = arith.subi %convert_element_type3A_384, %sub3A_393 : vector<16xi32>
      %select_n3A_395 = arith.select %lt3A_391, %sub3A_394, %convert_element_type3A_384 : vector<16xi1>, vector<16xi32>
      %lt3A_396 = arith.constant 0 : i32
      %lt3A_397 = vector.broadcast %lt3A_396 : i32 to vector<16xi32>
      %lt3A_398 = arith.cmpi slt, %sub3A_388, %lt3A_397 : vector<16xi32>
      %add3A_399 = arith.constant 4 : i32
      %add3A_400 = vector.broadcast %add3A_399 : i32 to vector<16xi32>
      %add3A_401 = arith.addi %sub3A_388, %add3A_400 : vector<16xi32>
      %select_n3A_402 = arith.select %lt3A_398, %add3A_401, %sub3A_388 : vector<16xi1>, vector<16xi32>
      %ge3A_403 = arith.constant 4 : i32
      %ge3A_404 = vector.broadcast %ge3A_403 : i32 to vector<16xi32>
      %ge3A_405 = arith.cmpi sge, %select_n3A_402, %ge3A_404 : vector<16xi32>
      %add3A_406 = arith.constant 1 : i32
      %add3A_407 = vector.broadcast %add3A_406 : i32 to vector<16xi32>
      %add3A_408 = arith.addi %select_n3A_395, %add3A_407 : vector<16xi32>
      %select_n3A_409 = arith.select %ge3A_405, %add3A_408, %select_n3A_395 : vector<16xi1>, vector<16xi32>
      %add3A_410 = arith.addi %mul3A_379, %select_n3A_409 : vector<16xi32>
      %convert_element_type3A_411 = arith.sitofp %select_n3A_376 : vector<16xi32> to vector<16xf32>
      %mul3A_412 = arith.constant 0.00999999977 : f32
      %mul3A_413 = vector.broadcast %mul3A_412 : f32 to vector<16xf32>
      %mul3A_414 = arith.mulf %convert_element_type3A_411, %mul3A_413 : vector<16xf32>
      %convert_element_type3A_415 = arith.fptosi %mul3A_414 : vector<16xf32> to vector<16xi32>
      %mul3A_416 = arith.constant 100 : i32
      %mul3A_417 = vector.broadcast %mul3A_416 : i32 to vector<16xi32>
      %mul3A_418 = arith.muli %convert_element_type3A_415, %mul3A_417 : vector<16xi32>
      %sub3A_419 = arith.subi %select_n3A_376, %mul3A_418 : vector<16xi32>
      %lt3A_420 = arith.constant 0 : i32
      %lt3A_421 = vector.broadcast %lt3A_420 : i32 to vector<16xi32>
      %lt3A_422 = arith.cmpi slt, %sub3A_419, %lt3A_421 : vector<16xi32>
      %sub3A_423 = arith.constant 1 : i32
      %sub3A_424 = vector.broadcast %sub3A_423 : i32 to vector<16xi32>
      %sub3A_425 = arith.subi %convert_element_type3A_415, %sub3A_424 : vector<16xi32>
      %select_n3A_426 = arith.select %lt3A_422, %sub3A_425, %convert_element_type3A_415 : vector<16xi1>, vector<16xi32>
      %lt3A_427 = arith.constant 0 : i32
      %lt3A_428 = vector.broadcast %lt3A_427 : i32 to vector<16xi32>
      %lt3A_429 = arith.cmpi slt, %sub3A_419, %lt3A_428 : vector<16xi32>
      %add3A_430 = arith.constant 100 : i32
      %add3A_431 = vector.broadcast %add3A_430 : i32 to vector<16xi32>
      %add3A_432 = arith.addi %sub3A_419, %add3A_431 : vector<16xi32>
      %select_n3A_433 = arith.select %lt3A_429, %add3A_432, %sub3A_419 : vector<16xi1>, vector<16xi32>
      %ge3A_434 = arith.constant 100 : i32
      %ge3A_435 = vector.broadcast %ge3A_434 : i32 to vector<16xi32>
      %ge3A_436 = arith.cmpi sge, %select_n3A_433, %ge3A_435 : vector<16xi32>
      %add3A_437 = arith.constant 1 : i32
      %add3A_438 = vector.broadcast %add3A_437 : i32 to vector<16xi32>
      %add3A_439 = arith.addi %select_n3A_426, %add3A_438 : vector<16xi32>
      %select_n3A_440 = arith.select %ge3A_436, %add3A_439, %select_n3A_426 : vector<16xi1>, vector<16xi32>
      %sub3A_441 = arith.subi %add3A_410, %select_n3A_440 : vector<16xi32>
      %sub3A_442 = arith.subi %sub3A_253, %sub3A_441 : vector<16xi32>
      %mul3A_443 = arith.constant 5 : i32
      %mul3A_444 = vector.broadcast %mul3A_443 : i32 to vector<16xi32>
      %mul3A_445 = arith.muli %mul3A_444, %sub3A_442 : vector<16xi32>
      %add3A_446 = arith.constant 2 : i32
      %add3A_447 = vector.broadcast %add3A_446 : i32 to vector<16xi32>
      %add3A_448 = arith.addi %mul3A_445, %add3A_447 : vector<16xi32>
      %convert_element_type3A_449 = arith.sitofp %add3A_448 : vector<16xi32> to vector<16xf32>
      %mul3A_450 = arith.constant 0.00653594779 : f32
      %mul3A_451 = vector.broadcast %mul3A_450 : f32 to vector<16xf32>
      %mul3A_452 = arith.mulf %convert_element_type3A_449, %mul3A_451 : vector<16xf32>
      %convert_element_type3A_453 = arith.fptosi %mul3A_452 : vector<16xf32> to vector<16xi32>
      %mul3A_454 = arith.constant 153 : i32
      %mul3A_455 = vector.broadcast %mul3A_454 : i32 to vector<16xi32>
      %mul3A_456 = arith.muli %convert_element_type3A_453, %mul3A_455 : vector<16xi32>
      %sub3A_457 = arith.subi %add3A_448, %mul3A_456 : vector<16xi32>
      %lt3A_458 = arith.constant 0 : i32
      %lt3A_459 = vector.broadcast %lt3A_458 : i32 to vector<16xi32>
      %lt3A_460 = arith.cmpi slt, %sub3A_457, %lt3A_459 : vector<16xi32>
      %sub3A_461 = arith.constant 1 : i32
      %sub3A_462 = vector.broadcast %sub3A_461 : i32 to vector<16xi32>
      %sub3A_463 = arith.subi %convert_element_type3A_453, %sub3A_462 : vector<16xi32>
      %select_n3A_464 = arith.select %lt3A_460, %sub3A_463, %convert_element_type3A_453 : vector<16xi1>, vector<16xi32>
      %lt3A_465 = arith.constant 0 : i32
      %lt3A_466 = vector.broadcast %lt3A_465 : i32 to vector<16xi32>
      %lt3A_467 = arith.cmpi slt, %sub3A_457, %lt3A_466 : vector<16xi32>
      %add3A_468 = arith.constant 153 : i32
      %add3A_469 = vector.broadcast %add3A_468 : i32 to vector<16xi32>
      %add3A_470 = arith.addi %sub3A_457, %add3A_469 : vector<16xi32>
      %select_n3A_471 = arith.select %lt3A_467, %add3A_470, %sub3A_457 : vector<16xi1>, vector<16xi32>
      %ge3A_472 = arith.constant 153 : i32
      %ge3A_473 = vector.broadcast %ge3A_472 : i32 to vector<16xi32>
      %ge3A_474 = arith.cmpi sge, %select_n3A_471, %ge3A_473 : vector<16xi32>
      %add3A_475 = arith.constant 1 : i32
      %add3A_476 = vector.broadcast %add3A_475 : i32 to vector<16xi32>
      %add3A_477 = arith.addi %select_n3A_464, %add3A_476 : vector<16xi32>
      %select_n3A_478 = arith.select %ge3A_474, %add3A_477, %select_n3A_464 : vector<16xi1>, vector<16xi32>
      %mul3A_479 = arith.constant 153 : i32
      %mul3A_480 = vector.broadcast %mul3A_479 : i32 to vector<16xi32>
      %mul3A_481 = arith.muli %mul3A_480, %select_n3A_478 : vector<16xi32>
      %add3A_482 = arith.constant 2 : i32
      %add3A_483 = vector.broadcast %add3A_482 : i32 to vector<16xi32>
      %add3A_484 = arith.addi %mul3A_481, %add3A_483 : vector<16xi32>
      %convert_element_type3A_485 = arith.sitofp %add3A_484 : vector<16xi32> to vector<16xf32>
      %mul3A_486 = arith.constant 2.000000e-01 : f32
      %mul3A_487 = vector.broadcast %mul3A_486 : f32 to vector<16xf32>
      %mul3A_488 = arith.mulf %convert_element_type3A_485, %mul3A_487 : vector<16xf32>
      %convert_element_type3A_489 = arith.fptosi %mul3A_488 : vector<16xf32> to vector<16xi32>
      %mul3A_490 = arith.constant 5 : i32
      %mul3A_491 = vector.broadcast %mul3A_490 : i32 to vector<16xi32>
      %mul3A_492 = arith.muli %convert_element_type3A_489, %mul3A_491 : vector<16xi32>
      %sub3A_493 = arith.subi %add3A_484, %mul3A_492 : vector<16xi32>
      %lt3A_494 = arith.constant 0 : i32
      %lt3A_495 = vector.broadcast %lt3A_494 : i32 to vector<16xi32>
      %lt3A_496 = arith.cmpi slt, %sub3A_493, %lt3A_495 : vector<16xi32>
      %sub3A_497 = arith.constant 1 : i32
      %sub3A_498 = vector.broadcast %sub3A_497 : i32 to vector<16xi32>
      %sub3A_499 = arith.subi %convert_element_type3A_489, %sub3A_498 : vector<16xi32>
      %select_n3A_500 = arith.select %lt3A_496, %sub3A_499, %convert_element_type3A_489 : vector<16xi1>, vector<16xi32>
      %lt3A_501 = arith.constant 0 : i32
      %lt3A_502 = vector.broadcast %lt3A_501 : i32 to vector<16xi32>
      %lt3A_503 = arith.cmpi slt, %sub3A_493, %lt3A_502 : vector<16xi32>
      %add3A_504 = arith.constant 5 : i32
      %add3A_505 = vector.broadcast %add3A_504 : i32 to vector<16xi32>
      %add3A_506 = arith.addi %sub3A_493, %add3A_505 : vector<16xi32>
      %select_n3A_507 = arith.select %lt3A_503, %add3A_506, %sub3A_493 : vector<16xi1>, vector<16xi32>
      %ge3A_508 = arith.constant 5 : i32
      %ge3A_509 = vector.broadcast %ge3A_508 : i32 to vector<16xi32>
      %ge3A_510 = arith.cmpi sge, %select_n3A_507, %ge3A_509 : vector<16xi32>
      %add3A_511 = arith.constant 1 : i32
      %add3A_512 = vector.broadcast %add3A_511 : i32 to vector<16xi32>
      %add3A_513 = arith.addi %select_n3A_500, %add3A_512 : vector<16xi32>
      %select_n3A_514 = arith.select %ge3A_510, %add3A_513, %select_n3A_500 : vector<16xi1>, vector<16xi32>
      %sub3A_515 = arith.subi %sub3A_442, %select_n3A_514 : vector<16xi32>
      %add3A_516 = arith.constant 1 : i32
      %add3A_517 = vector.broadcast %add3A_516 : i32 to vector<16xi32>
      %add3A_518 = arith.addi %sub3A_515, %add3A_517 : vector<16xi32>
      %lt3A_519 = arith.constant 10 : i32
      %lt3A_520 = vector.broadcast %lt3A_519 : i32 to vector<16xi32>
      %lt3A_521 = arith.cmpi slt, %select_n3A_478, %lt3A_520 : vector<16xi32>
      %add3A_522 = arith.constant 3 : i32
      %add3A_523 = vector.broadcast %add3A_522 : i32 to vector<16xi32>
      %add3A_524 = arith.addi %select_n3A_478, %add3A_523 : vector<16xi32>
      %sub3A_525 = arith.constant 9 : i32
      %sub3A_526 = vector.broadcast %sub3A_525 : i32 to vector<16xi32>
      %sub3A_527 = arith.subi %select_n3A_478, %sub3A_526 : vector<16xi32>
      %select_n3A_528 = arith.select %lt3A_521, %add3A_524, %sub3A_527 : vector<16xi1>, vector<16xi32>
      %sub3A_529 = arith.constant 1 : i32
      %sub3A_530 = vector.broadcast %sub3A_529 : i32 to vector<16xi32>
      %sub3A_531 = arith.subi %select_n3A_528, %sub3A_530 : vector<16xi32>
      %sub3A_532 = arith.constant 1 : i32
      %sub3A_533 = vector.broadcast %sub3A_532 : i32 to vector<16xi32>
      %sub3A_534 = arith.subi %add3A_518, %sub3A_533 : vector<16xi32>
      %add3A_535 = arith.constant 12 : i32
      %add3A_536 = vector.broadcast %add3A_535 : i32 to vector<16xi32>
      %add3A_537 = arith.addi %sub3A_531, %add3A_536 : vector<16xi32>
      %mul3A_538 = arith.constant 25 : i32
      %mul3A_539 = vector.broadcast %mul3A_538 : i32 to vector<16xi32>
      %mul3A_540 = arith.muli %add3A_537, %mul3A_539 : vector<16xi32>
      %add3A_541 = arith.constant 0 : i32
      %add3A_542 = vector.broadcast %add3A_541 : i32 to vector<16xi32>
      %add3A_543 = arith.addi %mul3A_540, %add3A_542 : vector<16xi32>
      %mul3A_544 = arith.constant 16 : i32
      %mul3A_545 = arith.muli %while3A_81, %mul3A_544 : i32
      %add3A_546 = arith.constant 0 : i32
      %add3A_547 = arith.addi %add3A_546, %mul3A_545 : i32
      %swap3A = arith.index_cast %add3A_547 : i32 to index
      %swap3A_548 = tpu.vector_load %arg12[%swap3A] {strides = array<i32>} : memref<640xi32, #tpu.memory_space<vmem>>, vector<16xi32>,
      tpu.vector_store %arg12[%swap3A], %add3A_543 {strides = array<i32>} : memref<640xi32, #tpu.memory_space<vmem>>, vector<16xi32>,
      %add3A_549 = arith.constant 31 : i32
      %add3A_550 = vector.broadcast %add3A_549 : i32 to vector<16xi32>
      %add3A_551 = arith.addi %sub3A_534, %add3A_550 : vector<16xi32>
      %mul3A_552 = arith.constant 25 : i32
      %mul3A_553 = vector.broadcast %mul3A_552 : i32 to vector<16xi32>
      %mul3A_554 = arith.muli %add3A_551, %mul3A_553 : vector<16xi32>
      %add3A_555 = arith.constant 600 : i32
      %add3A_556 = vector.broadcast %add3A_555 : i32 to vector<16xi32>
      %add3A_557 = arith.addi %mul3A_554, %add3A_556 : vector<16xi32>
      %mul3A_558 = arith.constant 16 : i32
      %mul3A_559 = arith.muli %while3A_81, %mul3A_558 : i32
      %add3A_560 = arith.constant 128 : i32
      %add3A_561 = arith.addi %add3A_560, %mul3A_559 : i32
      %swap3A_562 = arith.index_cast %add3A_561 : i32 to index
      %swap3A_563 = tpu.vector_load %arg12[%swap3A_562] {strides = array<i32>} : memref<640xi32, #tpu.memory_space<vmem>>, vector<16xi32>,
      tpu.vector_store %arg12[%swap3A_562], %add3A_557 {strides = array<i32>} : memref<640xi32, #tpu.memory_space<vmem>>, vector<16xi32>,
      %add3A_564 = arith.constant 7 : i32
      %add3A_565 = vector.broadcast %add3A_564 : i32 to vector<16xi32>
      %add3A_566 = arith.addi %sub3A_216, %add3A_565 : vector<16xi32>
      %mul3A_567 = arith.constant 25 : i32
      %mul3A_568 = vector.broadcast %mul3A_567 : i32 to vector<16xi32>
      %mul3A_569 = arith.muli %add3A_566, %mul3A_568 : vector<16xi32>
      %add3A_570 = arith.constant 2150 : i32
      %add3A_571 = vector.broadcast %add3A_570 : i32 to vector<16xi32>
      %add3A_572 = arith.addi %mul3A_569, %add3A_571 : vector<16xi32>
      %mul3A_573 = arith.constant 16 : i32
      %mul3A_574 = arith.muli %while3A_81, %mul3A_573 : i32
      %add3A_575 = arith.constant 256 : i32
      %add3A_576 = arith.addi %add3A_575, %mul3A_574 : i32
      %swap3A_577 = arith.index_cast %add3A_576 : i32 to index
      %swap3A_578 = tpu.vector_load %arg12[%swap3A_577] {strides = array<i32>} : memref<640xi32, #tpu.memory_space<vmem>>, vector<16xi32>,
      tpu.vector_store %arg12[%swap3A_577], %add3A_572 {strides = array<i32>} : memref<640xi32, #tpu.memory_space<vmem>>, vector<16xi32>,
      %add3A_579 = arith.constant 24 : i32
      %add3A_580 = vector.broadcast %add3A_579 : i32 to vector<16xi32>
      %add3A_581 = arith.addi %select_n3A_145, %add3A_580 : vector<16xi32>
      %mul3A_582 = arith.constant 25 : i32
      %mul3A_583 = vector.broadcast %mul3A_582 : i32 to vector<16xi32>
      %mul3A_584 = arith.muli %add3A_581, %mul3A_583 : vector<16xi32>
      %add3A_585 = arith.constant 2500 : i32
      %add3A_586 = vector.broadcast %add3A_585 : i32 to vector<16xi32>
      %add3A_587 = arith.addi %mul3A_584, %add3A_586 : vector<16xi32>
      %mul3A_588 = arith.constant 16 : i32
      %mul3A_589 = arith.muli %while3A_81, %mul3A_588 : i32
      %add3A_590 = arith.constant 384 : i32
      %add3A_591 = arith.addi %add3A_590, %mul3A_589 : i32
      %swap3A_592 = arith.index_cast %add3A_591 : i32 to index
      %swap3A_593 = tpu.vector_load %arg12[%swap3A_592] {strides = array<i32>} : memref<640xi32, #tpu.memory_space<vmem>>, vector<16xi32>,
      tpu.vector_store %arg12[%swap3A_592], %add3A_587 {strides = array<i32>} : memref<640xi32, #tpu.memory_space<vmem>>, vector<16xi32>,
      %add3A_594 = arith.constant 60 : i32
      %add3A_595 = vector.broadcast %add3A_594 : i32 to vector<16xi32>
      %add3A_596 = arith.addi %select_n3A_179, %add3A_595 : vector<16xi32>
      %mul3A_597 = arith.constant 28 : i32
      %mul3A_598 = vector.broadcast %mul3A_597 : i32 to vector<16xi32>
      %mul3A_599 = arith.muli %add3A_596, %mul3A_598 : vector<16xi32>
      %add3A_600 = arith.constant 3700 : i32
      %add3A_601 = vector.broadcast %add3A_600 : i32 to vector<16xi32>
      %add3A_602 = arith.addi %mul3A_599, %add3A_601 : vector<16xi32>
      %mul3A_603 = arith.constant 16 : i32
      %mul3A_604 = arith.muli %while3A_81, %mul3A_603 : i32
      %add3A_605 = arith.constant 512 : i32
      %add3A_606 = arith.addi %add3A_605, %mul3A_604 : i32
      %swap3A_607 = arith.index_cast %add3A_606 : i32 to index
      %swap3A_608 = tpu.vector_load %arg12[%swap3A_607] {strides = array<i32>} : memref<640xi32, #tpu.memory_space<vmem>>, vector<16xi32>,
      tpu.vector_store %arg12[%swap3A_607], %add3A_602 {strides = array<i32>} : memref<640xi32, #tpu.memory_space<vmem>>, vector<16xi32>,
    }
    %while3A_13 = arith.constant 0 : i64
    %while3A_14 = arith.constant 0 : i32
    %while3A_15 = arith.constant 128 : i32
    %while3A_16 = arith.subi %while3A_15, %while3A_14 : i32
    %while3A_17 = arith.addi %while3A_14, %while3A_16 : i32
    %while3A_18 = arith.constant 1 : i32
    %while3A_19 = arith.divsi %while3A_16, %while3A_18 : i32
    %while3A_20 = arith.muli %while3A_19, %while3A_18 : i32
    %while3A_21 = arith.addi %while3A_14, %while3A_20 : i32
    %while3A_22 = arith.constant 1 : i32
    scf.for %while3A_81 = %while3A_14 to %while3A_21 step %while3A_22  : i32 {
      %mul3A_82 = arith.constant 128 : i32
      %mul3A_83 = arith.muli %add3A, %mul3A_82 : i32
      %add3A_84 = arith.addi %mul3A_83, %while3A_81 : i32
      %and3A = arith.constant 31 : i32
      %and3A_85 = arith.andi %while3A_81, %and3A : i32
      %and3A_86 = arith.constant 1 : i32
      %and3A_87 = arith.andi %while3A_81, %and3A_86 : i32
      %mul3A_88 = arith.constant 208 : i32
      %mul3A_89 = arith.muli %and3A_87, %mul3A_88 : i32
      %eq3A = arith.constant 0 : i32
      %eq3A_90 = arith.cmpi eq, %and3A_85, %eq3A : i32
      %convert_element_type3A = arith.extui %eq3A_90 : i1 to i32
      %cond3A = arith.constant 0 : i32
      %cond3A_91 = arith.cmpi ne, %convert_element_type3A, %cond3A : i32
      scf.if %cond3A_91 {
        %sub3A = arith.subi %add3A_84, %and3A_85 : i32
        %multiple_of3A = tpu.assume_multiple %sub3A, 32 : i32
        "tpu.region"() ({
          %run_scoped3A = tpu.sem_alloc : memref<!tpu.dma_semaphore, #tpu.memory_space<semaphore_mem>>
          %dma_start3A = arith.constant 0 : i32
          %dma_start3A_151 = tpu.memref_slice %arg2[%multiple_of3A, %dma_start3A] : memref<4096x208xi32, #tpu.memory_space<hbm>> -> memref<32x208xi32, #tpu.memory_space<hbm>>
          %dma_start3A_152 = arith.constant 0 : i32
          %dma_start3A_153 = tpu.memref_slice %arg2[%multiple_of3A, %dma_start3A_152] : memref<4096x208xi32, #tpu.memory_space<hbm>> -> memref<32x208xi32, #tpu.memory_space<hbm>>
          tpu.enqueue_dma source(%dma_start3A_153 : memref<32x208xi32, #tpu.memory_space<hbm>>) target(%arg10 : memref<32x208xi32, #tpu.memory_space<vmem>>) target_semaphore(%run_scoped3A : memref<!tpu.dma_semaphore, #tpu.memory_space<semaphore_mem>>)
          %dma_wait3A_154 = arith.constant 0 : i32
          %dma_wait3A_155 = tpu.memref_slice %arg2[%multiple_of3A, %dma_wait3A_154] : memref<4096x208xi32, #tpu.memory_space<hbm>> -> memref<32x208xi32, #tpu.memory_space<hbm>>
          %dma_wait3A_156 = arith.constant 0 : i32
          %dma_wait3A_157 = tpu.memref_slice %arg2[%multiple_of3A, %dma_wait3A_156] : memref<4096x208xi32, #tpu.memory_space<hbm>> -> memref<32x208xi32, #tpu.memory_space<hbm>>
          tpu.wait_dma2 semaphore(%run_scoped3A : memref<!tpu.dma_semaphore, #tpu.memory_space<semaphore_mem>>) src(%dma_wait3A_157 : memref<32x208xi32, #tpu.memory_space<hbm>>) dst(%arg10 : memref<32x208xi32, #tpu.memory_space<vmem>>)
          tpu.yield
        }) : () -> ()
      } else {
      }
      %ge3A = arith.constant 2 : i32
      %ge3A_92 = arith.cmpi sge, %while3A_81, %ge3A : i32
      %eq3A_93 = arith.constant 0 : i32
      %eq3A_94 = arith.cmpi eq, %and3A_87, %eq3A_93 : i32
      %and3A_95 = arith.andi %ge3A_92, %eq3A_94 : i1
      %convert_element_type3A_96 = arith.extui %and3A_95 : i1 to i32
      %cond3A_97 = arith.constant 0 : i32
      %cond3A_98 = arith.cmpi ne, %convert_element_type3A_96, %cond3A_97 : i32
      scf.if %cond3A_98 {
        %dma_wait3A_151 = arith.constant 0 : i32
        %dma_wait3A_152 = arith.constant 0 : i32
        %dma_wait3A_153 = tpu.memref_slice %arg13[%dma_wait3A_151, %dma_wait3A_152] : memref<416x128xf32, #tpu.memory_space<vmem>> -> memref<201x128xf32, #tpu.memory_space<vmem>>
        %dma_wait3A_154 = arith.constant 0 : i32
        %dma_wait3A_155 = arith.constant 0 : i32
        %dma_wait3A_156 = tpu.memref_slice %arg6[%add3A_84, %dma_wait3A_154, %dma_wait3A_155] : memref<4096x201x128xf32, #tpu.memory_space<hbm>> -> memref<1x201x128xf32, #tpu.memory_space<hbm>>
        %dma_wait3A_157 = tpu.memref_squeeze %dma_wait3A_156 : memref<1x201x128xf32, #tpu.memory_space<hbm>> -> memref<201x128xf32, #tpu.memory_space<hbm>>
        %dma_wait3A_158 = arith.constant 0 : i32
        %dma_wait3A_159 = arith.constant 0 : i32
        %dma_wait3A_160 = tpu.memref_slice %arg6[%add3A_84, %dma_wait3A_158, %dma_wait3A_159] : memref<4096x201x128xf32, #tpu.memory_space<hbm>> -> memref<1x201x128xf32, #tpu.memory_space<hbm>>
        %dma_wait3A_161 = tpu.memref_squeeze %dma_wait3A_160 : memref<1x201x128xf32, #tpu.memory_space<hbm>> -> memref<201x128xf32, #tpu.memory_space<hbm>>
        %dma_wait3A_162 = arith.constant 0 : i32
        %dma_wait3A_163 = arith.constant 0 : i32
        %dma_wait3A_164 = tpu.memref_slice %arg13[%dma_wait3A_162, %dma_wait3A_163] : memref<416x128xf32, #tpu.memory_space<vmem>> -> memref<201x128xf32, #tpu.memory_space<vmem>>
        tpu.wait_dma2 semaphore(%arg15 : memref<!tpu.dma_semaphore, #tpu.memory_space<semaphore_mem>>) src(%dma_wait3A_164 : memref<201x128xf32, #tpu.memory_space<vmem>>) dst(%dma_wait3A_161 : memref<201x128xf32, #tpu.memory_space<hbm>>)
        %dma_wait3A_165 = arith.constant 0 : i32
        %dma_wait3A_166 = arith.constant 0 : i32
        %dma_wait3A_167 = tpu.memref_slice %arg14[%dma_wait3A_165, %dma_wait3A_166] : memref<416x128xf32, #tpu.memory_space<vmem>> -> memref<200x128xf32, #tpu.memory_space<vmem>>
        %dma_wait3A_168 = arith.constant 0 : i32
        %dma_wait3A_169 = arith.constant 0 : i32
        %dma_wait3A_170 = tpu.memref_slice %arg7[%add3A_84, %dma_wait3A_168, %dma_wait3A_169] : memref<4096x200x128xf32, #tpu.memory_space<hbm>> -> memref<1x200x128xf32, #tpu.memory_space<hbm>>
        %dma_wait3A_171 = tpu.memref_squeeze %dma_wait3A_170 : memref<1x200x128xf32, #tpu.memory_space<hbm>> -> memref<200x128xf32, #tpu.memory_space<hbm>>
        %dma_wait3A_172 = arith.constant 0 : i32
        %dma_wait3A_173 = arith.constant 0 : i32
        %dma_wait3A_174 = tpu.memref_slice %arg7[%add3A_84, %dma_wait3A_172, %dma_wait3A_173] : memref<4096x200x128xf32, #tpu.memory_space<hbm>> -> memref<1x200x128xf32, #tpu.memory_space<hbm>>
        %dma_wait3A_175 = tpu.memref_squeeze %dma_wait3A_174 : memref<1x200x128xf32, #tpu.memory_space<hbm>> -> memref<200x128xf32, #tpu.memory_space<hbm>>
        %dma_wait3A_176 = arith.constant 0 : i32
        %dma_wait3A_177 = arith.constant 0 : i32
        %dma_wait3A_178 = tpu.memref_slice %arg14[%dma_wait3A_176, %dma_wait3A_177] : memref<416x128xf32, #tpu.memory_space<vmem>> -> memref<200x128xf32, #tpu.memory_space<vmem>>
        tpu.wait_dma2 semaphore(%arg17 : memref<!tpu.dma_semaphore, #tpu.memory_space<semaphore_mem>>) src(%dma_wait3A_178 : memref<200x128xf32, #tpu.memory_space<vmem>>) dst(%dma_wait3A_175 : memref<200x128xf32, #tpu.memory_space<hbm>>)
      } else {
      }
      %ge3A_99 = arith.constant 2 : i32
      %ge3A_100 = arith.cmpi sge, %while3A_81, %ge3A_99 : i32
      %eq3A_101 = arith.constant 1 : i32
      %eq3A_102 = arith.cmpi eq, %and3A_87, %eq3A_101 : i32
      %and3A_103 = arith.andi %ge3A_100, %eq3A_102 : i1
      %convert_element_type3A_104 = arith.extui %and3A_103 : i1 to i32
      %cond3A_105 = arith.constant 0 : i32
      %cond3A_106 = arith.cmpi ne, %convert_element_type3A_104, %cond3A_105 : i32
      scf.if %cond3A_106 {
        %dma_wait3A_151 = arith.constant 208 : i32
        %dma_wait3A_152 = arith.constant 0 : i32
        %dma_wait3A_153 = tpu.memref_slice %arg13[%dma_wait3A_151, %dma_wait3A_152] : memref<416x128xf32, #tpu.memory_space<vmem>> -> memref<201x128xf32, #tpu.memory_space<vmem>>
        %dma_wait3A_154 = arith.constant 0 : i32
        %dma_wait3A_155 = arith.constant 0 : i32
        %dma_wait3A_156 = tpu.memref_slice %arg6[%add3A_84, %dma_wait3A_154, %dma_wait3A_155] : memref<4096x201x128xf32, #tpu.memory_space<hbm>> -> memref<1x201x128xf32, #tpu.memory_space<hbm>>
        %dma_wait3A_157 = tpu.memref_squeeze %dma_wait3A_156 : memref<1x201x128xf32, #tpu.memory_space<hbm>> -> memref<201x128xf32, #tpu.memory_space<hbm>>
        %dma_wait3A_158 = arith.constant 0 : i32
        %dma_wait3A_159 = arith.constant 0 : i32
        %dma_wait3A_160 = tpu.memref_slice %arg6[%add3A_84, %dma_wait3A_158, %dma_wait3A_159] : memref<4096x201x128xf32, #tpu.memory_space<hbm>> -> memref<1x201x128xf32, #tpu.memory_space<hbm>>
        %dma_wait3A_161 = tpu.memref_squeeze %dma_wait3A_160 : memref<1x201x128xf32, #tpu.memory_space<hbm>> -> memref<201x128xf32, #tpu.memory_space<hbm>>
        %dma_wait3A_162 = arith.constant 208 : i32
        %dma_wait3A_163 = arith.constant 0 : i32
        %dma_wait3A_164 = tpu.memref_slice %arg13[%dma_wait3A_162, %dma_wait3A_163] : memref<416x128xf32, #tpu.memory_space<vmem>> -> memref<201x128xf32, #tpu.memory_space<vmem>>
        tpu.wait_dma2 semaphore(%arg16 : memref<!tpu.dma_semaphore, #tpu.memory_space<semaphore_mem>>) src(%dma_wait3A_164 : memref<201x128xf32, #tpu.memory_space<vmem>>) dst(%dma_wait3A_161 : memref<201x128xf32, #tpu.memory_space<hbm>>)
        %dma_wait3A_165 = arith.constant 208 : i32
        %dma_wait3A_166 = arith.constant 0 : i32
        %dma_wait3A_167 = tpu.memref_slice %arg14[%dma_wait3A_165, %dma_wait3A_166] : memref<416x128xf32, #tpu.memory_space<vmem>> -> memref<200x128xf32, #tpu.memory_space<vmem>>
        %dma_wait3A_168 = arith.constant 0 : i32
        %dma_wait3A_169 = arith.constant 0 : i32
        %dma_wait3A_170 = tpu.memref_slice %arg7[%add3A_84, %dma_wait3A_168, %dma_wait3A_169] : memref<4096x200x128xf32, #tpu.memory_space<hbm>> -> memref<1x200x128xf32, #tpu.memory_space<hbm>>
        %dma_wait3A_171 = tpu.memref_squeeze %dma_wait3A_170 : memref<1x200x128xf32, #tpu.memory_space<hbm>> -> memref<200x128xf32, #tpu.memory_space<hbm>>
        %dma_wait3A_172 = arith.constant 0 : i32
        %dma_wait3A_173 = arith.constant 0 : i32
        %dma_wait3A_174 = tpu.memref_slice %arg7[%add3A_84, %dma_wait3A_172, %dma_wait3A_173] : memref<4096x200x128xf32, #tpu.memory_space<hbm>> -> memref<1x200x128xf32, #tpu.memory_space<hbm>>
        %dma_wait3A_175 = tpu.memref_squeeze %dma_wait3A_174 : memref<1x200x128xf32, #tpu.memory_space<hbm>> -> memref<200x128xf32, #tpu.memory_space<hbm>>
        %dma_wait3A_176 = arith.constant 208 : i32
        %dma_wait3A_177 = arith.constant 0 : i32
        %dma_wait3A_178 = tpu.memref_slice %arg14[%dma_wait3A_176, %dma_wait3A_177] : memref<416x128xf32, #tpu.memory_space<vmem>> -> memref<200x128xf32, #tpu.memory_space<vmem>>
        tpu.wait_dma2 semaphore(%arg18 : memref<!tpu.dma_semaphore, #tpu.memory_space<semaphore_mem>>) src(%dma_wait3A_178 : memref<200x128xf32, #tpu.memory_space<vmem>>) dst(%dma_wait3A_175 : memref<200x128xf32, #tpu.memory_space<hbm>>)
      } else {
      }
      %broadcast_in_dim3A = arith.constant 0 : i32
      %broadcast_in_dim3A_107 = vector.broadcast %broadcast_in_dim3A : i32 to vector<16xi32>
      %add3A_108 = vector.broadcast %while3A_81 : i32 to vector<16xi32>
      %add3A_109 = arith.addi %broadcast_in_dim3A_107, %add3A_108 : vector<16xi32>
      %gather3A = tpu.vector_load_idx %arg12[%add3A_109] : memref<640xi32, #tpu.memory_space<vmem>>[vector<16xi32>], vector<16xi32>,
      %broadcast_in_dim3A_110 = arith.constant 128 : i32
      %broadcast_in_dim3A_111 = vector.broadcast %broadcast_in_dim3A_110 : i32 to vector<16xi32>
      %add3A_112 = vector.broadcast %while3A_81 : i32 to vector<16xi32>
      %add3A_113 = arith.addi %broadcast_in_dim3A_111, %add3A_112 : vector<16xi32>
      %gather3A_114 = tpu.vector_load_idx %arg12[%add3A_113] : memref<640xi32, #tpu.memory_space<vmem>>[vector<16xi32>], vector<16xi32>,
      %broadcast_in_dim3A_115 = arith.constant 256 : i32
      %broadcast_in_dim3A_116 = vector.broadcast %broadcast_in_dim3A_115 : i32 to vector<16xi32>
      %add3A_117 = vector.broadcast %while3A_81 : i32 to vector<16xi32>
      %add3A_118 = arith.addi %broadcast_in_dim3A_116, %add3A_117 : vector<16xi32>
      %gather3A_119 = tpu.vector_load_idx %arg12[%add3A_118] : memref<640xi32, #tpu.memory_space<vmem>>[vector<16xi32>], vector<16xi32>,
      %broadcast_in_dim3A_120 = arith.constant 384 : i32
      %broadcast_in_dim3A_121 = vector.broadcast %broadcast_in_dim3A_120 : i32 to vector<16xi32>
      %add3A_122 = vector.broadcast %while3A_81 : i32 to vector<16xi32>
      %add3A_123 = arith.addi %broadcast_in_dim3A_121, %add3A_122 : vector<16xi32>
      %gather3A_124 = tpu.vector_load_idx %arg12[%add3A_123] : memref<640xi32, #tpu.memory_space<vmem>>[vector<16xi32>], vector<16xi32>,
      %broadcast_in_dim3A_125 = arith.constant 512 : i32
      %broadcast_in_dim3A_126 = vector.broadcast %broadcast_in_dim3A_125 : i32 to vector<16xi32>
      %add3A_127 = vector.broadcast %while3A_81 : i32 to vector<16xi32>
      %add3A_128 = arith.addi %broadcast_in_dim3A_126, %add3A_127 : vector<16xi32>
      %gather3A_129 = tpu.vector_load_idx %arg12[%add3A_128] : memref<640xi32, #tpu.memory_space<vmem>>[vector<16xi32>], vector<16xi32>,
      %while3A_130 = arith.constant 0 : i64
      %while3A_131 = arith.constant 0 : i32
      %while3A_132 = arith.constant 13 : i32
      %while3A_133 = arith.subi %while3A_132, %while3A_131 : i32
      %while3A_134 = arith.addi %while3A_131, %while3A_133 : i32
      %while3A_135 = arith.constant 1 : i32
      %while3A_136 = arith.divsi %while3A_133, %while3A_135 : i32
      %while3A_137 = arith.muli %while3A_136, %while3A_135 : i32
      %while3A_138 = arith.addi %while3A_131, %while3A_137 : i32
      %while3A_139 = arith.constant 1 : i32
      scf.for %while3A_151 = %while3A_131 to %while3A_138 step %while3A_139  : i32 {
        %mul3A_152 = arith.constant 16 : i32
        %mul3A_153 = arith.muli %while3A_151, %mul3A_152 : i32
        %get3A = arith.index_cast %and3A_85 : i32 to index
        %get3A_154 = arith.index_cast %mul3A_153 : i32 to index
        %get3A_155 = tpu.vector_load %arg10[%get3A, %get3A_154] {strides = array<i32>} : memref<32x208xi32, #tpu.memory_space<vmem>>, vector<16xi32>,
        %shift_right_arithmetic3A = arith.constant 7 : i32
        %shift_right_arithmetic3A_156 = vector.broadcast %shift_right_arithmetic3A : i32 to vector<16xi32>
        %shift_right_arithmetic3A_157 = arith.shrsi %get3A_155, %shift_right_arithmetic3A_156 : vector<16xi32>
        %convert_element_type3A_158 = arith.sitofp %shift_right_arithmetic3A_157 : vector<16xi32> to vector<16xf32>
        %mul3A_159 = arith.constant 0.00148148148 : f32
        %mul3A_160 = vector.broadcast %mul3A_159 : f32 to vector<16xf32>
        %mul3A_161 = arith.mulf %convert_element_type3A_158, %mul3A_160 : vector<16xf32>
        %convert_element_type3A_162 = arith.fptosi %mul3A_161 : vector<16xf32> to vector<16xi32>
        %mul3A_163 = arith.constant 675 : i32
        %mul3A_164 = vector.broadcast %mul3A_163 : i32 to vector<16xi32>
        %mul3A_165 = arith.muli %convert_element_type3A_162, %mul3A_164 : vector<16xi32>
        %sub3A = arith.subi %shift_right_arithmetic3A_157, %mul3A_165 : vector<16xi32>
        %lt3A = arith.constant 0 : i32
        %lt3A_166 = vector.broadcast %lt3A : i32 to vector<16xi32>
        %lt3A_167 = arith.cmpi slt, %sub3A, %lt3A_166 : vector<16xi32>
        %sub3A_168 = arith.constant 1 : i32
        %sub3A_169 = vector.broadcast %sub3A_168 : i32 to vector<16xi32>
        %sub3A_170 = arith.subi %convert_element_type3A_162, %sub3A_169 : vector<16xi32>
        %select_n3A = arith.select %lt3A_167, %sub3A_170, %convert_element_type3A_162 : vector<16xi1>, vector<16xi32>
        %lt3A_171 = arith.constant 0 : i32
        %lt3A_172 = vector.broadcast %lt3A_171 : i32 to vector<16xi32>
        %lt3A_173 = arith.cmpi slt, %sub3A, %lt3A_172 : vector<16xi32>
        %add3A_174 = arith.constant 675 : i32
        %add3A_175 = vector.broadcast %add3A_174 : i32 to vector<16xi32>
        %add3A_176 = arith.addi %sub3A, %add3A_175 : vector<16xi32>
        %select_n3A_177 = arith.select %lt3A_173, %add3A_176, %sub3A : vector<16xi1>, vector<16xi32>
        %ge3A_178 = arith.constant 675 : i32
        %ge3A_179 = vector.broadcast %ge3A_178 : i32 to vector<16xi32>
        %ge3A_180 = arith.cmpi sge, %select_n3A_177, %ge3A_179 : vector<16xi32>
        %add3A_181 = arith.constant 1 : i32
        %add3A_182 = vector.broadcast %add3A_181 : i32 to vector<16xi32>
        %add3A_183 = arith.addi %select_n3A, %add3A_182 : vector<16xi32>
        %select_n3A_184 = arith.select %ge3A_180, %add3A_183, %select_n3A : vector<16xi1>, vector<16xi32>
        %mul3A_185 = arith.constant 86400 : i32
        %mul3A_186 = vector.broadcast %mul3A_185 : i32 to vector<16xi32>
        %mul3A_187 = arith.muli %select_n3A_184, %mul3A_186 : vector<16xi32>
        %sub3A_188 = arith.subi %get3A_155, %mul3A_187 : vector<16xi32>
        %convert_element_type3A_189 = arith.sitofp %sub3A_188 : vector<16xi32> to vector<16xf32>
        %mul3A_190 = arith.constant 2.77777785E-4 : f32
        %mul3A_191 = vector.broadcast %mul3A_190 : f32 to vector<16xf32>
        %mul3A_192 = arith.mulf %convert_element_type3A_189, %mul3A_191 : vector<16xf32>
        %convert_element_type3A_193 = arith.fptosi %mul3A_192 : vector<16xf32> to vector<16xi32>
        %mul3A_194 = arith.constant 3600 : i32
        %mul3A_195 = vector.broadcast %mul3A_194 : i32 to vector<16xi32>
        %mul3A_196 = arith.muli %convert_element_type3A_193, %mul3A_195 : vector<16xi32>
        %sub3A_197 = arith.subi %sub3A_188, %mul3A_196 : vector<16xi32>
        %lt3A_198 = arith.constant 0 : i32
        %lt3A_199 = vector.broadcast %lt3A_198 : i32 to vector<16xi32>
        %lt3A_200 = arith.cmpi slt, %sub3A_197, %lt3A_199 : vector<16xi32>
        %sub3A_201 = arith.constant 1 : i32
        %sub3A_202 = vector.broadcast %sub3A_201 : i32 to vector<16xi32>
        %sub3A_203 = arith.subi %convert_element_type3A_193, %sub3A_202 : vector<16xi32>
        %select_n3A_204 = arith.select %lt3A_200, %sub3A_203, %convert_element_type3A_193 : vector<16xi1>, vector<16xi32>
        %lt3A_205 = arith.constant 0 : i32
        %lt3A_206 = vector.broadcast %lt3A_205 : i32 to vector<16xi32>
        %lt3A_207 = arith.cmpi slt, %sub3A_197, %lt3A_206 : vector<16xi32>
        %add3A_208 = arith.constant 3600 : i32
        %add3A_209 = vector.broadcast %add3A_208 : i32 to vector<16xi32>
        %add3A_210 = arith.addi %sub3A_197, %add3A_209 : vector<16xi32>
        %select_n3A_211 = arith.select %lt3A_207, %add3A_210, %sub3A_197 : vector<16xi1>, vector<16xi32>
        %ge3A_212 = arith.constant 3600 : i32
        %ge3A_213 = vector.broadcast %ge3A_212 : i32 to vector<16xi32>
        %ge3A_214 = arith.cmpi sge, %select_n3A_211, %ge3A_213 : vector<16xi32>
        %add3A_215 = arith.constant 1 : i32
        %add3A_216 = vector.broadcast %add3A_215 : i32 to vector<16xi32>
        %add3A_217 = arith.addi %select_n3A_204, %add3A_216 : vector<16xi32>
        %select_n3A_218 = arith.select %ge3A_214, %add3A_217, %select_n3A_204 : vector<16xi1>, vector<16xi32>
        %mul3A_219 = arith.constant 3600 : i32
        %mul3A_220 = vector.broadcast %mul3A_219 : i32 to vector<16xi32>
        %mul3A_221 = arith.muli %select_n3A_218, %mul3A_220 : vector<16xi32>
        %sub3A_222 = arith.subi %sub3A_188, %mul3A_221 : vector<16xi32>
        %convert_element_type3A_223 = arith.sitofp %sub3A_222 : vector<16xi32> to vector<16xf32>
        %mul3A_224 = arith.constant 0.0166666675 : f32
        %mul3A_225 = vector.broadcast %mul3A_224 : f32 to vector<16xf32>
        %mul3A_226 = arith.mulf %convert_element_type3A_223, %mul3A_225 : vector<16xf32>
        %convert_element_type3A_227 = arith.fptosi %mul3A_226 : vector<16xf32> to vector<16xi32>
        %mul3A_228 = arith.constant 60 : i32
        %mul3A_229 = vector.broadcast %mul3A_228 : i32 to vector<16xi32>
        %mul3A_230 = arith.muli %convert_element_type3A_227, %mul3A_229 : vector<16xi32>
        %sub3A_231 = arith.subi %sub3A_222, %mul3A_230 : vector<16xi32>
        %lt3A_232 = arith.constant 0 : i32
        %lt3A_233 = vector.broadcast %lt3A_232 : i32 to vector<16xi32>
        %lt3A_234 = arith.cmpi slt, %sub3A_231, %lt3A_233 : vector<16xi32>
        %sub3A_235 = arith.constant 1 : i32
        %sub3A_236 = vector.broadcast %sub3A_235 : i32 to vector<16xi32>
        %sub3A_237 = arith.subi %convert_element_type3A_227, %sub3A_236 : vector<16xi32>
        %select_n3A_238 = arith.select %lt3A_234, %sub3A_237, %convert_element_type3A_227 : vector<16xi1>, vector<16xi32>
        %lt3A_239 = arith.constant 0 : i32
        %lt3A_240 = vector.broadcast %lt3A_239 : i32 to vector<16xi32>
        %lt3A_241 = arith.cmpi slt, %sub3A_231, %lt3A_240 : vector<16xi32>
        %add3A_242 = arith.constant 60 : i32
        %add3A_243 = vector.broadcast %add3A_242 : i32 to vector<16xi32>
        %add3A_244 = arith.addi %sub3A_231, %add3A_243 : vector<16xi32>
        %select_n3A_245 = arith.select %lt3A_241, %add3A_244, %sub3A_231 : vector<16xi1>, vector<16xi32>
        %ge3A_246 = arith.constant 60 : i32
        %ge3A_247 = vector.broadcast %ge3A_246 : i32 to vector<16xi32>
        %ge3A_248 = arith.cmpi sge, %select_n3A_245, %ge3A_247 : vector<16xi32>
        %add3A_249 = arith.constant 1 : i32
        %add3A_250 = vector.broadcast %add3A_249 : i32 to vector<16xi32>
        %add3A_251 = arith.addi %select_n3A_238, %add3A_250 : vector<16xi32>
        %select_n3A_252 = arith.select %ge3A_248, %add3A_251, %select_n3A_238 : vector<16xi1>, vector<16xi32>
        %add3A_253 = arith.constant 3 : i32
        %add3A_254 = vector.broadcast %add3A_253 : i32 to vector<16xi32>
        %add3A_255 = arith.addi %select_n3A_184, %add3A_254 : vector<16xi32>
        %convert_element_type3A_256 = arith.sitofp %add3A_255 : vector<16xi32> to vector<16xf32>
        %mul3A_257 = arith.constant 0.142857149 : f32
        %mul3A_258 = vector.broadcast %mul3A_257 : f32 to vector<16xf32>
        %mul3A_259 = arith.mulf %convert_element_type3A_256, %mul3A_258 : vector<16xf32>
        %convert_element_type3A_260 = arith.fptosi %mul3A_259 : vector<16xf32> to vector<16xi32>
        %mul3A_261 = arith.constant 7 : i32
        %mul3A_262 = vector.broadcast %mul3A_261 : i32 to vector<16xi32>
        %mul3A_263 = arith.muli %convert_element_type3A_260, %mul3A_262 : vector<16xi32>
        %sub3A_264 = arith.subi %add3A_255, %mul3A_263 : vector<16xi32>
        %lt3A_265 = arith.constant 0 : i32
        %lt3A_266 = vector.broadcast %lt3A_265 : i32 to vector<16xi32>
        %lt3A_267 = arith.cmpi slt, %sub3A_264, %lt3A_266 : vector<16xi32>
        %sub3A_268 = arith.constant 1 : i32
        %sub3A_269 = vector.broadcast %sub3A_268 : i32 to vector<16xi32>
        %sub3A_270 = arith.subi %convert_element_type3A_260, %sub3A_269 : vector<16xi32>
        %select_n3A_271 = arith.select %lt3A_267, %sub3A_270, %convert_element_type3A_260 : vector<16xi1>, vector<16xi32>
        %lt3A_272 = arith.constant 0 : i32
        %lt3A_273 = vector.broadcast %lt3A_272 : i32 to vector<16xi32>
        %lt3A_274 = arith.cmpi slt, %sub3A_264, %lt3A_273 : vector<16xi32>
        %add3A_275 = arith.constant 7 : i32
        %add3A_276 = vector.broadcast %add3A_275 : i32 to vector<16xi32>
        %add3A_277 = arith.addi %sub3A_264, %add3A_276 : vector<16xi32>
        %select_n3A_278 = arith.select %lt3A_274, %add3A_277, %sub3A_264 : vector<16xi1>, vector<16xi32>
        %ge3A_279 = arith.constant 7 : i32
        %ge3A_280 = vector.broadcast %ge3A_279 : i32 to vector<16xi32>
        %ge3A_281 = arith.cmpi sge, %select_n3A_278, %ge3A_280 : vector<16xi32>
        %add3A_282 = arith.constant 1 : i32
        %add3A_283 = vector.broadcast %add3A_282 : i32 to vector<16xi32>
        %add3A_284 = arith.addi %select_n3A_271, %add3A_283 : vector<16xi32>
        %select_n3A_285 = arith.select %ge3A_281, %add3A_284, %select_n3A_271 : vector<16xi1>, vector<16xi32>
        %mul3A_286 = arith.constant 7 : i32
        %mul3A_287 = vector.broadcast %mul3A_286 : i32 to vector<16xi32>
        %mul3A_288 = arith.muli %select_n3A_285, %mul3A_287 : vector<16xi32>
        %sub3A_289 = arith.subi %add3A_255, %mul3A_288 : vector<16xi32>
        %add3A_290 = arith.constant 719468 : i32
        %add3A_291 = vector.broadcast %add3A_290 : i32 to vector<16xi32>
        %add3A_292 = arith.addi %select_n3A_184, %add3A_291 : vector<16xi32>
        %convert_element_type3A_293 = arith.sitofp %add3A_292 : vector<16xi32> to vector<16xf32>
        %mul3A_294 = arith.constant 6.84476754E-6 : f32
        %mul3A_295 = vector.broadcast %mul3A_294 : f32 to vector<16xf32>
        %mul3A_296 = arith.mulf %convert_element_type3A_293, %mul3A_295 : vector<16xf32>
        %convert_element_type3A_297 = arith.fptosi %mul3A_296 : vector<16xf32> to vector<16xi32>
        %mul3A_298 = arith.constant 146097 : i32
        %mul3A_299 = vector.broadcast %mul3A_298 : i32 to vector<16xi32>
        %mul3A_300 = arith.muli %convert_element_type3A_297, %mul3A_299 : vector<16xi32>
        %sub3A_301 = arith.subi %add3A_292, %mul3A_300 : vector<16xi32>
        %lt3A_302 = arith.constant 0 : i32
        %lt3A_303 = vector.broadcast %lt3A_302 : i32 to vector<16xi32>
        %lt3A_304 = arith.cmpi slt, %sub3A_301, %lt3A_303 : vector<16xi32>
        %sub3A_305 = arith.constant 1 : i32
        %sub3A_306 = vector.broadcast %sub3A_305 : i32 to vector<16xi32>
        %sub3A_307 = arith.subi %convert_element_type3A_297, %sub3A_306 : vector<16xi32>
        %select_n3A_308 = arith.select %lt3A_304, %sub3A_307, %convert_element_type3A_297 : vector<16xi1>, vector<16xi32>
        %lt3A_309 = arith.constant 0 : i32
        %lt3A_310 = vector.broadcast %lt3A_309 : i32 to vector<16xi32>
        %lt3A_311 = arith.cmpi slt, %sub3A_301, %lt3A_310 : vector<16xi32>
        %add3A_312 = arith.constant 146097 : i32
        %add3A_313 = vector.broadcast %add3A_312 : i32 to vector<16xi32>
        %add3A_314 = arith.addi %sub3A_301, %add3A_313 : vector<16xi32>
        %select_n3A_315 = arith.select %lt3A_311, %add3A_314, %sub3A_301 : vector<16xi1>, vector<16xi32>
        %ge3A_316 = arith.constant 146097 : i32
        %ge3A_317 = vector.broadcast %ge3A_316 : i32 to vector<16xi32>
        %ge3A_318 = arith.cmpi sge, %select_n3A_315, %ge3A_317 : vector<16xi32>
        %add3A_319 = arith.constant 1 : i32
        %add3A_320 = vector.broadcast %add3A_319 : i32 to vector<16xi32>
        %add3A_321 = arith.addi %select_n3A_308, %add3A_320 : vector<16xi32>
        %select_n3A_322 = arith.select %ge3A_318, %add3A_321, %select_n3A_308 : vector<16xi1>, vector<16xi32>
        %mul3A_323 = arith.constant 146097 : i32
        %mul3A_324 = vector.broadcast %mul3A_323 : i32 to vector<16xi32>
        %mul3A_325 = arith.muli %select_n3A_322, %mul3A_324 : vector<16xi32>
        %sub3A_326 = arith.subi %add3A_292, %mul3A_325 : vector<16xi32>
        %convert_element_type3A_327 = arith.sitofp %sub3A_326 : vector<16xi32> to vector<16xf32>
        %mul3A_328 = arith.constant 6.84931525E-4 : f32
        %mul3A_329 = vector.broadcast %mul3A_328 : f32 to vector<16xf32>
        %mul3A_330 = arith.mulf %convert_element_type3A_327, %mul3A_329 : vector<16xf32>
        %convert_element_type3A_331 = arith.fptosi %mul3A_330 : vector<16xf32> to vector<16xi32>
        %mul3A_332 = arith.constant 1460 : i32
        %mul3A_333 = vector.broadcast %mul3A_332 : i32 to vector<16xi32>
        %mul3A_334 = arith.muli %convert_element_type3A_331, %mul3A_333 : vector<16xi32>
        %sub3A_335 = arith.subi %sub3A_326, %mul3A_334 : vector<16xi32>
        %lt3A_336 = arith.constant 0 : i32
        %lt3A_337 = vector.broadcast %lt3A_336 : i32 to vector<16xi32>
        %lt3A_338 = arith.cmpi slt, %sub3A_335, %lt3A_337 : vector<16xi32>
        %sub3A_339 = arith.constant 1 : i32
        %sub3A_340 = vector.broadcast %sub3A_339 : i32 to vector<16xi32>
        %sub3A_341 = arith.subi %convert_element_type3A_331, %sub3A_340 : vector<16xi32>
        %select_n3A_342 = arith.select %lt3A_338, %sub3A_341, %convert_element_type3A_331 : vector<16xi1>, vector<16xi32>
        %lt3A_343 = arith.constant 0 : i32
        %lt3A_344 = vector.broadcast %lt3A_343 : i32 to vector<16xi32>
        %lt3A_345 = arith.cmpi slt, %sub3A_335, %lt3A_344 : vector<16xi32>
        %add3A_346 = arith.constant 1460 : i32
        %add3A_347 = vector.broadcast %add3A_346 : i32 to vector<16xi32>
        %add3A_348 = arith.addi %sub3A_335, %add3A_347 : vector<16xi32>
        %select_n3A_349 = arith.select %lt3A_345, %add3A_348, %sub3A_335 : vector<16xi1>, vector<16xi32>
        %ge3A_350 = arith.constant 1460 : i32
        %ge3A_351 = vector.broadcast %ge3A_350 : i32 to vector<16xi32>
        %ge3A_352 = arith.cmpi sge, %select_n3A_349, %ge3A_351 : vector<16xi32>
        %add3A_353 = arith.constant 1 : i32
        %add3A_354 = vector.broadcast %add3A_353 : i32 to vector<16xi32>
        %add3A_355 = arith.addi %select_n3A_342, %add3A_354 : vector<16xi32>
        %select_n3A_356 = arith.select %ge3A_352, %add3A_355, %select_n3A_342 : vector<16xi1>, vector<16xi32>
        %sub3A_357 = arith.subi %sub3A_326, %select_n3A_356 : vector<16xi32>
        %convert_element_type3A_358 = arith.sitofp %sub3A_326 : vector<16xi32> to vector<16xf32>
        %mul3A_359 = arith.constant 2.73792575E-5 : f32
        %mul3A_360 = vector.broadcast %mul3A_359 : f32 to vector<16xf32>
        %mul3A_361 = arith.mulf %convert_element_type3A_358, %mul3A_360 : vector<16xf32>
        %convert_element_type3A_362 = arith.fptosi %mul3A_361 : vector<16xf32> to vector<16xi32>
        %mul3A_363 = arith.constant 36524 : i32
        %mul3A_364 = vector.broadcast %mul3A_363 : i32 to vector<16xi32>
        %mul3A_365 = arith.muli %convert_element_type3A_362, %mul3A_364 : vector<16xi32>
        %sub3A_366 = arith.subi %sub3A_326, %mul3A_365 : vector<16xi32>
        %lt3A_367 = arith.constant 0 : i32
        %lt3A_368 = vector.broadcast %lt3A_367 : i32 to vector<16xi32>
        %lt3A_369 = arith.cmpi slt, %sub3A_366, %lt3A_368 : vector<16xi32>
        %sub3A_370 = arith.constant 1 : i32
        %sub3A_371 = vector.broadcast %sub3A_370 : i32 to vector<16xi32>
        %sub3A_372 = arith.subi %convert_element_type3A_362, %sub3A_371 : vector<16xi32>
        %select_n3A_373 = arith.select %lt3A_369, %sub3A_372, %convert_element_type3A_362 : vector<16xi1>, vector<16xi32>
        %lt3A_374 = arith.constant 0 : i32
        %lt3A_375 = vector.broadcast %lt3A_374 : i32 to vector<16xi32>
        %lt3A_376 = arith.cmpi slt, %sub3A_366, %lt3A_375 : vector<16xi32>
        %add3A_377 = arith.constant 36524 : i32
        %add3A_378 = vector.broadcast %add3A_377 : i32 to vector<16xi32>
        %add3A_379 = arith.addi %sub3A_366, %add3A_378 : vector<16xi32>
        %select_n3A_380 = arith.select %lt3A_376, %add3A_379, %sub3A_366 : vector<16xi1>, vector<16xi32>
        %ge3A_381 = arith.constant 36524 : i32
        %ge3A_382 = vector.broadcast %ge3A_381 : i32 to vector<16xi32>
        %ge3A_383 = arith.cmpi sge, %select_n3A_380, %ge3A_382 : vector<16xi32>
        %add3A_384 = arith.constant 1 : i32
        %add3A_385 = vector.broadcast %add3A_384 : i32 to vector<16xi32>
        %add3A_386 = arith.addi %select_n3A_373, %add3A_385 : vector<16xi32>
        %select_n3A_387 = arith.select %ge3A_383, %add3A_386, %select_n3A_373 : vector<16xi1>, vector<16xi32>
        %add3A_388 = arith.addi %sub3A_357, %select_n3A_387 : vector<16xi32>
        %convert_element_type3A_389 = arith.sitofp %sub3A_326 : vector<16xi32> to vector<16xf32>
        %mul3A_390 = arith.constant 6.84481438E-6 : f32
        %mul3A_391 = vector.broadcast %mul3A_390 : f32 to vector<16xf32>
        %mul3A_392 = arith.mulf %convert_element_type3A_389, %mul3A_391 : vector<16xf32>
        %convert_element_type3A_393 = arith.fptosi %mul3A_392 : vector<16xf32> to vector<16xi32>
        %mul3A_394 = arith.constant 146096 : i32
        %mul3A_395 = vector.broadcast %mul3A_394 : i32 to vector<16xi32>
        %mul3A_396 = arith.muli %convert_element_type3A_393, %mul3A_395 : vector<16xi32>
        %sub3A_397 = arith.subi %sub3A_326, %mul3A_396 : vector<16xi32>
        %lt3A_398 = arith.constant 0 : i32
        %lt3A_399 = vector.broadcast %lt3A_398 : i32 to vector<16xi32>
        %lt3A_400 = arith.cmpi slt, %sub3A_397, %lt3A_399 : vector<16xi32>
        %sub3A_401 = arith.constant 1 : i32
        %sub3A_402 = vector.broadcast %sub3A_401 : i32 to vector<16xi32>
        %sub3A_403 = arith.subi %convert_element_type3A_393, %sub3A_402 : vector<16xi32>
        %select_n3A_404 = arith.select %lt3A_400, %sub3A_403, %convert_element_type3A_393 : vector<16xi1>, vector<16xi32>
        %lt3A_405 = arith.constant 0 : i32
        %lt3A_406 = vector.broadcast %lt3A_405 : i32 to vector<16xi32>
        %lt3A_407 = arith.cmpi slt, %sub3A_397, %lt3A_406 : vector<16xi32>
        %add3A_408 = arith.constant 146096 : i32
        %add3A_409 = vector.broadcast %add3A_408 : i32 to vector<16xi32>
        %add3A_410 = arith.addi %sub3A_397, %add3A_409 : vector<16xi32>
        %select_n3A_411 = arith.select %lt3A_407, %add3A_410, %sub3A_397 : vector<16xi1>, vector<16xi32>
        %ge3A_412 = arith.constant 146096 : i32
        %ge3A_413 = vector.broadcast %ge3A_412 : i32 to vector<16xi32>
        %ge3A_414 = arith.cmpi sge, %select_n3A_411, %ge3A_413 : vector<16xi32>
        %add3A_415 = arith.constant 1 : i32
        %add3A_416 = vector.broadcast %add3A_415 : i32 to vector<16xi32>
        %add3A_417 = arith.addi %select_n3A_404, %add3A_416 : vector<16xi32>
        %select_n3A_418 = arith.select %ge3A_414, %add3A_417, %select_n3A_404 : vector<16xi1>, vector<16xi32>
        %sub3A_419 = arith.subi %add3A_388, %select_n3A_418 : vector<16xi32>
        %convert_element_type3A_420 = arith.sitofp %sub3A_419 : vector<16xi32> to vector<16xf32>
        %mul3A_421 = arith.constant 0.0027397261 : f32
        %mul3A_422 = vector.broadcast %mul3A_421 : f32 to vector<16xf32>
        %mul3A_423 = arith.mulf %convert_element_type3A_420, %mul3A_422 : vector<16xf32>
        %convert_element_type3A_424 = arith.fptosi %mul3A_423 : vector<16xf32> to vector<16xi32>
        %mul3A_425 = arith.constant 365 : i32
        %mul3A_426 = vector.broadcast %mul3A_425 : i32 to vector<16xi32>
        %mul3A_427 = arith.muli %convert_element_type3A_424, %mul3A_426 : vector<16xi32>
        %sub3A_428 = arith.subi %sub3A_419, %mul3A_427 : vector<16xi32>
        %lt3A_429 = arith.constant 0 : i32
        %lt3A_430 = vector.broadcast %lt3A_429 : i32 to vector<16xi32>
        %lt3A_431 = arith.cmpi slt, %sub3A_428, %lt3A_430 : vector<16xi32>
        %sub3A_432 = arith.constant 1 : i32
        %sub3A_433 = vector.broadcast %sub3A_432 : i32 to vector<16xi32>
        %sub3A_434 = arith.subi %convert_element_type3A_424, %sub3A_433 : vector<16xi32>
        %select_n3A_435 = arith.select %lt3A_431, %sub3A_434, %convert_element_type3A_424 : vector<16xi1>, vector<16xi32>
        %lt3A_436 = arith.constant 0 : i32
        %lt3A_437 = vector.broadcast %lt3A_436 : i32 to vector<16xi32>
        %lt3A_438 = arith.cmpi slt, %sub3A_428, %lt3A_437 : vector<16xi32>
        %add3A_439 = arith.constant 365 : i32
        %add3A_440 = vector.broadcast %add3A_439 : i32 to vector<16xi32>
        %add3A_441 = arith.addi %sub3A_428, %add3A_440 : vector<16xi32>
        %select_n3A_442 = arith.select %lt3A_438, %add3A_441, %sub3A_428 : vector<16xi1>, vector<16xi32>
        %ge3A_443 = arith.constant 365 : i32
        %ge3A_444 = vector.broadcast %ge3A_443 : i32 to vector<16xi32>
        %ge3A_445 = arith.cmpi sge, %select_n3A_442, %ge3A_444 : vector<16xi32>
        %add3A_446 = arith.constant 1 : i32
        %add3A_447 = vector.broadcast %add3A_446 : i32 to vector<16xi32>
        %add3A_448 = arith.addi %select_n3A_435, %add3A_447 : vector<16xi32>
        %select_n3A_449 = arith.select %ge3A_445, %add3A_448, %select_n3A_435 : vector<16xi1>, vector<16xi32>
        %mul3A_450 = arith.constant 365 : i32
        %mul3A_451 = vector.broadcast %mul3A_450 : i32 to vector<16xi32>
        %mul3A_452 = arith.muli %mul3A_451, %select_n3A_449 : vector<16xi32>
        %convert_element_type3A_453 = arith.sitofp %select_n3A_449 : vector<16xi32> to vector<16xf32>
        %mul3A_454 = arith.constant 2.500000e-01 : f32
        %mul3A_455 = vector.broadcast %mul3A_454 : f32 to vector<16xf32>
        %mul3A_456 = arith.mulf %convert_element_type3A_453, %mul3A_455 : vector<16xf32>
        %convert_element_type3A_457 = arith.fptosi %mul3A_456 : vector<16xf32> to vector<16xi32>
        %mul3A_458 = arith.constant 4 : i32
        %mul3A_459 = vector.broadcast %mul3A_458 : i32 to vector<16xi32>
        %mul3A_460 = arith.muli %convert_element_type3A_457, %mul3A_459 : vector<16xi32>
        %sub3A_461 = arith.subi %select_n3A_449, %mul3A_460 : vector<16xi32>
        %lt3A_462 = arith.constant 0 : i32
        %lt3A_463 = vector.broadcast %lt3A_462 : i32 to vector<16xi32>
        %lt3A_464 = arith.cmpi slt, %sub3A_461, %lt3A_463 : vector<16xi32>
        %sub3A_465 = arith.constant 1 : i32
        %sub3A_466 = vector.broadcast %sub3A_465 : i32 to vector<16xi32>
        %sub3A_467 = arith.subi %convert_element_type3A_457, %sub3A_466 : vector<16xi32>
        %select_n3A_468 = arith.select %lt3A_464, %sub3A_467, %convert_element_type3A_457 : vector<16xi1>, vector<16xi32>
        %lt3A_469 = arith.constant 0 : i32
        %lt3A_470 = vector.broadcast %lt3A_469 : i32 to vector<16xi32>
        %lt3A_471 = arith.cmpi slt, %sub3A_461, %lt3A_470 : vector<16xi32>
        %add3A_472 = arith.constant 4 : i32
        %add3A_473 = vector.broadcast %add3A_472 : i32 to vector<16xi32>
        %add3A_474 = arith.addi %sub3A_461, %add3A_473 : vector<16xi32>
        %select_n3A_475 = arith.select %lt3A_471, %add3A_474, %sub3A_461 : vector<16xi1>, vector<16xi32>
        %ge3A_476 = arith.constant 4 : i32
        %ge3A_477 = vector.broadcast %ge3A_476 : i32 to vector<16xi32>
        %ge3A_478 = arith.cmpi sge, %select_n3A_475, %ge3A_477 : vector<16xi32>
        %add3A_479 = arith.constant 1 : i32
        %add3A_480 = vector.broadcast %add3A_479 : i32 to vector<16xi32>
        %add3A_481 = arith.addi %select_n3A_468, %add3A_480 : vector<16xi32>
        %select_n3A_482 = arith.select %ge3A_478, %add3A_481, %select_n3A_468 : vector<16xi1>, vector<16xi32>
        %add3A_483 = arith.addi %mul3A_452, %select_n3A_482 : vector<16xi32>
        %convert_element_type3A_484 = arith.sitofp %select_n3A_449 : vector<16xi32> to vector<16xf32>
        %mul3A_485 = arith.constant 0.00999999977 : f32
        %mul3A_486 = vector.broadcast %mul3A_485 : f32 to vector<16xf32>
        %mul3A_487 = arith.mulf %convert_element_type3A_484, %mul3A_486 : vector<16xf32>
        %convert_element_type3A_488 = arith.fptosi %mul3A_487 : vector<16xf32> to vector<16xi32>
        %mul3A_489 = arith.constant 100 : i32
        %mul3A_490 = vector.broadcast %mul3A_489 : i32 to vector<16xi32>
        %mul3A_491 = arith.muli %convert_element_type3A_488, %mul3A_490 : vector<16xi32>
        %sub3A_492 = arith.subi %select_n3A_449, %mul3A_491 : vector<16xi32>
        %lt3A_493 = arith.constant 0 : i32
        %lt3A_494 = vector.broadcast %lt3A_493 : i32 to vector<16xi32>
        %lt3A_495 = arith.cmpi slt, %sub3A_492, %lt3A_494 : vector<16xi32>
        %sub3A_496 = arith.constant 1 : i32
        %sub3A_497 = vector.broadcast %sub3A_496 : i32 to vector<16xi32>
        %sub3A_498 = arith.subi %convert_element_type3A_488, %sub3A_497 : vector<16xi32>
        %select_n3A_499 = arith.select %lt3A_495, %sub3A_498, %convert_element_type3A_488 : vector<16xi1>, vector<16xi32>
        %lt3A_500 = arith.constant 0 : i32
        %lt3A_501 = vector.broadcast %lt3A_500 : i32 to vector<16xi32>
        %lt3A_502 = arith.cmpi slt, %sub3A_492, %lt3A_501 : vector<16xi32>
        %add3A_503 = arith.constant 100 : i32
        %add3A_504 = vector.broadcast %add3A_503 : i32 to vector<16xi32>
        %add3A_505 = arith.addi %sub3A_492, %add3A_504 : vector<16xi32>
        %select_n3A_506 = arith.select %lt3A_502, %add3A_505, %sub3A_492 : vector<16xi1>, vector<16xi32>
        %ge3A_507 = arith.constant 100 : i32
        %ge3A_508 = vector.broadcast %ge3A_507 : i32 to vector<16xi32>
        %ge3A_509 = arith.cmpi sge, %select_n3A_506, %ge3A_508 : vector<16xi32>
        %add3A_510 = arith.constant 1 : i32
        %add3A_511 = vector.broadcast %add3A_510 : i32 to vector<16xi32>
        %add3A_512 = arith.addi %select_n3A_499, %add3A_511 : vector<16xi32>
        %select_n3A_513 = arith.select %ge3A_509, %add3A_512, %select_n3A_499 : vector<16xi1>, vector<16xi32>
        %sub3A_514 = arith.subi %add3A_483, %select_n3A_513 : vector<16xi32>
        %sub3A_515 = arith.subi %sub3A_326, %sub3A_514 : vector<16xi32>
        %mul3A_516 = arith.constant 5 : i32
        %mul3A_517 = vector.broadcast %mul3A_516 : i32 to vector<16xi32>
        %mul3A_518 = arith.muli %mul3A_517, %sub3A_515 : vector<16xi32>
        %add3A_519 = arith.constant 2 : i32
        %add3A_520 = vector.broadcast %add3A_519 : i32 to vector<16xi32>
        %add3A_521 = arith.addi %mul3A_518, %add3A_520 : vector<16xi32>
        %convert_element_type3A_522 = arith.sitofp %add3A_521 : vector<16xi32> to vector<16xf32>
        %mul3A_523 = arith.constant 0.00653594779 : f32
        %mul3A_524 = vector.broadcast %mul3A_523 : f32 to vector<16xf32>
        %mul3A_525 = arith.mulf %convert_element_type3A_522, %mul3A_524 : vector<16xf32>
        %convert_element_type3A_526 = arith.fptosi %mul3A_525 : vector<16xf32> to vector<16xi32>
        %mul3A_527 = arith.constant 153 : i32
        %mul3A_528 = vector.broadcast %mul3A_527 : i32 to vector<16xi32>
        %mul3A_529 = arith.muli %convert_element_type3A_526, %mul3A_528 : vector<16xi32>
        %sub3A_530 = arith.subi %add3A_521, %mul3A_529 : vector<16xi32>
        %lt3A_531 = arith.constant 0 : i32
        %lt3A_532 = vector.broadcast %lt3A_531 : i32 to vector<16xi32>
        %lt3A_533 = arith.cmpi slt, %sub3A_530, %lt3A_532 : vector<16xi32>
        %sub3A_534 = arith.constant 1 : i32
        %sub3A_535 = vector.broadcast %sub3A_534 : i32 to vector<16xi32>
        %sub3A_536 = arith.subi %convert_element_type3A_526, %sub3A_535 : vector<16xi32>
        %select_n3A_537 = arith.select %lt3A_533, %sub3A_536, %convert_element_type3A_526 : vector<16xi1>, vector<16xi32>
        %lt3A_538 = arith.constant 0 : i32
        %lt3A_539 = vector.broadcast %lt3A_538 : i32 to vector<16xi32>
        %lt3A_540 = arith.cmpi slt, %sub3A_530, %lt3A_539 : vector<16xi32>
        %add3A_541 = arith.constant 153 : i32
        %add3A_542 = vector.broadcast %add3A_541 : i32 to vector<16xi32>
        %add3A_543 = arith.addi %sub3A_530, %add3A_542 : vector<16xi32>
        %select_n3A_544 = arith.select %lt3A_540, %add3A_543, %sub3A_530 : vector<16xi1>, vector<16xi32>
        %ge3A_545 = arith.constant 153 : i32
        %ge3A_546 = vector.broadcast %ge3A_545 : i32 to vector<16xi32>
        %ge3A_547 = arith.cmpi sge, %select_n3A_544, %ge3A_546 : vector<16xi32>
        %add3A_548 = arith.constant 1 : i32
        %add3A_549 = vector.broadcast %add3A_548 : i32 to vector<16xi32>
        %add3A_550 = arith.addi %select_n3A_537, %add3A_549 : vector<16xi32>
        %select_n3A_551 = arith.select %ge3A_547, %add3A_550, %select_n3A_537 : vector<16xi1>, vector<16xi32>
        %mul3A_552 = arith.constant 153 : i32
        %mul3A_553 = vector.broadcast %mul3A_552 : i32 to vector<16xi32>
        %mul3A_554 = arith.muli %mul3A_553, %select_n3A_551 : vector<16xi32>
        %add3A_555 = arith.constant 2 : i32
        %add3A_556 = vector.broadcast %add3A_555 : i32 to vector<16xi32>
        %add3A_557 = arith.addi %mul3A_554, %add3A_556 : vector<16xi32>
        %convert_element_type3A_558 = arith.sitofp %add3A_557 : vector<16xi32> to vector<16xf32>
        %mul3A_559 = arith.constant 2.000000e-01 : f32
        %mul3A_560 = vector.broadcast %mul3A_559 : f32 to vector<16xf32>
        %mul3A_561 = arith.mulf %convert_element_type3A_558, %mul3A_560 : vector<16xf32>
        %convert_element_type3A_562 = arith.fptosi %mul3A_561 : vector<16xf32> to vector<16xi32>
        %mul3A_563 = arith.constant 5 : i32
        %mul3A_564 = vector.broadcast %mul3A_563 : i32 to vector<16xi32>
        %mul3A_565 = arith.muli %convert_element_type3A_562, %mul3A_564 : vector<16xi32>
        %sub3A_566 = arith.subi %add3A_557, %mul3A_565 : vector<16xi32>
        %lt3A_567 = arith.constant 0 : i32
        %lt3A_568 = vector.broadcast %lt3A_567 : i32 to vector<16xi32>
        %lt3A_569 = arith.cmpi slt, %sub3A_566, %lt3A_568 : vector<16xi32>
        %sub3A_570 = arith.constant 1 : i32
        %sub3A_571 = vector.broadcast %sub3A_570 : i32 to vector<16xi32>
        %sub3A_572 = arith.subi %convert_element_type3A_562, %sub3A_571 : vector<16xi32>
        %select_n3A_573 = arith.select %lt3A_569, %sub3A_572, %convert_element_type3A_562 : vector<16xi1>, vector<16xi32>
        %lt3A_574 = arith.constant 0 : i32
        %lt3A_575 = vector.broadcast %lt3A_574 : i32 to vector<16xi32>
        %lt3A_576 = arith.cmpi slt, %sub3A_566, %lt3A_575 : vector<16xi32>
        %add3A_577 = arith.constant 5 : i32
        %add3A_578 = vector.broadcast %add3A_577 : i32 to vector<16xi32>
        %add3A_579 = arith.addi %sub3A_566, %add3A_578 : vector<16xi32>
        %select_n3A_580 = arith.select %lt3A_576, %add3A_579, %sub3A_566 : vector<16xi1>, vector<16xi32>
        %ge3A_581 = arith.constant 5 : i32
        %ge3A_582 = vector.broadcast %ge3A_581 : i32 to vector<16xi32>
        %ge3A_583 = arith.cmpi sge, %select_n3A_580, %ge3A_582 : vector<16xi32>
        %add3A_584 = arith.constant 1 : i32
        %add3A_585 = vector.broadcast %add3A_584 : i32 to vector<16xi32>
        %add3A_586 = arith.addi %select_n3A_573, %add3A_585 : vector<16xi32>
        %select_n3A_587 = arith.select %ge3A_583, %add3A_586, %select_n3A_573 : vector<16xi1>, vector<16xi32>
        %sub3A_588 = arith.subi %sub3A_515, %select_n3A_587 : vector<16xi32>
        %add3A_589 = arith.constant 1 : i32
        %add3A_590 = vector.broadcast %add3A_589 : i32 to vector<16xi32>
        %add3A_591 = arith.addi %sub3A_588, %add3A_590 : vector<16xi32>
        %lt3A_592 = arith.constant 10 : i32
        %lt3A_593 = vector.broadcast %lt3A_592 : i32 to vector<16xi32>
        %lt3A_594 = arith.cmpi slt, %select_n3A_551, %lt3A_593 : vector<16xi32>
        %add3A_595 = arith.constant 3 : i32
        %add3A_596 = vector.broadcast %add3A_595 : i32 to vector<16xi32>
        %add3A_597 = arith.addi %select_n3A_551, %add3A_596 : vector<16xi32>
        %sub3A_598 = arith.constant 9 : i32
        %sub3A_599 = vector.broadcast %sub3A_598 : i32 to vector<16xi32>
        %sub3A_600 = arith.subi %select_n3A_551, %sub3A_599 : vector<16xi32>
        %select_n3A_601 = arith.select %lt3A_594, %add3A_597, %sub3A_600 : vector<16xi1>, vector<16xi32>
        %sub3A_602 = arith.constant 1 : i32
        %sub3A_603 = vector.broadcast %sub3A_602 : i32 to vector<16xi32>
        %sub3A_604 = arith.subi %select_n3A_601, %sub3A_603 : vector<16xi32>
        %sub3A_605 = arith.constant 1 : i32
        %sub3A_606 = vector.broadcast %sub3A_605 : i32 to vector<16xi32>
        %sub3A_607 = arith.subi %add3A_591, %sub3A_606 : vector<16xi32>
        %add3A_608 = arith.addi %mul3A_153, %mul3A_89 : i32
        %add3A_609 = vector.broadcast %add3A_608 : i32 to vector<16xi32>
        %add3A_610 = arith.addi %iota3A, %add3A_609 : vector<16xi32>
        %mul3A_611 = arith.constant 128 : i32
        %mul3A_612 = vector.broadcast %mul3A_611 : i32 to vector<16xi32>
        %mul3A_613 = arith.muli %add3A_610, %mul3A_612 : vector<16xi32>
        %broadcast_in_dim3A_614 = arith.constant 0 : i32
        %broadcast_in_dim3A_615 = vector.broadcast %broadcast_in_dim3A_614 : i32 to vector<16xi32>
        %mul3A_616 = arith.constant 25 : i32
        %mul3A_617 = vector.broadcast %mul3A_616 : i32 to vector<16xi32>
        %mul3A_618 = arith.muli %sub3A_604, %mul3A_617 : vector<16xi32>
        %add3A_619 = arith.constant 0 : i32
        %add3A_620 = vector.broadcast %add3A_619 : i32 to vector<16xi32>
        %add3A_621 = arith.addi %mul3A_618, %add3A_620 : vector<16xi32>
        %sub3A_622 = arith.subi %gather3A, %mul3A_618 : vector<16xi32>
        %add3A_623 = arith.constant 0 : i32
        %add3A_624 = vector.broadcast %add3A_623 : i32 to vector<16xi32>
        %add3A_625 = arith.addi %mul3A_613, %add3A_624 : vector<16xi32>
        %parallel_loop3A = arith.constant 0 : i32
        %parallel_loop3A_626 = arith.constant 25 : i32
        %parallel_loop3A_627 = arith.constant 1 : i32
        %parallel_loop3A_628:3 = scf.for %parallel_loop3A_685 = %parallel_loop3A to %parallel_loop3A_626 step %parallel_loop3A_627 iter_args(%parallel_loop3A_686 = %add3A_621, %parallel_loop3A_687 = %sub3A_622, %parallel_loop3A_688 = %add3A_625) -> (vector<16xi32>, vector<16xi32>, vector<16xi32>)  : i32 {
          %parallel_loop3A_689 = tpu.vector_load_idx %arg8[%parallel_loop3A_686] : memref<3536xf32, #tpu.memory_space<vmem>>[vector<16xi32>], vector<16xf32>,
          tpu.vector_store_idx %arg13[%broadcast_in_dim3A_615, %parallel_loop3A_688], %parallel_loop3A_689 : memref<416x128xf32, #tpu.memory_space<vmem>>[vector<16xi32>, vector<16xi32>], vector<16xf32>,
          %parallel_loop3A_690 = tpu.vector_load_idx %arg9[%parallel_loop3A_687] : memref<7064xf32, #tpu.memory_space<vmem>>[vector<16xi32>], vector<16xf32>,
          tpu.vector_store_idx %arg14[%broadcast_in_dim3A_615, %parallel_loop3A_688], %parallel_loop3A_690 : memref<416x128xf32, #tpu.memory_space<vmem>>[vector<16xi32>, vector<16xi32>], vector<16xf32>,
          %parallel_loop3A_691 = arith.constant 1 : i32
          %parallel_loop3A_692 = vector.broadcast %parallel_loop3A_691 : i32 to vector<16xi32>
          %parallel_loop3A_693 = arith.addi %parallel_loop3A_686, %parallel_loop3A_692 : vector<16xi32>
          %parallel_loop3A_694 = arith.constant 1 : i32
          %parallel_loop3A_695 = vector.broadcast %parallel_loop3A_694 : i32 to vector<16xi32>
          %parallel_loop3A_696 = arith.addi %parallel_loop3A_687, %parallel_loop3A_695 : vector<16xi32>
          %parallel_loop3A_697 = arith.constant 1 : i32
          %parallel_loop3A_698 = vector.broadcast %parallel_loop3A_697 : i32 to vector<16xi32>
          %parallel_loop3A_699 = arith.addi %parallel_loop3A_688, %parallel_loop3A_698 : vector<16xi32>
          scf.yield %parallel_loop3A_693, %parallel_loop3A_696, %parallel_loop3A_699 : vector<16xi32>, vector<16xi32>, vector<16xi32>
        } {sc.loop_unroll_factor = 5 : i64, sc.parallel_access}
        %mul3A_629 = arith.constant 25 : i32
        %mul3A_630 = vector.broadcast %mul3A_629 : i32 to vector<16xi32>
        %mul3A_631 = arith.muli %sub3A_607, %mul3A_630 : vector<16xi32>
        %add3A_632 = arith.constant 300 : i32
        %add3A_633 = vector.broadcast %add3A_632 : i32 to vector<16xi32>
        %add3A_634 = arith.addi %mul3A_631, %add3A_633 : vector<16xi32>
        %sub3A_635 = arith.subi %gather3A_114, %mul3A_631 : vector<16xi32>
        %add3A_636 = arith.constant 25 : i32
        %add3A_637 = vector.broadcast %add3A_636 : i32 to vector<16xi32>
        %add3A_638 = arith.addi %mul3A_613, %add3A_637 : vector<16xi32>
        %parallel_loop3A_639 = arith.constant 0 : i32
        %parallel_loop3A_640 = arith.constant 25 : i32
        %parallel_loop3A_641 = arith.constant 1 : i32
        %parallel_loop3A_642:3 = scf.for %parallel_loop3A_685 = %parallel_loop3A_639 to %parallel_loop3A_640 step %parallel_loop3A_641 iter_args(%parallel_loop3A_686 = %add3A_634, %parallel_loop3A_687 = %sub3A_635, %parallel_loop3A_688 = %add3A_638) -> (vector<16xi32>, vector<16xi32>, vector<16xi32>)  : i32 {
          %parallel_loop3A_689 = tpu.vector_load_idx %arg8[%parallel_loop3A_686] : memref<3536xf32, #tpu.memory_space<vmem>>[vector<16xi32>], vector<16xf32>,
          tpu.vector_store_idx %arg13[%broadcast_in_dim3A_615, %parallel_loop3A_688], %parallel_loop3A_689 : memref<416x128xf32, #tpu.memory_space<vmem>>[vector<16xi32>, vector<16xi32>], vector<16xf32>,
          %parallel_loop3A_690 = tpu.vector_load_idx %arg9[%parallel_loop3A_687] : memref<7064xf32, #tpu.memory_space<vmem>>[vector<16xi32>], vector<16xf32>,
          tpu.vector_store_idx %arg14[%broadcast_in_dim3A_615, %parallel_loop3A_688], %parallel_loop3A_690 : memref<416x128xf32, #tpu.memory_space<vmem>>[vector<16xi32>, vector<16xi32>], vector<16xf32>,
          %parallel_loop3A_691 = arith.constant 1 : i32
          %parallel_loop3A_692 = vector.broadcast %parallel_loop3A_691 : i32 to vector<16xi32>
          %parallel_loop3A_693 = arith.addi %parallel_loop3A_686, %parallel_loop3A_692 : vector<16xi32>
          %parallel_loop3A_694 = arith.constant 1 : i32
          %parallel_loop3A_695 = vector.broadcast %parallel_loop3A_694 : i32 to vector<16xi32>
          %parallel_loop3A_696 = arith.addi %parallel_loop3A_687, %parallel_loop3A_695 : vector<16xi32>
          %parallel_loop3A_697 = arith.constant 1 : i32
          %parallel_loop3A_698 = vector.broadcast %parallel_loop3A_697 : i32 to vector<16xi32>
          %parallel_loop3A_699 = arith.addi %parallel_loop3A_688, %parallel_loop3A_698 : vector<16xi32>
          scf.yield %parallel_loop3A_693, %parallel_loop3A_696, %parallel_loop3A_699 : vector<16xi32>, vector<16xi32>, vector<16xi32>
        } {sc.loop_unroll_factor = 5 : i64, sc.parallel_access}
        %mul3A_643 = arith.constant 25 : i32
        %mul3A_644 = vector.broadcast %mul3A_643 : i32 to vector<16xi32>
        %mul3A_645 = arith.muli %sub3A_289, %mul3A_644 : vector<16xi32>
        %add3A_646 = arith.constant 1075 : i32
        %add3A_647 = vector.broadcast %add3A_646 : i32 to vector<16xi32>
        %add3A_648 = arith.addi %mul3A_645, %add3A_647 : vector<16xi32>
        %sub3A_649 = arith.subi %gather3A_119, %mul3A_645 : vector<16xi32>
        %add3A_650 = arith.constant 50 : i32
        %add3A_651 = vector.broadcast %add3A_650 : i32 to vector<16xi32>
        %add3A_652 = arith.addi %mul3A_613, %add3A_651 : vector<16xi32>
        %parallel_loop3A_653 = arith.constant 0 : i32
        %parallel_loop3A_654 = arith.constant 25 : i32
        %parallel_loop3A_655 = arith.constant 1 : i32
        %parallel_loop3A_656:3 = scf.for %parallel_loop3A_685 = %parallel_loop3A_653 to %parallel_loop3A_654 step %parallel_loop3A_655 iter_args(%parallel_loop3A_686 = %add3A_648, %parallel_loop3A_687 = %sub3A_649, %parallel_loop3A_688 = %add3A_652) -> (vector<16xi32>, vector<16xi32>, vector<16xi32>)  : i32 {
          %parallel_loop3A_689 = tpu.vector_load_idx %arg8[%parallel_loop3A_686] : memref<3536xf32, #tpu.memory_space<vmem>>[vector<16xi32>], vector<16xf32>,
          tpu.vector_store_idx %arg13[%broadcast_in_dim3A_615, %parallel_loop3A_688], %parallel_loop3A_689 : memref<416x128xf32, #tpu.memory_space<vmem>>[vector<16xi32>, vector<16xi32>], vector<16xf32>,
          %parallel_loop3A_690 = tpu.vector_load_idx %arg9[%parallel_loop3A_687] : memref<7064xf32, #tpu.memory_space<vmem>>[vector<16xi32>], vector<16xf32>,
          tpu.vector_store_idx %arg14[%broadcast_in_dim3A_615, %parallel_loop3A_688], %parallel_loop3A_690 : memref<416x128xf32, #tpu.memory_space<vmem>>[vector<16xi32>, vector<16xi32>], vector<16xf32>,
          %parallel_loop3A_691 = arith.constant 1 : i32
          %parallel_loop3A_692 = vector.broadcast %parallel_loop3A_691 : i32 to vector<16xi32>
          %parallel_loop3A_693 = arith.addi %parallel_loop3A_686, %parallel_loop3A_692 : vector<16xi32>
          %parallel_loop3A_694 = arith.constant 1 : i32
          %parallel_loop3A_695 = vector.broadcast %parallel_loop3A_694 : i32 to vector<16xi32>
          %parallel_loop3A_696 = arith.addi %parallel_loop3A_687, %parallel_loop3A_695 : vector<16xi32>
          %parallel_loop3A_697 = arith.constant 1 : i32
          %parallel_loop3A_698 = vector.broadcast %parallel_loop3A_697 : i32 to vector<16xi32>
          %parallel_loop3A_699 = arith.addi %parallel_loop3A_688, %parallel_loop3A_698 : vector<16xi32>
          scf.yield %parallel_loop3A_693, %parallel_loop3A_696, %parallel_loop3A_699 : vector<16xi32>, vector<16xi32>, vector<16xi32>
        } {sc.loop_unroll_factor = 5 : i64, sc.parallel_access}
        %mul3A_657 = arith.constant 25 : i32
        %mul3A_658 = vector.broadcast %mul3A_657 : i32 to vector<16xi32>
        %mul3A_659 = arith.muli %select_n3A_218, %mul3A_658 : vector<16xi32>
        %add3A_660 = arith.constant 1250 : i32
        %add3A_661 = vector.broadcast %add3A_660 : i32 to vector<16xi32>
        %add3A_662 = arith.addi %mul3A_659, %add3A_661 : vector<16xi32>
        %sub3A_663 = arith.subi %gather3A_124, %mul3A_659 : vector<16xi32>
        %add3A_664 = arith.constant 75 : i32
        %add3A_665 = vector.broadcast %add3A_664 : i32 to vector<16xi32>
        %add3A_666 = arith.addi %mul3A_613, %add3A_665 : vector<16xi32>
        %parallel_loop3A_667 = arith.constant 0 : i32
        %parallel_loop3A_668 = arith.constant 25 : i32
        %parallel_loop3A_669 = arith.constant 1 : i32
        %parallel_loop3A_670:3 = scf.for %parallel_loop3A_685 = %parallel_loop3A_667 to %parallel_loop3A_668 step %parallel_loop3A_669 iter_args(%parallel_loop3A_686 = %add3A_662, %parallel_loop3A_687 = %sub3A_663, %parallel_loop3A_688 = %add3A_666) -> (vector<16xi32>, vector<16xi32>, vector<16xi32>)  : i32 {
          %parallel_loop3A_689 = tpu.vector_load_idx %arg8[%parallel_loop3A_686] : memref<3536xf32, #tpu.memory_space<vmem>>[vector<16xi32>], vector<16xf32>,
          tpu.vector_store_idx %arg13[%broadcast_in_dim3A_615, %parallel_loop3A_688], %parallel_loop3A_689 : memref<416x128xf32, #tpu.memory_space<vmem>>[vector<16xi32>, vector<16xi32>], vector<16xf32>,
          %parallel_loop3A_690 = tpu.vector_load_idx %arg9[%parallel_loop3A_687] : memref<7064xf32, #tpu.memory_space<vmem>>[vector<16xi32>], vector<16xf32>,
          tpu.vector_store_idx %arg14[%broadcast_in_dim3A_615, %parallel_loop3A_688], %parallel_loop3A_690 : memref<416x128xf32, #tpu.memory_space<vmem>>[vector<16xi32>, vector<16xi32>], vector<16xf32>,
          %parallel_loop3A_691 = arith.constant 1 : i32
          %parallel_loop3A_692 = vector.broadcast %parallel_loop3A_691 : i32 to vector<16xi32>
          %parallel_loop3A_693 = arith.addi %parallel_loop3A_686, %parallel_loop3A_692 : vector<16xi32>
          %parallel_loop3A_694 = arith.constant 1 : i32
          %parallel_loop3A_695 = vector.broadcast %parallel_loop3A_694 : i32 to vector<16xi32>
          %parallel_loop3A_696 = arith.addi %parallel_loop3A_687, %parallel_loop3A_695 : vector<16xi32>
          %parallel_loop3A_697 = arith.constant 1 : i32
          %parallel_loop3A_698 = vector.broadcast %parallel_loop3A_697 : i32 to vector<16xi32>
          %parallel_loop3A_699 = arith.addi %parallel_loop3A_688, %parallel_loop3A_698 : vector<16xi32>
          scf.yield %parallel_loop3A_693, %parallel_loop3A_696, %parallel_loop3A_699 : vector<16xi32>, vector<16xi32>, vector<16xi32>
        } {sc.loop_unroll_factor = 5 : i64, sc.parallel_access}
        %mul3A_671 = arith.constant 28 : i32
        %mul3A_672 = vector.broadcast %mul3A_671 : i32 to vector<16xi32>
        %mul3A_673 = arith.muli %select_n3A_252, %mul3A_672 : vector<16xi32>
        %add3A_674 = arith.constant 1850 : i32
        %add3A_675 = vector.broadcast %add3A_674 : i32 to vector<16xi32>
        %add3A_676 = arith.addi %mul3A_673, %add3A_675 : vector<16xi32>
        %sub3A_677 = arith.subi %gather3A_129, %mul3A_673 : vector<16xi32>
        %add3A_678 = arith.constant 100 : i32
        %add3A_679 = vector.broadcast %add3A_678 : i32 to vector<16xi32>
        %add3A_680 = arith.addi %mul3A_613, %add3A_679 : vector<16xi32>
        %parallel_loop3A_681 = arith.constant 0 : i32
        %parallel_loop3A_682 = arith.constant 28 : i32
        %parallel_loop3A_683 = arith.constant 1 : i32
        %parallel_loop3A_684:3 = scf.for %parallel_loop3A_685 = %parallel_loop3A_681 to %parallel_loop3A_682 step %parallel_loop3A_683 iter_args(%parallel_loop3A_686 = %add3A_676, %parallel_loop3A_687 = %sub3A_677, %parallel_loop3A_688 = %add3A_680) -> (vector<16xi32>, vector<16xi32>, vector<16xi32>)  : i32 {
          %parallel_loop3A_689 = tpu.vector_load_idx %arg8[%parallel_loop3A_686] : memref<3536xf32, #tpu.memory_space<vmem>>[vector<16xi32>], vector<16xf32>,
          tpu.vector_store_idx %arg13[%broadcast_in_dim3A_615, %parallel_loop3A_688], %parallel_loop3A_689 : memref<416x128xf32, #tpu.memory_space<vmem>>[vector<16xi32>, vector<16xi32>], vector<16xf32>,
          %parallel_loop3A_690 = tpu.vector_load_idx %arg9[%parallel_loop3A_687] : memref<7064xf32, #tpu.memory_space<vmem>>[vector<16xi32>], vector<16xf32>,
          tpu.vector_store_idx %arg14[%broadcast_in_dim3A_615, %parallel_loop3A_688], %parallel_loop3A_690 : memref<416x128xf32, #tpu.memory_space<vmem>>[vector<16xi32>, vector<16xi32>], vector<16xf32>,
          %parallel_loop3A_691 = arith.constant 1 : i32
          %parallel_loop3A_692 = vector.broadcast %parallel_loop3A_691 : i32 to vector<16xi32>
          %parallel_loop3A_693 = arith.addi %parallel_loop3A_686, %parallel_loop3A_692 : vector<16xi32>
          %parallel_loop3A_694 = arith.constant 1 : i32
          %parallel_loop3A_695 = vector.broadcast %parallel_loop3A_694 : i32 to vector<16xi32>
          %parallel_loop3A_696 = arith.addi %parallel_loop3A_687, %parallel_loop3A_695 : vector<16xi32>
          %parallel_loop3A_697 = arith.constant 1 : i32
          %parallel_loop3A_698 = vector.broadcast %parallel_loop3A_697 : i32 to vector<16xi32>
          %parallel_loop3A_699 = arith.addi %parallel_loop3A_688, %parallel_loop3A_698 : vector<16xi32>
          scf.yield %parallel_loop3A_693, %parallel_loop3A_696, %parallel_loop3A_699 : vector<16xi32>, vector<16xi32>, vector<16xi32>
        } {sc.loop_unroll_factor = 4 : i64, sc.parallel_access}
      }
      %while3A_140 = arith.constant 1 : i32
      scf.for %while3A_151 = %while3A_138 to %while3A_134 step %while3A_140  : i32 {
        %mul3A_152 = arith.constant 16 : i32
        %mul3A_153 = arith.muli %while3A_151, %mul3A_152 : i32
        %get3A = arith.index_cast %and3A_85 : i32 to index
        %get3A_154 = arith.index_cast %mul3A_153 : i32 to index
        %get3A_155 = tpu.vector_load %arg10[%get3A, %get3A_154] {strides = array<i32>} : memref<32x208xi32, #tpu.memory_space<vmem>>, vector<16xi32>,
        %shift_right_arithmetic3A = arith.constant 7 : i32
        %shift_right_arithmetic3A_156 = vector.broadcast %shift_right_arithmetic3A : i32 to vector<16xi32>
        %shift_right_arithmetic3A_157 = arith.shrsi %get3A_155, %shift_right_arithmetic3A_156 : vector<16xi32>
        %convert_element_type3A_158 = arith.sitofp %shift_right_arithmetic3A_157 : vector<16xi32> to vector<16xf32>
        %mul3A_159 = arith.constant 0.00148148148 : f32
        %mul3A_160 = vector.broadcast %mul3A_159 : f32 to vector<16xf32>
        %mul3A_161 = arith.mulf %convert_element_type3A_158, %mul3A_160 : vector<16xf32>
        %convert_element_type3A_162 = arith.fptosi %mul3A_161 : vector<16xf32> to vector<16xi32>
        %mul3A_163 = arith.constant 675 : i32
        %mul3A_164 = vector.broadcast %mul3A_163 : i32 to vector<16xi32>
        %mul3A_165 = arith.muli %convert_element_type3A_162, %mul3A_164 : vector<16xi32>
        %sub3A = arith.subi %shift_right_arithmetic3A_157, %mul3A_165 : vector<16xi32>
        %lt3A = arith.constant 0 : i32
        %lt3A_166 = vector.broadcast %lt3A : i32 to vector<16xi32>
        %lt3A_167 = arith.cmpi slt, %sub3A, %lt3A_166 : vector<16xi32>
        %sub3A_168 = arith.constant 1 : i32
        %sub3A_169 = vector.broadcast %sub3A_168 : i32 to vector<16xi32>
        %sub3A_170 = arith.subi %convert_element_type3A_162, %sub3A_169 : vector<16xi32>
        %select_n3A = arith.select %lt3A_167, %sub3A_170, %convert_element_type3A_162 : vector<16xi1>, vector<16xi32>
        %lt3A_171 = arith.constant 0 : i32
        %lt3A_172 = vector.broadcast %lt3A_171 : i32 to vector<16xi32>
        %lt3A_173 = arith.cmpi slt, %sub3A, %lt3A_172 : vector<16xi32>
        %add3A_174 = arith.constant 675 : i32
        %add3A_175 = vector.broadcast %add3A_174 : i32 to vector<16xi32>
        %add3A_176 = arith.addi %sub3A, %add3A_175 : vector<16xi32>
        %select_n3A_177 = arith.select %lt3A_173, %add3A_176, %sub3A : vector<16xi1>, vector<16xi32>
        %ge3A_178 = arith.constant 675 : i32
        %ge3A_179 = vector.broadcast %ge3A_178 : i32 to vector<16xi32>
        %ge3A_180 = arith.cmpi sge, %select_n3A_177, %ge3A_179 : vector<16xi32>
        %add3A_181 = arith.constant 1 : i32
        %add3A_182 = vector.broadcast %add3A_181 : i32 to vector<16xi32>
        %add3A_183 = arith.addi %select_n3A, %add3A_182 : vector<16xi32>
        %select_n3A_184 = arith.select %ge3A_180, %add3A_183, %select_n3A : vector<16xi1>, vector<16xi32>
        %mul3A_185 = arith.constant 86400 : i32
        %mul3A_186 = vector.broadcast %mul3A_185 : i32 to vector<16xi32>
        %mul3A_187 = arith.muli %select_n3A_184, %mul3A_186 : vector<16xi32>
        %sub3A_188 = arith.subi %get3A_155, %mul3A_187 : vector<16xi32>
        %convert_element_type3A_189 = arith.sitofp %sub3A_188 : vector<16xi32> to vector<16xf32>
        %mul3A_190 = arith.constant 2.77777785E-4 : f32
        %mul3A_191 = vector.broadcast %mul3A_190 : f32 to vector<16xf32>
        %mul3A_192 = arith.mulf %convert_element_type3A_189, %mul3A_191 : vector<16xf32>
        %convert_element_type3A_193 = arith.fptosi %mul3A_192 : vector<16xf32> to vector<16xi32>
        %mul3A_194 = arith.constant 3600 : i32
        %mul3A_195 = vector.broadcast %mul3A_194 : i32 to vector<16xi32>
        %mul3A_196 = arith.muli %convert_element_type3A_193, %mul3A_195 : vector<16xi32>
        %sub3A_197 = arith.subi %sub3A_188, %mul3A_196 : vector<16xi32>
        %lt3A_198 = arith.constant 0 : i32
        %lt3A_199 = vector.broadcast %lt3A_198 : i32 to vector<16xi32>
        %lt3A_200 = arith.cmpi slt, %sub3A_197, %lt3A_199 : vector<16xi32>
        %sub3A_201 = arith.constant 1 : i32
        %sub3A_202 = vector.broadcast %sub3A_201 : i32 to vector<16xi32>
        %sub3A_203 = arith.subi %convert_element_type3A_193, %sub3A_202 : vector<16xi32>
        %select_n3A_204 = arith.select %lt3A_200, %sub3A_203, %convert_element_type3A_193 : vector<16xi1>, vector<16xi32>
        %lt3A_205 = arith.constant 0 : i32
        %lt3A_206 = vector.broadcast %lt3A_205 : i32 to vector<16xi32>
        %lt3A_207 = arith.cmpi slt, %sub3A_197, %lt3A_206 : vector<16xi32>
        %add3A_208 = arith.constant 3600 : i32
        %add3A_209 = vector.broadcast %add3A_208 : i32 to vector<16xi32>
        %add3A_210 = arith.addi %sub3A_197, %add3A_209 : vector<16xi32>
        %select_n3A_211 = arith.select %lt3A_207, %add3A_210, %sub3A_197 : vector<16xi1>, vector<16xi32>
        %ge3A_212 = arith.constant 3600 : i32
        %ge3A_213 = vector.broadcast %ge3A_212 : i32 to vector<16xi32>
        %ge3A_214 = arith.cmpi sge, %select_n3A_211, %ge3A_213 : vector<16xi32>
        %add3A_215 = arith.constant 1 : i32
        %add3A_216 = vector.broadcast %add3A_215 : i32 to vector<16xi32>
        %add3A_217 = arith.addi %select_n3A_204, %add3A_216 : vector<16xi32>
        %select_n3A_218 = arith.select %ge3A_214, %add3A_217, %select_n3A_204 : vector<16xi1>, vector<16xi32>
        %mul3A_219 = arith.constant 3600 : i32
        %mul3A_220 = vector.broadcast %mul3A_219 : i32 to vector<16xi32>
        %mul3A_221 = arith.muli %select_n3A_218, %mul3A_220 : vector<16xi32>
        %sub3A_222 = arith.subi %sub3A_188, %mul3A_221 : vector<16xi32>
        %convert_element_type3A_223 = arith.sitofp %sub3A_222 : vector<16xi32> to vector<16xf32>
        %mul3A_224 = arith.constant 0.0166666675 : f32
        %mul3A_225 = vector.broadcast %mul3A_224 : f32 to vector<16xf32>
        %mul3A_226 = arith.mulf %convert_element_type3A_223, %mul3A_225 : vector<16xf32>
        %convert_element_type3A_227 = arith.fptosi %mul3A_226 : vector<16xf32> to vector<16xi32>
        %mul3A_228 = arith.constant 60 : i32
        %mul3A_229 = vector.broadcast %mul3A_228 : i32 to vector<16xi32>
        %mul3A_230 = arith.muli %convert_element_type3A_227, %mul3A_229 : vector<16xi32>
        %sub3A_231 = arith.subi %sub3A_222, %mul3A_230 : vector<16xi32>
        %lt3A_232 = arith.constant 0 : i32
        %lt3A_233 = vector.broadcast %lt3A_232 : i32 to vector<16xi32>
        %lt3A_234 = arith.cmpi slt, %sub3A_231, %lt3A_233 : vector<16xi32>
        %sub3A_235 = arith.constant 1 : i32
        %sub3A_236 = vector.broadcast %sub3A_235 : i32 to vector<16xi32>
        %sub3A_237 = arith.subi %convert_element_type3A_227, %sub3A_236 : vector<16xi32>
        %select_n3A_238 = arith.select %lt3A_234, %sub3A_237, %convert_element_type3A_227 : vector<16xi1>, vector<16xi32>
        %lt3A_239 = arith.constant 0 : i32
        %lt3A_240 = vector.broadcast %lt3A_239 : i32 to vector<16xi32>
        %lt3A_241 = arith.cmpi slt, %sub3A_231, %lt3A_240 : vector<16xi32>
        %add3A_242 = arith.constant 60 : i32
        %add3A_243 = vector.broadcast %add3A_242 : i32 to vector<16xi32>
        %add3A_244 = arith.addi %sub3A_231, %add3A_243 : vector<16xi32>
        %select_n3A_245 = arith.select %lt3A_241, %add3A_244, %sub3A_231 : vector<16xi1>, vector<16xi32>
        %ge3A_246 = arith.constant 60 : i32
        %ge3A_247 = vector.broadcast %ge3A_246 : i32 to vector<16xi32>
        %ge3A_248 = arith.cmpi sge, %select_n3A_245, %ge3A_247 : vector<16xi32>
        %add3A_249 = arith.constant 1 : i32
        %add3A_250 = vector.broadcast %add3A_249 : i32 to vector<16xi32>
        %add3A_251 = arith.addi %select_n3A_238, %add3A_250 : vector<16xi32>
        %select_n3A_252 = arith.select %ge3A_248, %add3A_251, %select_n3A_238 : vector<16xi1>, vector<16xi32>
        %add3A_253 = arith.constant 3 : i32
        %add3A_254 = vector.broadcast %add3A_253 : i32 to vector<16xi32>
        %add3A_255 = arith.addi %select_n3A_184, %add3A_254 : vector<16xi32>
        %convert_element_type3A_256 = arith.sitofp %add3A_255 : vector<16xi32> to vector<16xf32>
        %mul3A_257 = arith.constant 0.142857149 : f32
        %mul3A_258 = vector.broadcast %mul3A_257 : f32 to vector<16xf32>
        %mul3A_259 = arith.mulf %convert_element_type3A_256, %mul3A_258 : vector<16xf32>
        %convert_element_type3A_260 = arith.fptosi %mul3A_259 : vector<16xf32> to vector<16xi32>
        %mul3A_261 = arith.constant 7 : i32
        %mul3A_262 = vector.broadcast %mul3A_261 : i32 to vector<16xi32>
        %mul3A_263 = arith.muli %convert_element_type3A_260, %mul3A_262 : vector<16xi32>
        %sub3A_264 = arith.subi %add3A_255, %mul3A_263 : vector<16xi32>
        %lt3A_265 = arith.constant 0 : i32
        %lt3A_266 = vector.broadcast %lt3A_265 : i32 to vector<16xi32>
        %lt3A_267 = arith.cmpi slt, %sub3A_264, %lt3A_266 : vector<16xi32>
        %sub3A_268 = arith.constant 1 : i32
        %sub3A_269 = vector.broadcast %sub3A_268 : i32 to vector<16xi32>
        %sub3A_270 = arith.subi %convert_element_type3A_260, %sub3A_269 : vector<16xi32>
        %select_n3A_271 = arith.select %lt3A_267, %sub3A_270, %convert_element_type3A_260 : vector<16xi1>, vector<16xi32>
        %lt3A_272 = arith.constant 0 : i32
        %lt3A_273 = vector.broadcast %lt3A_272 : i32 to vector<16xi32>
        %lt3A_274 = arith.cmpi slt, %sub3A_264, %lt3A_273 : vector<16xi32>
        %add3A_275 = arith.constant 7 : i32
        %add3A_276 = vector.broadcast %add3A_275 : i32 to vector<16xi32>
        %add3A_277 = arith.addi %sub3A_264, %add3A_276 : vector<16xi32>
        %select_n3A_278 = arith.select %lt3A_274, %add3A_277, %sub3A_264 : vector<16xi1>, vector<16xi32>
        %ge3A_279 = arith.constant 7 : i32
        %ge3A_280 = vector.broadcast %ge3A_279 : i32 to vector<16xi32>
        %ge3A_281 = arith.cmpi sge, %select_n3A_278, %ge3A_280 : vector<16xi32>
        %add3A_282 = arith.constant 1 : i32
        %add3A_283 = vector.broadcast %add3A_282 : i32 to vector<16xi32>
        %add3A_284 = arith.addi %select_n3A_271, %add3A_283 : vector<16xi32>
        %select_n3A_285 = arith.select %ge3A_281, %add3A_284, %select_n3A_271 : vector<16xi1>, vector<16xi32>
        %mul3A_286 = arith.constant 7 : i32
        %mul3A_287 = vector.broadcast %mul3A_286 : i32 to vector<16xi32>
        %mul3A_288 = arith.muli %select_n3A_285, %mul3A_287 : vector<16xi32>
        %sub3A_289 = arith.subi %add3A_255, %mul3A_288 : vector<16xi32>
        %add3A_290 = arith.constant 719468 : i32
        %add3A_291 = vector.broadcast %add3A_290 : i32 to vector<16xi32>
        %add3A_292 = arith.addi %select_n3A_184, %add3A_291 : vector<16xi32>
        %convert_element_type3A_293 = arith.sitofp %add3A_292 : vector<16xi32> to vector<16xf32>
        %mul3A_294 = arith.constant 6.84476754E-6 : f32
        %mul3A_295 = vector.broadcast %mul3A_294 : f32 to vector<16xf32>
        %mul3A_296 = arith.mulf %convert_element_type3A_293, %mul3A_295 : vector<16xf32>
        %convert_element_type3A_297 = arith.fptosi %mul3A_296 : vector<16xf32> to vector<16xi32>
        %mul3A_298 = arith.constant 146097 : i32
        %mul3A_299 = vector.broadcast %mul3A_298 : i32 to vector<16xi32>
        %mul3A_300 = arith.muli %convert_element_type3A_297, %mul3A_299 : vector<16xi32>
        %sub3A_301 = arith.subi %add3A_292, %mul3A_300 : vector<16xi32>
        %lt3A_302 = arith.constant 0 : i32
        %lt3A_303 = vector.broadcast %lt3A_302 : i32 to vector<16xi32>
        %lt3A_304 = arith.cmpi slt, %sub3A_301, %lt3A_303 : vector<16xi32>
        %sub3A_305 = arith.constant 1 : i32
        %sub3A_306 = vector.broadcast %sub3A_305 : i32 to vector<16xi32>
        %sub3A_307 = arith.subi %convert_element_type3A_297, %sub3A_306 : vector<16xi32>
        %select_n3A_308 = arith.select %lt3A_304, %sub3A_307, %convert_element_type3A_297 : vector<16xi1>, vector<16xi32>
        %lt3A_309 = arith.constant 0 : i32
        %lt3A_310 = vector.broadcast %lt3A_309 : i32 to vector<16xi32>
        %lt3A_311 = arith.cmpi slt, %sub3A_301, %lt3A_310 : vector<16xi32>
        %add3A_312 = arith.constant 146097 : i32
        %add3A_313 = vector.broadcast %add3A_312 : i32 to vector<16xi32>
        %add3A_314 = arith.addi %sub3A_301, %add3A_313 : vector<16xi32>
        %select_n3A_315 = arith.select %lt3A_311, %add3A_314, %sub3A_301 : vector<16xi1>, vector<16xi32>
        %ge3A_316 = arith.constant 146097 : i32
        %ge3A_317 = vector.broadcast %ge3A_316 : i32 to vector<16xi32>
        %ge3A_318 = arith.cmpi sge, %select_n3A_315, %ge3A_317 : vector<16xi32>
        %add3A_319 = arith.constant 1 : i32
        %add3A_320 = vector.broadcast %add3A_319 : i32 to vector<16xi32>
        %add3A_321 = arith.addi %select_n3A_308, %add3A_320 : vector<16xi32>
        %select_n3A_322 = arith.select %ge3A_318, %add3A_321, %select_n3A_308 : vector<16xi1>, vector<16xi32>
        %mul3A_323 = arith.constant 146097 : i32
        %mul3A_324 = vector.broadcast %mul3A_323 : i32 to vector<16xi32>
        %mul3A_325 = arith.muli %select_n3A_322, %mul3A_324 : vector<16xi32>
        %sub3A_326 = arith.subi %add3A_292, %mul3A_325 : vector<16xi32>
        %convert_element_type3A_327 = arith.sitofp %sub3A_326 : vector<16xi32> to vector<16xf32>
        %mul3A_328 = arith.constant 6.84931525E-4 : f32
        %mul3A_329 = vector.broadcast %mul3A_328 : f32 to vector<16xf32>
        %mul3A_330 = arith.mulf %convert_element_type3A_327, %mul3A_329 : vector<16xf32>
        %convert_element_type3A_331 = arith.fptosi %mul3A_330 : vector<16xf32> to vector<16xi32>
        %mul3A_332 = arith.constant 1460 : i32
        %mul3A_333 = vector.broadcast %mul3A_332 : i32 to vector<16xi32>
        %mul3A_334 = arith.muli %convert_element_type3A_331, %mul3A_333 : vector<16xi32>
        %sub3A_335 = arith.subi %sub3A_326, %mul3A_334 : vector<16xi32>
        %lt3A_336 = arith.constant 0 : i32
        %lt3A_337 = vector.broadcast %lt3A_336 : i32 to vector<16xi32>
        %lt3A_338 = arith.cmpi slt, %sub3A_335, %lt3A_337 : vector<16xi32>
        %sub3A_339 = arith.constant 1 : i32
        %sub3A_340 = vector.broadcast %sub3A_339 : i32 to vector<16xi32>
        %sub3A_341 = arith.subi %convert_element_type3A_331, %sub3A_340 : vector<16xi32>
        %select_n3A_342 = arith.select %lt3A_338, %sub3A_341, %convert_element_type3A_331 : vector<16xi1>, vector<16xi32>
        %lt3A_343 = arith.constant 0 : i32
        %lt3A_344 = vector.broadcast %lt3A_343 : i32 to vector<16xi32>
        %lt3A_345 = arith.cmpi slt, %sub3A_335, %lt3A_344 : vector<16xi32>
        %add3A_346 = arith.constant 1460 : i32
        %add3A_347 = vector.broadcast %add3A_346 : i32 to vector<16xi32>
        %add3A_348 = arith.addi %sub3A_335, %add3A_347 : vector<16xi32>
        %select_n3A_349 = arith.select %lt3A_345, %add3A_348, %sub3A_335 : vector<16xi1>, vector<16xi32>
        %ge3A_350 = arith.constant 1460 : i32
        %ge3A_351 = vector.broadcast %ge3A_350 : i32 to vector<16xi32>
        %ge3A_352 = arith.cmpi sge, %select_n3A_349, %ge3A_351 : vector<16xi32>
        %add3A_353 = arith.constant 1 : i32
        %add3A_354 = vector.broadcast %add3A_353 : i32 to vector<16xi32>
        %add3A_355 = arith.addi %select_n3A_342, %add3A_354 : vector<16xi32>
        %select_n3A_356 = arith.select %ge3A_352, %add3A_355, %select_n3A_342 : vector<16xi1>, vector<16xi32>
        %sub3A_357 = arith.subi %sub3A_326, %select_n3A_356 : vector<16xi32>
        %convert_element_type3A_358 = arith.sitofp %sub3A_326 : vector<16xi32> to vector<16xf32>
        %mul3A_359 = arith.constant 2.73792575E-5 : f32
        %mul3A_360 = vector.broadcast %mul3A_359 : f32 to vector<16xf32>
        %mul3A_361 = arith.mulf %convert_element_type3A_358, %mul3A_360 : vector<16xf32>
        %convert_element_type3A_362 = arith.fptosi %mul3A_361 : vector<16xf32> to vector<16xi32>
        %mul3A_363 = arith.constant 36524 : i32
        %mul3A_364 = vector.broadcast %mul3A_363 : i32 to vector<16xi32>
        %mul3A_365 = arith.muli %convert_element_type3A_362, %mul3A_364 : vector<16xi32>
        %sub3A_366 = arith.subi %sub3A_326, %mul3A_365 : vector<16xi32>
        %lt3A_367 = arith.constant 0 : i32
        %lt3A_368 = vector.broadcast %lt3A_367 : i32 to vector<16xi32>
        %lt3A_369 = arith.cmpi slt, %sub3A_366, %lt3A_368 : vector<16xi32>
        %sub3A_370 = arith.constant 1 : i32
        %sub3A_371 = vector.broadcast %sub3A_370 : i32 to vector<16xi32>
        %sub3A_372 = arith.subi %convert_element_type3A_362, %sub3A_371 : vector<16xi32>
        %select_n3A_373 = arith.select %lt3A_369, %sub3A_372, %convert_element_type3A_362 : vector<16xi1>, vector<16xi32>
        %lt3A_374 = arith.constant 0 : i32
        %lt3A_375 = vector.broadcast %lt3A_374 : i32 to vector<16xi32>
        %lt3A_376 = arith.cmpi slt, %sub3A_366, %lt3A_375 : vector<16xi32>
        %add3A_377 = arith.constant 36524 : i32
        %add3A_378 = vector.broadcast %add3A_377 : i32 to vector<16xi32>
        %add3A_379 = arith.addi %sub3A_366, %add3A_378 : vector<16xi32>
        %select_n3A_380 = arith.select %lt3A_376, %add3A_379, %sub3A_366 : vector<16xi1>, vector<16xi32>
        %ge3A_381 = arith.constant 36524 : i32
        %ge3A_382 = vector.broadcast %ge3A_381 : i32 to vector<16xi32>
        %ge3A_383 = arith.cmpi sge, %select_n3A_380, %ge3A_382 : vector<16xi32>
        %add3A_384 = arith.constant 1 : i32
        %add3A_385 = vector.broadcast %add3A_384 : i32 to vector<16xi32>
        %add3A_386 = arith.addi %select_n3A_373, %add3A_385 : vector<16xi32>
        %select_n3A_387 = arith.select %ge3A_383, %add3A_386, %select_n3A_373 : vector<16xi1>, vector<16xi32>
        %add3A_388 = arith.addi %sub3A_357, %select_n3A_387 : vector<16xi32>
        %convert_element_type3A_389 = arith.sitofp %sub3A_326 : vector<16xi32> to vector<16xf32>
        %mul3A_390 = arith.constant 6.84481438E-6 : f32
        %mul3A_391 = vector.broadcast %mul3A_390 : f32 to vector<16xf32>
        %mul3A_392 = arith.mulf %convert_element_type3A_389, %mul3A_391 : vector<16xf32>
        %convert_element_type3A_393 = arith.fptosi %mul3A_392 : vector<16xf32> to vector<16xi32>
        %mul3A_394 = arith.constant 146096 : i32
        %mul3A_395 = vector.broadcast %mul3A_394 : i32 to vector<16xi32>
        %mul3A_396 = arith.muli %convert_element_type3A_393, %mul3A_395 : vector<16xi32>
        %sub3A_397 = arith.subi %sub3A_326, %mul3A_396 : vector<16xi32>
        %lt3A_398 = arith.constant 0 : i32
        %lt3A_399 = vector.broadcast %lt3A_398 : i32 to vector<16xi32>
        %lt3A_400 = arith.cmpi slt, %sub3A_397, %lt3A_399 : vector<16xi32>
        %sub3A_401 = arith.constant 1 : i32
        %sub3A_402 = vector.broadcast %sub3A_401 : i32 to vector<16xi32>
        %sub3A_403 = arith.subi %convert_element_type3A_393, %sub3A_402 : vector<16xi32>
        %select_n3A_404 = arith.select %lt3A_400, %sub3A_403, %convert_element_type3A_393 : vector<16xi1>, vector<16xi32>
        %lt3A_405 = arith.constant 0 : i32
        %lt3A_406 = vector.broadcast %lt3A_405 : i32 to vector<16xi32>
        %lt3A_407 = arith.cmpi slt, %sub3A_397, %lt3A_406 : vector<16xi32>
        %add3A_408 = arith.constant 146096 : i32
        %add3A_409 = vector.broadcast %add3A_408 : i32 to vector<16xi32>
        %add3A_410 = arith.addi %sub3A_397, %add3A_409 : vector<16xi32>
        %select_n3A_411 = arith.select %lt3A_407, %add3A_410, %sub3A_397 : vector<16xi1>, vector<16xi32>
        %ge3A_412 = arith.constant 146096 : i32
        %ge3A_413 = vector.broadcast %ge3A_412 : i32 to vector<16xi32>
        %ge3A_414 = arith.cmpi sge, %select_n3A_411, %ge3A_413 : vector<16xi32>
        %add3A_415 = arith.constant 1 : i32
        %add3A_416 = vector.broadcast %add3A_415 : i32 to vector<16xi32>
        %add3A_417 = arith.addi %select_n3A_404, %add3A_416 : vector<16xi32>
        %select_n3A_418 = arith.select %ge3A_414, %add3A_417, %select_n3A_404 : vector<16xi1>, vector<16xi32>
        %sub3A_419 = arith.subi %add3A_388, %select_n3A_418 : vector<16xi32>
        %convert_element_type3A_420 = arith.sitofp %sub3A_419 : vector<16xi32> to vector<16xf32>
        %mul3A_421 = arith.constant 0.0027397261 : f32
        %mul3A_422 = vector.broadcast %mul3A_421 : f32 to vector<16xf32>
        %mul3A_423 = arith.mulf %convert_element_type3A_420, %mul3A_422 : vector<16xf32>
        %convert_element_type3A_424 = arith.fptosi %mul3A_423 : vector<16xf32> to vector<16xi32>
        %mul3A_425 = arith.constant 365 : i32
        %mul3A_426 = vector.broadcast %mul3A_425 : i32 to vector<16xi32>
        %mul3A_427 = arith.muli %convert_element_type3A_424, %mul3A_426 : vector<16xi32>
        %sub3A_428 = arith.subi %sub3A_419, %mul3A_427 : vector<16xi32>
        %lt3A_429 = arith.constant 0 : i32
        %lt3A_430 = vector.broadcast %lt3A_429 : i32 to vector<16xi32>
        %lt3A_431 = arith.cmpi slt, %sub3A_428, %lt3A_430 : vector<16xi32>
        %sub3A_432 = arith.constant 1 : i32
        %sub3A_433 = vector.broadcast %sub3A_432 : i32 to vector<16xi32>
        %sub3A_434 = arith.subi %convert_element_type3A_424, %sub3A_433 : vector<16xi32>
        %select_n3A_435 = arith.select %lt3A_431, %sub3A_434, %convert_element_type3A_424 : vector<16xi1>, vector<16xi32>
        %lt3A_436 = arith.constant 0 : i32
        %lt3A_437 = vector.broadcast %lt3A_436 : i32 to vector<16xi32>
        %lt3A_438 = arith.cmpi slt, %sub3A_428, %lt3A_437 : vector<16xi32>
        %add3A_439 = arith.constant 365 : i32
        %add3A_440 = vector.broadcast %add3A_439 : i32 to vector<16xi32>
        %add3A_441 = arith.addi %sub3A_428, %add3A_440 : vector<16xi32>
        %select_n3A_442 = arith.select %lt3A_438, %add3A_441, %sub3A_428 : vector<16xi1>, vector<16xi32>
        %ge3A_443 = arith.constant 365 : i32
        %ge3A_444 = vector.broadcast %ge3A_443 : i32 to vector<16xi32>
        %ge3A_445 = arith.cmpi sge, %select_n3A_442, %ge3A_444 : vector<16xi32>
        %add3A_446 = arith.constant 1 : i32
        %add3A_447 = vector.broadcast %add3A_446 : i32 to vector<16xi32>
        %add3A_448 = arith.addi %select_n3A_435, %add3A_447 : vector<16xi32>
        %select_n3A_449 = arith.select %ge3A_445, %add3A_448, %select_n3A_435 : vector<16xi1>, vector<16xi32>
        %mul3A_450 = arith.constant 365 : i32
        %mul3A_451 = vector.broadcast %mul3A_450 : i32 to vector<16xi32>
        %mul3A_452 = arith.muli %mul3A_451, %select_n3A_449 : vector<16xi32>
        %convert_element_type3A_453 = arith.sitofp %select_n3A_449 : vector<16xi32> to vector<16xf32>
        %mul3A_454 = arith.constant 2.500000e-01 : f32
        %mul3A_455 = vector.broadcast %mul3A_454 : f32 to vector<16xf32>
        %mul3A_456 = arith.mulf %convert_element_type3A_453, %mul3A_455 : vector<16xf32>
        %convert_element_type3A_457 = arith.fptosi %mul3A_456 : vector<16xf32> to vector<16xi32>
        %mul3A_458 = arith.constant 4 : i32
        %mul3A_459 = vector.broadcast %mul3A_458 : i32 to vector<16xi32>
        %mul3A_460 = arith.muli %convert_element_type3A_457, %mul3A_459 : vector<16xi32>
        %sub3A_461 = arith.subi %select_n3A_449, %mul3A_460 : vector<16xi32>
        %lt3A_462 = arith.constant 0 : i32
        %lt3A_463 = vector.broadcast %lt3A_462 : i32 to vector<16xi32>
        %lt3A_464 = arith.cmpi slt, %sub3A_461, %lt3A_463 : vector<16xi32>
        %sub3A_465 = arith.constant 1 : i32
        %sub3A_466 = vector.broadcast %sub3A_465 : i32 to vector<16xi32>
        %sub3A_467 = arith.subi %convert_element_type3A_457, %sub3A_466 : vector<16xi32>
        %select_n3A_468 = arith.select %lt3A_464, %sub3A_467, %convert_element_type3A_457 : vector<16xi1>, vector<16xi32>
        %lt3A_469 = arith.constant 0 : i32
        %lt3A_470 = vector.broadcast %lt3A_469 : i32 to vector<16xi32>
        %lt3A_471 = arith.cmpi slt, %sub3A_461, %lt3A_470 : vector<16xi32>
        %add3A_472 = arith.constant 4 : i32
        %add3A_473 = vector.broadcast %add3A_472 : i32 to vector<16xi32>
        %add3A_474 = arith.addi %sub3A_461, %add3A_473 : vector<16xi32>
        %select_n3A_475 = arith.select %lt3A_471, %add3A_474, %sub3A_461 : vector<16xi1>, vector<16xi32>
        %ge3A_476 = arith.constant 4 : i32
        %ge3A_477 = vector.broadcast %ge3A_476 : i32 to vector<16xi32>
        %ge3A_478 = arith.cmpi sge, %select_n3A_475, %ge3A_477 : vector<16xi32>
        %add3A_479 = arith.constant 1 : i32
        %add3A_480 = vector.broadcast %add3A_479 : i32 to vector<16xi32>
        %add3A_481 = arith.addi %select_n3A_468, %add3A_480 : vector<16xi32>
        %select_n3A_482 = arith.select %ge3A_478, %add3A_481, %select_n3A_468 : vector<16xi1>, vector<16xi32>
        %add3A_483 = arith.addi %mul3A_452, %select_n3A_482 : vector<16xi32>
        %convert_element_type3A_484 = arith.sitofp %select_n3A_449 : vector<16xi32> to vector<16xf32>
        %mul3A_485 = arith.constant 0.00999999977 : f32
        %mul3A_486 = vector.broadcast %mul3A_485 : f32 to vector<16xf32>
        %mul3A_487 = arith.mulf %convert_element_type3A_484, %mul3A_486 : vector<16xf32>
        %convert_element_type3A_488 = arith.fptosi %mul3A_487 : vector<16xf32> to vector<16xi32>
        %mul3A_489 = arith.constant 100 : i32
        %mul3A_490 = vector.broadcast %mul3A_489 : i32 to vector<16xi32>
        %mul3A_491 = arith.muli %convert_element_type3A_488, %mul3A_490 : vector<16xi32>
        %sub3A_492 = arith.subi %select_n3A_449, %mul3A_491 : vector<16xi32>
        %lt3A_493 = arith.constant 0 : i32
        %lt3A_494 = vector.broadcast %lt3A_493 : i32 to vector<16xi32>
        %lt3A_495 = arith.cmpi slt, %sub3A_492, %lt3A_494 : vector<16xi32>
        %sub3A_496 = arith.constant 1 : i32
        %sub3A_497 = vector.broadcast %sub3A_496 : i32 to vector<16xi32>
        %sub3A_498 = arith.subi %convert_element_type3A_488, %sub3A_497 : vector<16xi32>
        %select_n3A_499 = arith.select %lt3A_495, %sub3A_498, %convert_element_type3A_488 : vector<16xi1>, vector<16xi32>
        %lt3A_500 = arith.constant 0 : i32
        %lt3A_501 = vector.broadcast %lt3A_500 : i32 to vector<16xi32>
        %lt3A_502 = arith.cmpi slt, %sub3A_492, %lt3A_501 : vector<16xi32>
        %add3A_503 = arith.constant 100 : i32
        %add3A_504 = vector.broadcast %add3A_503 : i32 to vector<16xi32>
        %add3A_505 = arith.addi %sub3A_492, %add3A_504 : vector<16xi32>
        %select_n3A_506 = arith.select %lt3A_502, %add3A_505, %sub3A_492 : vector<16xi1>, vector<16xi32>
        %ge3A_507 = arith.constant 100 : i32
        %ge3A_508 = vector.broadcast %ge3A_507 : i32 to vector<16xi32>
        %ge3A_509 = arith.cmpi sge, %select_n3A_506, %ge3A_508 : vector<16xi32>
        %add3A_510 = arith.constant 1 : i32
        %add3A_511 = vector.broadcast %add3A_510 : i32 to vector<16xi32>
        %add3A_512 = arith.addi %select_n3A_499, %add3A_511 : vector<16xi32>
        %select_n3A_513 = arith.select %ge3A_509, %add3A_512, %select_n3A_499 : vector<16xi1>, vector<16xi32>
        %sub3A_514 = arith.subi %add3A_483, %select_n3A_513 : vector<16xi32>
        %sub3A_515 = arith.subi %sub3A_326, %sub3A_514 : vector<16xi32>
        %mul3A_516 = arith.constant 5 : i32
        %mul3A_517 = vector.broadcast %mul3A_516 : i32 to vector<16xi32>
        %mul3A_518 = arith.muli %mul3A_517, %sub3A_515 : vector<16xi32>
        %add3A_519 = arith.constant 2 : i32
        %add3A_520 = vector.broadcast %add3A_519 : i32 to vector<16xi32>
        %add3A_521 = arith.addi %mul3A_518, %add3A_520 : vector<16xi32>
        %convert_element_type3A_522 = arith.sitofp %add3A_521 : vector<16xi32> to vector<16xf32>
        %mul3A_523 = arith.constant 0.00653594779 : f32
        %mul3A_524 = vector.broadcast %mul3A_523 : f32 to vector<16xf32>
        %mul3A_525 = arith.mulf %convert_element_type3A_522, %mul3A_524 : vector<16xf32>
        %convert_element_type3A_526 = arith.fptosi %mul3A_525 : vector<16xf32> to vector<16xi32>
        %mul3A_527 = arith.constant 153 : i32
        %mul3A_528 = vector.broadcast %mul3A_527 : i32 to vector<16xi32>
        %mul3A_529 = arith.muli %convert_element_type3A_526, %mul3A_528 : vector<16xi32>
        %sub3A_530 = arith.subi %add3A_521, %mul3A_529 : vector<16xi32>
        %lt3A_531 = arith.constant 0 : i32
        %lt3A_532 = vector.broadcast %lt3A_531 : i32 to vector<16xi32>
        %lt3A_533 = arith.cmpi slt, %sub3A_530, %lt3A_532 : vector<16xi32>
        %sub3A_534 = arith.constant 1 : i32
        %sub3A_535 = vector.broadcast %sub3A_534 : i32 to vector<16xi32>
        %sub3A_536 = arith.subi %convert_element_type3A_526, %sub3A_535 : vector<16xi32>
        %select_n3A_537 = arith.select %lt3A_533, %sub3A_536, %convert_element_type3A_526 : vector<16xi1>, vector<16xi32>
        %lt3A_538 = arith.constant 0 : i32
        %lt3A_539 = vector.broadcast %lt3A_538 : i32 to vector<16xi32>
        %lt3A_540 = arith.cmpi slt, %sub3A_530, %lt3A_539 : vector<16xi32>
        %add3A_541 = arith.constant 153 : i32
        %add3A_542 = vector.broadcast %add3A_541 : i32 to vector<16xi32>
        %add3A_543 = arith.addi %sub3A_530, %add3A_542 : vector<16xi32>
        %select_n3A_544 = arith.select %lt3A_540, %add3A_543, %sub3A_530 : vector<16xi1>, vector<16xi32>
        %ge3A_545 = arith.constant 153 : i32
        %ge3A_546 = vector.broadcast %ge3A_545 : i32 to vector<16xi32>
        %ge3A_547 = arith.cmpi sge, %select_n3A_544, %ge3A_546 : vector<16xi32>
        %add3A_548 = arith.constant 1 : i32
        %add3A_549 = vector.broadcast %add3A_548 : i32 to vector<16xi32>
        %add3A_550 = arith.addi %select_n3A_537, %add3A_549 : vector<16xi32>
        %select_n3A_551 = arith.select %ge3A_547, %add3A_550, %select_n3A_537 : vector<16xi1>, vector<16xi32>
        %mul3A_552 = arith.constant 153 : i32
        %mul3A_553 = vector.broadcast %mul3A_552 : i32 to vector<16xi32>
        %mul3A_554 = arith.muli %mul3A_553, %select_n3A_551 : vector<16xi32>
        %add3A_555 = arith.constant 2 : i32
        %add3A_556 = vector.broadcast %add3A_555 : i32 to vector<16xi32>
        %add3A_557 = arith.addi %mul3A_554, %add3A_556 : vector<16xi32>
        %convert_element_type3A_558 = arith.sitofp %add3A_557 : vector<16xi32> to vector<16xf32>
        %mul3A_559 = arith.constant 2.000000e-01 : f32
        %mul3A_560 = vector.broadcast %mul3A_559 : f32 to vector<16xf32>
        %mul3A_561 = arith.mulf %convert_element_type3A_558, %mul3A_560 : vector<16xf32>
        %convert_element_type3A_562 = arith.fptosi %mul3A_561 : vector<16xf32> to vector<16xi32>
        %mul3A_563 = arith.constant 5 : i32
        %mul3A_564 = vector.broadcast %mul3A_563 : i32 to vector<16xi32>
        %mul3A_565 = arith.muli %convert_element_type3A_562, %mul3A_564 : vector<16xi32>
        %sub3A_566 = arith.subi %add3A_557, %mul3A_565 : vector<16xi32>
        %lt3A_567 = arith.constant 0 : i32
        %lt3A_568 = vector.broadcast %lt3A_567 : i32 to vector<16xi32>
        %lt3A_569 = arith.cmpi slt, %sub3A_566, %lt3A_568 : vector<16xi32>
        %sub3A_570 = arith.constant 1 : i32
        %sub3A_571 = vector.broadcast %sub3A_570 : i32 to vector<16xi32>
        %sub3A_572 = arith.subi %convert_element_type3A_562, %sub3A_571 : vector<16xi32>
        %select_n3A_573 = arith.select %lt3A_569, %sub3A_572, %convert_element_type3A_562 : vector<16xi1>, vector<16xi32>
        %lt3A_574 = arith.constant 0 : i32
        %lt3A_575 = vector.broadcast %lt3A_574 : i32 to vector<16xi32>
        %lt3A_576 = arith.cmpi slt, %sub3A_566, %lt3A_575 : vector<16xi32>
        %add3A_577 = arith.constant 5 : i32
        %add3A_578 = vector.broadcast %add3A_577 : i32 to vector<16xi32>
        %add3A_579 = arith.addi %sub3A_566, %add3A_578 : vector<16xi32>
        %select_n3A_580 = arith.select %lt3A_576, %add3A_579, %sub3A_566 : vector<16xi1>, vector<16xi32>
        %ge3A_581 = arith.constant 5 : i32
        %ge3A_582 = vector.broadcast %ge3A_581 : i32 to vector<16xi32>
        %ge3A_583 = arith.cmpi sge, %select_n3A_580, %ge3A_582 : vector<16xi32>
        %add3A_584 = arith.constant 1 : i32
        %add3A_585 = vector.broadcast %add3A_584 : i32 to vector<16xi32>
        %add3A_586 = arith.addi %select_n3A_573, %add3A_585 : vector<16xi32>
        %select_n3A_587 = arith.select %ge3A_583, %add3A_586, %select_n3A_573 : vector<16xi1>, vector<16xi32>
        %sub3A_588 = arith.subi %sub3A_515, %select_n3A_587 : vector<16xi32>
        %add3A_589 = arith.constant 1 : i32
        %add3A_590 = vector.broadcast %add3A_589 : i32 to vector<16xi32>
        %add3A_591 = arith.addi %sub3A_588, %add3A_590 : vector<16xi32>
        %lt3A_592 = arith.constant 10 : i32
        %lt3A_593 = vector.broadcast %lt3A_592 : i32 to vector<16xi32>
        %lt3A_594 = arith.cmpi slt, %select_n3A_551, %lt3A_593 : vector<16xi32>
        %add3A_595 = arith.constant 3 : i32
        %add3A_596 = vector.broadcast %add3A_595 : i32 to vector<16xi32>
        %add3A_597 = arith.addi %select_n3A_551, %add3A_596 : vector<16xi32>
        %sub3A_598 = arith.constant 9 : i32
        %sub3A_599 = vector.broadcast %sub3A_598 : i32 to vector<16xi32>
        %sub3A_600 = arith.subi %select_n3A_551, %sub3A_599 : vector<16xi32>
        %select_n3A_601 = arith.select %lt3A_594, %add3A_597, %sub3A_600 : vector<16xi1>, vector<16xi32>
        %sub3A_602 = arith.constant 1 : i32
        %sub3A_603 = vector.broadcast %sub3A_602 : i32 to vector<16xi32>
        %sub3A_604 = arith.subi %select_n3A_601, %sub3A_603 : vector<16xi32>
        %sub3A_605 = arith.constant 1 : i32
        %sub3A_606 = vector.broadcast %sub3A_605 : i32 to vector<16xi32>
        %sub3A_607 = arith.subi %add3A_591, %sub3A_606 : vector<16xi32>
        %add3A_608 = arith.addi %mul3A_153, %mul3A_89 : i32
        %add3A_609 = vector.broadcast %add3A_608 : i32 to vector<16xi32>
        %add3A_610 = arith.addi %iota3A, %add3A_609 : vector<16xi32>
        %mul3A_611 = arith.constant 128 : i32
        %mul3A_612 = vector.broadcast %mul3A_611 : i32 to vector<16xi32>
        %mul3A_613 = arith.muli %add3A_610, %mul3A_612 : vector<16xi32>
        %broadcast_in_dim3A_614 = arith.constant 0 : i32
        %broadcast_in_dim3A_615 = vector.broadcast %broadcast_in_dim3A_614 : i32 to vector<16xi32>
        %mul3A_616 = arith.constant 25 : i32
        %mul3A_617 = vector.broadcast %mul3A_616 : i32 to vector<16xi32>
        %mul3A_618 = arith.muli %sub3A_604, %mul3A_617 : vector<16xi32>
        %add3A_619 = arith.constant 0 : i32
        %add3A_620 = vector.broadcast %add3A_619 : i32 to vector<16xi32>
        %add3A_621 = arith.addi %mul3A_618, %add3A_620 : vector<16xi32>
        %sub3A_622 = arith.subi %gather3A, %mul3A_618 : vector<16xi32>
        %add3A_623 = arith.constant 0 : i32
        %add3A_624 = vector.broadcast %add3A_623 : i32 to vector<16xi32>
        %add3A_625 = arith.addi %mul3A_613, %add3A_624 : vector<16xi32>
        %parallel_loop3A = arith.constant 0 : i32
        %parallel_loop3A_626 = arith.constant 25 : i32
        %parallel_loop3A_627 = arith.constant 1 : i32
        %parallel_loop3A_628:3 = scf.for %parallel_loop3A_685 = %parallel_loop3A to %parallel_loop3A_626 step %parallel_loop3A_627 iter_args(%parallel_loop3A_686 = %add3A_621, %parallel_loop3A_687 = %sub3A_622, %parallel_loop3A_688 = %add3A_625) -> (vector<16xi32>, vector<16xi32>, vector<16xi32>)  : i32 {
          %parallel_loop3A_689 = tpu.vector_load_idx %arg8[%parallel_loop3A_686] : memref<3536xf32, #tpu.memory_space<vmem>>[vector<16xi32>], vector<16xf32>,
          tpu.vector_store_idx %arg13[%broadcast_in_dim3A_615, %parallel_loop3A_688], %parallel_loop3A_689 : memref<416x128xf32, #tpu.memory_space<vmem>>[vector<16xi32>, vector<16xi32>], vector<16xf32>,
          %parallel_loop3A_690 = tpu.vector_load_idx %arg9[%parallel_loop3A_687] : memref<7064xf32, #tpu.memory_space<vmem>>[vector<16xi32>], vector<16xf32>,
          tpu.vector_store_idx %arg14[%broadcast_in_dim3A_615, %parallel_loop3A_688], %parallel_loop3A_690 : memref<416x128xf32, #tpu.memory_space<vmem>>[vector<16xi32>, vector<16xi32>], vector<16xf32>,
          %parallel_loop3A_691 = arith.constant 1 : i32
          %parallel_loop3A_692 = vector.broadcast %parallel_loop3A_691 : i32 to vector<16xi32>
          %parallel_loop3A_693 = arith.addi %parallel_loop3A_686, %parallel_loop3A_692 : vector<16xi32>
          %parallel_loop3A_694 = arith.constant 1 : i32
          %parallel_loop3A_695 = vector.broadcast %parallel_loop3A_694 : i32 to vector<16xi32>
          %parallel_loop3A_696 = arith.addi %parallel_loop3A_687, %parallel_loop3A_695 : vector<16xi32>
          %parallel_loop3A_697 = arith.constant 1 : i32
          %parallel_loop3A_698 = vector.broadcast %parallel_loop3A_697 : i32 to vector<16xi32>
          %parallel_loop3A_699 = arith.addi %parallel_loop3A_688, %parallel_loop3A_698 : vector<16xi32>
          scf.yield %parallel_loop3A_693, %parallel_loop3A_696, %parallel_loop3A_699 : vector<16xi32>, vector<16xi32>, vector<16xi32>
        } {sc.loop_unroll_factor = 5 : i64, sc.parallel_access}
        %mul3A_629 = arith.constant 25 : i32
        %mul3A_630 = vector.broadcast %mul3A_629 : i32 to vector<16xi32>
        %mul3A_631 = arith.muli %sub3A_607, %mul3A_630 : vector<16xi32>
        %add3A_632 = arith.constant 300 : i32
        %add3A_633 = vector.broadcast %add3A_632 : i32 to vector<16xi32>
        %add3A_634 = arith.addi %mul3A_631, %add3A_633 : vector<16xi32>
        %sub3A_635 = arith.subi %gather3A_114, %mul3A_631 : vector<16xi32>
        %add3A_636 = arith.constant 25 : i32
        %add3A_637 = vector.broadcast %add3A_636 : i32 to vector<16xi32>
        %add3A_638 = arith.addi %mul3A_613, %add3A_637 : vector<16xi32>
        %parallel_loop3A_639 = arith.constant 0 : i32
        %parallel_loop3A_640 = arith.constant 25 : i32
        %parallel_loop3A_641 = arith.constant 1 : i32
        %parallel_loop3A_642:3 = scf.for %parallel_loop3A_685 = %parallel_loop3A_639 to %parallel_loop3A_640 step %parallel_loop3A_641 iter_args(%parallel_loop3A_686 = %add3A_634, %parallel_loop3A_687 = %sub3A_635, %parallel_loop3A_688 = %add3A_638) -> (vector<16xi32>, vector<16xi32>, vector<16xi32>)  : i32 {
          %parallel_loop3A_689 = tpu.vector_load_idx %arg8[%parallel_loop3A_686] : memref<3536xf32, #tpu.memory_space<vmem>>[vector<16xi32>], vector<16xf32>,
          tpu.vector_store_idx %arg13[%broadcast_in_dim3A_615, %parallel_loop3A_688], %parallel_loop3A_689 : memref<416x128xf32, #tpu.memory_space<vmem>>[vector<16xi32>, vector<16xi32>], vector<16xf32>,
          %parallel_loop3A_690 = tpu.vector_load_idx %arg9[%parallel_loop3A_687] : memref<7064xf32, #tpu.memory_space<vmem>>[vector<16xi32>], vector<16xf32>,
          tpu.vector_store_idx %arg14[%broadcast_in_dim3A_615, %parallel_loop3A_688], %parallel_loop3A_690 : memref<416x128xf32, #tpu.memory_space<vmem>>[vector<16xi32>, vector<16xi32>], vector<16xf32>,
          %parallel_loop3A_691 = arith.constant 1 : i32
          %parallel_loop3A_692 = vector.broadcast %parallel_loop3A_691 : i32 to vector<16xi32>
          %parallel_loop3A_693 = arith.addi %parallel_loop3A_686, %parallel_loop3A_692 : vector<16xi32>
          %parallel_loop3A_694 = arith.constant 1 : i32
          %parallel_loop3A_695 = vector.broadcast %parallel_loop3A_694 : i32 to vector<16xi32>
          %parallel_loop3A_696 = arith.addi %parallel_loop3A_687, %parallel_loop3A_695 : vector<16xi32>
          %parallel_loop3A_697 = arith.constant 1 : i32
          %parallel_loop3A_698 = vector.broadcast %parallel_loop3A_697 : i32 to vector<16xi32>
          %parallel_loop3A_699 = arith.addi %parallel_loop3A_688, %parallel_loop3A_698 : vector<16xi32>
          scf.yield %parallel_loop3A_693, %parallel_loop3A_696, %parallel_loop3A_699 : vector<16xi32>, vector<16xi32>, vector<16xi32>
        } {sc.loop_unroll_factor = 5 : i64, sc.parallel_access}
        %mul3A_643 = arith.constant 25 : i32
        %mul3A_644 = vector.broadcast %mul3A_643 : i32 to vector<16xi32>
        %mul3A_645 = arith.muli %sub3A_289, %mul3A_644 : vector<16xi32>
        %add3A_646 = arith.constant 1075 : i32
        %add3A_647 = vector.broadcast %add3A_646 : i32 to vector<16xi32>
        %add3A_648 = arith.addi %mul3A_645, %add3A_647 : vector<16xi32>
        %sub3A_649 = arith.subi %gather3A_119, %mul3A_645 : vector<16xi32>
        %add3A_650 = arith.constant 50 : i32
        %add3A_651 = vector.broadcast %add3A_650 : i32 to vector<16xi32>
        %add3A_652 = arith.addi %mul3A_613, %add3A_651 : vector<16xi32>
        %parallel_loop3A_653 = arith.constant 0 : i32
        %parallel_loop3A_654 = arith.constant 25 : i32
        %parallel_loop3A_655 = arith.constant 1 : i32
        %parallel_loop3A_656:3 = scf.for %parallel_loop3A_685 = %parallel_loop3A_653 to %parallel_loop3A_654 step %parallel_loop3A_655 iter_args(%parallel_loop3A_686 = %add3A_648, %parallel_loop3A_687 = %sub3A_649, %parallel_loop3A_688 = %add3A_652) -> (vector<16xi32>, vector<16xi32>, vector<16xi32>)  : i32 {
          %parallel_loop3A_689 = tpu.vector_load_idx %arg8[%parallel_loop3A_686] : memref<3536xf32, #tpu.memory_space<vmem>>[vector<16xi32>], vector<16xf32>,
          tpu.vector_store_idx %arg13[%broadcast_in_dim3A_615, %parallel_loop3A_688], %parallel_loop3A_689 : memref<416x128xf32, #tpu.memory_space<vmem>>[vector<16xi32>, vector<16xi32>], vector<16xf32>,
          %parallel_loop3A_690 = tpu.vector_load_idx %arg9[%parallel_loop3A_687] : memref<7064xf32, #tpu.memory_space<vmem>>[vector<16xi32>], vector<16xf32>,
          tpu.vector_store_idx %arg14[%broadcast_in_dim3A_615, %parallel_loop3A_688], %parallel_loop3A_690 : memref<416x128xf32, #tpu.memory_space<vmem>>[vector<16xi32>, vector<16xi32>], vector<16xf32>,
          %parallel_loop3A_691 = arith.constant 1 : i32
          %parallel_loop3A_692 = vector.broadcast %parallel_loop3A_691 : i32 to vector<16xi32>
          %parallel_loop3A_693 = arith.addi %parallel_loop3A_686, %parallel_loop3A_692 : vector<16xi32>
          %parallel_loop3A_694 = arith.constant 1 : i32
          %parallel_loop3A_695 = vector.broadcast %parallel_loop3A_694 : i32 to vector<16xi32>
          %parallel_loop3A_696 = arith.addi %parallel_loop3A_687, %parallel_loop3A_695 : vector<16xi32>
          %parallel_loop3A_697 = arith.constant 1 : i32
          %parallel_loop3A_698 = vector.broadcast %parallel_loop3A_697 : i32 to vector<16xi32>
          %parallel_loop3A_699 = arith.addi %parallel_loop3A_688, %parallel_loop3A_698 : vector<16xi32>
          scf.yield %parallel_loop3A_693, %parallel_loop3A_696, %parallel_loop3A_699 : vector<16xi32>, vector<16xi32>, vector<16xi32>
        } {sc.loop_unroll_factor = 5 : i64, sc.parallel_access}
        %mul3A_657 = arith.constant 25 : i32
        %mul3A_658 = vector.broadcast %mul3A_657 : i32 to vector<16xi32>
        %mul3A_659 = arith.muli %select_n3A_218, %mul3A_658 : vector<16xi32>
        %add3A_660 = arith.constant 1250 : i32
        %add3A_661 = vector.broadcast %add3A_660 : i32 to vector<16xi32>
        %add3A_662 = arith.addi %mul3A_659, %add3A_661 : vector<16xi32>
        %sub3A_663 = arith.subi %gather3A_124, %mul3A_659 : vector<16xi32>
        %add3A_664 = arith.constant 75 : i32
        %add3A_665 = vector.broadcast %add3A_664 : i32 to vector<16xi32>
        %add3A_666 = arith.addi %mul3A_613, %add3A_665 : vector<16xi32>
        %parallel_loop3A_667 = arith.constant 0 : i32
        %parallel_loop3A_668 = arith.constant 25 : i32
        %parallel_loop3A_669 = arith.constant 1 : i32
        %parallel_loop3A_670:3 = scf.for %parallel_loop3A_685 = %parallel_loop3A_667 to %parallel_loop3A_668 step %parallel_loop3A_669 iter_args(%parallel_loop3A_686 = %add3A_662, %parallel_loop3A_687 = %sub3A_663, %parallel_loop3A_688 = %add3A_666) -> (vector<16xi32>, vector<16xi32>, vector<16xi32>)  : i32 {
          %parallel_loop3A_689 = tpu.vector_load_idx %arg8[%parallel_loop3A_686] : memref<3536xf32, #tpu.memory_space<vmem>>[vector<16xi32>], vector<16xf32>,
          tpu.vector_store_idx %arg13[%broadcast_in_dim3A_615, %parallel_loop3A_688], %parallel_loop3A_689 : memref<416x128xf32, #tpu.memory_space<vmem>>[vector<16xi32>, vector<16xi32>], vector<16xf32>,
          %parallel_loop3A_690 = tpu.vector_load_idx %arg9[%parallel_loop3A_687] : memref<7064xf32, #tpu.memory_space<vmem>>[vector<16xi32>], vector<16xf32>,
          tpu.vector_store_idx %arg14[%broadcast_in_dim3A_615, %parallel_loop3A_688], %parallel_loop3A_690 : memref<416x128xf32, #tpu.memory_space<vmem>>[vector<16xi32>, vector<16xi32>], vector<16xf32>,
          %parallel_loop3A_691 = arith.constant 1 : i32
          %parallel_loop3A_692 = vector.broadcast %parallel_loop3A_691 : i32 to vector<16xi32>
          %parallel_loop3A_693 = arith.addi %parallel_loop3A_686, %parallel_loop3A_692 : vector<16xi32>
          %parallel_loop3A_694 = arith.constant 1 : i32
          %parallel_loop3A_695 = vector.broadcast %parallel_loop3A_694 : i32 to vector<16xi32>
          %parallel_loop3A_696 = arith.addi %parallel_loop3A_687, %parallel_loop3A_695 : vector<16xi32>
          %parallel_loop3A_697 = arith.constant 1 : i32
          %parallel_loop3A_698 = vector.broadcast %parallel_loop3A_697 : i32 to vector<16xi32>
          %parallel_loop3A_699 = arith.addi %parallel_loop3A_688, %parallel_loop3A_698 : vector<16xi32>
          scf.yield %parallel_loop3A_693, %parallel_loop3A_696, %parallel_loop3A_699 : vector<16xi32>, vector<16xi32>, vector<16xi32>
        } {sc.loop_unroll_factor = 5 : i64, sc.parallel_access}
        %mul3A_671 = arith.constant 28 : i32
        %mul3A_672 = vector.broadcast %mul3A_671 : i32 to vector<16xi32>
        %mul3A_673 = arith.muli %select_n3A_252, %mul3A_672 : vector<16xi32>
        %add3A_674 = arith.constant 1850 : i32
        %add3A_675 = vector.broadcast %add3A_674 : i32 to vector<16xi32>
        %add3A_676 = arith.addi %mul3A_673, %add3A_675 : vector<16xi32>
        %sub3A_677 = arith.subi %gather3A_129, %mul3A_673 : vector<16xi32>
        %add3A_678 = arith.constant 100 : i32
        %add3A_679 = vector.broadcast %add3A_678 : i32 to vector<16xi32>
        %add3A_680 = arith.addi %mul3A_613, %add3A_679 : vector<16xi32>
        %parallel_loop3A_681 = arith.constant 0 : i32
        %parallel_loop3A_682 = arith.constant 28 : i32
        %parallel_loop3A_683 = arith.constant 1 : i32
        %parallel_loop3A_684:3 = scf.for %parallel_loop3A_685 = %parallel_loop3A_681 to %parallel_loop3A_682 step %parallel_loop3A_683 iter_args(%parallel_loop3A_686 = %add3A_676, %parallel_loop3A_687 = %sub3A_677, %parallel_loop3A_688 = %add3A_680) -> (vector<16xi32>, vector<16xi32>, vector<16xi32>)  : i32 {
          %parallel_loop3A_689 = tpu.vector_load_idx %arg8[%parallel_loop3A_686] : memref<3536xf32, #tpu.memory_space<vmem>>[vector<16xi32>], vector<16xf32>,
          tpu.vector_store_idx %arg13[%broadcast_in_dim3A_615, %parallel_loop3A_688], %parallel_loop3A_689 : memref<416x128xf32, #tpu.memory_space<vmem>>[vector<16xi32>, vector<16xi32>], vector<16xf32>,
          %parallel_loop3A_690 = tpu.vector_load_idx %arg9[%parallel_loop3A_687] : memref<7064xf32, #tpu.memory_space<vmem>>[vector<16xi32>], vector<16xf32>,
          tpu.vector_store_idx %arg14[%broadcast_in_dim3A_615, %parallel_loop3A_688], %parallel_loop3A_690 : memref<416x128xf32, #tpu.memory_space<vmem>>[vector<16xi32>, vector<16xi32>], vector<16xf32>,
          %parallel_loop3A_691 = arith.constant 1 : i32
          %parallel_loop3A_692 = vector.broadcast %parallel_loop3A_691 : i32 to vector<16xi32>
          %parallel_loop3A_693 = arith.addi %parallel_loop3A_686, %parallel_loop3A_692 : vector<16xi32>
          %parallel_loop3A_694 = arith.constant 1 : i32
          %parallel_loop3A_695 = vector.broadcast %parallel_loop3A_694 : i32 to vector<16xi32>
          %parallel_loop3A_696 = arith.addi %parallel_loop3A_687, %parallel_loop3A_695 : vector<16xi32>
          %parallel_loop3A_697 = arith.constant 1 : i32
          %parallel_loop3A_698 = vector.broadcast %parallel_loop3A_697 : i32 to vector<16xi32>
          %parallel_loop3A_699 = arith.addi %parallel_loop3A_688, %parallel_loop3A_698 : vector<16xi32>
          scf.yield %parallel_loop3A_693, %parallel_loop3A_696, %parallel_loop3A_699 : vector<16xi32>, vector<16xi32>, vector<16xi32>
        } {sc.loop_unroll_factor = 4 : i64, sc.parallel_access}
      }
      %eq3A_141 = arith.constant 0 : i32
      %eq3A_142 = arith.cmpi eq, %and3A_87, %eq3A_141 : i32
      %convert_element_type3A_143 = arith.extui %eq3A_142 : i1 to i32
      %cond3A_144 = arith.constant 0 : i32
      %cond3A_145 = arith.cmpi ne, %convert_element_type3A_143, %cond3A_144 : i32
      scf.if %cond3A_145 {
        %dma_start3A = arith.constant 0 : i32
        %dma_start3A_151 = arith.constant 0 : i32
        %dma_start3A_152 = tpu.memref_slice %arg13[%dma_start3A, %dma_start3A_151] : memref<416x128xf32, #tpu.memory_space<vmem>> -> memref<201x128xf32, #tpu.memory_space<vmem>>
        %dma_start3A_153 = arith.constant 0 : i32
        %dma_start3A_154 = arith.constant 0 : i32
        %dma_start3A_155 = tpu.memref_slice %arg6[%add3A_84, %dma_start3A_153, %dma_start3A_154] : memref<4096x201x128xf32, #tpu.memory_space<hbm>> -> memref<1x201x128xf32, #tpu.memory_space<hbm>>
        %dma_start3A_156 = tpu.memref_squeeze %dma_start3A_155 : memref<1x201x128xf32, #tpu.memory_space<hbm>> -> memref<201x128xf32, #tpu.memory_space<hbm>>
        %dma_start3A_157 = arith.constant 0 : i32
        %dma_start3A_158 = arith.constant 0 : i32
        %dma_start3A_159 = tpu.memref_slice %arg6[%add3A_84, %dma_start3A_157, %dma_start3A_158] : memref<4096x201x128xf32, #tpu.memory_space<hbm>> -> memref<1x201x128xf32, #tpu.memory_space<hbm>>
        %dma_start3A_160 = tpu.memref_squeeze %dma_start3A_159 : memref<1x201x128xf32, #tpu.memory_space<hbm>> -> memref<201x128xf32, #tpu.memory_space<hbm>>
        %dma_start3A_161 = arith.constant 0 : i32
        %dma_start3A_162 = arith.constant 0 : i32
        %dma_start3A_163 = tpu.memref_slice %arg13[%dma_start3A_161, %dma_start3A_162] : memref<416x128xf32, #tpu.memory_space<vmem>> -> memref<201x128xf32, #tpu.memory_space<vmem>>
        tpu.enqueue_dma source(%dma_start3A_163 : memref<201x128xf32, #tpu.memory_space<vmem>>) target(%dma_start3A_160 : memref<201x128xf32, #tpu.memory_space<hbm>>) target_semaphore(%arg15 : memref<!tpu.dma_semaphore, #tpu.memory_space<semaphore_mem>>)
        %dma_start3A_164 = arith.constant 0 : i32
        %dma_start3A_165 = arith.constant 0 : i32
        %dma_start3A_166 = tpu.memref_slice %arg14[%dma_start3A_164, %dma_start3A_165] : memref<416x128xf32, #tpu.memory_space<vmem>> -> memref<200x128xf32, #tpu.memory_space<vmem>>
        %dma_start3A_167 = arith.constant 0 : i32
        %dma_start3A_168 = arith.constant 0 : i32
        %dma_start3A_169 = tpu.memref_slice %arg7[%add3A_84, %dma_start3A_167, %dma_start3A_168] : memref<4096x200x128xf32, #tpu.memory_space<hbm>> -> memref<1x200x128xf32, #tpu.memory_space<hbm>>
        %dma_start3A_170 = tpu.memref_squeeze %dma_start3A_169 : memref<1x200x128xf32, #tpu.memory_space<hbm>> -> memref<200x128xf32, #tpu.memory_space<hbm>>
        %dma_start3A_171 = arith.constant 0 : i32
        %dma_start3A_172 = arith.constant 0 : i32
        %dma_start3A_173 = tpu.memref_slice %arg7[%add3A_84, %dma_start3A_171, %dma_start3A_172] : memref<4096x200x128xf32, #tpu.memory_space<hbm>> -> memref<1x200x128xf32, #tpu.memory_space<hbm>>
        %dma_start3A_174 = tpu.memref_squeeze %dma_start3A_173 : memref<1x200x128xf32, #tpu.memory_space<hbm>> -> memref<200x128xf32, #tpu.memory_space<hbm>>
        %dma_start3A_175 = arith.constant 0 : i32
        %dma_start3A_176 = arith.constant 0 : i32
        %dma_start3A_177 = tpu.memref_slice %arg14[%dma_start3A_175, %dma_start3A_176] : memref<416x128xf32, #tpu.memory_space<vmem>> -> memref<200x128xf32, #tpu.memory_space<vmem>>
        tpu.enqueue_dma source(%dma_start3A_177 : memref<200x128xf32, #tpu.memory_space<vmem>>) target(%dma_start3A_174 : memref<200x128xf32, #tpu.memory_space<hbm>>) target_semaphore(%arg17 : memref<!tpu.dma_semaphore, #tpu.memory_space<semaphore_mem>>)
      } else {
      }
      %eq3A_146 = arith.constant 1 : i32
      %eq3A_147 = arith.cmpi eq, %and3A_87, %eq3A_146 : i32
      %convert_element_type3A_148 = arith.extui %eq3A_147 : i1 to i32
      %cond3A_149 = arith.constant 0 : i32
      %cond3A_150 = arith.cmpi ne, %convert_element_type3A_148, %cond3A_149 : i32
      scf.if %cond3A_150 {
        %dma_start3A = arith.constant 208 : i32
        %dma_start3A_151 = arith.constant 0 : i32
        %dma_start3A_152 = tpu.memref_slice %arg13[%dma_start3A, %dma_start3A_151] : memref<416x128xf32, #tpu.memory_space<vmem>> -> memref<201x128xf32, #tpu.memory_space<vmem>>
        %dma_start3A_153 = arith.constant 0 : i32
        %dma_start3A_154 = arith.constant 0 : i32
        %dma_start3A_155 = tpu.memref_slice %arg6[%add3A_84, %dma_start3A_153, %dma_start3A_154] : memref<4096x201x128xf32, #tpu.memory_space<hbm>> -> memref<1x201x128xf32, #tpu.memory_space<hbm>>
        %dma_start3A_156 = tpu.memref_squeeze %dma_start3A_155 : memref<1x201x128xf32, #tpu.memory_space<hbm>> -> memref<201x128xf32, #tpu.memory_space<hbm>>
        %dma_start3A_157 = arith.constant 0 : i32
        %dma_start3A_158 = arith.constant 0 : i32
        %dma_start3A_159 = tpu.memref_slice %arg6[%add3A_84, %dma_start3A_157, %dma_start3A_158] : memref<4096x201x128xf32, #tpu.memory_space<hbm>> -> memref<1x201x128xf32, #tpu.memory_space<hbm>>
        %dma_start3A_160 = tpu.memref_squeeze %dma_start3A_159 : memref<1x201x128xf32, #tpu.memory_space<hbm>> -> memref<201x128xf32, #tpu.memory_space<hbm>>
        %dma_start3A_161 = arith.constant 208 : i32
        %dma_start3A_162 = arith.constant 0 : i32
        %dma_start3A_163 = tpu.memref_slice %arg13[%dma_start3A_161, %dma_start3A_162] : memref<416x128xf32, #tpu.memory_space<vmem>> -> memref<201x128xf32, #tpu.memory_space<vmem>>
        tpu.enqueue_dma source(%dma_start3A_163 : memref<201x128xf32, #tpu.memory_space<vmem>>) target(%dma_start3A_160 : memref<201x128xf32, #tpu.memory_space<hbm>>) target_semaphore(%arg16 : memref<!tpu.dma_semaphore, #tpu.memory_space<semaphore_mem>>)
        %dma_start3A_164 = arith.constant 208 : i32
        %dma_start3A_165 = arith.constant 0 : i32
        %dma_start3A_166 = tpu.memref_slice %arg14[%dma_start3A_164, %dma_start3A_165] : memref<416x128xf32, #tpu.memory_space<vmem>> -> memref<200x128xf32, #tpu.memory_space<vmem>>
        %dma_start3A_167 = arith.constant 0 : i32
        %dma_start3A_168 = arith.constant 0 : i32
        %dma_start3A_169 = tpu.memref_slice %arg7[%add3A_84, %dma_start3A_167, %dma_start3A_168] : memref<4096x200x128xf32, #tpu.memory_space<hbm>> -> memref<1x200x128xf32, #tpu.memory_space<hbm>>
        %dma_start3A_170 = tpu.memref_squeeze %dma_start3A_169 : memref<1x200x128xf32, #tpu.memory_space<hbm>> -> memref<200x128xf32, #tpu.memory_space<hbm>>
        %dma_start3A_171 = arith.constant 0 : i32
        %dma_start3A_172 = arith.constant 0 : i32
        %dma_start3A_173 = tpu.memref_slice %arg7[%add3A_84, %dma_start3A_171, %dma_start3A_172] : memref<4096x200x128xf32, #tpu.memory_space<hbm>> -> memref<1x200x128xf32, #tpu.memory_space<hbm>>
        %dma_start3A_174 = tpu.memref_squeeze %dma_start3A_173 : memref<1x200x128xf32, #tpu.memory_space<hbm>> -> memref<200x128xf32, #tpu.memory_space<hbm>>
        %dma_start3A_175 = arith.constant 208 : i32
        %dma_start3A_176 = arith.constant 0 : i32
        %dma_start3A_177 = tpu.memref_slice %arg14[%dma_start3A_175, %dma_start3A_176] : memref<416x128xf32, #tpu.memory_space<vmem>> -> memref<200x128xf32, #tpu.memory_space<vmem>>
        tpu.enqueue_dma source(%dma_start3A_177 : memref<200x128xf32, #tpu.memory_space<vmem>>) target(%dma_start3A_174 : memref<200x128xf32, #tpu.memory_space<hbm>>) target_semaphore(%arg18 : memref<!tpu.dma_semaphore, #tpu.memory_space<semaphore_mem>>)
      } else {
      }
    }
    %while3A_23 = arith.constant 1 : i32
    scf.for %while3A_81 = %while3A_21 to %while3A_17 step %while3A_23  : i32 {
      %mul3A_82 = arith.constant 128 : i32
      %mul3A_83 = arith.muli %add3A, %mul3A_82 : i32
      %add3A_84 = arith.addi %mul3A_83, %while3A_81 : i32
      %and3A = arith.constant 31 : i32
      %and3A_85 = arith.andi %while3A_81, %and3A : i32
      %and3A_86 = arith.constant 1 : i32
      %and3A_87 = arith.andi %while3A_81, %and3A_86 : i32
      %mul3A_88 = arith.constant 208 : i32
      %mul3A_89 = arith.muli %and3A_87, %mul3A_88 : i32
      %eq3A = arith.constant 0 : i32
      %eq3A_90 = arith.cmpi eq, %and3A_85, %eq3A : i32
      %convert_element_type3A = arith.extui %eq3A_90 : i1 to i32
      %cond3A = arith.constant 0 : i32
      %cond3A_91 = arith.cmpi ne, %convert_element_type3A, %cond3A : i32
      scf.if %cond3A_91 {
        %sub3A = arith.subi %add3A_84, %and3A_85 : i32
        %multiple_of3A = tpu.assume_multiple %sub3A, 32 : i32
        "tpu.region"() ({
          %run_scoped3A = tpu.sem_alloc : memref<!tpu.dma_semaphore, #tpu.memory_space<semaphore_mem>>
          %dma_start3A = arith.constant 0 : i32
          %dma_start3A_151 = tpu.memref_slice %arg2[%multiple_of3A, %dma_start3A] : memref<4096x208xi32, #tpu.memory_space<hbm>> -> memref<32x208xi32, #tpu.memory_space<hbm>>
          %dma_start3A_152 = arith.constant 0 : i32
          %dma_start3A_153 = tpu.memref_slice %arg2[%multiple_of3A, %dma_start3A_152] : memref<4096x208xi32, #tpu.memory_space<hbm>> -> memref<32x208xi32, #tpu.memory_space<hbm>>
          tpu.enqueue_dma source(%dma_start3A_153 : memref<32x208xi32, #tpu.memory_space<hbm>>) target(%arg10 : memref<32x208xi32, #tpu.memory_space<vmem>>) target_semaphore(%run_scoped3A : memref<!tpu.dma_semaphore, #tpu.memory_space<semaphore_mem>>)
          %dma_wait3A_154 = arith.constant 0 : i32
          %dma_wait3A_155 = tpu.memref_slice %arg2[%multiple_of3A, %dma_wait3A_154] : memref<4096x208xi32, #tpu.memory_space<hbm>> -> memref<32x208xi32, #tpu.memory_space<hbm>>
          %dma_wait3A_156 = arith.constant 0 : i32
          %dma_wait3A_157 = tpu.memref_slice %arg2[%multiple_of3A, %dma_wait3A_156] : memref<4096x208xi32, #tpu.memory_space<hbm>> -> memref<32x208xi32, #tpu.memory_space<hbm>>
          tpu.wait_dma2 semaphore(%run_scoped3A : memref<!tpu.dma_semaphore, #tpu.memory_space<semaphore_mem>>) src(%dma_wait3A_157 : memref<32x208xi32, #tpu.memory_space<hbm>>) dst(%arg10 : memref<32x208xi32, #tpu.memory_space<vmem>>)
          tpu.yield
        }) : () -> ()
      } else {
      }
      %ge3A = arith.constant 2 : i32
      %ge3A_92 = arith.cmpi sge, %while3A_81, %ge3A : i32
      %eq3A_93 = arith.constant 0 : i32
      %eq3A_94 = arith.cmpi eq, %and3A_87, %eq3A_93 : i32
      %and3A_95 = arith.andi %ge3A_92, %eq3A_94 : i1
      %convert_element_type3A_96 = arith.extui %and3A_95 : i1 to i32
      %cond3A_97 = arith.constant 0 : i32
      %cond3A_98 = arith.cmpi ne, %convert_element_type3A_96, %cond3A_97 : i32
      scf.if %cond3A_98 {
        %dma_wait3A_151 = arith.constant 0 : i32
        %dma_wait3A_152 = arith.constant 0 : i32
        %dma_wait3A_153 = tpu.memref_slice %arg13[%dma_wait3A_151, %dma_wait3A_152] : memref<416x128xf32, #tpu.memory_space<vmem>> -> memref<201x128xf32, #tpu.memory_space<vmem>>
        %dma_wait3A_154 = arith.constant 0 : i32
        %dma_wait3A_155 = arith.constant 0 : i32
        %dma_wait3A_156 = tpu.memref_slice %arg6[%add3A_84, %dma_wait3A_154, %dma_wait3A_155] : memref<4096x201x128xf32, #tpu.memory_space<hbm>> -> memref<1x201x128xf32, #tpu.memory_space<hbm>>
        %dma_wait3A_157 = tpu.memref_squeeze %dma_wait3A_156 : memref<1x201x128xf32, #tpu.memory_space<hbm>> -> memref<201x128xf32, #tpu.memory_space<hbm>>
        %dma_wait3A_158 = arith.constant 0 : i32
        %dma_wait3A_159 = arith.constant 0 : i32
        %dma_wait3A_160 = tpu.memref_slice %arg6[%add3A_84, %dma_wait3A_158, %dma_wait3A_159] : memref<4096x201x128xf32, #tpu.memory_space<hbm>> -> memref<1x201x128xf32, #tpu.memory_space<hbm>>
        %dma_wait3A_161 = tpu.memref_squeeze %dma_wait3A_160 : memref<1x201x128xf32, #tpu.memory_space<hbm>> -> memref<201x128xf32, #tpu.memory_space<hbm>>
        %dma_wait3A_162 = arith.constant 0 : i32
        %dma_wait3A_163 = arith.constant 0 : i32
        %dma_wait3A_164 = tpu.memref_slice %arg13[%dma_wait3A_162, %dma_wait3A_163] : memref<416x128xf32, #tpu.memory_space<vmem>> -> memref<201x128xf32, #tpu.memory_space<vmem>>
        tpu.wait_dma2 semaphore(%arg15 : memref<!tpu.dma_semaphore, #tpu.memory_space<semaphore_mem>>) src(%dma_wait3A_164 : memref<201x128xf32, #tpu.memory_space<vmem>>) dst(%dma_wait3A_161 : memref<201x128xf32, #tpu.memory_space<hbm>>)
        %dma_wait3A_165 = arith.constant 0 : i32
        %dma_wait3A_166 = arith.constant 0 : i32
        %dma_wait3A_167 = tpu.memref_slice %arg14[%dma_wait3A_165, %dma_wait3A_166] : memref<416x128xf32, #tpu.memory_space<vmem>> -> memref<200x128xf32, #tpu.memory_space<vmem>>
        %dma_wait3A_168 = arith.constant 0 : i32
        %dma_wait3A_169 = arith.constant 0 : i32
        %dma_wait3A_170 = tpu.memref_slice %arg7[%add3A_84, %dma_wait3A_168, %dma_wait3A_169] : memref<4096x200x128xf32, #tpu.memory_space<hbm>> -> memref<1x200x128xf32, #tpu.memory_space<hbm>>
        %dma_wait3A_171 = tpu.memref_squeeze %dma_wait3A_170 : memref<1x200x128xf32, #tpu.memory_space<hbm>> -> memref<200x128xf32, #tpu.memory_space<hbm>>
        %dma_wait3A_172 = arith.constant 0 : i32
        %dma_wait3A_173 = arith.constant 0 : i32
        %dma_wait3A_174 = tpu.memref_slice %arg7[%add3A_84, %dma_wait3A_172, %dma_wait3A_173] : memref<4096x200x128xf32, #tpu.memory_space<hbm>> -> memref<1x200x128xf32, #tpu.memory_space<hbm>>
        %dma_wait3A_175 = tpu.memref_squeeze %dma_wait3A_174 : memref<1x200x128xf32, #tpu.memory_space<hbm>> -> memref<200x128xf32, #tpu.memory_space<hbm>>
        %dma_wait3A_176 = arith.constant 0 : i32
        %dma_wait3A_177 = arith.constant 0 : i32
        %dma_wait3A_178 = tpu.memref_slice %arg14[%dma_wait3A_176, %dma_wait3A_177] : memref<416x128xf32, #tpu.memory_space<vmem>> -> memref<200x128xf32, #tpu.memory_space<vmem>>
        tpu.wait_dma2 semaphore(%arg17 : memref<!tpu.dma_semaphore, #tpu.memory_space<semaphore_mem>>) src(%dma_wait3A_178 : memref<200x128xf32, #tpu.memory_space<vmem>>) dst(%dma_wait3A_175 : memref<200x128xf32, #tpu.memory_space<hbm>>)
      } else {
      }
      %ge3A_99 = arith.constant 2 : i32
      %ge3A_100 = arith.cmpi sge, %while3A_81, %ge3A_99 : i32
      %eq3A_101 = arith.constant 1 : i32
      %eq3A_102 = arith.cmpi eq, %and3A_87, %eq3A_101 : i32
      %and3A_103 = arith.andi %ge3A_100, %eq3A_102 : i1
      %convert_element_type3A_104 = arith.extui %and3A_103 : i1 to i32
      %cond3A_105 = arith.constant 0 : i32
      %cond3A_106 = arith.cmpi ne, %convert_element_type3A_104, %cond3A_105 : i32
      scf.if %cond3A_106 {
        %dma_wait3A_151 = arith.constant 208 : i32
        %dma_wait3A_152 = arith.constant 0 : i32
        %dma_wait3A_153 = tpu.memref_slice %arg13[%dma_wait3A_151, %dma_wait3A_152] : memref<416x128xf32, #tpu.memory_space<vmem>> -> memref<201x128xf32, #tpu.memory_space<vmem>>
        %dma_wait3A_154 = arith.constant 0 : i32
        %dma_wait3A_155 = arith.constant 0 : i32
        %dma_wait3A_156 = tpu.memref_slice %arg6[%add3A_84, %dma_wait3A_154, %dma_wait3A_155] : memref<4096x201x128xf32, #tpu.memory_space<hbm>> -> memref<1x201x128xf32, #tpu.memory_space<hbm>>
        %dma_wait3A_157 = tpu.memref_squeeze %dma_wait3A_156 : memref<1x201x128xf32, #tpu.memory_space<hbm>> -> memref<201x128xf32, #tpu.memory_space<hbm>>
        %dma_wait3A_158 = arith.constant 0 : i32
        %dma_wait3A_159 = arith.constant 0 : i32
        %dma_wait3A_160 = tpu.memref_slice %arg6[%add3A_84, %dma_wait3A_158, %dma_wait3A_159] : memref<4096x201x128xf32, #tpu.memory_space<hbm>> -> memref<1x201x128xf32, #tpu.memory_space<hbm>>
        %dma_wait3A_161 = tpu.memref_squeeze %dma_wait3A_160 : memref<1x201x128xf32, #tpu.memory_space<hbm>> -> memref<201x128xf32, #tpu.memory_space<hbm>>
        %dma_wait3A_162 = arith.constant 208 : i32
        %dma_wait3A_163 = arith.constant 0 : i32
        %dma_wait3A_164 = tpu.memref_slice %arg13[%dma_wait3A_162, %dma_wait3A_163] : memref<416x128xf32, #tpu.memory_space<vmem>> -> memref<201x128xf32, #tpu.memory_space<vmem>>
        tpu.wait_dma2 semaphore(%arg16 : memref<!tpu.dma_semaphore, #tpu.memory_space<semaphore_mem>>) src(%dma_wait3A_164 : memref<201x128xf32, #tpu.memory_space<vmem>>) dst(%dma_wait3A_161 : memref<201x128xf32, #tpu.memory_space<hbm>>)
        %dma_wait3A_165 = arith.constant 208 : i32
        %dma_wait3A_166 = arith.constant 0 : i32
        %dma_wait3A_167 = tpu.memref_slice %arg14[%dma_wait3A_165, %dma_wait3A_166] : memref<416x128xf32, #tpu.memory_space<vmem>> -> memref<200x128xf32, #tpu.memory_space<vmem>>
        %dma_wait3A_168 = arith.constant 0 : i32
        %dma_wait3A_169 = arith.constant 0 : i32
        %dma_wait3A_170 = tpu.memref_slice %arg7[%add3A_84, %dma_wait3A_168, %dma_wait3A_169] : memref<4096x200x128xf32, #tpu.memory_space<hbm>> -> memref<1x200x128xf32, #tpu.memory_space<hbm>>
        %dma_wait3A_171 = tpu.memref_squeeze %dma_wait3A_170 : memref<1x200x128xf32, #tpu.memory_space<hbm>> -> memref<200x128xf32, #tpu.memory_space<hbm>>
        %dma_wait3A_172 = arith.constant 0 : i32
        %dma_wait3A_173 = arith.constant 0 : i32
        %dma_wait3A_174 = tpu.memref_slice %arg7[%add3A_84, %dma_wait3A_172, %dma_wait3A_173] : memref<4096x200x128xf32, #tpu.memory_space<hbm>> -> memref<1x200x128xf32, #tpu.memory_space<hbm>>
        %dma_wait3A_175 = tpu.memref_squeeze %dma_wait3A_174 : memref<1x200x128xf32, #tpu.memory_space<hbm>> -> memref<200x128xf32, #tpu.memory_space<hbm>>
        %dma_wait3A_176 = arith.constant 208 : i32
        %dma_wait3A_177 = arith.constant 0 : i32
        %dma_wait3A_178 = tpu.memref_slice %arg14[%dma_wait3A_176, %dma_wait3A_177] : memref<416x128xf32, #tpu.memory_space<vmem>> -> memref<200x128xf32, #tpu.memory_space<vmem>>
        tpu.wait_dma2 semaphore(%arg18 : memref<!tpu.dma_semaphore, #tpu.memory_space<semaphore_mem>>) src(%dma_wait3A_178 : memref<200x128xf32, #tpu.memory_space<vmem>>) dst(%dma_wait3A_175 : memref<200x128xf32, #tpu.memory_space<hbm>>)
      } else {
      }
      %broadcast_in_dim3A = arith.constant 0 : i32
      %broadcast_in_dim3A_107 = vector.broadcast %broadcast_in_dim3A : i32 to vector<16xi32>
      %add3A_108 = vector.broadcast %while3A_81 : i32 to vector<16xi32>
      %add3A_109 = arith.addi %broadcast_in_dim3A_107, %add3A_108 : vector<16xi32>
      %gather3A = tpu.vector_load_idx %arg12[%add3A_109] : memref<640xi32, #tpu.memory_space<vmem>>[vector<16xi32>], vector<16xi32>,
      %broadcast_in_dim3A_110 = arith.constant 128 : i32
      %broadcast_in_dim3A_111 = vector.broadcast %broadcast_in_dim3A_110 : i32 to vector<16xi32>
      %add3A_112 = vector.broadcast %while3A_81 : i32 to vector<16xi32>
      %add3A_113 = arith.addi %broadcast_in_dim3A_111, %add3A_112 : vector<16xi32>
      %gather3A_114 = tpu.vector_load_idx %arg12[%add3A_113] : memref<640xi32, #tpu.memory_space<vmem>>[vector<16xi32>], vector<16xi32>,
      %broadcast_in_dim3A_115 = arith.constant 256 : i32
      %broadcast_in_dim3A_116 = vector.broadcast %broadcast_in_dim3A_115 : i32 to vector<16xi32>
      %add3A_117 = vector.broadcast %while3A_81 : i32 to vector<16xi32>
      %add3A_118 = arith.addi %broadcast_in_dim3A_116, %add3A_117 : vector<16xi32>
      %gather3A_119 = tpu.vector_load_idx %arg12[%add3A_118] : memref<640xi32, #tpu.memory_space<vmem>>[vector<16xi32>], vector<16xi32>,
      %broadcast_in_dim3A_120 = arith.constant 384 : i32
      %broadcast_in_dim3A_121 = vector.broadcast %broadcast_in_dim3A_120 : i32 to vector<16xi32>
      %add3A_122 = vector.broadcast %while3A_81 : i32 to vector<16xi32>
      %add3A_123 = arith.addi %broadcast_in_dim3A_121, %add3A_122 : vector<16xi32>
      %gather3A_124 = tpu.vector_load_idx %arg12[%add3A_123] : memref<640xi32, #tpu.memory_space<vmem>>[vector<16xi32>], vector<16xi32>,
      %broadcast_in_dim3A_125 = arith.constant 512 : i32
      %broadcast_in_dim3A_126 = vector.broadcast %broadcast_in_dim3A_125 : i32 to vector<16xi32>
      %add3A_127 = vector.broadcast %while3A_81 : i32 to vector<16xi32>
      %add3A_128 = arith.addi %broadcast_in_dim3A_126, %add3A_127 : vector<16xi32>
      %gather3A_129 = tpu.vector_load_idx %arg12[%add3A_128] : memref<640xi32, #tpu.memory_space<vmem>>[vector<16xi32>], vector<16xi32>,
      %while3A_130 = arith.constant 0 : i64
      %while3A_131 = arith.constant 0 : i32
      %while3A_132 = arith.constant 13 : i32
      %while3A_133 = arith.subi %while3A_132, %while3A_131 : i32
      %while3A_134 = arith.addi %while3A_131, %while3A_133 : i32
      %while3A_135 = arith.constant 1 : i32
      %while3A_136 = arith.divsi %while3A_133, %while3A_135 : i32
      %while3A_137 = arith.muli %while3A_136, %while3A_135 : i32
      %while3A_138 = arith.addi %while3A_131, %while3A_137 : i32
      %while3A_139 = arith.constant 1 : i32
      scf.for %while3A_151 = %while3A_131 to %while3A_138 step %while3A_139  : i32 {
        %mul3A_152 = arith.constant 16 : i32
        %mul3A_153 = arith.muli %while3A_151, %mul3A_152 : i32
        %get3A = arith.index_cast %and3A_85 : i32 to index
        %get3A_154 = arith.index_cast %mul3A_153 : i32 to index
        %get3A_155 = tpu.vector_load %arg10[%get3A, %get3A_154] {strides = array<i32>} : memref<32x208xi32, #tpu.memory_space<vmem>>, vector<16xi32>,
        %shift_right_arithmetic3A = arith.constant 7 : i32
        %shift_right_arithmetic3A_156 = vector.broadcast %shift_right_arithmetic3A : i32 to vector<16xi32>
        %shift_right_arithmetic3A_157 = arith.shrsi %get3A_155, %shift_right_arithmetic3A_156 : vector<16xi32>
        %convert_element_type3A_158 = arith.sitofp %shift_right_arithmetic3A_157 : vector<16xi32> to vector<16xf32>
        %mul3A_159 = arith.constant 0.00148148148 : f32
        %mul3A_160 = vector.broadcast %mul3A_159 : f32 to vector<16xf32>
        %mul3A_161 = arith.mulf %convert_element_type3A_158, %mul3A_160 : vector<16xf32>
        %convert_element_type3A_162 = arith.fptosi %mul3A_161 : vector<16xf32> to vector<16xi32>
        %mul3A_163 = arith.constant 675 : i32
        %mul3A_164 = vector.broadcast %mul3A_163 : i32 to vector<16xi32>
        %mul3A_165 = arith.muli %convert_element_type3A_162, %mul3A_164 : vector<16xi32>
        %sub3A = arith.subi %shift_right_arithmetic3A_157, %mul3A_165 : vector<16xi32>
        %lt3A = arith.constant 0 : i32
        %lt3A_166 = vector.broadcast %lt3A : i32 to vector<16xi32>
        %lt3A_167 = arith.cmpi slt, %sub3A, %lt3A_166 : vector<16xi32>
        %sub3A_168 = arith.constant 1 : i32
        %sub3A_169 = vector.broadcast %sub3A_168 : i32 to vector<16xi32>
        %sub3A_170 = arith.subi %convert_element_type3A_162, %sub3A_169 : vector<16xi32>
        %select_n3A = arith.select %lt3A_167, %sub3A_170, %convert_element_type3A_162 : vector<16xi1>, vector<16xi32>
        %lt3A_171 = arith.constant 0 : i32
        %lt3A_172 = vector.broadcast %lt3A_171 : i32 to vector<16xi32>
        %lt3A_173 = arith.cmpi slt, %sub3A, %lt3A_172 : vector<16xi32>
        %add3A_174 = arith.constant 675 : i32
        %add3A_175 = vector.broadcast %add3A_174 : i32 to vector<16xi32>
        %add3A_176 = arith.addi %sub3A, %add3A_175 : vector<16xi32>
        %select_n3A_177 = arith.select %lt3A_173, %add3A_176, %sub3A : vector<16xi1>, vector<16xi32>
        %ge3A_178 = arith.constant 675 : i32
        %ge3A_179 = vector.broadcast %ge3A_178 : i32 to vector<16xi32>
        %ge3A_180 = arith.cmpi sge, %select_n3A_177, %ge3A_179 : vector<16xi32>
        %add3A_181 = arith.constant 1 : i32
        %add3A_182 = vector.broadcast %add3A_181 : i32 to vector<16xi32>
        %add3A_183 = arith.addi %select_n3A, %add3A_182 : vector<16xi32>
        %select_n3A_184 = arith.select %ge3A_180, %add3A_183, %select_n3A : vector<16xi1>, vector<16xi32>
        %mul3A_185 = arith.constant 86400 : i32
        %mul3A_186 = vector.broadcast %mul3A_185 : i32 to vector<16xi32>
        %mul3A_187 = arith.muli %select_n3A_184, %mul3A_186 : vector<16xi32>
        %sub3A_188 = arith.subi %get3A_155, %mul3A_187 : vector<16xi32>
        %convert_element_type3A_189 = arith.sitofp %sub3A_188 : vector<16xi32> to vector<16xf32>
        %mul3A_190 = arith.constant 2.77777785E-4 : f32
        %mul3A_191 = vector.broadcast %mul3A_190 : f32 to vector<16xf32>
        %mul3A_192 = arith.mulf %convert_element_type3A_189, %mul3A_191 : vector<16xf32>
        %convert_element_type3A_193 = arith.fptosi %mul3A_192 : vector<16xf32> to vector<16xi32>
        %mul3A_194 = arith.constant 3600 : i32
        %mul3A_195 = vector.broadcast %mul3A_194 : i32 to vector<16xi32>
        %mul3A_196 = arith.muli %convert_element_type3A_193, %mul3A_195 : vector<16xi32>
        %sub3A_197 = arith.subi %sub3A_188, %mul3A_196 : vector<16xi32>
        %lt3A_198 = arith.constant 0 : i32
        %lt3A_199 = vector.broadcast %lt3A_198 : i32 to vector<16xi32>
        %lt3A_200 = arith.cmpi slt, %sub3A_197, %lt3A_199 : vector<16xi32>
        %sub3A_201 = arith.constant 1 : i32
        %sub3A_202 = vector.broadcast %sub3A_201 : i32 to vector<16xi32>
        %sub3A_203 = arith.subi %convert_element_type3A_193, %sub3A_202 : vector<16xi32>
        %select_n3A_204 = arith.select %lt3A_200, %sub3A_203, %convert_element_type3A_193 : vector<16xi1>, vector<16xi32>
        %lt3A_205 = arith.constant 0 : i32
        %lt3A_206 = vector.broadcast %lt3A_205 : i32 to vector<16xi32>
        %lt3A_207 = arith.cmpi slt, %sub3A_197, %lt3A_206 : vector<16xi32>
        %add3A_208 = arith.constant 3600 : i32
        %add3A_209 = vector.broadcast %add3A_208 : i32 to vector<16xi32>
        %add3A_210 = arith.addi %sub3A_197, %add3A_209 : vector<16xi32>
        %select_n3A_211 = arith.select %lt3A_207, %add3A_210, %sub3A_197 : vector<16xi1>, vector<16xi32>
        %ge3A_212 = arith.constant 3600 : i32
        %ge3A_213 = vector.broadcast %ge3A_212 : i32 to vector<16xi32>
        %ge3A_214 = arith.cmpi sge, %select_n3A_211, %ge3A_213 : vector<16xi32>
        %add3A_215 = arith.constant 1 : i32
        %add3A_216 = vector.broadcast %add3A_215 : i32 to vector<16xi32>
        %add3A_217 = arith.addi %select_n3A_204, %add3A_216 : vector<16xi32>
        %select_n3A_218 = arith.select %ge3A_214, %add3A_217, %select_n3A_204 : vector<16xi1>, vector<16xi32>
        %mul3A_219 = arith.constant 3600 : i32
        %mul3A_220 = vector.broadcast %mul3A_219 : i32 to vector<16xi32>
        %mul3A_221 = arith.muli %select_n3A_218, %mul3A_220 : vector<16xi32>
        %sub3A_222 = arith.subi %sub3A_188, %mul3A_221 : vector<16xi32>
        %convert_element_type3A_223 = arith.sitofp %sub3A_222 : vector<16xi32> to vector<16xf32>
        %mul3A_224 = arith.constant 0.0166666675 : f32
        %mul3A_225 = vector.broadcast %mul3A_224 : f32 to vector<16xf32>
        %mul3A_226 = arith.mulf %convert_element_type3A_223, %mul3A_225 : vector<16xf32>
        %convert_element_type3A_227 = arith.fptosi %mul3A_226 : vector<16xf32> to vector<16xi32>
        %mul3A_228 = arith.constant 60 : i32
        %mul3A_229 = vector.broadcast %mul3A_228 : i32 to vector<16xi32>
        %mul3A_230 = arith.muli %convert_element_type3A_227, %mul3A_229 : vector<16xi32>
        %sub3A_231 = arith.subi %sub3A_222, %mul3A_230 : vector<16xi32>
        %lt3A_232 = arith.constant 0 : i32
        %lt3A_233 = vector.broadcast %lt3A_232 : i32 to vector<16xi32>
        %lt3A_234 = arith.cmpi slt, %sub3A_231, %lt3A_233 : vector<16xi32>
        %sub3A_235 = arith.constant 1 : i32
        %sub3A_236 = vector.broadcast %sub3A_235 : i32 to vector<16xi32>
        %sub3A_237 = arith.subi %convert_element_type3A_227, %sub3A_236 : vector<16xi32>
        %select_n3A_238 = arith.select %lt3A_234, %sub3A_237, %convert_element_type3A_227 : vector<16xi1>, vector<16xi32>
        %lt3A_239 = arith.constant 0 : i32
        %lt3A_240 = vector.broadcast %lt3A_239 : i32 to vector<16xi32>
        %lt3A_241 = arith.cmpi slt, %sub3A_231, %lt3A_240 : vector<16xi32>
        %add3A_242 = arith.constant 60 : i32
        %add3A_243 = vector.broadcast %add3A_242 : i32 to vector<16xi32>
        %add3A_244 = arith.addi %sub3A_231, %add3A_243 : vector<16xi32>
        %select_n3A_245 = arith.select %lt3A_241, %add3A_244, %sub3A_231 : vector<16xi1>, vector<16xi32>
        %ge3A_246 = arith.constant 60 : i32
        %ge3A_247 = vector.broadcast %ge3A_246 : i32 to vector<16xi32>
        %ge3A_248 = arith.cmpi sge, %select_n3A_245, %ge3A_247 : vector<16xi32>
        %add3A_249 = arith.constant 1 : i32
        %add3A_250 = vector.broadcast %add3A_249 : i32 to vector<16xi32>
        %add3A_251 = arith.addi %select_n3A_238, %add3A_250 : vector<16xi32>
        %select_n3A_252 = arith.select %ge3A_248, %add3A_251, %select_n3A_238 : vector<16xi1>, vector<16xi32>
        %add3A_253 = arith.constant 3 : i32
        %add3A_254 = vector.broadcast %add3A_253 : i32 to vector<16xi32>
        %add3A_255 = arith.addi %select_n3A_184, %add3A_254 : vector<16xi32>
        %convert_element_type3A_256 = arith.sitofp %add3A_255 : vector<16xi32> to vector<16xf32>
        %mul3A_257 = arith.constant 0.142857149 : f32
        %mul3A_258 = vector.broadcast %mul3A_257 : f32 to vector<16xf32>
        %mul3A_259 = arith.mulf %convert_element_type3A_256, %mul3A_258 : vector<16xf32>
        %convert_element_type3A_260 = arith.fptosi %mul3A_259 : vector<16xf32> to vector<16xi32>
        %mul3A_261 = arith.constant 7 : i32
        %mul3A_262 = vector.broadcast %mul3A_261 : i32 to vector<16xi32>
        %mul3A_263 = arith.muli %convert_element_type3A_260, %mul3A_262 : vector<16xi32>
        %sub3A_264 = arith.subi %add3A_255, %mul3A_263 : vector<16xi32>
        %lt3A_265 = arith.constant 0 : i32
        %lt3A_266 = vector.broadcast %lt3A_265 : i32 to vector<16xi32>
        %lt3A_267 = arith.cmpi slt, %sub3A_264, %lt3A_266 : vector<16xi32>
        %sub3A_268 = arith.constant 1 : i32
        %sub3A_269 = vector.broadcast %sub3A_268 : i32 to vector<16xi32>
        %sub3A_270 = arith.subi %convert_element_type3A_260, %sub3A_269 : vector<16xi32>
        %select_n3A_271 = arith.select %lt3A_267, %sub3A_270, %convert_element_type3A_260 : vector<16xi1>, vector<16xi32>
        %lt3A_272 = arith.constant 0 : i32
        %lt3A_273 = vector.broadcast %lt3A_272 : i32 to vector<16xi32>
        %lt3A_274 = arith.cmpi slt, %sub3A_264, %lt3A_273 : vector<16xi32>
        %add3A_275 = arith.constant 7 : i32
        %add3A_276 = vector.broadcast %add3A_275 : i32 to vector<16xi32>
        %add3A_277 = arith.addi %sub3A_264, %add3A_276 : vector<16xi32>
        %select_n3A_278 = arith.select %lt3A_274, %add3A_277, %sub3A_264 : vector<16xi1>, vector<16xi32>
        %ge3A_279 = arith.constant 7 : i32
        %ge3A_280 = vector.broadcast %ge3A_279 : i32 to vector<16xi32>
        %ge3A_281 = arith.cmpi sge, %select_n3A_278, %ge3A_280 : vector<16xi32>
        %add3A_282 = arith.constant 1 : i32
        %add3A_283 = vector.broadcast %add3A_282 : i32 to vector<16xi32>
        %add3A_284 = arith.addi %select_n3A_271, %add3A_283 : vector<16xi32>
        %select_n3A_285 = arith.select %ge3A_281, %add3A_284, %select_n3A_271 : vector<16xi1>, vector<16xi32>
        %mul3A_286 = arith.constant 7 : i32
        %mul3A_287 = vector.broadcast %mul3A_286 : i32 to vector<16xi32>
        %mul3A_288 = arith.muli %select_n3A_285, %mul3A_287 : vector<16xi32>
        %sub3A_289 = arith.subi %add3A_255, %mul3A_288 : vector<16xi32>
        %add3A_290 = arith.constant 719468 : i32
        %add3A_291 = vector.broadcast %add3A_290 : i32 to vector<16xi32>
        %add3A_292 = arith.addi %select_n3A_184, %add3A_291 : vector<16xi32>
        %convert_element_type3A_293 = arith.sitofp %add3A_292 : vector<16xi32> to vector<16xf32>
        %mul3A_294 = arith.constant 6.84476754E-6 : f32
        %mul3A_295 = vector.broadcast %mul3A_294 : f32 to vector<16xf32>
        %mul3A_296 = arith.mulf %convert_element_type3A_293, %mul3A_295 : vector<16xf32>
        %convert_element_type3A_297 = arith.fptosi %mul3A_296 : vector<16xf32> to vector<16xi32>
        %mul3A_298 = arith.constant 146097 : i32
        %mul3A_299 = vector.broadcast %mul3A_298 : i32 to vector<16xi32>
        %mul3A_300 = arith.muli %convert_element_type3A_297, %mul3A_299 : vector<16xi32>
        %sub3A_301 = arith.subi %add3A_292, %mul3A_300 : vector<16xi32>
        %lt3A_302 = arith.constant 0 : i32
        %lt3A_303 = vector.broadcast %lt3A_302 : i32 to vector<16xi32>
        %lt3A_304 = arith.cmpi slt, %sub3A_301, %lt3A_303 : vector<16xi32>
        %sub3A_305 = arith.constant 1 : i32
        %sub3A_306 = vector.broadcast %sub3A_305 : i32 to vector<16xi32>
        %sub3A_307 = arith.subi %convert_element_type3A_297, %sub3A_306 : vector<16xi32>
        %select_n3A_308 = arith.select %lt3A_304, %sub3A_307, %convert_element_type3A_297 : vector<16xi1>, vector<16xi32>
        %lt3A_309 = arith.constant 0 : i32
        %lt3A_310 = vector.broadcast %lt3A_309 : i32 to vector<16xi32>
        %lt3A_311 = arith.cmpi slt, %sub3A_301, %lt3A_310 : vector<16xi32>
        %add3A_312 = arith.constant 146097 : i32
        %add3A_313 = vector.broadcast %add3A_312 : i32 to vector<16xi32>
        %add3A_314 = arith.addi %sub3A_301, %add3A_313 : vector<16xi32>
        %select_n3A_315 = arith.select %lt3A_311, %add3A_314, %sub3A_301 : vector<16xi1>, vector<16xi32>
        %ge3A_316 = arith.constant 146097 : i32
        %ge3A_317 = vector.broadcast %ge3A_316 : i32 to vector<16xi32>
        %ge3A_318 = arith.cmpi sge, %select_n3A_315, %ge3A_317 : vector<16xi32>
        %add3A_319 = arith.constant 1 : i32
        %add3A_320 = vector.broadcast %add3A_319 : i32 to vector<16xi32>
        %add3A_321 = arith.addi %select_n3A_308, %add3A_320 : vector<16xi32>
        %select_n3A_322 = arith.select %ge3A_318, %add3A_321, %select_n3A_308 : vector<16xi1>, vector<16xi32>
        %mul3A_323 = arith.constant 146097 : i32
        %mul3A_324 = vector.broadcast %mul3A_323 : i32 to vector<16xi32>
        %mul3A_325 = arith.muli %select_n3A_322, %mul3A_324 : vector<16xi32>
        %sub3A_326 = arith.subi %add3A_292, %mul3A_325 : vector<16xi32>
        %convert_element_type3A_327 = arith.sitofp %sub3A_326 : vector<16xi32> to vector<16xf32>
        %mul3A_328 = arith.constant 6.84931525E-4 : f32
        %mul3A_329 = vector.broadcast %mul3A_328 : f32 to vector<16xf32>
        %mul3A_330 = arith.mulf %convert_element_type3A_327, %mul3A_329 : vector<16xf32>
        %convert_element_type3A_331 = arith.fptosi %mul3A_330 : vector<16xf32> to vector<16xi32>
        %mul3A_332 = arith.constant 1460 : i32
        %mul3A_333 = vector.broadcast %mul3A_332 : i32 to vector<16xi32>
        %mul3A_334 = arith.muli %convert_element_type3A_331, %mul3A_333 : vector<16xi32>
        %sub3A_335 = arith.subi %sub3A_326, %mul3A_334 : vector<16xi32>
        %lt3A_336 = arith.constant 0 : i32
        %lt3A_337 = vector.broadcast %lt3A_336 : i32 to vector<16xi32>
        %lt3A_338 = arith.cmpi slt, %sub3A_335, %lt3A_337 : vector<16xi32>
        %sub3A_339 = arith.constant 1 : i32
        %sub3A_340 = vector.broadcast %sub3A_339 : i32 to vector<16xi32>
        %sub3A_341 = arith.subi %convert_element_type3A_331, %sub3A_340 : vector<16xi32>
        %select_n3A_342 = arith.select %lt3A_338, %sub3A_341, %convert_element_type3A_331 : vector<16xi1>, vector<16xi32>
        %lt3A_343 = arith.constant 0 : i32
        %lt3A_344 = vector.broadcast %lt3A_343 : i32 to vector<16xi32>
        %lt3A_345 = arith.cmpi slt, %sub3A_335, %lt3A_344 : vector<16xi32>
        %add3A_346 = arith.constant 1460 : i32
        %add3A_347 = vector.broadcast %add3A_346 : i32 to vector<16xi32>
        %add3A_348 = arith.addi %sub3A_335, %add3A_347 : vector<16xi32>
        %select_n3A_349 = arith.select %lt3A_345, %add3A_348, %sub3A_335 : vector<16xi1>, vector<16xi32>
        %ge3A_350 = arith.constant 1460 : i32
        %ge3A_351 = vector.broadcast %ge3A_350 : i32 to vector<16xi32>
        %ge3A_352 = arith.cmpi sge, %select_n3A_349, %ge3A_351 : vector<16xi32>
        %add3A_353 = arith.constant 1 : i32
        %add3A_354 = vector.broadcast %add3A_353 : i32 to vector<16xi32>
        %add3A_355 = arith.addi %select_n3A_342, %add3A_354 : vector<16xi32>
        %select_n3A_356 = arith.select %ge3A_352, %add3A_355, %select_n3A_342 : vector<16xi1>, vector<16xi32>
        %sub3A_357 = arith.subi %sub3A_326, %select_n3A_356 : vector<16xi32>
        %convert_element_type3A_358 = arith.sitofp %sub3A_326 : vector<16xi32> to vector<16xf32>
        %mul3A_359 = arith.constant 2.73792575E-5 : f32
        %mul3A_360 = vector.broadcast %mul3A_359 : f32 to vector<16xf32>
        %mul3A_361 = arith.mulf %convert_element_type3A_358, %mul3A_360 : vector<16xf32>
        %convert_element_type3A_362 = arith.fptosi %mul3A_361 : vector<16xf32> to vector<16xi32>
        %mul3A_363 = arith.constant 36524 : i32
        %mul3A_364 = vector.broadcast %mul3A_363 : i32 to vector<16xi32>
        %mul3A_365 = arith.muli %convert_element_type3A_362, %mul3A_364 : vector<16xi32>
        %sub3A_366 = arith.subi %sub3A_326, %mul3A_365 : vector<16xi32>
        %lt3A_367 = arith.constant 0 : i32
        %lt3A_368 = vector.broadcast %lt3A_367 : i32 to vector<16xi32>
        %lt3A_369 = arith.cmpi slt, %sub3A_366, %lt3A_368 : vector<16xi32>
        %sub3A_370 = arith.constant 1 : i32
        %sub3A_371 = vector.broadcast %sub3A_370 : i32 to vector<16xi32>
        %sub3A_372 = arith.subi %convert_element_type3A_362, %sub3A_371 : vector<16xi32>
        %select_n3A_373 = arith.select %lt3A_369, %sub3A_372, %convert_element_type3A_362 : vector<16xi1>, vector<16xi32>
        %lt3A_374 = arith.constant 0 : i32
        %lt3A_375 = vector.broadcast %lt3A_374 : i32 to vector<16xi32>
        %lt3A_376 = arith.cmpi slt, %sub3A_366, %lt3A_375 : vector<16xi32>
        %add3A_377 = arith.constant 36524 : i32
        %add3A_378 = vector.broadcast %add3A_377 : i32 to vector<16xi32>
        %add3A_379 = arith.addi %sub3A_366, %add3A_378 : vector<16xi32>
        %select_n3A_380 = arith.select %lt3A_376, %add3A_379, %sub3A_366 : vector<16xi1>, vector<16xi32>
        %ge3A_381 = arith.constant 36524 : i32
        %ge3A_382 = vector.broadcast %ge3A_381 : i32 to vector<16xi32>
        %ge3A_383 = arith.cmpi sge, %select_n3A_380, %ge3A_382 : vector<16xi32>
        %add3A_384 = arith.constant 1 : i32
        %add3A_385 = vector.broadcast %add3A_384 : i32 to vector<16xi32>
        %add3A_386 = arith.addi %select_n3A_373, %add3A_385 : vector<16xi32>
        %select_n3A_387 = arith.select %ge3A_383, %add3A_386, %select_n3A_373 : vector<16xi1>, vector<16xi32>
        %add3A_388 = arith.addi %sub3A_357, %select_n3A_387 : vector<16xi32>
        %convert_element_type3A_389 = arith.sitofp %sub3A_326 : vector<16xi32> to vector<16xf32>
        %mul3A_390 = arith.constant 6.84481438E-6 : f32
        %mul3A_391 = vector.broadcast %mul3A_390 : f32 to vector<16xf32>
        %mul3A_392 = arith.mulf %convert_element_type3A_389, %mul3A_391 : vector<16xf32>
        %convert_element_type3A_393 = arith.fptosi %mul3A_392 : vector<16xf32> to vector<16xi32>
        %mul3A_394 = arith.constant 146096 : i32
        %mul3A_395 = vector.broadcast %mul3A_394 : i32 to vector<16xi32>
        %mul3A_396 = arith.muli %convert_element_type3A_393, %mul3A_395 : vector<16xi32>
        %sub3A_397 = arith.subi %sub3A_326, %mul3A_396 : vector<16xi32>
        %lt3A_398 = arith.constant 0 : i32
        %lt3A_399 = vector.broadcast %lt3A_398 : i32 to vector<16xi32>
        %lt3A_400 = arith.cmpi slt, %sub3A_397, %lt3A_399 : vector<16xi32>
        %sub3A_401 = arith.constant 1 : i32
        %sub3A_402 = vector.broadcast %sub3A_401 : i32 to vector<16xi32>
        %sub3A_403 = arith.subi %convert_element_type3A_393, %sub3A_402 : vector<16xi32>
        %select_n3A_404 = arith.select %lt3A_400, %sub3A_403, %convert_element_type3A_393 : vector<16xi1>, vector<16xi32>
        %lt3A_405 = arith.constant 0 : i32
        %lt3A_406 = vector.broadcast %lt3A_405 : i32 to vector<16xi32>
        %lt3A_407 = arith.cmpi slt, %sub3A_397, %lt3A_406 : vector<16xi32>
        %add3A_408 = arith.constant 146096 : i32
        %add3A_409 = vector.broadcast %add3A_408 : i32 to vector<16xi32>
        %add3A_410 = arith.addi %sub3A_397, %add3A_409 : vector<16xi32>
        %select_n3A_411 = arith.select %lt3A_407, %add3A_410, %sub3A_397 : vector<16xi1>, vector<16xi32>
        %ge3A_412 = arith.constant 146096 : i32
        %ge3A_413 = vector.broadcast %ge3A_412 : i32 to vector<16xi32>
        %ge3A_414 = arith.cmpi sge, %select_n3A_411, %ge3A_413 : vector<16xi32>
        %add3A_415 = arith.constant 1 : i32
        %add3A_416 = vector.broadcast %add3A_415 : i32 to vector<16xi32>
        %add3A_417 = arith.addi %select_n3A_404, %add3A_416 : vector<16xi32>
        %select_n3A_418 = arith.select %ge3A_414, %add3A_417, %select_n3A_404 : vector<16xi1>, vector<16xi32>
        %sub3A_419 = arith.subi %add3A_388, %select_n3A_418 : vector<16xi32>
        %convert_element_type3A_420 = arith.sitofp %sub3A_419 : vector<16xi32> to vector<16xf32>
        %mul3A_421 = arith.constant 0.0027397261 : f32
        %mul3A_422 = vector.broadcast %mul3A_421 : f32 to vector<16xf32>
        %mul3A_423 = arith.mulf %convert_element_type3A_420, %mul3A_422 : vector<16xf32>
        %convert_element_type3A_424 = arith.fptosi %mul3A_423 : vector<16xf32> to vector<16xi32>
        %mul3A_425 = arith.constant 365 : i32
        %mul3A_426 = vector.broadcast %mul3A_425 : i32 to vector<16xi32>
        %mul3A_427 = arith.muli %convert_element_type3A_424, %mul3A_426 : vector<16xi32>
        %sub3A_428 = arith.subi %sub3A_419, %mul3A_427 : vector<16xi32>
        %lt3A_429 = arith.constant 0 : i32
        %lt3A_430 = vector.broadcast %lt3A_429 : i32 to vector<16xi32>
        %lt3A_431 = arith.cmpi slt, %sub3A_428, %lt3A_430 : vector<16xi32>
        %sub3A_432 = arith.constant 1 : i32
        %sub3A_433 = vector.broadcast %sub3A_432 : i32 to vector<16xi32>
        %sub3A_434 = arith.subi %convert_element_type3A_424, %sub3A_433 : vector<16xi32>
        %select_n3A_435 = arith.select %lt3A_431, %sub3A_434, %convert_element_type3A_424 : vector<16xi1>, vector<16xi32>
        %lt3A_436 = arith.constant 0 : i32
        %lt3A_437 = vector.broadcast %lt3A_436 : i32 to vector<16xi32>
        %lt3A_438 = arith.cmpi slt, %sub3A_428, %lt3A_437 : vector<16xi32>
        %add3A_439 = arith.constant 365 : i32
        %add3A_440 = vector.broadcast %add3A_439 : i32 to vector<16xi32>
        %add3A_441 = arith.addi %sub3A_428, %add3A_440 : vector<16xi32>
        %select_n3A_442 = arith.select %lt3A_438, %add3A_441, %sub3A_428 : vector<16xi1>, vector<16xi32>
        %ge3A_443 = arith.constant 365 : i32
        %ge3A_444 = vector.broadcast %ge3A_443 : i32 to vector<16xi32>
        %ge3A_445 = arith.cmpi sge, %select_n3A_442, %ge3A_444 : vector<16xi32>
        %add3A_446 = arith.constant 1 : i32
        %add3A_447 = vector.broadcast %add3A_446 : i32 to vector<16xi32>
        %add3A_448 = arith.addi %select_n3A_435, %add3A_447 : vector<16xi32>
        %select_n3A_449 = arith.select %ge3A_445, %add3A_448, %select_n3A_435 : vector<16xi1>, vector<16xi32>
        %mul3A_450 = arith.constant 365 : i32
        %mul3A_451 = vector.broadcast %mul3A_450 : i32 to vector<16xi32>
        %mul3A_452 = arith.muli %mul3A_451, %select_n3A_449 : vector<16xi32>
        %convert_element_type3A_453 = arith.sitofp %select_n3A_449 : vector<16xi32> to vector<16xf32>
        %mul3A_454 = arith.constant 2.500000e-01 : f32
        %mul3A_455 = vector.broadcast %mul3A_454 : f32 to vector<16xf32>
        %mul3A_456 = arith.mulf %convert_element_type3A_453, %mul3A_455 : vector<16xf32>
        %convert_element_type3A_457 = arith.fptosi %mul3A_456 : vector<16xf32> to vector<16xi32>
        %mul3A_458 = arith.constant 4 : i32
        %mul3A_459 = vector.broadcast %mul3A_458 : i32 to vector<16xi32>
        %mul3A_460 = arith.muli %convert_element_type3A_457, %mul3A_459 : vector<16xi32>
        %sub3A_461 = arith.subi %select_n3A_449, %mul3A_460 : vector<16xi32>
        %lt3A_462 = arith.constant 0 : i32
        %lt3A_463 = vector.broadcast %lt3A_462 : i32 to vector<16xi32>
        %lt3A_464 = arith.cmpi slt, %sub3A_461, %lt3A_463 : vector<16xi32>
        %sub3A_465 = arith.constant 1 : i32
        %sub3A_466 = vector.broadcast %sub3A_465 : i32 to vector<16xi32>
        %sub3A_467 = arith.subi %convert_element_type3A_457, %sub3A_466 : vector<16xi32>
        %select_n3A_468 = arith.select %lt3A_464, %sub3A_467, %convert_element_type3A_457 : vector<16xi1>, vector<16xi32>
        %lt3A_469 = arith.constant 0 : i32
        %lt3A_470 = vector.broadcast %lt3A_469 : i32 to vector<16xi32>
        %lt3A_471 = arith.cmpi slt, %sub3A_461, %lt3A_470 : vector<16xi32>
        %add3A_472 = arith.constant 4 : i32
        %add3A_473 = vector.broadcast %add3A_472 : i32 to vector<16xi32>
        %add3A_474 = arith.addi %sub3A_461, %add3A_473 : vector<16xi32>
        %select_n3A_475 = arith.select %lt3A_471, %add3A_474, %sub3A_461 : vector<16xi1>, vector<16xi32>
        %ge3A_476 = arith.constant 4 : i32
        %ge3A_477 = vector.broadcast %ge3A_476 : i32 to vector<16xi32>
        %ge3A_478 = arith.cmpi sge, %select_n3A_475, %ge3A_477 : vector<16xi32>
        %add3A_479 = arith.constant 1 : i32
        %add3A_480 = vector.broadcast %add3A_479 : i32 to vector<16xi32>
        %add3A_481 = arith.addi %select_n3A_468, %add3A_480 : vector<16xi32>
        %select_n3A_482 = arith.select %ge3A_478, %add3A_481, %select_n3A_468 : vector<16xi1>, vector<16xi32>
        %add3A_483 = arith.addi %mul3A_452, %select_n3A_482 : vector<16xi32>
        %convert_element_type3A_484 = arith.sitofp %select_n3A_449 : vector<16xi32> to vector<16xf32>
        %mul3A_485 = arith.constant 0.00999999977 : f32
        %mul3A_486 = vector.broadcast %mul3A_485 : f32 to vector<16xf32>
        %mul3A_487 = arith.mulf %convert_element_type3A_484, %mul3A_486 : vector<16xf32>
        %convert_element_type3A_488 = arith.fptosi %mul3A_487 : vector<16xf32> to vector<16xi32>
        %mul3A_489 = arith.constant 100 : i32
        %mul3A_490 = vector.broadcast %mul3A_489 : i32 to vector<16xi32>
        %mul3A_491 = arith.muli %convert_element_type3A_488, %mul3A_490 : vector<16xi32>
        %sub3A_492 = arith.subi %select_n3A_449, %mul3A_491 : vector<16xi32>
        %lt3A_493 = arith.constant 0 : i32
        %lt3A_494 = vector.broadcast %lt3A_493 : i32 to vector<16xi32>
        %lt3A_495 = arith.cmpi slt, %sub3A_492, %lt3A_494 : vector<16xi32>
        %sub3A_496 = arith.constant 1 : i32
        %sub3A_497 = vector.broadcast %sub3A_496 : i32 to vector<16xi32>
        %sub3A_498 = arith.subi %convert_element_type3A_488, %sub3A_497 : vector<16xi32>
        %select_n3A_499 = arith.select %lt3A_495, %sub3A_498, %convert_element_type3A_488 : vector<16xi1>, vector<16xi32>
        %lt3A_500 = arith.constant 0 : i32
        %lt3A_501 = vector.broadcast %lt3A_500 : i32 to vector<16xi32>
        %lt3A_502 = arith.cmpi slt, %sub3A_492, %lt3A_501 : vector<16xi32>
        %add3A_503 = arith.constant 100 : i32
        %add3A_504 = vector.broadcast %add3A_503 : i32 to vector<16xi32>
        %add3A_505 = arith.addi %sub3A_492, %add3A_504 : vector<16xi32>
        %select_n3A_506 = arith.select %lt3A_502, %add3A_505, %sub3A_492 : vector<16xi1>, vector<16xi32>
        %ge3A_507 = arith.constant 100 : i32
        %ge3A_508 = vector.broadcast %ge3A_507 : i32 to vector<16xi32>
        %ge3A_509 = arith.cmpi sge, %select_n3A_506, %ge3A_508 : vector<16xi32>
        %add3A_510 = arith.constant 1 : i32
        %add3A_511 = vector.broadcast %add3A_510 : i32 to vector<16xi32>
        %add3A_512 = arith.addi %select_n3A_499, %add3A_511 : vector<16xi32>
        %select_n3A_513 = arith.select %ge3A_509, %add3A_512, %select_n3A_499 : vector<16xi1>, vector<16xi32>
        %sub3A_514 = arith.subi %add3A_483, %select_n3A_513 : vector<16xi32>
        %sub3A_515 = arith.subi %sub3A_326, %sub3A_514 : vector<16xi32>
        %mul3A_516 = arith.constant 5 : i32
        %mul3A_517 = vector.broadcast %mul3A_516 : i32 to vector<16xi32>
        %mul3A_518 = arith.muli %mul3A_517, %sub3A_515 : vector<16xi32>
        %add3A_519 = arith.constant 2 : i32
        %add3A_520 = vector.broadcast %add3A_519 : i32 to vector<16xi32>
        %add3A_521 = arith.addi %mul3A_518, %add3A_520 : vector<16xi32>
        %convert_element_type3A_522 = arith.sitofp %add3A_521 : vector<16xi32> to vector<16xf32>
        %mul3A_523 = arith.constant 0.00653594779 : f32
        %mul3A_524 = vector.broadcast %mul3A_523 : f32 to vector<16xf32>
        %mul3A_525 = arith.mulf %convert_element_type3A_522, %mul3A_524 : vector<16xf32>
        %convert_element_type3A_526 = arith.fptosi %mul3A_525 : vector<16xf32> to vector<16xi32>
        %mul3A_527 = arith.constant 153 : i32
        %mul3A_528 = vector.broadcast %mul3A_527 : i32 to vector<16xi32>
        %mul3A_529 = arith.muli %convert_element_type3A_526, %mul3A_528 : vector<16xi32>
        %sub3A_530 = arith.subi %add3A_521, %mul3A_529 : vector<16xi32>
        %lt3A_531 = arith.constant 0 : i32
        %lt3A_532 = vector.broadcast %lt3A_531 : i32 to vector<16xi32>
        %lt3A_533 = arith.cmpi slt, %sub3A_530, %lt3A_532 : vector<16xi32>
        %sub3A_534 = arith.constant 1 : i32
        %sub3A_535 = vector.broadcast %sub3A_534 : i32 to vector<16xi32>
        %sub3A_536 = arith.subi %convert_element_type3A_526, %sub3A_535 : vector<16xi32>
        %select_n3A_537 = arith.select %lt3A_533, %sub3A_536, %convert_element_type3A_526 : vector<16xi1>, vector<16xi32>
        %lt3A_538 = arith.constant 0 : i32
        %lt3A_539 = vector.broadcast %lt3A_538 : i32 to vector<16xi32>
        %lt3A_540 = arith.cmpi slt, %sub3A_530, %lt3A_539 : vector<16xi32>
        %add3A_541 = arith.constant 153 : i32
        %add3A_542 = vector.broadcast %add3A_541 : i32 to vector<16xi32>
        %add3A_543 = arith.addi %sub3A_530, %add3A_542 : vector<16xi32>
        %select_n3A_544 = arith.select %lt3A_540, %add3A_543, %sub3A_530 : vector<16xi1>, vector<16xi32>
        %ge3A_545 = arith.constant 153 : i32
        %ge3A_546 = vector.broadcast %ge3A_545 : i32 to vector<16xi32>
        %ge3A_547 = arith.cmpi sge, %select_n3A_544, %ge3A_546 : vector<16xi32>
        %add3A_548 = arith.constant 1 : i32
        %add3A_549 = vector.broadcast %add3A_548 : i32 to vector<16xi32>
        %add3A_550 = arith.addi %select_n3A_537, %add3A_549 : vector<16xi32>
        %select_n3A_551 = arith.select %ge3A_547, %add3A_550, %select_n3A_537 : vector<16xi1>, vector<16xi32>
        %mul3A_552 = arith.constant 153 : i32
        %mul3A_553 = vector.broadcast %mul3A_552 : i32 to vector<16xi32>
        %mul3A_554 = arith.muli %mul3A_553, %select_n3A_551 : vector<16xi32>
        %add3A_555 = arith.constant 2 : i32
        %add3A_556 = vector.broadcast %add3A_555 : i32 to vector<16xi32>
        %add3A_557 = arith.addi %mul3A_554, %add3A_556 : vector<16xi32>
        %convert_element_type3A_558 = arith.sitofp %add3A_557 : vector<16xi32> to vector<16xf32>
        %mul3A_559 = arith.constant 2.000000e-01 : f32
        %mul3A_560 = vector.broadcast %mul3A_559 : f32 to vector<16xf32>
        %mul3A_561 = arith.mulf %convert_element_type3A_558, %mul3A_560 : vector<16xf32>
        %convert_element_type3A_562 = arith.fptosi %mul3A_561 : vector<16xf32> to vector<16xi32>
        %mul3A_563 = arith.constant 5 : i32
        %mul3A_564 = vector.broadcast %mul3A_563 : i32 to vector<16xi32>
        %mul3A_565 = arith.muli %convert_element_type3A_562, %mul3A_564 : vector<16xi32>
        %sub3A_566 = arith.subi %add3A_557, %mul3A_565 : vector<16xi32>
        %lt3A_567 = arith.constant 0 : i32
        %lt3A_568 = vector.broadcast %lt3A_567 : i32 to vector<16xi32>
        %lt3A_569 = arith.cmpi slt, %sub3A_566, %lt3A_568 : vector<16xi32>
        %sub3A_570 = arith.constant 1 : i32
        %sub3A_571 = vector.broadcast %sub3A_570 : i32 to vector<16xi32>
        %sub3A_572 = arith.subi %convert_element_type3A_562, %sub3A_571 : vector<16xi32>
        %select_n3A_573 = arith.select %lt3A_569, %sub3A_572, %convert_element_type3A_562 : vector<16xi1>, vector<16xi32>
        %lt3A_574 = arith.constant 0 : i32
        %lt3A_575 = vector.broadcast %lt3A_574 : i32 to vector<16xi32>
        %lt3A_576 = arith.cmpi slt, %sub3A_566, %lt3A_575 : vector<16xi32>
        %add3A_577 = arith.constant 5 : i32
        %add3A_578 = vector.broadcast %add3A_577 : i32 to vector<16xi32>
        %add3A_579 = arith.addi %sub3A_566, %add3A_578 : vector<16xi32>
        %select_n3A_580 = arith.select %lt3A_576, %add3A_579, %sub3A_566 : vector<16xi1>, vector<16xi32>
        %ge3A_581 = arith.constant 5 : i32
        %ge3A_582 = vector.broadcast %ge3A_581 : i32 to vector<16xi32>
        %ge3A_583 = arith.cmpi sge, %select_n3A_580, %ge3A_582 : vector<16xi32>
        %add3A_584 = arith.constant 1 : i32
        %add3A_585 = vector.broadcast %add3A_584 : i32 to vector<16xi32>
        %add3A_586 = arith.addi %select_n3A_573, %add3A_585 : vector<16xi32>
        %select_n3A_587 = arith.select %ge3A_583, %add3A_586, %select_n3A_573 : vector<16xi1>, vector<16xi32>
        %sub3A_588 = arith.subi %sub3A_515, %select_n3A_587 : vector<16xi32>
        %add3A_589 = arith.constant 1 : i32
        %add3A_590 = vector.broadcast %add3A_589 : i32 to vector<16xi32>
        %add3A_591 = arith.addi %sub3A_588, %add3A_590 : vector<16xi32>
        %lt3A_592 = arith.constant 10 : i32
        %lt3A_593 = vector.broadcast %lt3A_592 : i32 to vector<16xi32>
        %lt3A_594 = arith.cmpi slt, %select_n3A_551, %lt3A_593 : vector<16xi32>
        %add3A_595 = arith.constant 3 : i32
        %add3A_596 = vector.broadcast %add3A_595 : i32 to vector<16xi32>
        %add3A_597 = arith.addi %select_n3A_551, %add3A_596 : vector<16xi32>
        %sub3A_598 = arith.constant 9 : i32
        %sub3A_599 = vector.broadcast %sub3A_598 : i32 to vector<16xi32>
        %sub3A_600 = arith.subi %select_n3A_551, %sub3A_599 : vector<16xi32>
        %select_n3A_601 = arith.select %lt3A_594, %add3A_597, %sub3A_600 : vector<16xi1>, vector<16xi32>
        %sub3A_602 = arith.constant 1 : i32
        %sub3A_603 = vector.broadcast %sub3A_602 : i32 to vector<16xi32>
        %sub3A_604 = arith.subi %select_n3A_601, %sub3A_603 : vector<16xi32>
        %sub3A_605 = arith.constant 1 : i32
        %sub3A_606 = vector.broadcast %sub3A_605 : i32 to vector<16xi32>
        %sub3A_607 = arith.subi %add3A_591, %sub3A_606 : vector<16xi32>
        %add3A_608 = arith.addi %mul3A_153, %mul3A_89 : i32
        %add3A_609 = vector.broadcast %add3A_608 : i32 to vector<16xi32>
        %add3A_610 = arith.addi %iota3A, %add3A_609 : vector<16xi32>
        %mul3A_611 = arith.constant 128 : i32
        %mul3A_612 = vector.broadcast %mul3A_611 : i32 to vector<16xi32>
        %mul3A_613 = arith.muli %add3A_610, %mul3A_612 : vector<16xi32>
        %broadcast_in_dim3A_614 = arith.constant 0 : i32
        %broadcast_in_dim3A_615 = vector.broadcast %broadcast_in_dim3A_614 : i32 to vector<16xi32>
        %mul3A_616 = arith.constant 25 : i32
        %mul3A_617 = vector.broadcast %mul3A_616 : i32 to vector<16xi32>
        %mul3A_618 = arith.muli %sub3A_604, %mul3A_617 : vector<16xi32>
        %add3A_619 = arith.constant 0 : i32
        %add3A_620 = vector.broadcast %add3A_619 : i32 to vector<16xi32>
        %add3A_621 = arith.addi %mul3A_618, %add3A_620 : vector<16xi32>
        %sub3A_622 = arith.subi %gather3A, %mul3A_618 : vector<16xi32>
        %add3A_623 = arith.constant 0 : i32
        %add3A_624 = vector.broadcast %add3A_623 : i32 to vector<16xi32>
        %add3A_625 = arith.addi %mul3A_613, %add3A_624 : vector<16xi32>
        %parallel_loop3A = arith.constant 0 : i32
        %parallel_loop3A_626 = arith.constant 25 : i32
        %parallel_loop3A_627 = arith.constant 1 : i32
        %parallel_loop3A_628:3 = scf.for %parallel_loop3A_685 = %parallel_loop3A to %parallel_loop3A_626 step %parallel_loop3A_627 iter_args(%parallel_loop3A_686 = %add3A_621, %parallel_loop3A_687 = %sub3A_622, %parallel_loop3A_688 = %add3A_625) -> (vector<16xi32>, vector<16xi32>, vector<16xi32>)  : i32 {
          %parallel_loop3A_689 = tpu.vector_load_idx %arg8[%parallel_loop3A_686] : memref<3536xf32, #tpu.memory_space<vmem>>[vector<16xi32>], vector<16xf32>,
          tpu.vector_store_idx %arg13[%broadcast_in_dim3A_615, %parallel_loop3A_688], %parallel_loop3A_689 : memref<416x128xf32, #tpu.memory_space<vmem>>[vector<16xi32>, vector<16xi32>], vector<16xf32>,
          %parallel_loop3A_690 = tpu.vector_load_idx %arg9[%parallel_loop3A_687] : memref<7064xf32, #tpu.memory_space<vmem>>[vector<16xi32>], vector<16xf32>,
          tpu.vector_store_idx %arg14[%broadcast_in_dim3A_615, %parallel_loop3A_688], %parallel_loop3A_690 : memref<416x128xf32, #tpu.memory_space<vmem>>[vector<16xi32>, vector<16xi32>], vector<16xf32>,
          %parallel_loop3A_691 = arith.constant 1 : i32
          %parallel_loop3A_692 = vector.broadcast %parallel_loop3A_691 : i32 to vector<16xi32>
          %parallel_loop3A_693 = arith.addi %parallel_loop3A_686, %parallel_loop3A_692 : vector<16xi32>
          %parallel_loop3A_694 = arith.constant 1 : i32
          %parallel_loop3A_695 = vector.broadcast %parallel_loop3A_694 : i32 to vector<16xi32>
          %parallel_loop3A_696 = arith.addi %parallel_loop3A_687, %parallel_loop3A_695 : vector<16xi32>
          %parallel_loop3A_697 = arith.constant 1 : i32
          %parallel_loop3A_698 = vector.broadcast %parallel_loop3A_697 : i32 to vector<16xi32>
          %parallel_loop3A_699 = arith.addi %parallel_loop3A_688, %parallel_loop3A_698 : vector<16xi32>
          scf.yield %parallel_loop3A_693, %parallel_loop3A_696, %parallel_loop3A_699 : vector<16xi32>, vector<16xi32>, vector<16xi32>
        } {sc.loop_unroll_factor = 5 : i64, sc.parallel_access}
        %mul3A_629 = arith.constant 25 : i32
        %mul3A_630 = vector.broadcast %mul3A_629 : i32 to vector<16xi32>
        %mul3A_631 = arith.muli %sub3A_607, %mul3A_630 : vector<16xi32>
        %add3A_632 = arith.constant 300 : i32
        %add3A_633 = vector.broadcast %add3A_632 : i32 to vector<16xi32>
        %add3A_634 = arith.addi %mul3A_631, %add3A_633 : vector<16xi32>
        %sub3A_635 = arith.subi %gather3A_114, %mul3A_631 : vector<16xi32>
        %add3A_636 = arith.constant 25 : i32
        %add3A_637 = vector.broadcast %add3A_636 : i32 to vector<16xi32>
        %add3A_638 = arith.addi %mul3A_613, %add3A_637 : vector<16xi32>
        %parallel_loop3A_639 = arith.constant 0 : i32
        %parallel_loop3A_640 = arith.constant 25 : i32
        %parallel_loop3A_641 = arith.constant 1 : i32
        %parallel_loop3A_642:3 = scf.for %parallel_loop3A_685 = %parallel_loop3A_639 to %parallel_loop3A_640 step %parallel_loop3A_641 iter_args(%parallel_loop3A_686 = %add3A_634, %parallel_loop3A_687 = %sub3A_635, %parallel_loop3A_688 = %add3A_638) -> (vector<16xi32>, vector<16xi32>, vector<16xi32>)  : i32 {
          %parallel_loop3A_689 = tpu.vector_load_idx %arg8[%parallel_loop3A_686] : memref<3536xf32, #tpu.memory_space<vmem>>[vector<16xi32>], vector<16xf32>,
          tpu.vector_store_idx %arg13[%broadcast_in_dim3A_615, %parallel_loop3A_688], %parallel_loop3A_689 : memref<416x128xf32, #tpu.memory_space<vmem>>[vector<16xi32>, vector<16xi32>], vector<16xf32>,
          %parallel_loop3A_690 = tpu.vector_load_idx %arg9[%parallel_loop3A_687] : memref<7064xf32, #tpu.memory_space<vmem>>[vector<16xi32>], vector<16xf32>,
          tpu.vector_store_idx %arg14[%broadcast_in_dim3A_615, %parallel_loop3A_688], %parallel_loop3A_690 : memref<416x128xf32, #tpu.memory_space<vmem>>[vector<16xi32>, vector<16xi32>], vector<16xf32>,
          %parallel_loop3A_691 = arith.constant 1 : i32
          %parallel_loop3A_692 = vector.broadcast %parallel_loop3A_691 : i32 to vector<16xi32>
          %parallel_loop3A_693 = arith.addi %parallel_loop3A_686, %parallel_loop3A_692 : vector<16xi32>
          %parallel_loop3A_694 = arith.constant 1 : i32
          %parallel_loop3A_695 = vector.broadcast %parallel_loop3A_694 : i32 to vector<16xi32>
          %parallel_loop3A_696 = arith.addi %parallel_loop3A_687, %parallel_loop3A_695 : vector<16xi32>
          %parallel_loop3A_697 = arith.constant 1 : i32
          %parallel_loop3A_698 = vector.broadcast %parallel_loop3A_697 : i32 to vector<16xi32>
          %parallel_loop3A_699 = arith.addi %parallel_loop3A_688, %parallel_loop3A_698 : vector<16xi32>
          scf.yield %parallel_loop3A_693, %parallel_loop3A_696, %parallel_loop3A_699 : vector<16xi32>, vector<16xi32>, vector<16xi32>
        } {sc.loop_unroll_factor = 5 : i64, sc.parallel_access}
        %mul3A_643 = arith.constant 25 : i32
        %mul3A_644 = vector.broadcast %mul3A_643 : i32 to vector<16xi32>
        %mul3A_645 = arith.muli %sub3A_289, %mul3A_644 : vector<16xi32>
        %add3A_646 = arith.constant 1075 : i32
        %add3A_647 = vector.broadcast %add3A_646 : i32 to vector<16xi32>
        %add3A_648 = arith.addi %mul3A_645, %add3A_647 : vector<16xi32>
        %sub3A_649 = arith.subi %gather3A_119, %mul3A_645 : vector<16xi32>
        %add3A_650 = arith.constant 50 : i32
        %add3A_651 = vector.broadcast %add3A_650 : i32 to vector<16xi32>
        %add3A_652 = arith.addi %mul3A_613, %add3A_651 : vector<16xi32>
        %parallel_loop3A_653 = arith.constant 0 : i32
        %parallel_loop3A_654 = arith.constant 25 : i32
        %parallel_loop3A_655 = arith.constant 1 : i32
        %parallel_loop3A_656:3 = scf.for %parallel_loop3A_685 = %parallel_loop3A_653 to %parallel_loop3A_654 step %parallel_loop3A_655 iter_args(%parallel_loop3A_686 = %add3A_648, %parallel_loop3A_687 = %sub3A_649, %parallel_loop3A_688 = %add3A_652) -> (vector<16xi32>, vector<16xi32>, vector<16xi32>)  : i32 {
          %parallel_loop3A_689 = tpu.vector_load_idx %arg8[%parallel_loop3A_686] : memref<3536xf32, #tpu.memory_space<vmem>>[vector<16xi32>], vector<16xf32>,
          tpu.vector_store_idx %arg13[%broadcast_in_dim3A_615, %parallel_loop3A_688], %parallel_loop3A_689 : memref<416x128xf32, #tpu.memory_space<vmem>>[vector<16xi32>, vector<16xi32>], vector<16xf32>,
          %parallel_loop3A_690 = tpu.vector_load_idx %arg9[%parallel_loop3A_687] : memref<7064xf32, #tpu.memory_space<vmem>>[vector<16xi32>], vector<16xf32>,
          tpu.vector_store_idx %arg14[%broadcast_in_dim3A_615, %parallel_loop3A_688], %parallel_loop3A_690 : memref<416x128xf32, #tpu.memory_space<vmem>>[vector<16xi32>, vector<16xi32>], vector<16xf32>,
          %parallel_loop3A_691 = arith.constant 1 : i32
          %parallel_loop3A_692 = vector.broadcast %parallel_loop3A_691 : i32 to vector<16xi32>
          %parallel_loop3A_693 = arith.addi %parallel_loop3A_686, %parallel_loop3A_692 : vector<16xi32>
          %parallel_loop3A_694 = arith.constant 1 : i32
          %parallel_loop3A_695 = vector.broadcast %parallel_loop3A_694 : i32 to vector<16xi32>
          %parallel_loop3A_696 = arith.addi %parallel_loop3A_687, %parallel_loop3A_695 : vector<16xi32>
          %parallel_loop3A_697 = arith.constant 1 : i32
          %parallel_loop3A_698 = vector.broadcast %parallel_loop3A_697 : i32 to vector<16xi32>
          %parallel_loop3A_699 = arith.addi %parallel_loop3A_688, %parallel_loop3A_698 : vector<16xi32>
          scf.yield %parallel_loop3A_693, %parallel_loop3A_696, %parallel_loop3A_699 : vector<16xi32>, vector<16xi32>, vector<16xi32>
        } {sc.loop_unroll_factor = 5 : i64, sc.parallel_access}
        %mul3A_657 = arith.constant 25 : i32
        %mul3A_658 = vector.broadcast %mul3A_657 : i32 to vector<16xi32>
        %mul3A_659 = arith.muli %select_n3A_218, %mul3A_658 : vector<16xi32>
        %add3A_660 = arith.constant 1250 : i32
        %add3A_661 = vector.broadcast %add3A_660 : i32 to vector<16xi32>
        %add3A_662 = arith.addi %mul3A_659, %add3A_661 : vector<16xi32>
        %sub3A_663 = arith.subi %gather3A_124, %mul3A_659 : vector<16xi32>
        %add3A_664 = arith.constant 75 : i32
        %add3A_665 = vector.broadcast %add3A_664 : i32 to vector<16xi32>
        %add3A_666 = arith.addi %mul3A_613, %add3A_665 : vector<16xi32>
        %parallel_loop3A_667 = arith.constant 0 : i32
        %parallel_loop3A_668 = arith.constant 25 : i32
        %parallel_loop3A_669 = arith.constant 1 : i32
        %parallel_loop3A_670:3 = scf.for %parallel_loop3A_685 = %parallel_loop3A_667 to %parallel_loop3A_668 step %parallel_loop3A_669 iter_args(%parallel_loop3A_686 = %add3A_662, %parallel_loop3A_687 = %sub3A_663, %parallel_loop3A_688 = %add3A_666) -> (vector<16xi32>, vector<16xi32>, vector<16xi32>)  : i32 {
          %parallel_loop3A_689 = tpu.vector_load_idx %arg8[%parallel_loop3A_686] : memref<3536xf32, #tpu.memory_space<vmem>>[vector<16xi32>], vector<16xf32>,
          tpu.vector_store_idx %arg13[%broadcast_in_dim3A_615, %parallel_loop3A_688], %parallel_loop3A_689 : memref<416x128xf32, #tpu.memory_space<vmem>>[vector<16xi32>, vector<16xi32>], vector<16xf32>,
          %parallel_loop3A_690 = tpu.vector_load_idx %arg9[%parallel_loop3A_687] : memref<7064xf32, #tpu.memory_space<vmem>>[vector<16xi32>], vector<16xf32>,
          tpu.vector_store_idx %arg14[%broadcast_in_dim3A_615, %parallel_loop3A_688], %parallel_loop3A_690 : memref<416x128xf32, #tpu.memory_space<vmem>>[vector<16xi32>, vector<16xi32>], vector<16xf32>,
          %parallel_loop3A_691 = arith.constant 1 : i32
          %parallel_loop3A_692 = vector.broadcast %parallel_loop3A_691 : i32 to vector<16xi32>
          %parallel_loop3A_693 = arith.addi %parallel_loop3A_686, %parallel_loop3A_692 : vector<16xi32>
          %parallel_loop3A_694 = arith.constant 1 : i32
          %parallel_loop3A_695 = vector.broadcast %parallel_loop3A_694 : i32 to vector<16xi32>
          %parallel_loop3A_696 = arith.addi %parallel_loop3A_687, %parallel_loop3A_695 : vector<16xi32>
          %parallel_loop3A_697 = arith.constant 1 : i32
          %parallel_loop3A_698 = vector.broadcast %parallel_loop3A_697 : i32 to vector<16xi32>
          %parallel_loop3A_699 = arith.addi %parallel_loop3A_688, %parallel_loop3A_698 : vector<16xi32>
          scf.yield %parallel_loop3A_693, %parallel_loop3A_696, %parallel_loop3A_699 : vector<16xi32>, vector<16xi32>, vector<16xi32>
        } {sc.loop_unroll_factor = 5 : i64, sc.parallel_access}
        %mul3A_671 = arith.constant 28 : i32
        %mul3A_672 = vector.broadcast %mul3A_671 : i32 to vector<16xi32>
        %mul3A_673 = arith.muli %select_n3A_252, %mul3A_672 : vector<16xi32>
        %add3A_674 = arith.constant 1850 : i32
        %add3A_675 = vector.broadcast %add3A_674 : i32 to vector<16xi32>
        %add3A_676 = arith.addi %mul3A_673, %add3A_675 : vector<16xi32>
        %sub3A_677 = arith.subi %gather3A_129, %mul3A_673 : vector<16xi32>
        %add3A_678 = arith.constant 100 : i32
        %add3A_679 = vector.broadcast %add3A_678 : i32 to vector<16xi32>
        %add3A_680 = arith.addi %mul3A_613, %add3A_679 : vector<16xi32>
        %parallel_loop3A_681 = arith.constant 0 : i32
        %parallel_loop3A_682 = arith.constant 28 : i32
        %parallel_loop3A_683 = arith.constant 1 : i32
        %parallel_loop3A_684:3 = scf.for %parallel_loop3A_685 = %parallel_loop3A_681 to %parallel_loop3A_682 step %parallel_loop3A_683 iter_args(%parallel_loop3A_686 = %add3A_676, %parallel_loop3A_687 = %sub3A_677, %parallel_loop3A_688 = %add3A_680) -> (vector<16xi32>, vector<16xi32>, vector<16xi32>)  : i32 {
          %parallel_loop3A_689 = tpu.vector_load_idx %arg8[%parallel_loop3A_686] : memref<3536xf32, #tpu.memory_space<vmem>>[vector<16xi32>], vector<16xf32>,
          tpu.vector_store_idx %arg13[%broadcast_in_dim3A_615, %parallel_loop3A_688], %parallel_loop3A_689 : memref<416x128xf32, #tpu.memory_space<vmem>>[vector<16xi32>, vector<16xi32>], vector<16xf32>,
          %parallel_loop3A_690 = tpu.vector_load_idx %arg9[%parallel_loop3A_687] : memref<7064xf32, #tpu.memory_space<vmem>>[vector<16xi32>], vector<16xf32>,
          tpu.vector_store_idx %arg14[%broadcast_in_dim3A_615, %parallel_loop3A_688], %parallel_loop3A_690 : memref<416x128xf32, #tpu.memory_space<vmem>>[vector<16xi32>, vector<16xi32>], vector<16xf32>,
          %parallel_loop3A_691 = arith.constant 1 : i32
          %parallel_loop3A_692 = vector.broadcast %parallel_loop3A_691 : i32 to vector<16xi32>
          %parallel_loop3A_693 = arith.addi %parallel_loop3A_686, %parallel_loop3A_692 : vector<16xi32>
          %parallel_loop3A_694 = arith.constant 1 : i32
          %parallel_loop3A_695 = vector.broadcast %parallel_loop3A_694 : i32 to vector<16xi32>
          %parallel_loop3A_696 = arith.addi %parallel_loop3A_687, %parallel_loop3A_695 : vector<16xi32>
          %parallel_loop3A_697 = arith.constant 1 : i32
          %parallel_loop3A_698 = vector.broadcast %parallel_loop3A_697 : i32 to vector<16xi32>
          %parallel_loop3A_699 = arith.addi %parallel_loop3A_688, %parallel_loop3A_698 : vector<16xi32>
          scf.yield %parallel_loop3A_693, %parallel_loop3A_696, %parallel_loop3A_699 : vector<16xi32>, vector<16xi32>, vector<16xi32>
        } {sc.loop_unroll_factor = 4 : i64, sc.parallel_access}
      }
      %while3A_140 = arith.constant 1 : i32
      scf.for %while3A_151 = %while3A_138 to %while3A_134 step %while3A_140  : i32 {
        %mul3A_152 = arith.constant 16 : i32
        %mul3A_153 = arith.muli %while3A_151, %mul3A_152 : i32
        %get3A = arith.index_cast %and3A_85 : i32 to index
        %get3A_154 = arith.index_cast %mul3A_153 : i32 to index
        %get3A_155 = tpu.vector_load %arg10[%get3A, %get3A_154] {strides = array<i32>} : memref<32x208xi32, #tpu.memory_space<vmem>>, vector<16xi32>,
        %shift_right_arithmetic3A = arith.constant 7 : i32
        %shift_right_arithmetic3A_156 = vector.broadcast %shift_right_arithmetic3A : i32 to vector<16xi32>
        %shift_right_arithmetic3A_157 = arith.shrsi %get3A_155, %shift_right_arithmetic3A_156 : vector<16xi32>
        %convert_element_type3A_158 = arith.sitofp %shift_right_arithmetic3A_157 : vector<16xi32> to vector<16xf32>
        %mul3A_159 = arith.constant 0.00148148148 : f32
        %mul3A_160 = vector.broadcast %mul3A_159 : f32 to vector<16xf32>
        %mul3A_161 = arith.mulf %convert_element_type3A_158, %mul3A_160 : vector<16xf32>
        %convert_element_type3A_162 = arith.fptosi %mul3A_161 : vector<16xf32> to vector<16xi32>
        %mul3A_163 = arith.constant 675 : i32
        %mul3A_164 = vector.broadcast %mul3A_163 : i32 to vector<16xi32>
        %mul3A_165 = arith.muli %convert_element_type3A_162, %mul3A_164 : vector<16xi32>
        %sub3A = arith.subi %shift_right_arithmetic3A_157, %mul3A_165 : vector<16xi32>
        %lt3A = arith.constant 0 : i32
        %lt3A_166 = vector.broadcast %lt3A : i32 to vector<16xi32>
        %lt3A_167 = arith.cmpi slt, %sub3A, %lt3A_166 : vector<16xi32>
        %sub3A_168 = arith.constant 1 : i32
        %sub3A_169 = vector.broadcast %sub3A_168 : i32 to vector<16xi32>
        %sub3A_170 = arith.subi %convert_element_type3A_162, %sub3A_169 : vector<16xi32>
        %select_n3A = arith.select %lt3A_167, %sub3A_170, %convert_element_type3A_162 : vector<16xi1>, vector<16xi32>
        %lt3A_171 = arith.constant 0 : i32
        %lt3A_172 = vector.broadcast %lt3A_171 : i32 to vector<16xi32>
        %lt3A_173 = arith.cmpi slt, %sub3A, %lt3A_172 : vector<16xi32>
        %add3A_174 = arith.constant 675 : i32
        %add3A_175 = vector.broadcast %add3A_174 : i32 to vector<16xi32>
        %add3A_176 = arith.addi %sub3A, %add3A_175 : vector<16xi32>
        %select_n3A_177 = arith.select %lt3A_173, %add3A_176, %sub3A : vector<16xi1>, vector<16xi32>
        %ge3A_178 = arith.constant 675 : i32
        %ge3A_179 = vector.broadcast %ge3A_178 : i32 to vector<16xi32>
        %ge3A_180 = arith.cmpi sge, %select_n3A_177, %ge3A_179 : vector<16xi32>
        %add3A_181 = arith.constant 1 : i32
        %add3A_182 = vector.broadcast %add3A_181 : i32 to vector<16xi32>
        %add3A_183 = arith.addi %select_n3A, %add3A_182 : vector<16xi32>
        %select_n3A_184 = arith.select %ge3A_180, %add3A_183, %select_n3A : vector<16xi1>, vector<16xi32>
        %mul3A_185 = arith.constant 86400 : i32
        %mul3A_186 = vector.broadcast %mul3A_185 : i32 to vector<16xi32>
        %mul3A_187 = arith.muli %select_n3A_184, %mul3A_186 : vector<16xi32>
        %sub3A_188 = arith.subi %get3A_155, %mul3A_187 : vector<16xi32>
        %convert_element_type3A_189 = arith.sitofp %sub3A_188 : vector<16xi32> to vector<16xf32>
        %mul3A_190 = arith.constant 2.77777785E-4 : f32
        %mul3A_191 = vector.broadcast %mul3A_190 : f32 to vector<16xf32>
        %mul3A_192 = arith.mulf %convert_element_type3A_189, %mul3A_191 : vector<16xf32>
        %convert_element_type3A_193 = arith.fptosi %mul3A_192 : vector<16xf32> to vector<16xi32>
        %mul3A_194 = arith.constant 3600 : i32
        %mul3A_195 = vector.broadcast %mul3A_194 : i32 to vector<16xi32>
        %mul3A_196 = arith.muli %convert_element_type3A_193, %mul3A_195 : vector<16xi32>
        %sub3A_197 = arith.subi %sub3A_188, %mul3A_196 : vector<16xi32>
        %lt3A_198 = arith.constant 0 : i32
        %lt3A_199 = vector.broadcast %lt3A_198 : i32 to vector<16xi32>
        %lt3A_200 = arith.cmpi slt, %sub3A_197, %lt3A_199 : vector<16xi32>
        %sub3A_201 = arith.constant 1 : i32
        %sub3A_202 = vector.broadcast %sub3A_201 : i32 to vector<16xi32>
        %sub3A_203 = arith.subi %convert_element_type3A_193, %sub3A_202 : vector<16xi32>
        %select_n3A_204 = arith.select %lt3A_200, %sub3A_203, %convert_element_type3A_193 : vector<16xi1>, vector<16xi32>
        %lt3A_205 = arith.constant 0 : i32
        %lt3A_206 = vector.broadcast %lt3A_205 : i32 to vector<16xi32>
        %lt3A_207 = arith.cmpi slt, %sub3A_197, %lt3A_206 : vector<16xi32>
        %add3A_208 = arith.constant 3600 : i32
        %add3A_209 = vector.broadcast %add3A_208 : i32 to vector<16xi32>
        %add3A_210 = arith.addi %sub3A_197, %add3A_209 : vector<16xi32>
        %select_n3A_211 = arith.select %lt3A_207, %add3A_210, %sub3A_197 : vector<16xi1>, vector<16xi32>
        %ge3A_212 = arith.constant 3600 : i32
        %ge3A_213 = vector.broadcast %ge3A_212 : i32 to vector<16xi32>
        %ge3A_214 = arith.cmpi sge, %select_n3A_211, %ge3A_213 : vector<16xi32>
        %add3A_215 = arith.constant 1 : i32
        %add3A_216 = vector.broadcast %add3A_215 : i32 to vector<16xi32>
        %add3A_217 = arith.addi %select_n3A_204, %add3A_216 : vector<16xi32>
        %select_n3A_218 = arith.select %ge3A_214, %add3A_217, %select_n3A_204 : vector<16xi1>, vector<16xi32>
        %mul3A_219 = arith.constant 3600 : i32
        %mul3A_220 = vector.broadcast %mul3A_219 : i32 to vector<16xi32>
        %mul3A_221 = arith.muli %select_n3A_218, %mul3A_220 : vector<16xi32>
        %sub3A_222 = arith.subi %sub3A_188, %mul3A_221 : vector<16xi32>
        %convert_element_type3A_223 = arith.sitofp %sub3A_222 : vector<16xi32> to vector<16xf32>
        %mul3A_224 = arith.constant 0.0166666675 : f32
        %mul3A_225 = vector.broadcast %mul3A_224 : f32 to vector<16xf32>
        %mul3A_226 = arith.mulf %convert_element_type3A_223, %mul3A_225 : vector<16xf32>
        %convert_element_type3A_227 = arith.fptosi %mul3A_226 : vector<16xf32> to vector<16xi32>
        %mul3A_228 = arith.constant 60 : i32
        %mul3A_229 = vector.broadcast %mul3A_228 : i32 to vector<16xi32>
        %mul3A_230 = arith.muli %convert_element_type3A_227, %mul3A_229 : vector<16xi32>
        %sub3A_231 = arith.subi %sub3A_222, %mul3A_230 : vector<16xi32>
        %lt3A_232 = arith.constant 0 : i32
        %lt3A_233 = vector.broadcast %lt3A_232 : i32 to vector<16xi32>
        %lt3A_234 = arith.cmpi slt, %sub3A_231, %lt3A_233 : vector<16xi32>
        %sub3A_235 = arith.constant 1 : i32
        %sub3A_236 = vector.broadcast %sub3A_235 : i32 to vector<16xi32>
        %sub3A_237 = arith.subi %convert_element_type3A_227, %sub3A_236 : vector<16xi32>
        %select_n3A_238 = arith.select %lt3A_234, %sub3A_237, %convert_element_type3A_227 : vector<16xi1>, vector<16xi32>
        %lt3A_239 = arith.constant 0 : i32
        %lt3A_240 = vector.broadcast %lt3A_239 : i32 to vector<16xi32>
        %lt3A_241 = arith.cmpi slt, %sub3A_231, %lt3A_240 : vector<16xi32>
        %add3A_242 = arith.constant 60 : i32
        %add3A_243 = vector.broadcast %add3A_242 : i32 to vector<16xi32>
        %add3A_244 = arith.addi %sub3A_231, %add3A_243 : vector<16xi32>
        %select_n3A_245 = arith.select %lt3A_241, %add3A_244, %sub3A_231 : vector<16xi1>, vector<16xi32>
        %ge3A_246 = arith.constant 60 : i32
        %ge3A_247 = vector.broadcast %ge3A_246 : i32 to vector<16xi32>
        %ge3A_248 = arith.cmpi sge, %select_n3A_245, %ge3A_247 : vector<16xi32>
        %add3A_249 = arith.constant 1 : i32
        %add3A_250 = vector.broadcast %add3A_249 : i32 to vector<16xi32>
        %add3A_251 = arith.addi %select_n3A_238, %add3A_250 : vector<16xi32>
        %select_n3A_252 = arith.select %ge3A_248, %add3A_251, %select_n3A_238 : vector<16xi1>, vector<16xi32>
        %add3A_253 = arith.constant 3 : i32
        %add3A_254 = vector.broadcast %add3A_253 : i32 to vector<16xi32>
        %add3A_255 = arith.addi %select_n3A_184, %add3A_254 : vector<16xi32>
        %convert_element_type3A_256 = arith.sitofp %add3A_255 : vector<16xi32> to vector<16xf32>
        %mul3A_257 = arith.constant 0.142857149 : f32
        %mul3A_258 = vector.broadcast %mul3A_257 : f32 to vector<16xf32>
        %mul3A_259 = arith.mulf %convert_element_type3A_256, %mul3A_258 : vector<16xf32>
        %convert_element_type3A_260 = arith.fptosi %mul3A_259 : vector<16xf32> to vector<16xi32>
        %mul3A_261 = arith.constant 7 : i32
        %mul3A_262 = vector.broadcast %mul3A_261 : i32 to vector<16xi32>
        %mul3A_263 = arith.muli %convert_element_type3A_260, %mul3A_262 : vector<16xi32>
        %sub3A_264 = arith.subi %add3A_255, %mul3A_263 : vector<16xi32>
        %lt3A_265 = arith.constant 0 : i32
        %lt3A_266 = vector.broadcast %lt3A_265 : i32 to vector<16xi32>
        %lt3A_267 = arith.cmpi slt, %sub3A_264, %lt3A_266 : vector<16xi32>
        %sub3A_268 = arith.constant 1 : i32
        %sub3A_269 = vector.broadcast %sub3A_268 : i32 to vector<16xi32>
        %sub3A_270 = arith.subi %convert_element_type3A_260, %sub3A_269 : vector<16xi32>
        %select_n3A_271 = arith.select %lt3A_267, %sub3A_270, %convert_element_type3A_260 : vector<16xi1>, vector<16xi32>
        %lt3A_272 = arith.constant 0 : i32
        %lt3A_273 = vector.broadcast %lt3A_272 : i32 to vector<16xi32>
        %lt3A_274 = arith.cmpi slt, %sub3A_264, %lt3A_273 : vector<16xi32>
        %add3A_275 = arith.constant 7 : i32
        %add3A_276 = vector.broadcast %add3A_275 : i32 to vector<16xi32>
        %add3A_277 = arith.addi %sub3A_264, %add3A_276 : vector<16xi32>
        %select_n3A_278 = arith.select %lt3A_274, %add3A_277, %sub3A_264 : vector<16xi1>, vector<16xi32>
        %ge3A_279 = arith.constant 7 : i32
        %ge3A_280 = vector.broadcast %ge3A_279 : i32 to vector<16xi32>
        %ge3A_281 = arith.cmpi sge, %select_n3A_278, %ge3A_280 : vector<16xi32>
        %add3A_282 = arith.constant 1 : i32
        %add3A_283 = vector.broadcast %add3A_282 : i32 to vector<16xi32>
        %add3A_284 = arith.addi %select_n3A_271, %add3A_283 : vector<16xi32>
        %select_n3A_285 = arith.select %ge3A_281, %add3A_284, %select_n3A_271 : vector<16xi1>, vector<16xi32>
        %mul3A_286 = arith.constant 7 : i32
        %mul3A_287 = vector.broadcast %mul3A_286 : i32 to vector<16xi32>
        %mul3A_288 = arith.muli %select_n3A_285, %mul3A_287 : vector<16xi32>
        %sub3A_289 = arith.subi %add3A_255, %mul3A_288 : vector<16xi32>
        %add3A_290 = arith.constant 719468 : i32
        %add3A_291 = vector.broadcast %add3A_290 : i32 to vector<16xi32>
        %add3A_292 = arith.addi %select_n3A_184, %add3A_291 : vector<16xi32>
        %convert_element_type3A_293 = arith.sitofp %add3A_292 : vector<16xi32> to vector<16xf32>
        %mul3A_294 = arith.constant 6.84476754E-6 : f32
        %mul3A_295 = vector.broadcast %mul3A_294 : f32 to vector<16xf32>
        %mul3A_296 = arith.mulf %convert_element_type3A_293, %mul3A_295 : vector<16xf32>
        %convert_element_type3A_297 = arith.fptosi %mul3A_296 : vector<16xf32> to vector<16xi32>
        %mul3A_298 = arith.constant 146097 : i32
        %mul3A_299 = vector.broadcast %mul3A_298 : i32 to vector<16xi32>
        %mul3A_300 = arith.muli %convert_element_type3A_297, %mul3A_299 : vector<16xi32>
        %sub3A_301 = arith.subi %add3A_292, %mul3A_300 : vector<16xi32>
        %lt3A_302 = arith.constant 0 : i32
        %lt3A_303 = vector.broadcast %lt3A_302 : i32 to vector<16xi32>
        %lt3A_304 = arith.cmpi slt, %sub3A_301, %lt3A_303 : vector<16xi32>
        %sub3A_305 = arith.constant 1 : i32
        %sub3A_306 = vector.broadcast %sub3A_305 : i32 to vector<16xi32>
        %sub3A_307 = arith.subi %convert_element_type3A_297, %sub3A_306 : vector<16xi32>
        %select_n3A_308 = arith.select %lt3A_304, %sub3A_307, %convert_element_type3A_297 : vector<16xi1>, vector<16xi32>
        %lt3A_309 = arith.constant 0 : i32
        %lt3A_310 = vector.broadcast %lt3A_309 : i32 to vector<16xi32>
        %lt3A_311 = arith.cmpi slt, %sub3A_301, %lt3A_310 : vector<16xi32>
        %add3A_312 = arith.constant 146097 : i32
        %add3A_313 = vector.broadcast %add3A_312 : i32 to vector<16xi32>
        %add3A_314 = arith.addi %sub3A_301, %add3A_313 : vector<16xi32>
        %select_n3A_315 = arith.select %lt3A_311, %add3A_314, %sub3A_301 : vector<16xi1>, vector<16xi32>
        %ge3A_316 = arith.constant 146097 : i32
        %ge3A_317 = vector.broadcast %ge3A_316 : i32 to vector<16xi32>
        %ge3A_318 = arith.cmpi sge, %select_n3A_315, %ge3A_317 : vector<16xi32>
        %add3A_319 = arith.constant 1 : i32
        %add3A_320 = vector.broadcast %add3A_319 : i32 to vector<16xi32>
        %add3A_321 = arith.addi %select_n3A_308, %add3A_320 : vector<16xi32>
        %select_n3A_322 = arith.select %ge3A_318, %add3A_321, %select_n3A_308 : vector<16xi1>, vector<16xi32>
        %mul3A_323 = arith.constant 146097 : i32
        %mul3A_324 = vector.broadcast %mul3A_323 : i32 to vector<16xi32>
        %mul3A_325 = arith.muli %select_n3A_322, %mul3A_324 : vector<16xi32>
        %sub3A_326 = arith.subi %add3A_292, %mul3A_325 : vector<16xi32>
        %convert_element_type3A_327 = arith.sitofp %sub3A_326 : vector<16xi32> to vector<16xf32>
        %mul3A_328 = arith.constant 6.84931525E-4 : f32
        %mul3A_329 = vector.broadcast %mul3A_328 : f32 to vector<16xf32>
        %mul3A_330 = arith.mulf %convert_element_type3A_327, %mul3A_329 : vector<16xf32>
        %convert_element_type3A_331 = arith.fptosi %mul3A_330 : vector<16xf32> to vector<16xi32>
        %mul3A_332 = arith.constant 1460 : i32
        %mul3A_333 = vector.broadcast %mul3A_332 : i32 to vector<16xi32>
        %mul3A_334 = arith.muli %convert_element_type3A_331, %mul3A_333 : vector<16xi32>
        %sub3A_335 = arith.subi %sub3A_326, %mul3A_334 : vector<16xi32>
        %lt3A_336 = arith.constant 0 : i32
        %lt3A_337 = vector.broadcast %lt3A_336 : i32 to vector<16xi32>
        %lt3A_338 = arith.cmpi slt, %sub3A_335, %lt3A_337 : vector<16xi32>
        %sub3A_339 = arith.constant 1 : i32
        %sub3A_340 = vector.broadcast %sub3A_339 : i32 to vector<16xi32>
        %sub3A_341 = arith.subi %convert_element_type3A_331, %sub3A_340 : vector<16xi32>
        %select_n3A_342 = arith.select %lt3A_338, %sub3A_341, %convert_element_type3A_331 : vector<16xi1>, vector<16xi32>
        %lt3A_343 = arith.constant 0 : i32
        %lt3A_344 = vector.broadcast %lt3A_343 : i32 to vector<16xi32>
        %lt3A_345 = arith.cmpi slt, %sub3A_335, %lt3A_344 : vector<16xi32>
        %add3A_346 = arith.constant 1460 : i32
        %add3A_347 = vector.broadcast %add3A_346 : i32 to vector<16xi32>
        %add3A_348 = arith.addi %sub3A_335, %add3A_347 : vector<16xi32>
        %select_n3A_349 = arith.select %lt3A_345, %add3A_348, %sub3A_335 : vector<16xi1>, vector<16xi32>
        %ge3A_350 = arith.constant 1460 : i32
        %ge3A_351 = vector.broadcast %ge3A_350 : i32 to vector<16xi32>
        %ge3A_352 = arith.cmpi sge, %select_n3A_349, %ge3A_351 : vector<16xi32>
        %add3A_353 = arith.constant 1 : i32
        %add3A_354 = vector.broadcast %add3A_353 : i32 to vector<16xi32>
        %add3A_355 = arith.addi %select_n3A_342, %add3A_354 : vector<16xi32>
        %select_n3A_356 = arith.select %ge3A_352, %add3A_355, %select_n3A_342 : vector<16xi1>, vector<16xi32>
        %sub3A_357 = arith.subi %sub3A_326, %select_n3A_356 : vector<16xi32>
        %convert_element_type3A_358 = arith.sitofp %sub3A_326 : vector<16xi32> to vector<16xf32>
        %mul3A_359 = arith.constant 2.73792575E-5 : f32
        %mul3A_360 = vector.broadcast %mul3A_359 : f32 to vector<16xf32>
        %mul3A_361 = arith.mulf %convert_element_type3A_358, %mul3A_360 : vector<16xf32>
        %convert_element_type3A_362 = arith.fptosi %mul3A_361 : vector<16xf32> to vector<16xi32>
        %mul3A_363 = arith.constant 36524 : i32
        %mul3A_364 = vector.broadcast %mul3A_363 : i32 to vector<16xi32>
        %mul3A_365 = arith.muli %convert_element_type3A_362, %mul3A_364 : vector<16xi32>
        %sub3A_366 = arith.subi %sub3A_326, %mul3A_365 : vector<16xi32>
        %lt3A_367 = arith.constant 0 : i32
        %lt3A_368 = vector.broadcast %lt3A_367 : i32 to vector<16xi32>
        %lt3A_369 = arith.cmpi slt, %sub3A_366, %lt3A_368 : vector<16xi32>
        %sub3A_370 = arith.constant 1 : i32
        %sub3A_371 = vector.broadcast %sub3A_370 : i32 to vector<16xi32>
        %sub3A_372 = arith.subi %convert_element_type3A_362, %sub3A_371 : vector<16xi32>
        %select_n3A_373 = arith.select %lt3A_369, %sub3A_372, %convert_element_type3A_362 : vector<16xi1>, vector<16xi32>
        %lt3A_374 = arith.constant 0 : i32
        %lt3A_375 = vector.broadcast %lt3A_374 : i32 to vector<16xi32>
        %lt3A_376 = arith.cmpi slt, %sub3A_366, %lt3A_375 : vector<16xi32>
        %add3A_377 = arith.constant 36524 : i32
        %add3A_378 = vector.broadcast %add3A_377 : i32 to vector<16xi32>
        %add3A_379 = arith.addi %sub3A_366, %add3A_378 : vector<16xi32>
        %select_n3A_380 = arith.select %lt3A_376, %add3A_379, %sub3A_366 : vector<16xi1>, vector<16xi32>
        %ge3A_381 = arith.constant 36524 : i32
        %ge3A_382 = vector.broadcast %ge3A_381 : i32 to vector<16xi32>
        %ge3A_383 = arith.cmpi sge, %select_n3A_380, %ge3A_382 : vector<16xi32>
        %add3A_384 = arith.constant 1 : i32
        %add3A_385 = vector.broadcast %add3A_384 : i32 to vector<16xi32>
        %add3A_386 = arith.addi %select_n3A_373, %add3A_385 : vector<16xi32>
        %select_n3A_387 = arith.select %ge3A_383, %add3A_386, %select_n3A_373 : vector<16xi1>, vector<16xi32>
        %add3A_388 = arith.addi %sub3A_357, %select_n3A_387 : vector<16xi32>
        %convert_element_type3A_389 = arith.sitofp %sub3A_326 : vector<16xi32> to vector<16xf32>
        %mul3A_390 = arith.constant 6.84481438E-6 : f32
        %mul3A_391 = vector.broadcast %mul3A_390 : f32 to vector<16xf32>
        %mul3A_392 = arith.mulf %convert_element_type3A_389, %mul3A_391 : vector<16xf32>
        %convert_element_type3A_393 = arith.fptosi %mul3A_392 : vector<16xf32> to vector<16xi32>
        %mul3A_394 = arith.constant 146096 : i32
        %mul3A_395 = vector.broadcast %mul3A_394 : i32 to vector<16xi32>
        %mul3A_396 = arith.muli %convert_element_type3A_393, %mul3A_395 : vector<16xi32>
        %sub3A_397 = arith.subi %sub3A_326, %mul3A_396 : vector<16xi32>
        %lt3A_398 = arith.constant 0 : i32
        %lt3A_399 = vector.broadcast %lt3A_398 : i32 to vector<16xi32>
        %lt3A_400 = arith.cmpi slt, %sub3A_397, %lt3A_399 : vector<16xi32>
        %sub3A_401 = arith.constant 1 : i32
        %sub3A_402 = vector.broadcast %sub3A_401 : i32 to vector<16xi32>
        %sub3A_403 = arith.subi %convert_element_type3A_393, %sub3A_402 : vector<16xi32>
        %select_n3A_404 = arith.select %lt3A_400, %sub3A_403, %convert_element_type3A_393 : vector<16xi1>, vector<16xi32>
        %lt3A_405 = arith.constant 0 : i32
        %lt3A_406 = vector.broadcast %lt3A_405 : i32 to vector<16xi32>
        %lt3A_407 = arith.cmpi slt, %sub3A_397, %lt3A_406 : vector<16xi32>
        %add3A_408 = arith.constant 146096 : i32
        %add3A_409 = vector.broadcast %add3A_408 : i32 to vector<16xi32>
        %add3A_410 = arith.addi %sub3A_397, %add3A_409 : vector<16xi32>
        %select_n3A_411 = arith.select %lt3A_407, %add3A_410, %sub3A_397 : vector<16xi1>, vector<16xi32>
        %ge3A_412 = arith.constant 146096 : i32
        %ge3A_413 = vector.broadcast %ge3A_412 : i32 to vector<16xi32>
        %ge3A_414 = arith.cmpi sge, %select_n3A_411, %ge3A_413 : vector<16xi32>
        %add3A_415 = arith.constant 1 : i32
        %add3A_416 = vector.broadcast %add3A_415 : i32 to vector<16xi32>
        %add3A_417 = arith.addi %select_n3A_404, %add3A_416 : vector<16xi32>
        %select_n3A_418 = arith.select %ge3A_414, %add3A_417, %select_n3A_404 : vector<16xi1>, vector<16xi32>
        %sub3A_419 = arith.subi %add3A_388, %select_n3A_418 : vector<16xi32>
        %convert_element_type3A_420 = arith.sitofp %sub3A_419 : vector<16xi32> to vector<16xf32>
        %mul3A_421 = arith.constant 0.0027397261 : f32
        %mul3A_422 = vector.broadcast %mul3A_421 : f32 to vector<16xf32>
        %mul3A_423 = arith.mulf %convert_element_type3A_420, %mul3A_422 : vector<16xf32>
        %convert_element_type3A_424 = arith.fptosi %mul3A_423 : vector<16xf32> to vector<16xi32>
        %mul3A_425 = arith.constant 365 : i32
        %mul3A_426 = vector.broadcast %mul3A_425 : i32 to vector<16xi32>
        %mul3A_427 = arith.muli %convert_element_type3A_424, %mul3A_426 : vector<16xi32>
        %sub3A_428 = arith.subi %sub3A_419, %mul3A_427 : vector<16xi32>
        %lt3A_429 = arith.constant 0 : i32
        %lt3A_430 = vector.broadcast %lt3A_429 : i32 to vector<16xi32>
        %lt3A_431 = arith.cmpi slt, %sub3A_428, %lt3A_430 : vector<16xi32>
        %sub3A_432 = arith.constant 1 : i32
        %sub3A_433 = vector.broadcast %sub3A_432 : i32 to vector<16xi32>
        %sub3A_434 = arith.subi %convert_element_type3A_424, %sub3A_433 : vector<16xi32>
        %select_n3A_435 = arith.select %lt3A_431, %sub3A_434, %convert_element_type3A_424 : vector<16xi1>, vector<16xi32>
        %lt3A_436 = arith.constant 0 : i32
        %lt3A_437 = vector.broadcast %lt3A_436 : i32 to vector<16xi32>
        %lt3A_438 = arith.cmpi slt, %sub3A_428, %lt3A_437 : vector<16xi32>
        %add3A_439 = arith.constant 365 : i32
        %add3A_440 = vector.broadcast %add3A_439 : i32 to vector<16xi32>
        %add3A_441 = arith.addi %sub3A_428, %add3A_440 : vector<16xi32>
        %select_n3A_442 = arith.select %lt3A_438, %add3A_441, %sub3A_428 : vector<16xi1>, vector<16xi32>
        %ge3A_443 = arith.constant 365 : i32
        %ge3A_444 = vector.broadcast %ge3A_443 : i32 to vector<16xi32>
        %ge3A_445 = arith.cmpi sge, %select_n3A_442, %ge3A_444 : vector<16xi32>
        %add3A_446 = arith.constant 1 : i32
        %add3A_447 = vector.broadcast %add3A_446 : i32 to vector<16xi32>
        %add3A_448 = arith.addi %select_n3A_435, %add3A_447 : vector<16xi32>
        %select_n3A_449 = arith.select %ge3A_445, %add3A_448, %select_n3A_435 : vector<16xi1>, vector<16xi32>
        %mul3A_450 = arith.constant 365 : i32
        %mul3A_451 = vector.broadcast %mul3A_450 : i32 to vector<16xi32>
        %mul3A_452 = arith.muli %mul3A_451, %select_n3A_449 : vector<16xi32>
        %convert_element_type3A_453 = arith.sitofp %select_n3A_449 : vector<16xi32> to vector<16xf32>
        %mul3A_454 = arith.constant 2.500000e-01 : f32
        %mul3A_455 = vector.broadcast %mul3A_454 : f32 to vector<16xf32>
        %mul3A_456 = arith.mulf %convert_element_type3A_453, %mul3A_455 : vector<16xf32>
        %convert_element_type3A_457 = arith.fptosi %mul3A_456 : vector<16xf32> to vector<16xi32>
        %mul3A_458 = arith.constant 4 : i32
        %mul3A_459 = vector.broadcast %mul3A_458 : i32 to vector<16xi32>
        %mul3A_460 = arith.muli %convert_element_type3A_457, %mul3A_459 : vector<16xi32>
        %sub3A_461 = arith.subi %select_n3A_449, %mul3A_460 : vector<16xi32>
        %lt3A_462 = arith.constant 0 : i32
        %lt3A_463 = vector.broadcast %lt3A_462 : i32 to vector<16xi32>
        %lt3A_464 = arith.cmpi slt, %sub3A_461, %lt3A_463 : vector<16xi32>
        %sub3A_465 = arith.constant 1 : i32
        %sub3A_466 = vector.broadcast %sub3A_465 : i32 to vector<16xi32>
        %sub3A_467 = arith.subi %convert_element_type3A_457, %sub3A_466 : vector<16xi32>
        %select_n3A_468 = arith.select %lt3A_464, %sub3A_467, %convert_element_type3A_457 : vector<16xi1>, vector<16xi32>
        %lt3A_469 = arith.constant 0 : i32
        %lt3A_470 = vector.broadcast %lt3A_469 : i32 to vector<16xi32>
        %lt3A_471 = arith.cmpi slt, %sub3A_461, %lt3A_470 : vector<16xi32>
        %add3A_472 = arith.constant 4 : i32
        %add3A_473 = vector.broadcast %add3A_472 : i32 to vector<16xi32>
        %add3A_474 = arith.addi %sub3A_461, %add3A_473 : vector<16xi32>
        %select_n3A_475 = arith.select %lt3A_471, %add3A_474, %sub3A_461 : vector<16xi1>, vector<16xi32>
        %ge3A_476 = arith.constant 4 : i32
        %ge3A_477 = vector.broadcast %ge3A_476 : i32 to vector<16xi32>
        %ge3A_478 = arith.cmpi sge, %select_n3A_475, %ge3A_477 : vector<16xi32>
        %add3A_479 = arith.constant 1 : i32
        %add3A_480 = vector.broadcast %add3A_479 : i32 to vector<16xi32>
        %add3A_481 = arith.addi %select_n3A_468, %add3A_480 : vector<16xi32>
        %select_n3A_482 = arith.select %ge3A_478, %add3A_481, %select_n3A_468 : vector<16xi1>, vector<16xi32>
        %add3A_483 = arith.addi %mul3A_452, %select_n3A_482 : vector<16xi32>
        %convert_element_type3A_484 = arith.sitofp %select_n3A_449 : vector<16xi32> to vector<16xf32>
        %mul3A_485 = arith.constant 0.00999999977 : f32
        %mul3A_486 = vector.broadcast %mul3A_485 : f32 to vector<16xf32>
        %mul3A_487 = arith.mulf %convert_element_type3A_484, %mul3A_486 : vector<16xf32>
        %convert_element_type3A_488 = arith.fptosi %mul3A_487 : vector<16xf32> to vector<16xi32>
        %mul3A_489 = arith.constant 100 : i32
        %mul3A_490 = vector.broadcast %mul3A_489 : i32 to vector<16xi32>
        %mul3A_491 = arith.muli %convert_element_type3A_488, %mul3A_490 : vector<16xi32>
        %sub3A_492 = arith.subi %select_n3A_449, %mul3A_491 : vector<16xi32>
        %lt3A_493 = arith.constant 0 : i32
        %lt3A_494 = vector.broadcast %lt3A_493 : i32 to vector<16xi32>
        %lt3A_495 = arith.cmpi slt, %sub3A_492, %lt3A_494 : vector<16xi32>
        %sub3A_496 = arith.constant 1 : i32
        %sub3A_497 = vector.broadcast %sub3A_496 : i32 to vector<16xi32>
        %sub3A_498 = arith.subi %convert_element_type3A_488, %sub3A_497 : vector<16xi32>
        %select_n3A_499 = arith.select %lt3A_495, %sub3A_498, %convert_element_type3A_488 : vector<16xi1>, vector<16xi32>
        %lt3A_500 = arith.constant 0 : i32
        %lt3A_501 = vector.broadcast %lt3A_500 : i32 to vector<16xi32>
        %lt3A_502 = arith.cmpi slt, %sub3A_492, %lt3A_501 : vector<16xi32>
        %add3A_503 = arith.constant 100 : i32
        %add3A_504 = vector.broadcast %add3A_503 : i32 to vector<16xi32>
        %add3A_505 = arith.addi %sub3A_492, %add3A_504 : vector<16xi32>
        %select_n3A_506 = arith.select %lt3A_502, %add3A_505, %sub3A_492 : vector<16xi1>, vector<16xi32>
        %ge3A_507 = arith.constant 100 : i32
        %ge3A_508 = vector.broadcast %ge3A_507 : i32 to vector<16xi32>
        %ge3A_509 = arith.cmpi sge, %select_n3A_506, %ge3A_508 : vector<16xi32>
        %add3A_510 = arith.constant 1 : i32
        %add3A_511 = vector.broadcast %add3A_510 : i32 to vector<16xi32>
        %add3A_512 = arith.addi %select_n3A_499, %add3A_511 : vector<16xi32>
        %select_n3A_513 = arith.select %ge3A_509, %add3A_512, %select_n3A_499 : vector<16xi1>, vector<16xi32>
        %sub3A_514 = arith.subi %add3A_483, %select_n3A_513 : vector<16xi32>
        %sub3A_515 = arith.subi %sub3A_326, %sub3A_514 : vector<16xi32>
        %mul3A_516 = arith.constant 5 : i32
        %mul3A_517 = vector.broadcast %mul3A_516 : i32 to vector<16xi32>
        %mul3A_518 = arith.muli %mul3A_517, %sub3A_515 : vector<16xi32>
        %add3A_519 = arith.constant 2 : i32
        %add3A_520 = vector.broadcast %add3A_519 : i32 to vector<16xi32>
        %add3A_521 = arith.addi %mul3A_518, %add3A_520 : vector<16xi32>
        %convert_element_type3A_522 = arith.sitofp %add3A_521 : vector<16xi32> to vector<16xf32>
        %mul3A_523 = arith.constant 0.00653594779 : f32
        %mul3A_524 = vector.broadcast %mul3A_523 : f32 to vector<16xf32>
        %mul3A_525 = arith.mulf %convert_element_type3A_522, %mul3A_524 : vector<16xf32>
        %convert_element_type3A_526 = arith.fptosi %mul3A_525 : vector<16xf32> to vector<16xi32>
        %mul3A_527 = arith.constant 153 : i32
        %mul3A_528 = vector.broadcast %mul3A_527 : i32 to vector<16xi32>
        %mul3A_529 = arith.muli %convert_element_type3A_526, %mul3A_528 : vector<16xi32>
        %sub3A_530 = arith.subi %add3A_521, %mul3A_529 : vector<16xi32>
        %lt3A_531 = arith.constant 0 : i32
        %lt3A_532 = vector.broadcast %lt3A_531 : i32 to vector<16xi32>
        %lt3A_533 = arith.cmpi slt, %sub3A_530, %lt3A_532 : vector<16xi32>
        %sub3A_534 = arith.constant 1 : i32
        %sub3A_535 = vector.broadcast %sub3A_534 : i32 to vector<16xi32>
        %sub3A_536 = arith.subi %convert_element_type3A_526, %sub3A_535 : vector<16xi32>
        %select_n3A_537 = arith.select %lt3A_533, %sub3A_536, %convert_element_type3A_526 : vector<16xi1>, vector<16xi32>
        %lt3A_538 = arith.constant 0 : i32
        %lt3A_539 = vector.broadcast %lt3A_538 : i32 to vector<16xi32>
        %lt3A_540 = arith.cmpi slt, %sub3A_530, %lt3A_539 : vector<16xi32>
        %add3A_541 = arith.constant 153 : i32
        %add3A_542 = vector.broadcast %add3A_541 : i32 to vector<16xi32>
        %add3A_543 = arith.addi %sub3A_530, %add3A_542 : vector<16xi32>
        %select_n3A_544 = arith.select %lt3A_540, %add3A_543, %sub3A_530 : vector<16xi1>, vector<16xi32>
        %ge3A_545 = arith.constant 153 : i32
        %ge3A_546 = vector.broadcast %ge3A_545 : i32 to vector<16xi32>
        %ge3A_547 = arith.cmpi sge, %select_n3A_544, %ge3A_546 : vector<16xi32>
        %add3A_548 = arith.constant 1 : i32
        %add3A_549 = vector.broadcast %add3A_548 : i32 to vector<16xi32>
        %add3A_550 = arith.addi %select_n3A_537, %add3A_549 : vector<16xi32>
        %select_n3A_551 = arith.select %ge3A_547, %add3A_550, %select_n3A_537 : vector<16xi1>, vector<16xi32>
        %mul3A_552 = arith.constant 153 : i32
        %mul3A_553 = vector.broadcast %mul3A_552 : i32 to vector<16xi32>
        %mul3A_554 = arith.muli %mul3A_553, %select_n3A_551 : vector<16xi32>
        %add3A_555 = arith.constant 2 : i32
        %add3A_556 = vector.broadcast %add3A_555 : i32 to vector<16xi32>
        %add3A_557 = arith.addi %mul3A_554, %add3A_556 : vector<16xi32>
        %convert_element_type3A_558 = arith.sitofp %add3A_557 : vector<16xi32> to vector<16xf32>
        %mul3A_559 = arith.constant 2.000000e-01 : f32
        %mul3A_560 = vector.broadcast %mul3A_559 : f32 to vector<16xf32>
        %mul3A_561 = arith.mulf %convert_element_type3A_558, %mul3A_560 : vector<16xf32>
        %convert_element_type3A_562 = arith.fptosi %mul3A_561 : vector<16xf32> to vector<16xi32>
        %mul3A_563 = arith.constant 5 : i32
        %mul3A_564 = vector.broadcast %mul3A_563 : i32 to vector<16xi32>
        %mul3A_565 = arith.muli %convert_element_type3A_562, %mul3A_564 : vector<16xi32>
        %sub3A_566 = arith.subi %add3A_557, %mul3A_565 : vector<16xi32>
        %lt3A_567 = arith.constant 0 : i32
        %lt3A_568 = vector.broadcast %lt3A_567 : i32 to vector<16xi32>
        %lt3A_569 = arith.cmpi slt, %sub3A_566, %lt3A_568 : vector<16xi32>
        %sub3A_570 = arith.constant 1 : i32
        %sub3A_571 = vector.broadcast %sub3A_570 : i32 to vector<16xi32>
        %sub3A_572 = arith.subi %convert_element_type3A_562, %sub3A_571 : vector<16xi32>
        %select_n3A_573 = arith.select %lt3A_569, %sub3A_572, %convert_element_type3A_562 : vector<16xi1>, vector<16xi32>
        %lt3A_574 = arith.constant 0 : i32
        %lt3A_575 = vector.broadcast %lt3A_574 : i32 to vector<16xi32>
        %lt3A_576 = arith.cmpi slt, %sub3A_566, %lt3A_575 : vector<16xi32>
        %add3A_577 = arith.constant 5 : i32
        %add3A_578 = vector.broadcast %add3A_577 : i32 to vector<16xi32>
        %add3A_579 = arith.addi %sub3A_566, %add3A_578 : vector<16xi32>
        %select_n3A_580 = arith.select %lt3A_576, %add3A_579, %sub3A_566 : vector<16xi1>, vector<16xi32>
        %ge3A_581 = arith.constant 5 : i32
        %ge3A_582 = vector.broadcast %ge3A_581 : i32 to vector<16xi32>
        %ge3A_583 = arith.cmpi sge, %select_n3A_580, %ge3A_582 : vector<16xi32>
        %add3A_584 = arith.constant 1 : i32
        %add3A_585 = vector.broadcast %add3A_584 : i32 to vector<16xi32>
        %add3A_586 = arith.addi %select_n3A_573, %add3A_585 : vector<16xi32>
        %select_n3A_587 = arith.select %ge3A_583, %add3A_586, %select_n3A_573 : vector<16xi1>, vector<16xi32>
        %sub3A_588 = arith.subi %sub3A_515, %select_n3A_587 : vector<16xi32>
        %add3A_589 = arith.constant 1 : i32
        %add3A_590 = vector.broadcast %add3A_589 : i32 to vector<16xi32>
        %add3A_591 = arith.addi %sub3A_588, %add3A_590 : vector<16xi32>
        %lt3A_592 = arith.constant 10 : i32
        %lt3A_593 = vector.broadcast %lt3A_592 : i32 to vector<16xi32>
        %lt3A_594 = arith.cmpi slt, %select_n3A_551, %lt3A_593 : vector<16xi32>
        %add3A_595 = arith.constant 3 : i32
        %add3A_596 = vector.broadcast %add3A_595 : i32 to vector<16xi32>
        %add3A_597 = arith.addi %select_n3A_551, %add3A_596 : vector<16xi32>
        %sub3A_598 = arith.constant 9 : i32
        %sub3A_599 = vector.broadcast %sub3A_598 : i32 to vector<16xi32>
        %sub3A_600 = arith.subi %select_n3A_551, %sub3A_599 : vector<16xi32>
        %select_n3A_601 = arith.select %lt3A_594, %add3A_597, %sub3A_600 : vector<16xi1>, vector<16xi32>
        %sub3A_602 = arith.constant 1 : i32
        %sub3A_603 = vector.broadcast %sub3A_602 : i32 to vector<16xi32>
        %sub3A_604 = arith.subi %select_n3A_601, %sub3A_603 : vector<16xi32>
        %sub3A_605 = arith.constant 1 : i32
        %sub3A_606 = vector.broadcast %sub3A_605 : i32 to vector<16xi32>
        %sub3A_607 = arith.subi %add3A_591, %sub3A_606 : vector<16xi32>
        %add3A_608 = arith.addi %mul3A_153, %mul3A_89 : i32
        %add3A_609 = vector.broadcast %add3A_608 : i32 to vector<16xi32>
        %add3A_610 = arith.addi %iota3A, %add3A_609 : vector<16xi32>
        %mul3A_611 = arith.constant 128 : i32
        %mul3A_612 = vector.broadcast %mul3A_611 : i32 to vector<16xi32>
        %mul3A_613 = arith.muli %add3A_610, %mul3A_612 : vector<16xi32>
        %broadcast_in_dim3A_614 = arith.constant 0 : i32
        %broadcast_in_dim3A_615 = vector.broadcast %broadcast_in_dim3A_614 : i32 to vector<16xi32>
        %mul3A_616 = arith.constant 25 : i32
        %mul3A_617 = vector.broadcast %mul3A_616 : i32 to vector<16xi32>
        %mul3A_618 = arith.muli %sub3A_604, %mul3A_617 : vector<16xi32>
        %add3A_619 = arith.constant 0 : i32
        %add3A_620 = vector.broadcast %add3A_619 : i32 to vector<16xi32>
        %add3A_621 = arith.addi %mul3A_618, %add3A_620 : vector<16xi32>
        %sub3A_622 = arith.subi %gather3A, %mul3A_618 : vector<16xi32>
        %add3A_623 = arith.constant 0 : i32
        %add3A_624 = vector.broadcast %add3A_623 : i32 to vector<16xi32>
        %add3A_625 = arith.addi %mul3A_613, %add3A_624 : vector<16xi32>
        %parallel_loop3A = arith.constant 0 : i32
        %parallel_loop3A_626 = arith.constant 25 : i32
        %parallel_loop3A_627 = arith.constant 1 : i32
        %parallel_loop3A_628:3 = scf.for %parallel_loop3A_685 = %parallel_loop3A to %parallel_loop3A_626 step %parallel_loop3A_627 iter_args(%parallel_loop3A_686 = %add3A_621, %parallel_loop3A_687 = %sub3A_622, %parallel_loop3A_688 = %add3A_625) -> (vector<16xi32>, vector<16xi32>, vector<16xi32>)  : i32 {
          %parallel_loop3A_689 = tpu.vector_load_idx %arg8[%parallel_loop3A_686] : memref<3536xf32, #tpu.memory_space<vmem>>[vector<16xi32>], vector<16xf32>,
          tpu.vector_store_idx %arg13[%broadcast_in_dim3A_615, %parallel_loop3A_688], %parallel_loop3A_689 : memref<416x128xf32, #tpu.memory_space<vmem>>[vector<16xi32>, vector<16xi32>], vector<16xf32>,
          %parallel_loop3A_690 = tpu.vector_load_idx %arg9[%parallel_loop3A_687] : memref<7064xf32, #tpu.memory_space<vmem>>[vector<16xi32>], vector<16xf32>,
          tpu.vector_store_idx %arg14[%broadcast_in_dim3A_615, %parallel_loop3A_688], %parallel_loop3A_690 : memref<416x128xf32, #tpu.memory_space<vmem>>[vector<16xi32>, vector<16xi32>], vector<16xf32>,
          %parallel_loop3A_691 = arith.constant 1 : i32
          %parallel_loop3A_692 = vector.broadcast %parallel_loop3A_691 : i32 to vector<16xi32>
          %parallel_loop3A_693 = arith.addi %parallel_loop3A_686, %parallel_loop3A_692 : vector<16xi32>
          %parallel_loop3A_694 = arith.constant 1 : i32
          %parallel_loop3A_695 = vector.broadcast %parallel_loop3A_694 : i32 to vector<16xi32>
          %parallel_loop3A_696 = arith.addi %parallel_loop3A_687, %parallel_loop3A_695 : vector<16xi32>
          %parallel_loop3A_697 = arith.constant 1 : i32
          %parallel_loop3A_698 = vector.broadcast %parallel_loop3A_697 : i32 to vector<16xi32>
          %parallel_loop3A_699 = arith.addi %parallel_loop3A_688, %parallel_loop3A_698 : vector<16xi32>
          scf.yield %parallel_loop3A_693, %parallel_loop3A_696, %parallel_loop3A_699 : vector<16xi32>, vector<16xi32>, vector<16xi32>
        } {sc.loop_unroll_factor = 5 : i64, sc.parallel_access}
        %mul3A_629 = arith.constant 25 : i32
        %mul3A_630 = vector.broadcast %mul3A_629 : i32 to vector<16xi32>
        %mul3A_631 = arith.muli %sub3A_607, %mul3A_630 : vector<16xi32>
        %add3A_632 = arith.constant 300 : i32
        %add3A_633 = vector.broadcast %add3A_632 : i32 to vector<16xi32>
        %add3A_634 = arith.addi %mul3A_631, %add3A_633 : vector<16xi32>
        %sub3A_635 = arith.subi %gather3A_114, %mul3A_631 : vector<16xi32>
        %add3A_636 = arith.constant 25 : i32
        %add3A_637 = vector.broadcast %add3A_636 : i32 to vector<16xi32>
        %add3A_638 = arith.addi %mul3A_613, %add3A_637 : vector<16xi32>
        %parallel_loop3A_639 = arith.constant 0 : i32
        %parallel_loop3A_640 = arith.constant 25 : i32
        %parallel_loop3A_641 = arith.constant 1 : i32
        %parallel_loop3A_642:3 = scf.for %parallel_loop3A_685 = %parallel_loop3A_639 to %parallel_loop3A_640 step %parallel_loop3A_641 iter_args(%parallel_loop3A_686 = %add3A_634, %parallel_loop3A_687 = %sub3A_635, %parallel_loop3A_688 = %add3A_638) -> (vector<16xi32>, vector<16xi32>, vector<16xi32>)  : i32 {
          %parallel_loop3A_689 = tpu.vector_load_idx %arg8[%parallel_loop3A_686] : memref<3536xf32, #tpu.memory_space<vmem>>[vector<16xi32>], vector<16xf32>,
          tpu.vector_store_idx %arg13[%broadcast_in_dim3A_615, %parallel_loop3A_688], %parallel_loop3A_689 : memref<416x128xf32, #tpu.memory_space<vmem>>[vector<16xi32>, vector<16xi32>], vector<16xf32>,
          %parallel_loop3A_690 = tpu.vector_load_idx %arg9[%parallel_loop3A_687] : memref<7064xf32, #tpu.memory_space<vmem>>[vector<16xi32>], vector<16xf32>,
          tpu.vector_store_idx %arg14[%broadcast_in_dim3A_615, %parallel_loop3A_688], %parallel_loop3A_690 : memref<416x128xf32, #tpu.memory_space<vmem>>[vector<16xi32>, vector<16xi32>], vector<16xf32>,
          %parallel_loop3A_691 = arith.constant 1 : i32
          %parallel_loop3A_692 = vector.broadcast %parallel_loop3A_691 : i32 to vector<16xi32>
          %parallel_loop3A_693 = arith.addi %parallel_loop3A_686, %parallel_loop3A_692 : vector<16xi32>
          %parallel_loop3A_694 = arith.constant 1 : i32
          %parallel_loop3A_695 = vector.broadcast %parallel_loop3A_694 : i32 to vector<16xi32>
          %parallel_loop3A_696 = arith.addi %parallel_loop3A_687, %parallel_loop3A_695 : vector<16xi32>
          %parallel_loop3A_697 = arith.constant 1 : i32
          %parallel_loop3A_698 = vector.broadcast %parallel_loop3A_697 : i32 to vector<16xi32>
          %parallel_loop3A_699 = arith.addi %parallel_loop3A_688, %parallel_loop3A_698 : vector<16xi32>
          scf.yield %parallel_loop3A_693, %parallel_loop3A_696, %parallel_loop3A_699 : vector<16xi32>, vector<16xi32>, vector<16xi32>
        } {sc.loop_unroll_factor = 5 : i64, sc.parallel_access}
        %mul3A_643 = arith.constant 25 : i32
        %mul3A_644 = vector.broadcast %mul3A_643 : i32 to vector<16xi32>
        %mul3A_645 = arith.muli %sub3A_289, %mul3A_644 : vector<16xi32>
        %add3A_646 = arith.constant 1075 : i32
        %add3A_647 = vector.broadcast %add3A_646 : i32 to vector<16xi32>
        %add3A_648 = arith.addi %mul3A_645, %add3A_647 : vector<16xi32>
        %sub3A_649 = arith.subi %gather3A_119, %mul3A_645 : vector<16xi32>
        %add3A_650 = arith.constant 50 : i32
        %add3A_651 = vector.broadcast %add3A_650 : i32 to vector<16xi32>
        %add3A_652 = arith.addi %mul3A_613, %add3A_651 : vector<16xi32>
        %parallel_loop3A_653 = arith.constant 0 : i32
        %parallel_loop3A_654 = arith.constant 25 : i32
        %parallel_loop3A_655 = arith.constant 1 : i32
        %parallel_loop3A_656:3 = scf.for %parallel_loop3A_685 = %parallel_loop3A_653 to %parallel_loop3A_654 step %parallel_loop3A_655 iter_args(%parallel_loop3A_686 = %add3A_648, %parallel_loop3A_687 = %sub3A_649, %parallel_loop3A_688 = %add3A_652) -> (vector<16xi32>, vector<16xi32>, vector<16xi32>)  : i32 {
          %parallel_loop3A_689 = tpu.vector_load_idx %arg8[%parallel_loop3A_686] : memref<3536xf32, #tpu.memory_space<vmem>>[vector<16xi32>], vector<16xf32>,
          tpu.vector_store_idx %arg13[%broadcast_in_dim3A_615, %parallel_loop3A_688], %parallel_loop3A_689 : memref<416x128xf32, #tpu.memory_space<vmem>>[vector<16xi32>, vector<16xi32>], vector<16xf32>,
          %parallel_loop3A_690 = tpu.vector_load_idx %arg9[%parallel_loop3A_687] : memref<7064xf32, #tpu.memory_space<vmem>>[vector<16xi32>], vector<16xf32>,
          tpu.vector_store_idx %arg14[%broadcast_in_dim3A_615, %parallel_loop3A_688], %parallel_loop3A_690 : memref<416x128xf32, #tpu.memory_space<vmem>>[vector<16xi32>, vector<16xi32>], vector<16xf32>,
          %parallel_loop3A_691 = arith.constant 1 : i32
          %parallel_loop3A_692 = vector.broadcast %parallel_loop3A_691 : i32 to vector<16xi32>
          %parallel_loop3A_693 = arith.addi %parallel_loop3A_686, %parallel_loop3A_692 : vector<16xi32>
          %parallel_loop3A_694 = arith.constant 1 : i32
          %parallel_loop3A_695 = vector.broadcast %parallel_loop3A_694 : i32 to vector<16xi32>
          %parallel_loop3A_696 = arith.addi %parallel_loop3A_687, %parallel_loop3A_695 : vector<16xi32>
          %parallel_loop3A_697 = arith.constant 1 : i32
          %parallel_loop3A_698 = vector.broadcast %parallel_loop3A_697 : i32 to vector<16xi32>
          %parallel_loop3A_699 = arith.addi %parallel_loop3A_688, %parallel_loop3A_698 : vector<16xi32>
          scf.yield %parallel_loop3A_693, %parallel_loop3A_696, %parallel_loop3A_699 : vector<16xi32>, vector<16xi32>, vector<16xi32>
        } {sc.loop_unroll_factor = 5 : i64, sc.parallel_access}
        %mul3A_657 = arith.constant 25 : i32
        %mul3A_658 = vector.broadcast %mul3A_657 : i32 to vector<16xi32>
        %mul3A_659 = arith.muli %select_n3A_218, %mul3A_658 : vector<16xi32>
        %add3A_660 = arith.constant 1250 : i32
        %add3A_661 = vector.broadcast %add3A_660 : i32 to vector<16xi32>
        %add3A_662 = arith.addi %mul3A_659, %add3A_661 : vector<16xi32>
        %sub3A_663 = arith.subi %gather3A_124, %mul3A_659 : vector<16xi32>
        %add3A_664 = arith.constant 75 : i32
        %add3A_665 = vector.broadcast %add3A_664 : i32 to vector<16xi32>
        %add3A_666 = arith.addi %mul3A_613, %add3A_665 : vector<16xi32>
        %parallel_loop3A_667 = arith.constant 0 : i32
        %parallel_loop3A_668 = arith.constant 25 : i32
        %parallel_loop3A_669 = arith.constant 1 : i32
        %parallel_loop3A_670:3 = scf.for %parallel_loop3A_685 = %parallel_loop3A_667 to %parallel_loop3A_668 step %parallel_loop3A_669 iter_args(%parallel_loop3A_686 = %add3A_662, %parallel_loop3A_687 = %sub3A_663, %parallel_loop3A_688 = %add3A_666) -> (vector<16xi32>, vector<16xi32>, vector<16xi32>)  : i32 {
          %parallel_loop3A_689 = tpu.vector_load_idx %arg8[%parallel_loop3A_686] : memref<3536xf32, #tpu.memory_space<vmem>>[vector<16xi32>], vector<16xf32>,
          tpu.vector_store_idx %arg13[%broadcast_in_dim3A_615, %parallel_loop3A_688], %parallel_loop3A_689 : memref<416x128xf32, #tpu.memory_space<vmem>>[vector<16xi32>, vector<16xi32>], vector<16xf32>,
          %parallel_loop3A_690 = tpu.vector_load_idx %arg9[%parallel_loop3A_687] : memref<7064xf32, #tpu.memory_space<vmem>>[vector<16xi32>], vector<16xf32>,
          tpu.vector_store_idx %arg14[%broadcast_in_dim3A_615, %parallel_loop3A_688], %parallel_loop3A_690 : memref<416x128xf32, #tpu.memory_space<vmem>>[vector<16xi32>, vector<16xi32>], vector<16xf32>,
          %parallel_loop3A_691 = arith.constant 1 : i32
          %parallel_loop3A_692 = vector.broadcast %parallel_loop3A_691 : i32 to vector<16xi32>
          %parallel_loop3A_693 = arith.addi %parallel_loop3A_686, %parallel_loop3A_692 : vector<16xi32>
          %parallel_loop3A_694 = arith.constant 1 : i32
          %parallel_loop3A_695 = vector.broadcast %parallel_loop3A_694 : i32 to vector<16xi32>
          %parallel_loop3A_696 = arith.addi %parallel_loop3A_687, %parallel_loop3A_695 : vector<16xi32>
          %parallel_loop3A_697 = arith.constant 1 : i32
          %parallel_loop3A_698 = vector.broadcast %parallel_loop3A_697 : i32 to vector<16xi32>
          %parallel_loop3A_699 = arith.addi %parallel_loop3A_688, %parallel_loop3A_698 : vector<16xi32>
          scf.yield %parallel_loop3A_693, %parallel_loop3A_696, %parallel_loop3A_699 : vector<16xi32>, vector<16xi32>, vector<16xi32>
        } {sc.loop_unroll_factor = 5 : i64, sc.parallel_access}
        %mul3A_671 = arith.constant 28 : i32
        %mul3A_672 = vector.broadcast %mul3A_671 : i32 to vector<16xi32>
        %mul3A_673 = arith.muli %select_n3A_252, %mul3A_672 : vector<16xi32>
        %add3A_674 = arith.constant 1850 : i32
        %add3A_675 = vector.broadcast %add3A_674 : i32 to vector<16xi32>
        %add3A_676 = arith.addi %mul3A_673, %add3A_675 : vector<16xi32>
        %sub3A_677 = arith.subi %gather3A_129, %mul3A_673 : vector<16xi32>
        %add3A_678 = arith.constant 100 : i32
        %add3A_679 = vector.broadcast %add3A_678 : i32 to vector<16xi32>
        %add3A_680 = arith.addi %mul3A_613, %add3A_679 : vector<16xi32>
        %parallel_loop3A_681 = arith.constant 0 : i32
        %parallel_loop3A_682 = arith.constant 28 : i32
        %parallel_loop3A_683 = arith.constant 1 : i32
        %parallel_loop3A_684:3 = scf.for %parallel_loop3A_685 = %parallel_loop3A_681 to %parallel_loop3A_682 step %parallel_loop3A_683 iter_args(%parallel_loop3A_686 = %add3A_676, %parallel_loop3A_687 = %sub3A_677, %parallel_loop3A_688 = %add3A_680) -> (vector<16xi32>, vector<16xi32>, vector<16xi32>)  : i32 {
          %parallel_loop3A_689 = tpu.vector_load_idx %arg8[%parallel_loop3A_686] : memref<3536xf32, #tpu.memory_space<vmem>>[vector<16xi32>], vector<16xf32>,
          tpu.vector_store_idx %arg13[%broadcast_in_dim3A_615, %parallel_loop3A_688], %parallel_loop3A_689 : memref<416x128xf32, #tpu.memory_space<vmem>>[vector<16xi32>, vector<16xi32>], vector<16xf32>,
          %parallel_loop3A_690 = tpu.vector_load_idx %arg9[%parallel_loop3A_687] : memref<7064xf32, #tpu.memory_space<vmem>>[vector<16xi32>], vector<16xf32>,
          tpu.vector_store_idx %arg14[%broadcast_in_dim3A_615, %parallel_loop3A_688], %parallel_loop3A_690 : memref<416x128xf32, #tpu.memory_space<vmem>>[vector<16xi32>, vector<16xi32>], vector<16xf32>,
          %parallel_loop3A_691 = arith.constant 1 : i32
          %parallel_loop3A_692 = vector.broadcast %parallel_loop3A_691 : i32 to vector<16xi32>
          %parallel_loop3A_693 = arith.addi %parallel_loop3A_686, %parallel_loop3A_692 : vector<16xi32>
          %parallel_loop3A_694 = arith.constant 1 : i32
          %parallel_loop3A_695 = vector.broadcast %parallel_loop3A_694 : i32 to vector<16xi32>
          %parallel_loop3A_696 = arith.addi %parallel_loop3A_687, %parallel_loop3A_695 : vector<16xi32>
          %parallel_loop3A_697 = arith.constant 1 : i32
          %parallel_loop3A_698 = vector.broadcast %parallel_loop3A_697 : i32 to vector<16xi32>
          %parallel_loop3A_699 = arith.addi %parallel_loop3A_688, %parallel_loop3A_698 : vector<16xi32>
          scf.yield %parallel_loop3A_693, %parallel_loop3A_696, %parallel_loop3A_699 : vector<16xi32>, vector<16xi32>, vector<16xi32>
        } {sc.loop_unroll_factor = 4 : i64, sc.parallel_access}
      }
      %eq3A_141 = arith.constant 0 : i32
      %eq3A_142 = arith.cmpi eq, %and3A_87, %eq3A_141 : i32
      %convert_element_type3A_143 = arith.extui %eq3A_142 : i1 to i32
      %cond3A_144 = arith.constant 0 : i32
      %cond3A_145 = arith.cmpi ne, %convert_element_type3A_143, %cond3A_144 : i32
      scf.if %cond3A_145 {
        %dma_start3A = arith.constant 0 : i32
        %dma_start3A_151 = arith.constant 0 : i32
        %dma_start3A_152 = tpu.memref_slice %arg13[%dma_start3A, %dma_start3A_151] : memref<416x128xf32, #tpu.memory_space<vmem>> -> memref<201x128xf32, #tpu.memory_space<vmem>>
        %dma_start3A_153 = arith.constant 0 : i32
        %dma_start3A_154 = arith.constant 0 : i32
        %dma_start3A_155 = tpu.memref_slice %arg6[%add3A_84, %dma_start3A_153, %dma_start3A_154] : memref<4096x201x128xf32, #tpu.memory_space<hbm>> -> memref<1x201x128xf32, #tpu.memory_space<hbm>>
        %dma_start3A_156 = tpu.memref_squeeze %dma_start3A_155 : memref<1x201x128xf32, #tpu.memory_space<hbm>> -> memref<201x128xf32, #tpu.memory_space<hbm>>
        %dma_start3A_157 = arith.constant 0 : i32
        %dma_start3A_158 = arith.constant 0 : i32
        %dma_start3A_159 = tpu.memref_slice %arg6[%add3A_84, %dma_start3A_157, %dma_start3A_158] : memref<4096x201x128xf32, #tpu.memory_space<hbm>> -> memref<1x201x128xf32, #tpu.memory_space<hbm>>
        %dma_start3A_160 = tpu.memref_squeeze %dma_start3A_159 : memref<1x201x128xf32, #tpu.memory_space<hbm>> -> memref<201x128xf32, #tpu.memory_space<hbm>>
        %dma_start3A_161 = arith.constant 0 : i32
        %dma_start3A_162 = arith.constant 0 : i32
        %dma_start3A_163 = tpu.memref_slice %arg13[%dma_start3A_161, %dma_start3A_162] : memref<416x128xf32, #tpu.memory_space<vmem>> -> memref<201x128xf32, #tpu.memory_space<vmem>>
        tpu.enqueue_dma source(%dma_start3A_163 : memref<201x128xf32, #tpu.memory_space<vmem>>) target(%dma_start3A_160 : memref<201x128xf32, #tpu.memory_space<hbm>>) target_semaphore(%arg15 : memref<!tpu.dma_semaphore, #tpu.memory_space<semaphore_mem>>)
        %dma_start3A_164 = arith.constant 0 : i32
        %dma_start3A_165 = arith.constant 0 : i32
        %dma_start3A_166 = tpu.memref_slice %arg14[%dma_start3A_164, %dma_start3A_165] : memref<416x128xf32, #tpu.memory_space<vmem>> -> memref<200x128xf32, #tpu.memory_space<vmem>>
        %dma_start3A_167 = arith.constant 0 : i32
        %dma_start3A_168 = arith.constant 0 : i32
        %dma_start3A_169 = tpu.memref_slice %arg7[%add3A_84, %dma_start3A_167, %dma_start3A_168] : memref<4096x200x128xf32, #tpu.memory_space<hbm>> -> memref<1x200x128xf32, #tpu.memory_space<hbm>>
        %dma_start3A_170 = tpu.memref_squeeze %dma_start3A_169 : memref<1x200x128xf32, #tpu.memory_space<hbm>> -> memref<200x128xf32, #tpu.memory_space<hbm>>
        %dma_start3A_171 = arith.constant 0 : i32
        %dma_start3A_172 = arith.constant 0 : i32
        %dma_start3A_173 = tpu.memref_slice %arg7[%add3A_84, %dma_start3A_171, %dma_start3A_172] : memref<4096x200x128xf32, #tpu.memory_space<hbm>> -> memref<1x200x128xf32, #tpu.memory_space<hbm>>
        %dma_start3A_174 = tpu.memref_squeeze %dma_start3A_173 : memref<1x200x128xf32, #tpu.memory_space<hbm>> -> memref<200x128xf32, #tpu.memory_space<hbm>>
        %dma_start3A_175 = arith.constant 0 : i32
        %dma_start3A_176 = arith.constant 0 : i32
        %dma_start3A_177 = tpu.memref_slice %arg14[%dma_start3A_175, %dma_start3A_176] : memref<416x128xf32, #tpu.memory_space<vmem>> -> memref<200x128xf32, #tpu.memory_space<vmem>>
        tpu.enqueue_dma source(%dma_start3A_177 : memref<200x128xf32, #tpu.memory_space<vmem>>) target(%dma_start3A_174 : memref<200x128xf32, #tpu.memory_space<hbm>>) target_semaphore(%arg17 : memref<!tpu.dma_semaphore, #tpu.memory_space<semaphore_mem>>)
      } else {
      }
      %eq3A_146 = arith.constant 1 : i32
      %eq3A_147 = arith.cmpi eq, %and3A_87, %eq3A_146 : i32
      %convert_element_type3A_148 = arith.extui %eq3A_147 : i1 to i32
      %cond3A_149 = arith.constant 0 : i32
      %cond3A_150 = arith.cmpi ne, %convert_element_type3A_148, %cond3A_149 : i32
      scf.if %cond3A_150 {
        %dma_start3A = arith.constant 208 : i32
        %dma_start3A_151 = arith.constant 0 : i32
        %dma_start3A_152 = tpu.memref_slice %arg13[%dma_start3A, %dma_start3A_151] : memref<416x128xf32, #tpu.memory_space<vmem>> -> memref<201x128xf32, #tpu.memory_space<vmem>>
        %dma_start3A_153 = arith.constant 0 : i32
        %dma_start3A_154 = arith.constant 0 : i32
        %dma_start3A_155 = tpu.memref_slice %arg6[%add3A_84, %dma_start3A_153, %dma_start3A_154] : memref<4096x201x128xf32, #tpu.memory_space<hbm>> -> memref<1x201x128xf32, #tpu.memory_space<hbm>>
        %dma_start3A_156 = tpu.memref_squeeze %dma_start3A_155 : memref<1x201x128xf32, #tpu.memory_space<hbm>> -> memref<201x128xf32, #tpu.memory_space<hbm>>
        %dma_start3A_157 = arith.constant 0 : i32
        %dma_start3A_158 = arith.constant 0 : i32
        %dma_start3A_159 = tpu.memref_slice %arg6[%add3A_84, %dma_start3A_157, %dma_start3A_158] : memref<4096x201x128xf32, #tpu.memory_space<hbm>> -> memref<1x201x128xf32, #tpu.memory_space<hbm>>
        %dma_start3A_160 = tpu.memref_squeeze %dma_start3A_159 : memref<1x201x128xf32, #tpu.memory_space<hbm>> -> memref<201x128xf32, #tpu.memory_space<hbm>>
        %dma_start3A_161 = arith.constant 208 : i32
        %dma_start3A_162 = arith.constant 0 : i32
        %dma_start3A_163 = tpu.memref_slice %arg13[%dma_start3A_161, %dma_start3A_162] : memref<416x128xf32, #tpu.memory_space<vmem>> -> memref<201x128xf32, #tpu.memory_space<vmem>>
        tpu.enqueue_dma source(%dma_start3A_163 : memref<201x128xf32, #tpu.memory_space<vmem>>) target(%dma_start3A_160 : memref<201x128xf32, #tpu.memory_space<hbm>>) target_semaphore(%arg16 : memref<!tpu.dma_semaphore, #tpu.memory_space<semaphore_mem>>)
        %dma_start3A_164 = arith.constant 208 : i32
        %dma_start3A_165 = arith.constant 0 : i32
        %dma_start3A_166 = tpu.memref_slice %arg14[%dma_start3A_164, %dma_start3A_165] : memref<416x128xf32, #tpu.memory_space<vmem>> -> memref<200x128xf32, #tpu.memory_space<vmem>>
        %dma_start3A_167 = arith.constant 0 : i32
        %dma_start3A_168 = arith.constant 0 : i32
        %dma_start3A_169 = tpu.memref_slice %arg7[%add3A_84, %dma_start3A_167, %dma_start3A_168] : memref<4096x200x128xf32, #tpu.memory_space<hbm>> -> memref<1x200x128xf32, #tpu.memory_space<hbm>>
        %dma_start3A_170 = tpu.memref_squeeze %dma_start3A_169 : memref<1x200x128xf32, #tpu.memory_space<hbm>> -> memref<200x128xf32, #tpu.memory_space<hbm>>
        %dma_start3A_171 = arith.constant 0 : i32
        %dma_start3A_172 = arith.constant 0 : i32
        %dma_start3A_173 = tpu.memref_slice %arg7[%add3A_84, %dma_start3A_171, %dma_start3A_172] : memref<4096x200x128xf32, #tpu.memory_space<hbm>> -> memref<1x200x128xf32, #tpu.memory_space<hbm>>
        %dma_start3A_174 = tpu.memref_squeeze %dma_start3A_173 : memref<1x200x128xf32, #tpu.memory_space<hbm>> -> memref<200x128xf32, #tpu.memory_space<hbm>>
        %dma_start3A_175 = arith.constant 208 : i32
        %dma_start3A_176 = arith.constant 0 : i32
        %dma_start3A_177 = tpu.memref_slice %arg14[%dma_start3A_175, %dma_start3A_176] : memref<416x128xf32, #tpu.memory_space<vmem>> -> memref<200x128xf32, #tpu.memory_space<vmem>>
        tpu.enqueue_dma source(%dma_start3A_177 : memref<200x128xf32, #tpu.memory_space<vmem>>) target(%dma_start3A_174 : memref<200x128xf32, #tpu.memory_space<hbm>>) target_semaphore(%arg18 : memref<!tpu.dma_semaphore, #tpu.memory_space<semaphore_mem>>)
      } else {
      }
    }
    %mul3A_24 = arith.constant 128 : i32
    %mul3A_25 = arith.muli %add3A, %mul3A_24 : i32
    %dma_wait3A = arith.constant 0 : i32
    %dma_wait3A_26 = arith.constant 0 : i32
    %dma_wait3A_27 = tpu.memref_slice %arg13[%dma_wait3A, %dma_wait3A_26] : memref<416x128xf32, #tpu.memory_space<vmem>> -> memref<201x128xf32, #tpu.memory_space<vmem>>
    %dma_wait3A_28 = arith.constant 0 : i32
    %dma_wait3A_29 = arith.constant 0 : i32
    %dma_wait3A_30 = tpu.memref_slice %arg6[%mul3A_25, %dma_wait3A_28, %dma_wait3A_29] : memref<4096x201x128xf32, #tpu.memory_space<hbm>> -> memref<1x201x128xf32, #tpu.memory_space<hbm>>
    %dma_wait3A_31 = tpu.memref_squeeze %dma_wait3A_30 : memref<1x201x128xf32, #tpu.memory_space<hbm>> -> memref<201x128xf32, #tpu.memory_space<hbm>>
    %dma_wait3A_32 = arith.constant 0 : i32
    %dma_wait3A_33 = arith.constant 0 : i32
    %dma_wait3A_34 = tpu.memref_slice %arg6[%mul3A_25, %dma_wait3A_32, %dma_wait3A_33] : memref<4096x201x128xf32, #tpu.memory_space<hbm>> -> memref<1x201x128xf32, #tpu.memory_space<hbm>>
    %dma_wait3A_35 = tpu.memref_squeeze %dma_wait3A_34 : memref<1x201x128xf32, #tpu.memory_space<hbm>> -> memref<201x128xf32, #tpu.memory_space<hbm>>
    %dma_wait3A_36 = arith.constant 0 : i32
    %dma_wait3A_37 = arith.constant 0 : i32
    %dma_wait3A_38 = tpu.memref_slice %arg13[%dma_wait3A_36, %dma_wait3A_37] : memref<416x128xf32, #tpu.memory_space<vmem>> -> memref<201x128xf32, #tpu.memory_space<vmem>>
    tpu.wait_dma2 semaphore(%arg15 : memref<!tpu.dma_semaphore, #tpu.memory_space<semaphore_mem>>) src(%dma_wait3A_38 : memref<201x128xf32, #tpu.memory_space<vmem>>) dst(%dma_wait3A_35 : memref<201x128xf32, #tpu.memory_space<hbm>>)
    %dma_wait3A_39 = arith.constant 0 : i32
    %dma_wait3A_40 = arith.constant 0 : i32
    %dma_wait3A_41 = tpu.memref_slice %arg14[%dma_wait3A_39, %dma_wait3A_40] : memref<416x128xf32, #tpu.memory_space<vmem>> -> memref<200x128xf32, #tpu.memory_space<vmem>>
    %dma_wait3A_42 = arith.constant 0 : i32
    %dma_wait3A_43 = arith.constant 0 : i32
    %dma_wait3A_44 = tpu.memref_slice %arg7[%mul3A_25, %dma_wait3A_42, %dma_wait3A_43] : memref<4096x200x128xf32, #tpu.memory_space<hbm>> -> memref<1x200x128xf32, #tpu.memory_space<hbm>>
    %dma_wait3A_45 = tpu.memref_squeeze %dma_wait3A_44 : memref<1x200x128xf32, #tpu.memory_space<hbm>> -> memref<200x128xf32, #tpu.memory_space<hbm>>
    %dma_wait3A_46 = arith.constant 0 : i32
    %dma_wait3A_47 = arith.constant 0 : i32
    %dma_wait3A_48 = tpu.memref_slice %arg7[%mul3A_25, %dma_wait3A_46, %dma_wait3A_47] : memref<4096x200x128xf32, #tpu.memory_space<hbm>> -> memref<1x200x128xf32, #tpu.memory_space<hbm>>
    %dma_wait3A_49 = tpu.memref_squeeze %dma_wait3A_48 : memref<1x200x128xf32, #tpu.memory_space<hbm>> -> memref<200x128xf32, #tpu.memory_space<hbm>>
    %dma_wait3A_50 = arith.constant 0 : i32
    %dma_wait3A_51 = arith.constant 0 : i32
    %dma_wait3A_52 = tpu.memref_slice %arg14[%dma_wait3A_50, %dma_wait3A_51] : memref<416x128xf32, #tpu.memory_space<vmem>> -> memref<200x128xf32, #tpu.memory_space<vmem>>
    tpu.wait_dma2 semaphore(%arg17 : memref<!tpu.dma_semaphore, #tpu.memory_space<semaphore_mem>>) src(%dma_wait3A_52 : memref<200x128xf32, #tpu.memory_space<vmem>>) dst(%dma_wait3A_49 : memref<200x128xf32, #tpu.memory_space<hbm>>)
    %dma_wait3A_53 = arith.constant 208 : i32
    %dma_wait3A_54 = arith.constant 0 : i32
    %dma_wait3A_55 = tpu.memref_slice %arg13[%dma_wait3A_53, %dma_wait3A_54] : memref<416x128xf32, #tpu.memory_space<vmem>> -> memref<201x128xf32, #tpu.memory_space<vmem>>
    %dma_wait3A_56 = arith.constant 0 : i32
    %dma_wait3A_57 = arith.constant 0 : i32
    %dma_wait3A_58 = tpu.memref_slice %arg6[%mul3A_25, %dma_wait3A_56, %dma_wait3A_57] : memref<4096x201x128xf32, #tpu.memory_space<hbm>> -> memref<1x201x128xf32, #tpu.memory_space<hbm>>
    %dma_wait3A_59 = tpu.memref_squeeze %dma_wait3A_58 : memref<1x201x128xf32, #tpu.memory_space<hbm>> -> memref<201x128xf32, #tpu.memory_space<hbm>>
    %dma_wait3A_60 = arith.constant 0 : i32
    %dma_wait3A_61 = arith.constant 0 : i32
    %dma_wait3A_62 = tpu.memref_slice %arg6[%mul3A_25, %dma_wait3A_60, %dma_wait3A_61] : memref<4096x201x128xf32, #tpu.memory_space<hbm>> -> memref<1x201x128xf32, #tpu.memory_space<hbm>>
    %dma_wait3A_63 = tpu.memref_squeeze %dma_wait3A_62 : memref<1x201x128xf32, #tpu.memory_space<hbm>> -> memref<201x128xf32, #tpu.memory_space<hbm>>
    %dma_wait3A_64 = arith.constant 208 : i32
    %dma_wait3A_65 = arith.constant 0 : i32
    %dma_wait3A_66 = tpu.memref_slice %arg13[%dma_wait3A_64, %dma_wait3A_65] : memref<416x128xf32, #tpu.memory_space<vmem>> -> memref<201x128xf32, #tpu.memory_space<vmem>>
    tpu.wait_dma2 semaphore(%arg16 : memref<!tpu.dma_semaphore, #tpu.memory_space<semaphore_mem>>) src(%dma_wait3A_66 : memref<201x128xf32, #tpu.memory_space<vmem>>) dst(%dma_wait3A_63 : memref<201x128xf32, #tpu.memory_space<hbm>>)
    %dma_wait3A_67 = arith.constant 208 : i32
    %dma_wait3A_68 = arith.constant 0 : i32
    %dma_wait3A_69 = tpu.memref_slice %arg14[%dma_wait3A_67, %dma_wait3A_68] : memref<416x128xf32, #tpu.memory_space<vmem>> -> memref<200x128xf32, #tpu.memory_space<vmem>>
    %dma_wait3A_70 = arith.constant 0 : i32
    %dma_wait3A_71 = arith.constant 0 : i32
    %dma_wait3A_72 = tpu.memref_slice %arg7[%mul3A_25, %dma_wait3A_70, %dma_wait3A_71] : memref<4096x200x128xf32, #tpu.memory_space<hbm>> -> memref<1x200x128xf32, #tpu.memory_space<hbm>>
    %dma_wait3A_73 = tpu.memref_squeeze %dma_wait3A_72 : memref<1x200x128xf32, #tpu.memory_space<hbm>> -> memref<200x128xf32, #tpu.memory_space<hbm>>
    %dma_wait3A_74 = arith.constant 0 : i32
    %dma_wait3A_75 = arith.constant 0 : i32
    %dma_wait3A_76 = tpu.memref_slice %arg7[%mul3A_25, %dma_wait3A_74, %dma_wait3A_75] : memref<4096x200x128xf32, #tpu.memory_space<hbm>> -> memref<1x200x128xf32, #tpu.memory_space<hbm>>
    %dma_wait3A_77 = tpu.memref_squeeze %dma_wait3A_76 : memref<1x200x128xf32, #tpu.memory_space<hbm>> -> memref<200x128xf32, #tpu.memory_space<hbm>>
    %dma_wait3A_78 = arith.constant 208 : i32
    %dma_wait3A_79 = arith.constant 0 : i32
    %dma_wait3A_80 = tpu.memref_slice %arg14[%dma_wait3A_78, %dma_wait3A_79] : memref<416x128xf32, #tpu.memory_space<vmem>> -> memref<200x128xf32, #tpu.memory_space<vmem>>
    tpu.wait_dma2 semaphore(%arg18 : memref<!tpu.dma_semaphore, #tpu.memory_space<semaphore_mem>>) src(%dma_wait3A_80 : memref<200x128xf32, #tpu.memory_space<vmem>>) dst(%dma_wait3A_77 : memref<200x128xf32, #tpu.memory_space<hbm>>)
    return
  }
}

</mosaic_0001>

<sc_bundles>
// kernel: kernel.3.cloned.1.call-start
scs
__scs_entry_jumppad:
0x0: {  	(pc) =	sbr.rel $0x88, $3  }
0x1: {  	(tag) =	ssettag $0x0;
	lr =	simm.s32 $0x1  }
0x2: {  	[smem:$0x3F95] =	sst lr;
	_ =	strace $0xD0000000  }
0x3: {  	_ = 	snop  }
0x4: {  	_ = 	snop  }
0x5: {  	_ = 	snop  }
0x6: {  	_ = 	snop  }
0x7: {  	_ = 	snop  }
__scs_overlays_trampoline_lowered:
0x8: {  	[smem:$0x3FA4] =	sst s0  }
0x9: {  	[smem:$0x3FA5] =	sst s1  }
0xa: {  	[smem:$0x3FA6] =	sst s2  }
0xb: {  	[smem:$0x3FA7] =	sst s3  }
0xc: {  	[smem:$0x3FA8] =	sst s4  }
0xd: {  	[smem:$0x3FA9] =	sst s5  }
0xe: {  	[smem:$0x3FAA] =	sst s6  }
0xf: {  	[smem:$0x3FAB] =	sst s7  }
0x10: {  	[smem:$0x3FAC] =	sst s8  }
0x11: {  	[smem:$0x3FAD] =	sst s9;
	s0 =	simm.s32 @!p0 $0x0  }
0x12: {  	s1 =	sld [smem:$0x3F93];
	s0 =	simm.s32 @p0 $0x1  }
0x13: {  	[smem:$0x3FAE] =	sst s0;
	s0 =	simm.s32 @!p1 $0x0  }
0x14: {  	s2 =	sld [smem:$0x3F92];
	s0 =	simm.s32 @p1 $0x1  }
0x15: {  	[smem:$0x3FAF] =	sst s0;
	s0 =	simm.s32 @!p2 $0x0  }
0x16: {  	s3 =	sld [smem:$0x3FDB];
	s0 =	simm.s32 @p2 $0x1  }
0x17: {  	s4 =	simm.s32 $0x1BF5;
	[smem:$0x3FB1] =	sst s0  }
0x18: {  	s0 =	sld [smem:$0x3F94];
	_ =	swait.ge [sflag:s4], $0x0  }
0x19: {  	s7 =	sld [smem:$0x3F95]  }
0x1a: {  	s8 =	sadd.s32 $0xFFFFE003, lr  }
0x1b: {  	s9 =	sadd.s32 $0xFFFFFEF7, lr;
	s5 =	simm.s32 $0xFFFFFFFF;
	p2 =	slt.u32 s8, $0xFFFFF086  }
0x1c: {  	p1 =	slt.u32 s9, $0xF7A;
	s5 =	simm.s32 @!p2 $0x0  }
0x1d: {  	s5 =	simm.s32 @p1 $0x1;
	p0 =	seq.s32 s7, s2  }
0x1e: {  	s7 =	smul.u32 @!p0 $0xF7A, s2;
	p2 =	seq.s32 @!p0 s5, $0x0  }
0x1f: {  	s9 =	smul.u32 $0xF7A, s1;
	s8 =	simm.s32 @!p0 $0x1BF5;
	p2 =	por !p2, p0  }
0x20: {  	[sflag:s8] =	ssyncset.s32 @!p0 $0xFFFFF086;
	s6 =	sadd.s32 @!p0 s3, s7;
	s7 =	simm.s32 @!p0 $0x108  }
0x21: {  	s3 =	sadd.s32 s3, s9;
	s6 =	sadd.s32 @!p0 $0x88, s6;
	s7 =	simm.s32 @p2 $0x1082  }
0x22: {  	[simem:s7], [sflag:s8] =	dma.local @!p0 [hbm:s6], $0xF7A  }
0x23: {  	s9 =	sor.u32 $0xD0000000, s2;
	s6 =	simm.s32 $0x108;
	_ =	swait.ge @!p0 [sflag:s8], $0x0  }
0x24: {  	s3 =	sadd.s32 $0x88, s3;
	s6 =	simm.s32 @!p1 $0x1082;
	[sflag:s4] =	ssyncset.s32 $0xFFFFF086  }
0x25: {  	[simem:s6], [sflag:s4] =	dma.local [hbm:s3], $0xF7A  }
0x26: {  	[smem:$0x3F95] =	sst s1;
	(tag) =	ssettag s2;
	_ =	strace s9  }
0x27: {  	s1 =	sld [smem:$0x3FA5]  }
0x28: {  	s2 =	sld [smem:$0x3FA6]  }
0x29: {  	s4 =	sld [smem:$0x3FA8]  }
0x2a: {  	p0 =	seq.s32 s5, $0x0;
	s5 =	sld [smem:$0x3FA9]  }
0x2b: {  	s6 =	sld [smem:$0x3FAA]  }
0x2c: {  	s7 =	sld [smem:$0x3FAB]  }
0x2d: {  	s3 =	simm.s32 $0x108;
	s8 =	sld [smem:$0x3FAC]  }
0x2e: {  	s3 =	simm.s32 @!p0 $0x1082;
	s9 =	sld [smem:$0x3FAD]  }
0x2f: {  	lr =	sadd.s32 s0, s3;
	s0 =	sld [smem:$0x3FA4]  }
0x30: {  	s3 =	sld [smem:$0x3FA7]  }
0x31: {  	[smem:$0x3FB0] =	sst s10  }
0x32: {  	s10 =	sld [smem:$0x3FAE];
	_ =	sdelay $0x3  }
0x33: {  	p0 =	seq.s32 s10, $0x1;
	s10 =	sld [smem:$0x3FB0];
	_ =	sdelay $0x3  }
0x34: {  	[smem:$0x3FB0] =	sst s10  }
0x35: {  	s10 =	sld [smem:$0x3FAF];
	_ =	sdelay $0x3  }
0x36: {  	p1 =	seq.s32 s10, $0x1;
	s10 =	sld [smem:$0x3FB0];
	_ =	sdelay $0x3  }
0x37: {  	[smem:$0x3FB0] =	sst s10  }
0x38: {  	s10 =	sld [smem:$0x3FB1]  }
0x39: {  	_ = 	snop;
	(pc) =	sbr.ind lr, $3  }
0x3a: {  	_ = 	snop  }
0x3b: {  	_ = 	snop  }
0x3c: {  	p2 =	seq.s32 s10, $0x1;
	s10 =	sld [smem:$0x3FB0]  }
0x3d: {  	_ =	shalt  }
0x3e: {  	_ =	shalt  }
0x3f: {  	_ =	shalt  }
0x40: {  	_ =	shalt  }
0x41: {  	_ =	shalt  }
0x42: {  	_ =	shalt  }
0x43: {  	_ =	shalt  }
0x44: {  	_ =	shalt  }
0x45: {  	_ =	shalt  }
0x46: {  	_ =	shalt  }
0x47: {  	_ =	shalt  }
0x48: {  	_ =	shalt  }
0x49: {  	_ =	shalt  }
0x4a: {  	_ =	shalt  }
0x4b: {  	_ =	shalt  }
0x4c: {  	_ =	shalt  }
0x4d: {  	_ =	shalt  }
0x4e: {  	_ =	shalt  }
0x4f: {  	_ =	shalt  }
0x50: {  	_ =	shalt  }
0x51: {  	_ =	shalt  }
0x52: {  	_ =	shalt  }
0x53: {  	_ =	shalt  }
0x54: {  	_ =	shalt  }
0x55: {  	_ =	shalt  }
0x56: {  	_ =	shalt  }
0x57: {  	_ =	shalt  }
0x58: {  	_ =	shalt  }
0x59: {  	_ =	shalt  }
0x5a: {  	_ =	shalt  }
0x5b: {  	_ =	shalt  }
0x5c: {  	_ =	shalt  }
0x5d: {  	_ =	shalt  }
0x5e: {  	_ =	shalt  }
0x5f: {  	_ =	shalt  }
0x60: {  	_ =	shalt  }
0x61: {  	_ =	shalt  }
0x62: {  	_ =	shalt  }
0x63: {  	_ =	shalt  }
0x64: {  	_ =	shalt  }
0x65: {  	_ =	shalt  }
0x66: {  	_ =	shalt  }
0x67: {  	_ =	shalt  }
0x68: {  	_ =	shalt  }
0x69: {  	_ =	shalt  }
0x6a: {  	_ =	shalt  }
0x6b: {  	_ =	shalt  }
0x6c: {  	_ =	shalt  }
0x6d: {  	_ =	shalt  }
0x6e: {  	_ =	shalt  }
0x6f: {  	_ =	shalt  }
0x70: {  	_ =	shalt  }
0x71: {  	_ =	shalt  }
0x72: {  	_ =	shalt  }
0x73: {  	_ =	shalt  }
0x74: {  	_ =	shalt  }
0x75: {  	_ =	shalt  }
0x76: {  	_ =	shalt  }
0x77: {  	_ =	shalt  }
0x78: {  	_ =	shalt  }
0x79: {  	_ =	shalt  }
0x7a: {  	_ =	shalt  }
0x7b: {  	_ =	shalt  }
0x7c: {  	_ =	shalt  }
0x7d: {  	_ =	shalt  }
0x7e: {  	_ =	shalt  }
0x7f: {  	_ =	shalt  }
0x80: {  	_ =	shalt  }
0x81: {  	_ =	shalt  }
0x82: {  	_ =	shalt  }
0x83: {  	_ =	shalt  }
0x84: {  	_ =	shalt  }
0x85: {  	_ =	shalt  }
0x86: {  	_ =	shalt  }
0x87: {  	_ =	shalt  }
.Lfunc_end0:
.L_simem_size_0:
called_computation_lowered:
.L_overlay_start_0:
0x88: {  	s2 =	sld [smem:$0x3FD9]  }
0x89: {  	s3 =	sld [smem:$0x3FFE];
	_ =	sdelay $0x1  }
0x8a: {  	s1 =	srdreg.scid  }
0x8b: {  	s0 =	sand.u32 $0x1, s1  }
0x8c: {  	s14 =	sshll.u32 s0, $0xA;
	s2 =	sadd.s32 s3, s2  }
0x8d: {  	s2 =	sadd.s32 s2, s14  }
0x8e: {  	[smem:$0x3FBC] =	sst s2  }
0x8f: {  	_ = 	snop  }
0x90: {  	s2 =	sld [smem:$0x3FD0];
	_ =	sdelay $0x2  }
0x91: {  	s15 =	simm.s32 $0xA;
	s4 =	simm.s32 $0x10  }
0x92: {  	[smem:s4], [sflag:s15] =	dma.local [hbm:s2], $0x1  }
0x93: {  	_ =	swait.eq [sflag:s15], $0x1  }
0x94: {  	[sflag:s15] =	ssyncset.done $0x0  }
0x95: {  	s16 =	sld [smem:$0x10];
	[sflag:s15] =	ssyncadd.s32 $0xFFFFFFFF  }
0x96: {  	s17 =	sld [smem:$0x11];
	(tm) =	ssettm $0x1  }
0x97: {  	s18 =	sld [smem:$0x3FFB];
	_ =	sdelay $0x3  }
0x98: {  	_ =	strace s18  }
0x99: {  	s4 =	sld [smem:$0x3FFC];
	_ =	sdelay $0x3  }
0x9a: {  	_ =	strace s4  }
0x9b: {  	s4 =	sld [smem:$0x3FFD];
	_ =	sdelay $0x3  }
0x9c: {  	_ =	strace s4  }
0x9d: {  	_ =	strace $0x8FFFFFFF  }
0x9e: {  	s19 =	sld [smem:$0x3FDB];
	_ =	sdelay $0x1  }
0x9f: {  	s5 =	simm.s32 $_scs_section_size  }
0xa0: {  	s6 =	simm.s32 $_size__tile_overlayer_lowered;
	s7 =	simm.s32 $_tile_overlayer_lowered  }
0xa1: {  	s22 =	simm.s32 $0x1BFF;
	s21 =	sshll.u32 s7, $0x1;
	s4 =	sadd.s32 s5, s19  }
0xa2: {  	s8 =	simm.s32 $0x0;
	s20 =	sshll.u32 s6, $0x1;
	s6 =	sadd.s32 s21, s4  }
0xa3: {  	[timem:s8], [sflag:s22] =	dma.local [hbm:s6], s20  }
0xa4: {  	_ =	swait.ge [sflag:s22], s20  }
0xa5: {  	s5 =	ssub.s32 $0x0, s20;
	[sflag:s22] =	ssyncset.done $0x0  }
0xa6: {  	[sflag:s22] =	ssyncadd.s32 s5;
	_ =	sdelay $0x1  }
0xa7: {  	s23 =	simm.s32 $0x1B8B  }
0xa8: {  	_ =	swait.ge [sflag:s23], $0x1  }
0xa9: {  	[sflag:s23] =	ssyncset.done $0x0  }
0xaa: {  	s25 =	simm.s32 $0x1B8E;
	s24 =	sld [smem:$0x3FFE];
	[sflag:s23] =	ssyncadd.s32 $0xFFFFFFFF  }
0xab: {  	s26 =	simm.s32 $execute0_lowered;
	[smem:$0x3FD2] =	sst s25  }
0xac: {  	s6 =	sshll.u32 s26, $0x1;
	_ =	strace $0x80000046;
	[dreg:$0x1] =	wrdreg $0xFFFFFFFF  }
0xad: {  	s28 =	simm.s32 $_size_execute0_lowered;
	s4 =	sadd.s32 s4, s6;
	[dreg:$0x0] =	wrdreg $0x0  }
0xae: {  	s6 =	sshll.u32 s28, $0x1;
	[dreg:$0x2] =	wrdreg s4  }
0xaf: {  	[dreg:$0x3] =	wrdreg s6  }
0xb0: {  	[dreg:$0x4] =	wrdreg $0xC0  }
0xb1: {  	_ =	task [dreg:s8], $0x5FFFF  }
0xb2: {  	[dreg:$0x1] =	wrdreg $0xFFFFFFFF  }
0xb3: {  	[dreg:$0x0] =	wrdreg $0x60  }
0xb4: {  	[dreg:$0x2] =	wrdreg s16  }
0xb5: {  	[dreg:$0x3] =	wrdreg s24  }
0xb6: {  	[dreg:$0x4] =	wrdreg s17  }
0xb7: {  	[dreg:$0x5] =	wrdreg $0x9  }
0xb8: {  	_ =	task.clear_ibuf [dreg:s8], $0x6FFFF;
	_ =	strace $0x90000046  }
0xb9: {  	s29 =	simm.s32 $0x9;
	_ =	strace $0x80000048  }
0xba: {  	_ =	swait.ge [sflag:s29], $0x1  }
0xbb: {  	[sflag:s29] =	ssyncadd.s32 $0xFFFFFFFF  }
0xbc: {  	_ =	strace $0x90000048  }
0xbd: {  	_ =	sfence  }
0xbe: {  	s30 =	sld [smem:$0x0];
	_ =	sdelay $0x2  }
0xbf: {  	s31 =	sshll.u32 s1, $0xD;
	s1 =	sshrl.u32 s1, $0x2  }
0xc0: {  	s3 =	sand.u32 $0x4000, s31;
	s1 =	sadd.s32 s1, s30  }
0xc1: {  	s0 =	sor.u32 s3, s0;
	s1 =	sshll.u32 s1, $0x11  }
0xc2: {  	s0 =	sor.u32 s1, s0  }
0xc3: {  	s0 =	sadd.s32 $0x8F2B, s0  }
0xc4: {  	[sflag:s0] =	ssyncadd.remote.s32 $0x1  }
0xc5: {  	_ =	sfence.sel $0xFFFF  }
0xc6: {  	[dreg:$0x0] =	wrdreg $0xFFFFFFFF;
	(pc) =	sbr.abs _section_cstart, $3  }
0xc7: {  	[dreg:$0x1] =	wrdreg $0xFFFFFFFF  }
0xc8: {  	_ =	task.clear_ibuf [dreg:s8], $0x2FFFF;
	_ =	strace $0x9FFFFFFF  }
0xc9: {  	(tm) =	ssettm $0x7FFFFFFF  }
tec
execute0_lowered:
.L_overlay_start_1:
0x0: {  	(tag) =	ssettag $0x1  }
0x1: {  	s1 =	rddreg [dreg:$0x0];
	s2 =	srdreg.scid  }
0x2: {  	s8 =	rddreg [dreg:$0x1];
	s0 =	stileid.u32  }
0x3: {  	s3 =	rddreg [dreg:$0x2];
	s4 =	simm.s32 $0x0;
	s12 =	simm.s32 $0xE00  }
0x4: {  	s13 =	simm.s32 $0x4A00;
	s14 =	simm.s32 $0x4A80;
	s15 =	simm.s32 $0x4D00  }
0x5: {  	s16 =	simm.s32 $0x11D00;
	s17 =	simm.s32 $0x1;
	s18 =	simm.s32 $0x3  }
0x6: {  	s19 =	simm.s32 $0x2;
	s20 =	simm.s32 $0x4;
	s21 =	simm.s32 $0x0  }
0x7: {  	s6 =	sand.u32 $0x1, s2;
	s5 =	sshll.u32 s0, $0x8;
	s2 =	rddreg [dreg:$0x3]  }
0x8: {  	[smem:$0x7FF] =	sst s4;
	s7 =	sshll.u32 s6, $0x7;
	s10 =	ssub.s32 $0x2, s6  }
0x9: {  	_ =	strace $0x80000047;
	s5 =	sor.u32 s7, s5;
	s11 =	sshrl.u32 s10, $0x1  }
0xa: {  	s6 =	sadd.s32 $0xC00, s8;
	s7 =	sshrl.u32 s5, $0x3;
	s10 =	ssub.s32 s10, s11  }
0xb: {  	v2 =	vlaneseq.u32;
	s11 =	simm.s32 $0x5;
	s9 =	sadd.s32 s7, s8;
	s7 =	sadd.s32 $0xE00, s8  }
0xc: {  	v0 =	vimm.s32 $0x0;
	v1 =	vimm.s32 $0xFFFFFFF7;
	v2 =	vmul.u32 $0x80, v2;
	s8 =	sadd.s32 $0x1200, s8;
	s10 =	smax.u32 s10, $0x1;
	s9 =	sadd.s32 $0xA00, s9  }
.LBB2_1:
0xd: {  	[tilespmem:s4], [sflag:$0x5] =	stream.linear.gather [hbm4b:s6+s4], $0xE00, $0x38;
	[tilespmem:$0x1ED00] =	vst v63  }
0xe: {  	_ =	swait.ge [sflag:s11], $0xE00  }
0xf: {  	[sflag:s11] =	ssyncset.done $0x0  }
0x10: {  	[sflag:s11] =	ssyncadd.s32 $0xFFFFF200  }
0x11: {  	[tilespmem:s12], [sflag:$0x5] =	stream.linear.gather [hbm4b:s7+s4], $0x1C00, $0x38;
	[tilespmem:$0x1ED00] =	vst v63  }
0x12: {  	_ =	swait.ge [sflag:s11], $0x1C00  }
0x13: {  	[sflag:s11] =	ssyncset.done $0x0  }
0x14: {  	[sflag:s11] =	ssyncadd.s32 $0xFFFFE400  }
0x15: {  	[tilespmem:s13], [sflag:$0x5] =	stream.linear.gather [hbm4b:s9+s4], $0x80, $0x38;
	[tilespmem:$0x1ED00] =	vst v63  }
0x16: {  	_ =	swait.ge [sflag:s11], $0x80  }
0x17: {  	[sflag:s11] =	ssyncset.done $0x0  }
0x18: {  	s22 =	simm.s32 $0x0;
	[sflag:s11] =	ssyncadd.s32 $0xFFFFFF80  }
0x19: {  	v3 =	vld [tilespmem:s22+$0x4A00];
	_ =	sdelay $0x4  }
0x1a: {  	v4 =	vshra.s32 v3, $0x7  }
0x1b: {  	v5 =	vcvt.s32.f32 v4;
	_ =	sdelay $0x1  }
0x1c: {  	v5 =	vmul.f32 $1.481481480e-03, v5;
	_ =	sdelay $0x1  }
0x1d: {  	v5 =	vtrunc.f32 v5  }
0x1e: {  	v5 =	vcvt.f32.s32 v5;
	_ =	sdelay $0x1  }
0x1f: {  	v6 =	vmul.u32 $0xFFFFFD5D, v5;
	_ =	sdelay $0x1  }
0x20: {  	v4 =	vadd.s32 v4, v6  }
0x21: {  	vm0 =	vlt.s32 v4, $0x0;
	v6 =	vadd.s32 $0x2A3, v4  }
0x22: {  	v6 =	vsel vm0, v6, v4  }
0x23: {  	v4 =	vshra.s32 v4, $0x1F;
	vm0 =	vgt.s32 v6, $0x2A2  }
0x24: {  	v4 =	vadd.s32 v5, v4;
	v5 =	vsel vm0, $0x1, v0  }
0x25: {  	v4 =	vadd.s32 v5, v4  }
0x26: {  	v5 =	vadd.s32 $0xAFA6C, v4  }
0x27: {  	v6 =	vcvt.s32.f32 v5;
	_ =	sdelay $0x1  }
0x28: {  	v6 =	vmul.f32 $6.844767540e-06, v6;
	_ =	sdelay $0x1  }
0x29: {  	v6 =	vtrunc.f32 v6  }
0x2a: {  	v6 =	vcvt.f32.s32 v6  }
0x2b: {  	v7 =	vmul.u32 $0xFFFEAE80, v4  }
0x2c: {  	v8 =	vmul.u32 $0xFFFDC54F, v6  }
0x2d: {  	v7 =	vadd.s32 v3, v7  }
0x2e: {  	v3 =	vcvt.s32.f32 v7;
	v8 =	vadd.s32 v5, v8  }
0x2f: {  	vm13 =	vlt.s32 v8, $0x0;
	v9 =	vadd.s32 $0x23AB1, v8  }
0x30: {  	v3 =	vmul.f32 $2.777777850e-04, v3;
	v9 =	vsel vm13, v9, v8  }
0x31: {  	v8 =	vshra.s32 v8, $0x1F;
	vm0 =	vgt.s32 v9, $0x23AB0  }
0x32: {  	v9 =	vtrunc.f32 v3;
	v6 =	vadd.s32 v6, v8;
	v8 =	vsel vm0, $0x1, v0  }
0x33: {  	v3 =	vadd.s32 $0x3, v4;
	v4 =	vcvt.f32.s32 v9;
	v6 =	vadd.s32 v8, v6  }
0x34: {  	v6 =	vmul.u32 $0xFFFDC54F, v6  }
0x35: {  	v9 =	vmul.u32 $0xFFFFF1F0, v4  }
0x36: {  	v8 =	vcvt.s32.f32 v3;
	v5 =	vadd.s32 v5, v6  }
0x37: {  	v6 =	vadd.s32 v7, v9;
	v9 =	vcvt.s32.f32 v5  }
0x38: {  	v8 =	vmul.f32 $1.428571490e-01, v8;
	vm14 =	vlt.s32 v6, $0x0  }
0x39: {  	v10 =	vadd.s32 $0xE10, v6;
	v13 =	vshra.s32 v6, $0x1F;
	v11 =	vmul.f32 $6.844814380e-06, v9  }
0x3a: {  	v6 =	vsel vm14, v10, v6;
	v12 =	vmul.f32 $6.849315250e-04, v9;
	v9 =	vmul.f32 $2.737925750e-05, v9  }
0x3b: {  	v8 =	vtrunc.f32 v8;
	vm0 =	vgt.s32 v6, $0xE0F;
	v6 =	vtrunc.f32 v11  }
0x3c: {  	v4 =	vadd.s32 v4, v13;
	v10 =	vtrunc.f32 v12;
	v9 =	vtrunc.f32 v9  }
0x3d: {  	v11 =	vsel vm0, $0x1, v0;
	v6 =	vcvt.f32.s32 v6;
	v10 =	vcvt.f32.s32 v10  }
0x3e: {  	v8 =	vcvt.f32.s32 v8;
	v9 =	vcvt.f32.s32 v9;
	v4 =	vadd.s32 v11, v4  }
0x3f: {  	v51 =	vmul.u32 $0xFFFFF1F0, v4;
	v11 =	vmul.u32 $0xFFFDC550, v6;
	v52 =	vmul.u32 $0xFFFFFA4C, v10  }
0x40: {  	v14 =	vmul.u32 $0xFFFF7154, v9;
	v9 =	vadd.s32 v9, v5;
	v6 =	vadd.s32 v6, v10  }
0x41: {  	v6 =	vsub.s32 v9, v6;
	v7 =	vadd.s32 v7, v51;
	v10 =	vadd.s32 v5, v11  }
0x42: {  	v9 =	vadd.s32 v5, v52;
	v11 =	vadd.s32 v5, v14;
	vm15 =	vlt.s32 v10, $0x0  }
0x43: {  	v53 =	vshrl.u32 v10, $0x1F;
	v54 =	vadd.s32 $0x23AB0, v10;
	vm1 =	vlt.s32 v9, $0x0  }
0x44: {  	v15 =	vshrl.u32 v9, $0x1F;
	v16 =	vadd.s32 $0x5B4, v9;
	vm2 =	vlt.s32 v11, $0x0  }
0x45: {  	v17 =	vshra.s32 v11, $0x1F;
	v18 =	vadd.s32 $0x8EAC, v11;
	v9 =	vsel vm1, v16, v9  }
0x46: {  	s23 =	simm.s32 $0x10;
	v11 =	vsel vm2, v18, v11;
	v6 =	vadd.s32 v17, v6;
	v10 =	vsel vm15, v54, v10  }
0x47: {  	v55 =	vld [tilespmem:s23+$0x4A00];
	vm4 =	vgt.s32 v11, $0x8EAB;
	v6 =	vadd.s32 v15, v6;
	vm1 =	vgt.s32 v9, $0x5B3  }
0x48: {  	v11 =	vcvt.s32.f32 v7;
	v9 =	vsel vm4, $0x1, v0;
	v6 =	vadd.s32 v53, v6  }
0x49: {  	vm5 =	vgt.s32 v10, $0x23AAF;
	v10 =	vsel vm1, $0xFFFFFFFF, v0;
	v6 =	vadd.s32 v9, v6  }
0x4a: {  	v9 =	vsel vm5, $0xFFFFFFFF, v0;
	v11 =	vmul.f32 $1.666666750e-02, v11;
	v6 =	vadd.s32 v10, v6  }
0x4b: {  	v10 =	vmul.u32 $0xFFFFFFF9, v8;
	v6 =	vadd.s32 v9, v6  }
0x4c: {  	v58 =	vshra.s32 v55, $0x7;
	v11 =	vtrunc.f32 v11;
	v9 =	vcvt.s32.f32 v6  }
0x4d: {  	v31 =	vmul.u32 $0x19, v4;
	v10 =	vadd.s32 v3, v10;
	v11 =	vcvt.f32.s32 v11  }
0x4e: {  	vm6 =	vlt.s32 v10, $0x0;
	v56 =	vadd.s32 $0x7, v10;
	v9 =	vmul.f32 $2.739726100e-03, v9  }
0x4f: {  	v57 =	vshra.s32 v10, $0x1F;
	v10 =	vsel vm6, v56, v10;
	v60 =	vmul.u32 $0xFFFFFFC4, v11  }
0x50: {  	vm0 =	vgt.s32 v10, $0x6;
	v10 =	vcvt.s32.f32 v58;
	v9 =	vtrunc.f32 v9  }
0x51: {  	v8 =	vadd.s32 v8, v57;
	v59 =	vsel vm0, $0x1, v0;
	v9 =	vcvt.f32.s32 v9  }
0x52: {  	v7 =	vadd.s32 v7, v60;
	v8 =	vadd.s32 v59, v8;
	v10 =	vmul.f32 $1.481481480e-03, v10  }
0x53: {  	vm7 =	vlt.s32 v7, $0x0;
	v62 =	vadd.s32 $0x3C, v7;
	v61 =	vmul.u32 $0xFFFFFE93, v9  }
0x54: {  	v15 =	vshra.s32 v7, $0x1F;
	v8 =	vmul.u32 $0xFFFFFFF9, v8;
	v7 =	vsel vm7, v62, v7  }
0x55: {  	v10 =	vtrunc.f32 v10;
	vm10 =	vgt.s32 v7, $0x3B;
	v6 =	vadd.s32 v6, v61  }
0x56: {  	v10 =	vcvt.f32.s32 v10;
	vm8 =	vlt.s32 v6, $0x0;
	v14 =	vadd.s32 $0x16D, v6  }
0x57: {  	v11 =	vadd.s32 v11, v15;
	v21 =	vsel vm10, $0x1, v0;
	v14 =	vsel vm8, v14, v6  }
0x58: {  	v63 =	vmul.u32 $0xFFFFFD5D, v10;
	v6 =	vshra.s32 v6, $0x1F;
	vm1 =	vgt.s32 v14, $0x16C  }
0x59: {  	v3 =	vadd.s32 v3, v8;
	v6 =	vadd.s32 v9, v6;
	v9 =	vsel vm1, $0x1, v0  }
0x5a: {  	v11 =	vadd.s32 v21, v11;
	v13 =	vadd.s32 v58, v63;
	v6 =	vadd.s32 v9, v6  }
0x5b: {  	vm9 =	vlt.s32 v13, $0x0;
	v9 =	vadd.s32 $0x2A3, v13;
	v19 =	vcvt.s32.f32 v6  }
0x5c: {  	v8 =	vmul.u32 $0x1C, v11;
	v7 =	vshra.s32 v13, $0x1F;
	v9 =	vsel vm9, v9, v13  }
0x5d: {  	vm0 =	vgt.s32 v9, $0x2A2;
	v9 =	vmul.f32 $2.500000000e-01, v19;
	v20 =	vmul.f32 $9.999999770e-03, v19  }
0x5e: {  	v7 =	vadd.s32 v10, v7;
	v22 =	vmul.u32 $0xFFFFFE93, v6;
	v10 =	vsel vm0, $0x1, v0  }
0x5f: {  	v7 =	vadd.s32 v10, v7;
	v9 =	vtrunc.f32 v9;
	v10 =	vtrunc.f32 v20  }
0x60: {  	v24 =	vadd.s32 $0xAFA6C, v7;
	v9 =	vcvt.f32.s32 v9;
	v10 =	vcvt.f32.s32 v10  }
0x61: {  	v5 =	vadd.s32 v5, v22;
	v23 =	vmul.u32 $0xFFFEAE80, v7;
	v27 =	vcvt.s32.f32 v24  }
0x62: {  	v25 =	vshll.u32 v9, $0x2;
	v26 =	vmul.u32 $0xFFFFFF9C, v10;
	v5 =	vadd.s32 v10, v5  }
0x63: {  	v13 =	vmul.f32 $6.844767540e-06, v27;
	v16 =	vsub.s32 v6, v25;
	v5 =	vsub.s32 v5, v9  }
0x64: {  	v10 =	vshrl.u32 v16, $0x1F;
	v6 =	vadd.s32 v6, v26;
	v9 =	vshrl.u32 v16, $0x1D  }
0x65: {  	v11 =	vtrunc.f32 v13;
	vm11 =	vlt.s32 v6, $0x0;
	v17 =	vadd.s32 $0x64, v6  }
0x66: {  	v9 =	vand.u32 $0x4, v9;
	v28 =	vshra.s32 v6, $0x1F;
	v6 =	vsel vm11, v17, v6  }
0x67: {  	v9 =	vadd.s32 v16, v9;
	v5 =	vadd.s32 v28, v5;
	vm0 =	vgt.s32 v6, $0x63  }
0x68: {  	vm12 =	vgt.s32 v9, $0x3;
	v5 =	vadd.s32 v10, v5;
	v6 =	vsel vm0, $0x1, v0  }
0x69: {  	v11 =	vcvt.f32.s32 v11;
	v10 =	vsel vm12, $0xFFFFFFFF, v0;
	v5 =	vadd.s32 v6, v5  }
0x6a: {  	v3 =	vmul.u32 $0x19, v3;
	v9 =	vadd.s32 v55, v23;
	v5 =	vadd.s32 v10, v5  }
0x6b: {  	v4 =	vmul.u32 $0xFFFDC54F, v11;
	v12 =	vcvt.s32.f32 v9;
	v10 =	vmul.u32 $0x5, v5  }
0x6c: {  	v32 =	vadd.s32 $0x915, v3;
	v6 =	vadd.s32 $0x3, v7  }
0x6d: {  	v4 =	vadd.s32 v24, v4;
	v7 =	vmul.f32 $2.777777850e-04, v12;
	v10 =	vadd.s32 $0x2, v10  }
0x6e: {  	vm13 =	vlt.s32 v4, $0x0;
	v33 =	vadd.s32 $0x23AB1, v4;
	v30 =	vcvt.s32.f32 v10  }
0x6f: {  	v8 =	vadd.s32 $0x1504, v8;
	v29 =	vcvt.s32.f32 v6;
	v17 =	vsel vm13, v33, v4  }
0x70: {  	v4 =	vshra.s32 v4, $0x1F;
	v7 =	vtrunc.f32 v7;
	v13 =	vmul.f32 $6.535947790e-03, v30  }
0x71: {  	v12 =	vmul.f32 $1.428571490e-01, v29;
	vm15 =	vgt.s32 v17, $0x23AB0;
	v7 =	vcvt.f32.s32 v7  }
0x72: {  	v4 =	vadd.s32 v11, v4;
	v11 =	vsel vm15, $0x1, v0;
	v13 =	vtrunc.f32 v13  }
0x73: {  	v4 =	vadd.s32 v11, v4;
	v3 =	vmul.u32 $0xFFFFF1F0, v7;
	v13 =	vcvt.f32.s32 v13  }
0x74: {  	v14 =	vadd.s32 $0xC1C, v31;
	v12 =	vtrunc.f32 v12;
	v4 =	vmul.u32 $0xFFFDC54F, v4  }
0x75: {  	v12 =	vcvt.f32.s32 v12;
	v3 =	vadd.s32 v9, v3;
	v34 =	vmul.u32 $0xFFFFFF67, v13  }
0x76: {  	v4 =	vadd.s32 v24, v4;
	vm14 =	vlt.s32 v3, $0x0;
	v35 =	vadd.s32 $0xE10, v3  }
0x77: {  	v19 =	vmul.u32 $0xFFFFFFF9, v12;
	v11 =	vsel vm14, v35, v3;
	v10 =	vadd.s32 v10, v34  }
0x78: {  	v3 =	vshra.s32 v3, $0x1F;
	vm4 =	vlt.s32 v10, $0x0;
	v17 =	vadd.s32 $0x99, v10  }
0x79: {  	vm5 =	vgt.s32 v11, $0xE0F;
	v3 =	vadd.s32 v7, v3;
	v11 =	vsel vm4, v17, v10  }
0x7a: {  	v10 =	vshra.s32 v10, $0x1F;
	vm0 =	vgt.s32 v11, $0x98;
	v11 =	vcvt.s32.f32 v4  }
0x7b: {  	v37 =	vsel vm5, $0x1, v0;
	v10 =	vadd.s32 v13, v10;
	v36 =	vsel vm0, $0x1, v0  }
0x7c: {  	v3 =	vadd.s32 v37, v3;
	v7 =	vadd.s32 v36, v10;
	v10 =	vmul.f32 $6.844814380e-06, v11  }
0x7d: {  	v38 =	vmul.f32 $6.849315250e-04, v11;
	v11 =	vmul.f32 $2.737925750e-05, v11;
	v39 =	vmul.u32 $0x99, v7  }
0x7e: {  	v44 =	vadd.s32 v6, v19;
	v41 =	vmul.u32 $0xFFFFF1F0, v3;
	v10 =	vtrunc.f32 v10  }
0x7f: {  	v13 =	vtrunc.f32 v38;
	v11 =	vtrunc.f32 v11;
	v40 =	vadd.s32 $0x2, v39  }
0x80: {  	vm6 =	vlt.s32 v44, $0x0;
	v10 =	vcvt.f32.s32 v10;
	v42 =	vcvt.s32.f32 v40  }
0x81: {  	v9 =	vadd.s32 v9, v41;
	v13 =	vcvt.f32.s32 v13;
	v11 =	vcvt.f32.s32 v11  }
0x82: {  	v51 =	vadd.s32 $0x7, v44;
	v45 =	vcvt.s32.f32 v9;
	v43 =	vmul.f32 $2.000000030e-01, v42  }
0x83: {  	v20 =	vmul.u32 $0xFFFDC550, v10;
	v21 =	vadd.s32 v11, v4;
	v10 =	vadd.s32 v10, v13  }
0x84: {  	v13 =	vmul.u32 $0xFFFFFA4C, v13;
	v11 =	vmul.u32 $0xFFFF7154, v11;
	v17 =	vtrunc.f32 v43  }
0x85: {  	v10 =	vsub.s32 v21, v10;
	v20 =	vadd.s32 v4, v20;
	v17 =	vcvt.f32.s32 v17  }
0x86: {  	v13 =	vadd.s32 v4, v13;
	v11 =	vadd.s32 v4, v11;
	vm7 =	vlt.s32 v20, $0x0  }
0x87: {  	v22 =	vshrl.u32 v20, $0x1F;
	v23 =	vadd.s32 $0x23AB0, v20;
	v46 =	vmul.u32 $0xFFFFFFFB, v17  }
0x88: {  	vm8 =	vlt.s32 v13, $0x0;
	v24 =	vadd.s32 $0x5B4, v13;
	vm9 =	vlt.s32 v11, $0x0  }
0x89: {  	v47 =	vshra.s32 v11, $0x1F;
	v48 =	vadd.s32 $0x8EAC, v11;
	v15 =	vadd.s32 v40, v46  }
0x8a: {  	v24 =	vsel vm8, v24, v13;
	vm3 =	vlt.s32 v15, $0x0;
	v21 =	vadd.s32 $0x5, v15  }
0x8b: {  	v13 =	vshrl.u32 v13, $0x1F;
	v20 =	vsel vm7, v23, v20;
	v21 =	vsel vm3, v21, v15  }
0x8c: {  	v5 =	vsub.s32 v5, v17;
	v15 =	vshrl.u32 v15, $0x1F;
	vm10 =	vgt.s32 v21, $0x4  }
0x8d: {  	v11 =	vsel vm9, v48, v11;
	v5 =	vadd.s32 v15, v5;
	v49 =	vsel vm10, $0xFFFFFFFF, v0  }
0x8e: {  	v10 =	vadd.s32 v47, v10;
	vm11 =	vgt.s32 v20, $0x23AAF;
	v5 =	vadd.s32 v49, v5  }
0x8f: {  	[tilespmem:s22+$0x4C80] =	vst v8;
	vm2 =	vgt.s32 v11, $0x8EAB;
	v8 =	vadd.s32 v13, v10;
	v5 =	vmul.u32 $0x19, v5  }
0x90: {  	[tilespmem:s22+$0x4B80] =	vst v32;
	vm12 =	vgt.s32 v24, $0x5B3;
	v10 =	vsel vm2, $0x1, v0;
	v8 =	vadd.s32 v22, v8  }
0x91: {  	[tilespmem:s22+$0x4C00] =	vst v14;
	v11 =	vsel vm12, $0xFFFFFFFF, v0;
	v8 =	vadd.s32 v10, v8;
	v5 =	vadd.s32 $0x55F, v5  }
0x92: {  	s24 =	simm.s32 $0x20;
	v50 =	vsel vm11, $0xFFFFFFFF, v0;
	v10 =	vmul.f32 $1.666666750e-02, v45;
	v8 =	vadd.s32 v11, v8;
	[tilespmem:s22+$0x4B00] =	vst v5  }
0x93: {  	v52 =	vsel vm6, v51, v44;
	v8 =	vadd.s32 v50, v8;
	v5 =	vld [tilespmem:s24+$0x4A00]  }
0x94: {  	vm0 =	vgt.s32 v52, $0x6;
	v10 =	vtrunc.f32 v10;
	v53 =	vcvt.s32.f32 v8  }
0x95: {  	v54 =	vsel vm0, $0x1, v0;
	vm13 =	vlt.s32 v7, $0xA;
	v10 =	vcvt.f32.s32 v10  }
0x96: {  	v57 =	vsel vm13, $0x3, v1;
	v11 =	vshra.s32 v44, $0x1F;
	v55 =	vmul.f32 $2.739726100e-03, v53  }
0x97: {  	v7 =	vadd.s32 v7, v57;
	v11 =	vadd.s32 v12, v11;
	v56 =	vmul.u32 $0xFFFFFFC4, v10  }
0x98: {  	v11 =	vadd.s32 v54, v11;
	v13 =	vtrunc.f32 v55;
	v58 =	vshra.s32 v5, $0x7  }
0x99: {  	v9 =	vadd.s32 v9, v56;
	v13 =	vcvt.f32.s32 v13;
	v59 =	vcvt.s32.f32 v58  }
0x9a: {  	vm14 =	vlt.s32 v9, $0x0;
	v14 =	vshra.s32 v9, $0x1F;
	v60 =	vadd.s32 $0x3C, v9  }
0x9b: {  	v9 =	vsel vm14, v60, v9;
	v61 =	vmul.u32 $0xFFFFFE93, v13;
	v16 =	vmul.f32 $1.481481480e-03, v59  }
0x9c: {  	v11 =	vmul.u32 $0xFFFFFFF9, v11;
	v10 =	vadd.s32 v10, v14;
	vm0 =	vgt.s32 v9, $0x3B  }
0x9d: {  	v62 =	vsel vm0, $0x1, v0;
	v8 =	vadd.s32 v8, v61;
	v9 =	vtrunc.f32 v16  }
0x9e: {  	vm15 =	vlt.s32 v8, $0x0;
	v63 =	vadd.s32 $0x16D, v8;
	v9 =	vcvt.f32.s32 v9  }
0x9f: {  	v6 =	vadd.s32 v6, v11;
	v12 =	vadd.s32 v62, v10;
	v10 =	vsel vm15, v63, v8  }
0xa0: {  	v8 =	vshra.s32 v8, $0x1F;
	vm0 =	vgt.s32 v10, $0x16C;
	v11 =	vmul.u32 $0xFFFFFD5D, v9  }
0xa1: {  	v7 =	vmul.u32 $0x19, v7;
	v8 =	vadd.s32 v13, v8;
	v10 =	vsel vm0, $0x1, v0  }
0xa2: {  	s25 =	simm.s32 $0xC0;
	v10 =	vadd.s32 v10, v8;
	v8 =	vmul.u32 $0x1C, v12;
	v11 =	vadd.s32 v58, v11  }
.LBB2_2:
0xa3: {  	p0 =	sne.s32 s25, $0x1C0;
	vm0 =	vlt.s32 v11, $0x0;
	v12 =	vadd.s32 $0x2A3, v11;
	v13 =	vcvt.s32.f32 v10  }
0xa4: {  	v14 =	vshra.s32 v11, $0x1F;
	v11 =	vsel vm0, v12, v11;
	v12 =	vmul.u32 $0x19, v6  }
0xa5: {  	vm0 =	vgt.s32 v11, $0x2A2;
	v6 =	vmul.f32 $2.500000000e-01, v13;
	v11 =	vmul.f32 $9.999999770e-03, v13  }
0xa6: {  	v3 =	vmul.u32 $0x19, v3;
	v9 =	vadd.s32 v9, v14;
	v13 =	vsel vm0, $0x1, v0  }
0xa7: {  	v9 =	vadd.s32 v13, v9;
	v6 =	vtrunc.f32 v6;
	v11 =	vtrunc.f32 v11  }
0xa8: {  	v14 =	vmul.u32 $0xFFFFFE93, v10;
	v13 =	vcvt.f32.s32 v6;
	v11 =	vcvt.f32.s32 v11  }
0xa9: {  	v15 =	vmul.u32 $0xFFFEAE80, v9;
	v6 =	vadd.s32 $0x3, v9;
	v9 =	vadd.s32 $0xAFA6C, v9  }
0xaa: {  	v4 =	vadd.s32 v4, v14;
	v16 =	vshll.u32 v13, $0x2;
	v17 =	vmul.u32 $0xFFFFFF9C, v11  }
0xab: {  	v14 =	vcvt.s32.f32 v9;
	v4 =	vadd.s32 v11, v4;
	v16 =	vsub.s32 v10, v16  }
0xac: {  	v4 =	vsub.s32 v4, v13;
	v11 =	vshrl.u32 v16, $0x1F;
	v10 =	vadd.s32 v10, v17  }
0xad: {  	v13 =	vshrl.u32 v16, $0x1D;
	vm0 =	vlt.s32 v10, $0x0;
	v17 =	vadd.s32 $0x64, v10  }
0xae: {  	v13 =	vand.u32 $0x4, v13;
	v18 =	vshra.s32 v10, $0x1F;
	v10 =	vsel vm0, v17, v10  }
0xaf: {  	v13 =	vadd.s32 v16, v13;
	v4 =	vadd.s32 v18, v4;
	vm0 =	vgt.s32 v10, $0x63  }
0xb0: {  	vm1 =	vgt.s32 v13, $0x3;
	v4 =	vadd.s32 v11, v4;
	v10 =	vsel vm0, $0x1, v0  }
0xb1: {  	v11 =	vadd.s32 v5, v15;
	v5 =	vsel vm1, $0xFFFFFFFF, v0;
	v4 =	vadd.s32 v10, v4  }
0xb2: {  	v13 =	vmul.f32 $6.844767540e-06, v14;
	v10 =	vcvt.s32.f32 v11;
	v5 =	vadd.s32 v5, v4  }
0xb3: {  	v7 =	vadd.s32 $0x113, v7;
	v4 =	vcvt.s32.f32 v6;
	v14 =	vmul.u32 $0x5, v5  }
0xb4: {  	v8 =	vadd.s32 $0x1504, v8;
	v13 =	vtrunc.f32 v13;
	v10 =	vmul.f32 $2.777777850e-04, v10;
	[tilespmem:s22+$0x4A80] =	vst v7;
	s22 =	smov.u32 s23;
	s23 =	smov.u32 s24  }
0xb5: {  	v13 =	vcvt.f32.s32 v13;
	v4 =	vmul.f32 $1.428571490e-01, v4;
	v14 =	vadd.s32 $0x2, v14;
	[tilespmem:s22+$0x4C80] =	vst v8  }
0xb6: {  	v7 =	vtrunc.f32 v10;
	v10 =	vadd.s32 $0x915, v12;
	v8 =	vcvt.s32.f32 v14  }
0xb7: {  	v15 =	vmul.u32 $0xFFFDC54F, v13;
	v12 =	vcvt.f32.s32 v7;
	v4 =	vtrunc.f32 v4;
	[tilespmem:s22+$0x4B80] =	vst v10  }
0xb8: {  	v3 =	vadd.s32 $0xC1C, v3;
	v7 =	vcvt.f32.s32 v4;
	v4 =	vmul.f32 $6.535947790e-03, v8  }
0xb9: {  	v10 =	vadd.s32 v9, v15;
	v8 =	vmul.u32 $0xFFFFF1F0, v12;
	[tilespmem:s22+$0x4C00] =	vst v3  }
0xba: {  	vm0 =	vlt.s32 v10, $0x0;
	v3 =	vadd.s32 $0x23AB1, v10;
	v4 =	vtrunc.f32 v4  }
0xbb: {  	v8 =	vadd.s32 v11, v8;
	v3 =	vsel vm0, v3, v10;
	v15 =	vcvt.f32.s32 v4  }
0xbc: {  	vm0 =	vlt.s32 v8, $0x0;
	v4 =	vshra.s32 v10, $0x1F;
	vm1 =	vgt.s32 v3, $0x23AB0  }
0xbd: {  	v3 =	vadd.s32 v13, v4;
	v4 =	vsel vm1, $0x1, v0;
	v10 =	vmul.u32 $0xFFFFFF67, v15  }
0xbe: {  	v16 =	vadd.s32 $0xE10, v8;
	v13 =	vshra.s32 v8, $0x1F;
	v3 =	vadd.s32 v4, v3  }
0xbf: {  	v4 =	vsel vm0, v16, v8;
	v3 =	vmul.u32 $0xFFFDC54F, v3;
	v8 =	vadd.s32 v14, v10  }
0xc0: {  	vm0 =	vgt.s32 v4, $0xE0F;
	vm1 =	vlt.s32 v8, $0x0;
	v10 =	vadd.s32 $0x99, v8  }
0xc1: {  	v14 =	vsel vm0, $0x1, v0;
	v4 =	vadd.s32 v9, v3;
	v3 =	vsel vm1, v10, v8  }
0xc2: {  	v9 =	vcvt.s32.f32 v4;
	v8 =	vshra.s32 v8, $0x1F;
	vm0 =	vgt.s32 v3, $0x98  }
0xc3: {  	v3 =	vadd.s32 v12, v13;
	v8 =	vadd.s32 v15, v8;
	v10 =	vsel vm0, $0x1, v0  }
0xc4: {  	v3 =	vadd.s32 v14, v3;
	v12 =	vmul.f32 $6.844814380e-06, v9;
	v8 =	vadd.s32 v10, v8  }
0xc5: {  	v10 =	vmul.f32 $6.849315250e-04, v9;
	v9 =	vmul.f32 $2.737925750e-05, v9;
	v13 =	vmul.u32 $0x99, v8  }
0xc6: {  	v15 =	vmul.u32 $0xFFFFFFF9, v7;
	v14 =	vmul.u32 $0xFFFFF1F0, v3;
	v12 =	vtrunc.f32 v12  }
0xc7: {  	v10 =	vtrunc.f32 v10;
	v9 =	vtrunc.f32 v9;
	v13 =	vadd.s32 $0x2, v13  }
0xc8: {  	v11 =	vadd.s32 v11, v14;
	v12 =	vcvt.f32.s32 v12;
	v14 =	vcvt.s32.f32 v13  }
0xc9: {  	v15 =	vadd.s32 v6, v15;
	v10 =	vcvt.f32.s32 v10;
	v9 =	vcvt.f32.s32 v9  }
0xca: {  	vm0 =	vlt.s32 v15, $0x0;
	v16 =	vcvt.s32.f32 v11;
	v14 =	vmul.f32 $2.000000030e-01, v14  }
0xcb: {  	v17 =	vmul.u32 $0xFFFDC550, v12;
	v18 =	vadd.s32 v9, v4;
	v12 =	vadd.s32 v12, v10  }
0xcc: {  	v10 =	vmul.u32 $0xFFFFFA4C, v10;
	v9 =	vmul.u32 $0xFFFF7154, v9;
	v14 =	vtrunc.f32 v14  }
0xcd: {  	v17 =	vadd.s32 v4, v17;
	v12 =	vsub.s32 v18, v12;
	v14 =	vcvt.f32.s32 v14  }
0xce: {  	v10 =	vadd.s32 v4, v10;
	v9 =	vadd.s32 v4, v9;
	vm1 =	vlt.s32 v17, $0x0  }
0xcf: {  	v18 =	vshrl.u32 v17, $0x1F;
	v19 =	vadd.s32 $0x23AB0, v17;
	v20 =	vmul.u32 $0xFFFFFFFB, v14  }
0xd0: {  	vm2 =	vlt.s32 v10, $0x0;
	v21 =	vshrl.u32 v10, $0x1F;
	v22 =	vadd.s32 $0x5B4, v10  }
0xd1: {  	vm3 =	vlt.s32 v9, $0x0;
	v23 =	vshra.s32 v9, $0x1F;
	v13 =	vadd.s32 v13, v20  }
0xd2: {  	v20 =	vadd.s32 $0x8EAC, v9;
	vm4 =	vlt.s32 v13, $0x0;
	v24 =	vadd.s32 $0x5, v13  }
0xd3: {  	v17 =	vsel vm1, v19, v17;
	v10 =	vsel vm2, v22, v10;
	v19 =	vsel vm4, v24, v13  }
0xd4: {  	v5 =	vsub.s32 v5, v14;
	v13 =	vshrl.u32 v13, $0x1F;
	vm1 =	vgt.s32 v19, $0x4  }
0xd5: {  	v9 =	vsel vm3, v20, v9;
	v5 =	vadd.s32 v13, v5;
	v14 =	vsel vm1, $0xFFFFFFFF, v0  }
0xd6: {  	v12 =	vadd.s32 v23, v12;
	vm1 =	vgt.s32 v17, $0x23AAF;
	v5 =	vadd.s32 v14, v5  }
0xd7: {  	vm2 =	vgt.s32 v9, $0x8EAB;
	v9 =	vadd.s32 v21, v12;
	v5 =	vmul.u32 $0x19, v5  }
0xd8: {  	vm3 =	vgt.s32 v10, $0x5B3;
	v10 =	vsel vm2, $0x1, v0;
	v9 =	vadd.s32 v18, v9  }
0xd9: {  	v12 =	vsel vm3, $0xFFFFFFFF, v0;
	v9 =	vadd.s32 v10, v9;
	v5 =	vadd.s32 $0x55F, v5  }
0xda: {  	s24 =	sshra.s32 s25, $0x2;
	v10 =	vmul.f32 $1.666666750e-02, v16;
	v13 =	vsel vm1, $0xFFFFFFFF, v0;
	v9 =	vadd.s32 v12, v9;
	[tilespmem:s22+$0x4B00] =	vst v5  }
0xdb: {  	v12 =	vshra.s32 v15, $0x1F;
	v14 =	vadd.s32 $0x7, v15;
	v9 =	vadd.s32 v13, v9;
	v5 =	vld [tilespmem:s24+$0x4A00]  }
0xdc: {  	v10 =	vtrunc.f32 v10;
	v13 =	vsel vm0, v14, v15;
	v14 =	vcvt.s32.f32 v9  }
0xdd: {  	v7 =	vadd.s32 v7, v12;
	v10 =	vcvt.f32.s32 v10;
	vm0 =	vgt.s32 v13, $0x6  }
0xde: {  	v12 =	vsel vm0, $0x1, v0;
	vm0 =	vlt.s32 v8, $0xA;
	v13 =	vmul.f32 $2.739726100e-03, v14  }
0xdf: {  	v14 =	vmul.u32 $0xFFFFFFC4, v10;
	v7 =	vadd.s32 v12, v7;
	v12 =	vsel vm0, $0x3, v1  }
0xe0: {  	v7 =	vmul.u32 $0xFFFFFFF9, v7;
	v13 =	vtrunc.f32 v13;
	v15 =	vshra.s32 v5, $0x7  }
0xe1: {  	v11 =	vadd.s32 v11, v14;
	v13 =	vcvt.f32.s32 v13;
	v16 =	vcvt.s32.f32 v15  }
0xe2: {  	vm0 =	vlt.s32 v11, $0x0;
	v14 =	vshra.s32 v11, $0x1F;
	v17 =	vadd.s32 $0x3C, v11  }
0xe3: {  	v11 =	vsel vm0, v17, v11;
	v17 =	vmul.u32 $0xFFFFFE93, v13;
	v16 =	vmul.f32 $1.481481480e-03, v16  }
0xe4: {  	v8 =	vadd.s32 v8, v12;
	v10 =	vadd.s32 v10, v14;
	vm0 =	vgt.s32 v11, $0x3B  }
0xe5: {  	v12 =	vsel vm0, $0x1, v0;
	v14 =	vadd.s32 v9, v17;
	v11 =	vtrunc.f32 v16  }
.Ltmp0:
0xe6: {  	vm0 =	vlt.s32 v14, $0x0;
	v9 =	vcvt.f32.s32 v11;
	v11 =	vadd.s32 $0x16D, v14;
	(pc) =	sbr.rel @p0 .LBB2_2-.Ltmp0, $4  }
0xe7: {  	v6 =	vadd.s32 v6, v7;
	v12 =	vadd.s32 v12, v10;
	v7 =	vsel vm0, v11, v14  }
0xe8: {  	v11 =	vshra.s32 v14, $0x1F;
	v10 =	vmul.u32 $0xFFFFFD5D, v9;
	vm0 =	vgt.s32 v7, $0x16C  }
0xe9: {  	v13 =	vadd.s32 v13, v11;
	v7 =	vmul.u32 $0x19, v8;
	v14 =	vsel vm0, $0x1, v0  }
0xea: {  	s25 =	sadd.s32 $0x40, s25;
	v8 =	vmul.u32 $0x1C, v12;
	v11 =	vadd.s32 v15, v10;
	v10 =	vadd.s32 v14, v13  }
0xeb: {  	vm0 =	vlt.s32 v11, $0x0;
	v12 =	vadd.s32 $0x2A3, v11  }
0xec: {  	v12 =	vsel vm0, v12, v11  }
0xed: {  	v19 =	vshra.s32 v11, $0x1F;
	vm0 =	vgt.s32 v12, $0x2A2  }
0xee: {  	v9 =	vadd.s32 v9, v19;
	v20 =	vsel vm0, $0x1, v0  }
0xef: {  	v9 =	vadd.s32 v20, v9  }
0xf0: {  	v11 =	vadd.s32 $0xAFA6C, v9  }
0xf1: {  	v21 =	vcvt.s32.f32 v11;
	_ =	sdelay $0x1  }
0xf2: {  	v12 =	vmul.f32 $6.844767540e-06, v21;
	_ =	sdelay $0x1  }
0xf3: {  	v12 =	vtrunc.f32 v12  }
0xf4: {  	v12 =	vcvt.f32.s32 v12;
	_ =	sdelay $0x1  }
0xf5: {  	v13 =	vmul.u32 $0xFFFDC54F, v12;
	_ =	sdelay $0x1  }
0xf6: {  	v13 =	vadd.s32 v11, v13  }
0xf7: {  	vm7 =	vlt.s32 v13, $0x0;
	v15 =	vadd.s32 $0x23AB1, v13  }
0xf8: {  	v15 =	vsel vm7, v15, v13  }
0xf9: {  	v14 =	vcvt.s32.f32 v10;
	v13 =	vshra.s32 v13, $0x1F;
	vm0 =	vgt.s32 v15, $0x23AB0  }
0xfa: {  	v12 =	vadd.s32 v12, v13;
	v22 =	vsel vm0, $0x1, v0  }
0xfb: {  	v16 =	vmul.f32 $2.500000000e-01, v14;
	v12 =	vadd.s32 v22, v12  }
0xfc: {  	v14 =	vmul.f32 $9.999999770e-03, v14;
	v12 =	vmul.u32 $0xFFFDC54F, v12  }
0xfd: {  	v25 =	vmul.u32 $0xFFFFFE93, v10;
	v23 =	vtrunc.f32 v16  }
0xfe: {  	v14 =	vtrunc.f32 v14;
	v24 =	vcvt.f32.s32 v23;
	v11 =	vadd.s32 v11, v12  }
0xff: {  	v14 =	vcvt.f32.s32 v14;
	v28 =	vcvt.s32.f32 v11  }
0x100: {  	v4 =	vadd.s32 v4, v25  }
0x101: {  	v26 =	vshll.u32 v24, $0x2;
	v17 =	vmul.u32 $0xFFFFFF9C, v14;
	v31 =	vmul.f32 $6.844814380e-06, v28  }
0x102: {  	v4 =	vadd.s32 v14, v4;
	v32 =	vmul.f32 $6.849315250e-04, v28;
	v15 =	vmul.f32 $2.737925750e-05, v28  }
0x103: {  	v27 =	vsub.s32 v10, v26;
	v4 =	vsub.s32 v4, v24;
	v16 =	vtrunc.f32 v31  }
0x104: {  	v30 =	vadd.s32 v10, v17;
	v17 =	vtrunc.f32 v32;
	v15 =	vtrunc.f32 v15  }
0x105: {  	v33 =	vshrl.u32 v27, $0x1D;
	v16 =	vcvt.f32.s32 v16;
	v17 =	vcvt.f32.s32 v17  }
0x106: {  	vm8 =	vlt.s32 v30, $0x0;
	v18 =	vadd.s32 $0x64, v30;
	v15 =	vcvt.f32.s32 v15  }
0x107: {  	v13 =	vand.u32 $0x4, v33;
	v34 =	vmul.u32 $0xFFFDC550, v16;
	v35 =	vmul.u32 $0xFFFFFA4C, v17  }
0x108: {  	v20 =	vmul.u32 $0xFFFF7154, v15;
	v15 =	vadd.s32 v15, v11;
	v16 =	vadd.s32 v16, v17  }
0x109: {  	v10 =	vsel vm8, v18, v30;
	v12 =	vadd.s32 v27, v13;
	v15 =	vsub.s32 v15, v16  }
0x10a: {  	v36 =	vadd.s32 v11, v34;
	v13 =	vadd.s32 v11, v35;
	v37 =	vadd.s32 v11, v20  }
0x10b: {  	vm9 =	vlt.s32 v36, $0x0;
	v18 =	vshrl.u32 v36, $0x1F;
	v38 =	vadd.s32 $0x23AB0, v36  }
0x10c: {  	vm1 =	vlt.s32 v13, $0x0;
	v21 =	vshrl.u32 v13, $0x1F;
	v22 =	vadd.s32 $0x5B4, v13  }
0x10d: {  	vm2 =	vlt.s32 v37, $0x0;
	v23 =	vshra.s32 v37, $0x1F;
	v24 =	vadd.s32 $0x8EAC, v37  }
0x10e: {  	v13 =	vsel vm1, v22, v13;
	v16 =	vsel vm2, v24, v37;
	v15 =	vadd.s32 v23, v15  }
0x10f: {  	v17 =	vsel vm9, v38, v36;
	vm10 =	vgt.s32 v16, $0x8EAB;
	v15 =	vadd.s32 v21, v15  }
0x110: {  	vm1 =	vgt.s32 v13, $0x5B3;
	v39 =	vsel vm10, $0x1, v0;
	v15 =	vadd.s32 v18, v15  }
0x111: {  	vm11 =	vgt.s32 v17, $0x23AAF;
	v40 =	vsel vm1, $0xFFFFFFFF, v0;
	v13 =	vadd.s32 v39, v15  }
0x112: {  	v41 =	vsel vm11, $0xFFFFFFFF, v0;
	v13 =	vadd.s32 v40, v13  }
0x113: {  	v19 =	vshra.s32 v30, $0x1F;
	vm12 =	vgt.s32 v10, $0x63;
	v10 =	vadd.s32 v41, v13  }
0x114: {  	v29 =	vshrl.u32 v27, $0x1F;
	v4 =	vadd.s32 v19, v4;
	v13 =	vcvt.s32.f32 v10  }
0x115: {  	v4 =	vadd.s32 v29, v4  }
0x116: {  	v42 =	vsel vm12, $0x1, v0;
	vm13 =	vgt.s32 v12, $0x3;
	v44 =	vmul.f32 $2.739726100e-03, v13  }
0x117: {  	v4 =	vadd.s32 v42, v4;
	v43 =	vsel vm13, $0xFFFFFFFF, v0  }
0x118: {  	v4 =	vadd.s32 v43, v4;
	v12 =	vtrunc.f32 v44  }
0x119: {  	v45 =	vmul.u32 $0x5, v4;
	v12 =	vcvt.f32.s32 v12;
	_ =	sdelay $0x1  }
0x11a: {  	v13 =	vadd.s32 $0x2, v45;
	v47 =	vmul.u32 $0xFFFFFE93, v12  }
0x11b: {  	v46 =	vcvt.s32.f32 v13  }
0x11c: {  	v48 =	vmul.u32 $0xFFFEAE80, v9;
	v10 =	vadd.s32 v10, v47  }
0x11d: {  	v14 =	vmul.f32 $6.535947790e-03, v46;
	vm14 =	vlt.s32 v10, $0x0;
	v15 =	vadd.s32 $0x16D, v10  }
0x11e: {  	v5 =	vadd.s32 v5, v48;
	v15 =	vsel vm14, v15, v10  }
0x11f: {  	v14 =	vtrunc.f32 v14;
	v10 =	vshra.s32 v10, $0x1F;
	vm0 =	vgt.s32 v15, $0x16C  }
0x120: {  	v14 =	vcvt.f32.s32 v14;
	v10 =	vadd.s32 v12, v10;
	v50 =	vsel vm0, $0x1, v0  }
0x121: {  	v16 =	vcvt.s32.f32 v5;
	v10 =	vadd.s32 v50, v10  }
0x122: {  	v6 =	vmul.u32 $0x19, v6;
	v49 =	vmul.u32 $0xFFFFFF67, v14;
	v52 =	vcvt.s32.f32 v10  }
0x123: {  	v3 =	vmul.u32 $0x19, v3;
	v7 =	vadd.s32 $0x113, v7;
	v53 =	vmul.f32 $2.777777850e-04, v16  }
0x124: {  	v51 =	vadd.s32 v13, v49;
	v55 =	vmul.f32 $2.500000000e-01, v52;
	v13 =	vmul.f32 $9.999999770e-03, v52  }
0x125: {  	vm15 =	vlt.s32 v51, $0x0;
	v54 =	vadd.s32 $0x99, v51;
	v12 =	vshra.s32 v51, $0x1F  }
0x126: {  	v16 =	vsel vm15, v54, v51;
	v17 =	vtrunc.f32 v55;
	v13 =	vtrunc.f32 v13  }
0x127: {  	v56 =	vmul.u32 $0xFFFFFE93, v10;
	v17 =	vcvt.f32.s32 v17;
	v13 =	vcvt.f32.s32 v13  }
0x128: {  	v8 =	vadd.s32 $0x1504, v8;
	v12 =	vadd.s32 v14, v12;
	vm0 =	vgt.s32 v16, $0x98  }
0x129: {  	v11 =	vadd.s32 v11, v56;
	v57 =	vshll.u32 v17, $0x2;
	v58 =	vmul.u32 $0xFFFFFF9C, v13  }
0x12a: {  	v59 =	vsel vm0, $0x1, v0;
	v11 =	vadd.s32 v13, v11;
	v14 =	vsub.s32 v10, v57  }
0x12b: {  	v11 =	vsub.s32 v11, v17;
	v60 =	vshrl.u32 v14, $0x1F;
	v10 =	vadd.s32 v10, v58  }
0x12c: {  	v61 =	vshrl.u32 v14, $0x1D;
	vm4 =	vlt.s32 v10, $0x0;
	v62 =	vadd.s32 $0x64, v10  }
0x12d: {  	v16 =	vand.u32 $0x4, v61;
	v63 =	vshra.s32 v10, $0x1F;
	v10 =	vsel vm4, v62, v10  }
0x12e: {  	v14 =	vadd.s32 v14, v16;
	v16 =	vadd.s32 v63, v11;
	vm0 =	vgt.s32 v10, $0x63  }
0x12f: {  	vm5 =	vgt.s32 v14, $0x3;
	v10 =	vadd.s32 v60, v16;
	v17 =	vsel vm0, $0x1, v0  }
0x130: {  	v15 =	vtrunc.f32 v53;
	v19 =	vsel vm5, $0xFFFFFFFF, v0;
	v10 =	vadd.s32 v17, v10  }
0x131: {  	v9 =	vadd.s32 $0x3, v9;
	v15 =	vcvt.f32.s32 v15;
	v10 =	vadd.s32 v19, v10  }
0x132: {  	v21 =	vcvt.s32.f32 v9;
	v12 =	vadd.s32 v59, v12;
	v23 =	vmul.u32 $0x5, v10  }
0x133: {  	v6 =	vadd.s32 $0x915, v6;
	v22 =	vmul.u32 $0xFFFFF1F0, v15;
	v20 =	vmul.u32 $0x99, v12  }
0x134: {  	vm11 =	vlt.s32 v12, $0xA;
	v13 =	vmul.f32 $1.428571490e-01, v21;
	v16 =	vadd.s32 $0x2, v23  }
0x135: {  	v51 =	vsel vm11, $0x3, v1;
	v11 =	vadd.s32 $0x2, v20;
	v26 =	vcvt.s32.f32 v16  }
0x136: {  	v12 =	vadd.s32 v12, v51;
	v13 =	vtrunc.f32 v13;
	v24 =	vcvt.s32.f32 v11  }
0x137: {  	v13 =	vcvt.f32.s32 v13;
	v14 =	vadd.s32 v5, v22;
	v27 =	vmul.f32 $6.535947790e-03, v26  }
0x138: {  	vm6 =	vlt.s32 v14, $0x0;
	v25 =	vadd.s32 $0xE10, v14;
	v17 =	vmul.f32 $2.000000030e-01, v24  }
0x139: {  	v18 =	vsel vm6, v25, v14;
	v14 =	vshra.s32 v14, $0x1F;
	v30 =	vtrunc.f32 v27  }
0x13a: {  	vm0 =	vgt.s32 v18, $0xE0F;
	v29 =	vtrunc.f32 v17;
	v17 =	vcvt.f32.s32 v30  }
0x13b: {  	v34 =	vmul.u32 $0xFFFFFFF9, v13;
	v14 =	vadd.s32 v15, v14;
	v28 =	vsel vm0, $0x1, v0  }
0x13c: {  	v14 =	vadd.s32 v28, v14;
	v15 =	vcvt.f32.s32 v29;
	v33 =	vmul.u32 $0xFFFFFF67, v17  }
0x13d: {  	v3 =	vadd.s32 $0xC1C, v3;
	v54 =	vmul.u32 $0x19, v12;
	v31 =	vmul.u32 $0xFFFFF1F0, v14  }
0x13e: {  	v43 =	vadd.s32 v9, v34;
	v32 =	vmul.u32 $0xFFFFFFFB, v15;
	v16 =	vadd.s32 v16, v33  }
0x13f: {  	v5 =	vadd.s32 v5, v31;
	vm8 =	vlt.s32 v16, $0x0;
	v37 =	vadd.s32 $0x99, v16  }
0x140: {  	v4 =	vsub.s32 v4, v15;
	v35 =	vcvt.s32.f32 v5;
	v38 =	vsel vm8, v37, v16  }
0x141: {  	v11 =	vadd.s32 v11, v32;
	v39 =	vshra.s32 v16, $0x1F;
	vm0 =	vgt.s32 v38, $0x98  }
0x142: {  	vm7 =	vlt.s32 v11, $0x0;
	v15 =	vadd.s32 v17, v39;
	v41 =	vsel vm0, $0x1, v0  }
0x143: {  	v19 =	vadd.s32 $0x5, v11;
	v42 =	vmul.f32 $1.666666750e-02, v35;
	v15 =	vadd.s32 v41, v15  }
0x144: {  	v36 =	vsel vm7, v19, v11;
	v11 =	vshrl.u32 v11, $0x1F;
	v44 =	vmul.u32 $0x99, v15  }
0x145: {  	vm9 =	vgt.s32 v36, $0x4;
	v4 =	vadd.s32 v11, v4;
	v11 =	vtrunc.f32 v42  }
0x146: {  	v40 =	vsel vm9, $0xFFFFFFFF, v0;
	v11 =	vcvt.f32.s32 v11;
	v16 =	vadd.s32 $0x2, v44  }
0x147: {  	vm10 =	vlt.s32 v43, $0x0;
	v4 =	vadd.s32 v40, v4;
	v46 =	vcvt.s32.f32 v16  }
0x148: {  	v45 =	vadd.s32 $0x7, v43;
	v4 =	vmul.u32 $0x19, v4;
	v47 =	vmul.u32 $0xFFFFFFC4, v11  }
0x149: {  	[tilespmem:s22+$0x4A80] =	vst v7;
	v7 =	vadd.s32 $0x113, v54;
	v18 =	vsel vm10, v45, v43;
	v19 =	vmul.f32 $2.000000030e-01, v46  }
0x14a: {  	v58 =	vmul.u32 $0x19, v14;
	v4 =	vadd.s32 $0x55F, v4;
	v5 =	vadd.s32 v5, v47  }
0x14b: {  	v17 =	vshra.s32 v43, $0x1F;
	vm12 =	vlt.s32 v5, $0x0;
	v50 =	vtrunc.f32 v19  }
0x14c: {  	v49 =	vadd.s32 $0x3C, v5;
	vm0 =	vgt.s32 v18, $0x6;
	v18 =	vcvt.f32.s32 v50  }
0x14d: {  	v13 =	vadd.s32 v13, v17;
	v17 =	vsel vm12, v49, v5;
	v48 =	vsel vm0, $0x1, v0  }
0x14e: {  	v5 =	vshra.s32 v5, $0x1F;
	v13 =	vadd.s32 v48, v13;
	v53 =	vmul.u32 $0xFFFFFFFB, v18  }
0x14f: {  	vm13 =	vgt.s32 v17, $0x3B;
	v5 =	vadd.s32 v11, v5;
	v13 =	vmul.u32 $0xFFFFFFF9, v13  }
0x150: {  	v52 =	vsel vm13, $0x1, v0;
	vm15 =	vlt.s32 v15, $0xA;
	v55 =	vadd.s32 v16, v53  }
0x151: {  	[tilespmem:s23+$0x4C80] =	vst v8;
	v9 =	vadd.s32 v9, v13;
	vm14 =	vlt.s32 v55, $0x0;
	v57 =	vadd.s32 $0x5, v55  }
0x152: {  	[tilespmem:s23+$0x4B80] =	vst v6;
	v5 =	vadd.s32 v52, v5;
	v56 =	vmul.u32 $0x19, v9;
	v9 =	vsel vm14, v57, v55  }
0x153: {  	[tilespmem:s23+$0x4C00] =	vst v3;
	v59 =	vsub.s32 v10, v18;
	v3 =	vshrl.u32 v55, $0x1F;
	vm0 =	vgt.s32 v9, $0x4  }
0x154: {  	[tilespmem:s23+$0x4A80] =	vst v7;
	v5 =	vmul.u32 $0x1C, v5;
	v3 =	vadd.s32 v3, v59;
	v60 =	vsel vm0, $0xFFFFFFFF, v0  }
0x155: {  	v63 =	vadd.s32 $0xC1C, v58;
	[tilespmem:s23+$0x4B00] =	vst v4;
	v61 =	vsel vm15, $0x3, v1;
	v3 =	vadd.s32 v60, v3  }
0x156: {  	[tilespmem:s24+$0x4C00] =	vst v63;
	v4 =	vadd.s32 v15, v61;
	v5 =	vadd.s32 $0x1504, v5;
	v3 =	vmul.u32 $0x19, v3  }
0x157: {  	v4 =	vmul.u32 $0x19, v4;
	[tilespmem:s24+$0x4C80] =	vst v5;
	v62 =	vadd.s32 $0x915, v56  }
0x158: {  	[tilespmem:s24+$0x4B80] =	vst v62;
	v3 =	vadd.s32 $0x55F, v3  }
0x159: {  	[tilespmem:s24+$0x4B00] =	vst v3;
	v3 =	vadd.s32 $0x113, v4  }
0x15a: {  	s22 =	simm.s32 $0x0;
	[tilespmem:s24+$0x4A80] =	vst v3  }
.LBB2_4:
0x15b: {  	s24 =	sand.u32 $0x1F, s22  }
0x15c: {  	s23 =	sor.u32 s5, s22;
	p0 =	sne.s32 s24, $0x0  }
0x15d: {  	s24 =	sshll.u32 @!p0 s23, $0x5  }
0x15e: {  	s25 =	simm.s32 @!p0 $0x0;
	s26 =	simm.s32 @!p0 $0x2A00;
	s24 =	sadd.s32 @!p0 s1, s24  }
0x15f: {  	[tilespmem:s26], [sflag:$0x5] =	stream.linear.gather @!p0 [hbm4b:s24+s25], $0x2000, $0x38;
	[tilespmem:$0x1ED00] =	vst v63  }
0x160: {  	p1 =	slt.u32 s22, $0x2;
	s24 =	sand.u32 $0x1, s22;
	s25 =	simm.s32 @!p0 $0x5  }
0x161: {  	_ =	swait.ge @!p0 [sflag:s25], $0x2000;
	p2 =	sne.s32 @!p1 s24, $0x0  }
0x162: {  	[sflag:s25] =	ssyncset.done @!p0 $0x0;
	p2 =	por p2, p1  }
0x163: {  	[sflag:s25] =	ssyncadd.s32 @!p0 $0xFFFFE000;
	s25 =	simm.s32 @!p2 $0x1  }
0x164: {  	_ =	swait.ge @!p2 [sflag:s25], $0x6480  }
0x165: {  	[sflag:s25] =	ssyncset.done @!p2 $0x0  }
0x166: {  	[sflag:s25] =	ssyncadd.s32 @!p2 $0xFFFF9B80;
	s25 =	simm.s32 @!p2 $0x3  }
0x167: {  	p0 =	seq.s32 s24, $0x1;
	_ =	swait.ge @!p2 [sflag:s25], $0x6400  }
0x168: {  	p1 =	por !p0, p1;
	[sflag:s25] =	ssyncset.done @!p2 $0x0  }
0x169: {  	[sflag:s25] =	ssyncadd.s32 @!p2 $0xFFFF9C00;
	s25 =	simm.s32 @!p1 $0x2  }
0x16a: {  	_ =	swait.ge @!p1 [sflag:s25], $0x6480  }
0x16b: {  	v3 =	vmov s22;
	[sflag:s25] =	ssyncset.done @!p1 $0x0  }
0x16c: {  	v4 =	vor.u32 $0x80, v3;
	[sflag:s25] =	ssyncadd.s32 @!p1 $0xFFFF9B80;
	s25 =	simm.s32 @!p1 $0x4  }
0x16d: {  	v5 =	vor.u32 $0x100, v3;
	_ =	swait.ge @!p1 [sflag:s25], $0x6400  }
0x16e: {  	v6 =	vor.u32 $0x180, v3;
	[sflag:s25] =	ssyncset.done @!p1 $0x0  }
0x16f: {  	v7 =	vor.u32 $0x200, v3;
	[sflag:s25] =	ssyncadd.s32 @!p1 $0xFFFF9C00  }
0x170: {  	v3 =	vld.idx.msk [tilespmem:v3+s14+$0x0], $0xffff  }
0x171: {  	s30 =	sshll.u32 s22, $0x8;
	s31 =	sshll.u32 s22, $0x7;
	v4 =	vld.idx.msk [tilespmem:v4+s14+$0x0], $0xffff  }
0x172: {  	s26 =	sand.u32 $0x380, s31;
	s25 =	sand.u32 $0x1800, s30;
	v5 =	vld.idx.msk [tilespmem:v5+s14+$0x0], $0xffff  }
0x173: {  	v6 =	vld.idx.msk [tilespmem:v6+s14+$0x0], $0xffff;
	s26 =	sor.u32 s26, s25  }
0x174: {  	s28 =	simm.s32 $0x0;
	s25 =	smul.u32 $0xD0, s24;
	v7 =	vld.idx.msk [tilespmem:v7+s14+$0x0], $0xffff;
	s26 =	sadd.s32 $0x2A00, s26  }
.LBB2_5:
0x175: {  	s30 =	sshll.u32 s28, $0x7  }
0x176: {  	s29 =	sshll.u32 s28, $0x4;
	s30 =	sand.u32 $0x400, s30  }
0x177: {  	s31 =	sand.u32 $0x70, s29;
	s30 =	sadd.s32 s30, s26  }
0x178: {  	s30 =	sadd.s32 s31, s30  }
0x179: {  	v9 =	vld [tilespmem:s30+$0x0];
	_ =	sdelay $0x4  }
0x17a: {  	v8 =	vshra.s32 v9, $0x7  }
0x17b: {  	v10 =	vcvt.s32.f32 v8;
	_ =	sdelay $0x1  }
0x17c: {  	v10 =	vmul.f32 $1.481481480e-03, v10;
	_ =	sdelay $0x1  }
0x17d: {  	v10 =	vtrunc.f32 v10  }
0x17e: {  	v10 =	vcvt.f32.s32 v10;
	_ =	sdelay $0x1  }
0x17f: {  	v11 =	vmul.u32 $0xFFFFFD5D, v10;
	_ =	sdelay $0x1  }
0x180: {  	v8 =	vadd.s32 v8, v11  }
0x181: {  	vm0 =	vlt.s32 v8, $0x0;
	v11 =	vadd.s32 $0x2A3, v8  }
0x182: {  	v11 =	vsel vm0, v11, v8  }
0x183: {  	v8 =	vshra.s32 v8, $0x1F;
	vm0 =	vgt.s32 v11, $0x2A2  }
0x184: {  	v8 =	vadd.s32 v10, v8;
	v10 =	vsel vm0, $0x1, v0  }
0x185: {  	v10 =	vadd.s32 v10, v8  }
0x186: {  	v8 =	vadd.s32 $0xAFA6C, v10  }
0x187: {  	v11 =	vcvt.s32.f32 v8;
	_ =	sdelay $0x1  }
0x188: {  	v11 =	vmul.f32 $6.844767540e-06, v11;
	_ =	sdelay $0x1  }
0x189: {  	v11 =	vtrunc.f32 v11  }
0x18a: {  	v11 =	vcvt.f32.s32 v11;
	_ =	sdelay $0x1  }
0x18b: {  	v12 =	vmul.u32 $0xFFFDC54F, v11;
	_ =	sdelay $0x1  }
0x18c: {  	v12 =	vadd.s32 v8, v12  }
0x18d: {  	vm5 =	vlt.s32 v12, $0x0;
	v13 =	vadd.s32 $0x23AB1, v12  }
0x18e: {  	v13 =	vsel vm5, v13, v12  }
0x18f: {  	v12 =	vshra.s32 v12, $0x1F;
	vm0 =	vgt.s32 v13, $0x23AB0  }
0x190: {  	v11 =	vadd.s32 v11, v12;
	v12 =	vsel vm0, $0x1, v0  }
0x191: {  	v11 =	vadd.s32 v12, v11  }
0x192: {  	v11 =	vmul.u32 $0xFFFDC54F, v11;
	_ =	sdelay $0x1  }
0x193: {  	v8 =	vadd.s32 v8, v11  }
0x194: {  	v11 =	vcvt.s32.f32 v8;
	_ =	sdelay $0x1  }
0x195: {  	v12 =	vmul.f32 $6.849315250e-04, v11  }
0x196: {  	v13 =	vmul.f32 $2.737925750e-05, v11;
	v11 =	vmul.f32 $6.844814380e-06, v11  }
0x197: {  	v12 =	vtrunc.f32 v12  }
0x198: {  	v13 =	vtrunc.f32 v13;
	v11 =	vtrunc.f32 v11  }
0x199: {  	v12 =	vcvt.f32.s32 v12;
	v13 =	vcvt.f32.s32 v13  }
0x19a: {  	v11 =	vcvt.f32.s32 v11  }
0x19b: {  	v14 =	vmul.u32 $0xFFFFFA4C, v12;
	v15 =	vmul.u32 $0xFFFF7154, v13  }
0x19c: {  	v19 =	vmul.u32 $0xFFFDC550, v11;
	v13 =	vadd.s32 v13, v8;
	v11 =	vadd.s32 v11, v12  }
0x19d: {  	v11 =	vsub.s32 v13, v11  }
0x19e: {  	v14 =	vadd.s32 v8, v14;
	v15 =	vadd.s32 v8, v15;
	v12 =	vadd.s32 v8, v19  }
0x19f: {  	vm6 =	vlt.s32 v14, $0x0;
	v16 =	vadd.s32 $0x5B4, v14;
	v17 =	vshrl.u32 v14, $0x1F  }
0x1a0: {  	vm7 =	vlt.s32 v15, $0x0;
	v18 =	vadd.s32 $0x8EAC, v15;
	vm8 =	vlt.s32 v12, $0x0  }
0x1a1: {  	v14 =	vsel vm6, v16, v14;
	v16 =	vshra.s32 v15, $0x1F;
	v15 =	vsel vm7, v18, v15  }
0x1a2: {  	vm0 =	vgt.s32 v15, $0x8EAB;
	v11 =	vadd.s32 v16, v11;
	v15 =	vshrl.u32 v12, $0x1F  }
0x1a3: {  	v16 =	vadd.s32 $0x23AB0, v12;
	vm9 =	vgt.s32 v14, $0x5B3;
	v11 =	vadd.s32 v17, v11  }
0x1a4: {  	v13 =	vsel vm0, $0x1, v0;
	v12 =	vsel vm8, v16, v12;
	v11 =	vadd.s32 v15, v11  }
0x1a5: {  	v14 =	vsel vm9, $0xFFFFFFFF, v0;
	vm10 =	vgt.s32 v12, $0x23AAF;
	v11 =	vadd.s32 v13, v11  }
0x1a6: {  	v12 =	vsel vm10, $0xFFFFFFFF, v0;
	v11 =	vadd.s32 v14, v11  }
0x1a7: {  	v11 =	vadd.s32 v12, v11  }
0x1a8: {  	v12 =	vcvt.s32.f32 v11;
	_ =	sdelay $0x1  }
0x1a9: {  	v12 =	vmul.f32 $2.739726100e-03, v12;
	_ =	sdelay $0x1  }
0x1aa: {  	v12 =	vtrunc.f32 v12  }
0x1ab: {  	v12 =	vcvt.f32.s32 v12;
	_ =	sdelay $0x1  }
0x1ac: {  	v13 =	vmul.u32 $0xFFFFFE93, v12;
	_ =	sdelay $0x1  }
0x1ad: {  	v11 =	vadd.s32 v11, v13  }
0x1ae: {  	vm11 =	vlt.s32 v11, $0x0;
	v13 =	vadd.s32 $0x16D, v11  }
0x1af: {  	v13 =	vsel vm11, v13, v11  }
0x1b0: {  	v11 =	vshra.s32 v11, $0x1F;
	vm0 =	vgt.s32 v13, $0x16C  }
0x1b1: {  	v11 =	vadd.s32 v12, v11;
	v12 =	vsel vm0, $0x1, v0  }
0x1b2: {  	v11 =	vadd.s32 v12, v11  }
0x1b3: {  	v12 =	vcvt.s32.f32 v11;
	_ =	sdelay $0x1  }
0x1b4: {  	v13 =	vmul.f32 $2.500000000e-01, v12;
	v12 =	vmul.f32 $9.999999770e-03, v12;
	_ =	sdelay $0x1  }
0x1b5: {  	v13 =	vtrunc.f32 v13;
	v12 =	vtrunc.f32 v12  }
0x1b6: {  	v16 =	vmul.u32 $0xFFFFFE93, v11;
	v13 =	vcvt.f32.s32 v13;
	v12 =	vcvt.f32.s32 v12;
	_ =	sdelay $0x1  }
0x1b7: {  	v8 =	vadd.s32 v8, v16;
	v14 =	vshll.u32 v13, $0x2;
	v15 =	vmul.u32 $0xFFFFFF9C, v12  }
0x1b8: {  	v8 =	vadd.s32 v12, v8;
	v14 =	vsub.s32 v11, v14  }
0x1b9: {  	v8 =	vsub.s32 v8, v13;
	v17 =	vshrl.u32 v14, $0x1F;
	v11 =	vadd.s32 v11, v15  }
0x1ba: {  	v18 =	vshrl.u32 v14, $0x1D;
	vm12 =	vlt.s32 v11, $0x0;
	v15 =	vadd.s32 $0x64, v11  }
0x1bb: {  	v18 =	vand.u32 $0x4, v18;
	v12 =	vshra.s32 v11, $0x1F;
	v11 =	vsel vm12, v15, v11  }
0x1bc: {  	v13 =	vadd.s32 v14, v18;
	v8 =	vadd.s32 v12, v8;
	vm0 =	vgt.s32 v11, $0x63  }
0x1bd: {  	vm13 =	vgt.s32 v13, $0x3;
	v8 =	vadd.s32 v17, v8;
	v11 =	vsel vm0, $0x1, v0  }
0x1be: {  	v12 =	vsel vm13, $0xFFFFFFFF, v0;
	v8 =	vadd.s32 v11, v8  }
0x1bf: {  	v11 =	vadd.s32 v12, v8  }
0x1c0: {  	v8 =	vmul.u32 $0x5, v11;
	_ =	sdelay $0x1  }
0x1c1: {  	v8 =	vadd.s32 $0x2, v8  }
0x1c2: {  	v12 =	vcvt.s32.f32 v8;
	_ =	sdelay $0x1  }
0x1c3: {  	v12 =	vmul.f32 $6.535947790e-03, v12;
	_ =	sdelay $0x1  }
0x1c4: {  	v12 =	vtrunc.f32 v12  }
0x1c5: {  	v12 =	vcvt.f32.s32 v12;
	_ =	sdelay $0x1  }
0x1c6: {  	v13 =	vmul.u32 $0xFFFFFF67, v12;
	_ =	sdelay $0x1  }
0x1c7: {  	v8 =	vadd.s32 v8, v13  }
0x1c8: {  	vm14 =	vlt.s32 v8, $0x0;
	v13 =	vadd.s32 $0x99, v8  }
0x1c9: {  	v13 =	vsel vm14, v13, v8  }
0x1ca: {  	v8 =	vshra.s32 v8, $0x1F;
	vm0 =	vgt.s32 v13, $0x98  }
0x1cb: {  	v8 =	vadd.s32 v12, v8;
	v12 =	vsel vm0, $0x1, v0  }
0x1cc: {  	v14 =	vadd.s32 v12, v8  }
0x1cd: {  	vm15 =	vlt.s32 v14, $0xA  }
0x1ce: {  	v8 =	vsel vm15, $0x3, v1  }
0x1cf: {  	v8 =	vadd.s32 v14, v8  }
0x1d0: {  	v8 =	vmul.u32 $0x19, v8;
	_ =	sdelay $0x1  }
0x1d1: {  	v12 =	vadd.s32 $0xFFFFFFE7, v8  }
0x1d2: {  	v13 =	vadd.s32 $0x4, v12  }
0x1d3: {  	s29 =	sadd.s32 s25, s29;
	v15 =	vadd.s32 $0x1, v12  }
0x1d4: {  	v8 =	vmov s29;
	v16 =	vadd.s32 $0x2, v12  }
0x1d5: {  	v8 =	vshll.u32 v8, $0x7;
	v17 =	vadd.s32 $0x3, v12  }
0x1d6: {  	v33 =	vadd.s32 $0x5, v12;
	v8 =	vor.u32 v2, v8;
	v18 =	vld.idx.msk [tilespmem:v12+s4+$0x0], $0xffff  }
0x1d7: {  	v19 =	vsub.s32 v3, v12;
	v21 =	vadd.s32 $0x4, v8;
	v20 =	vld.idx.msk [tilespmem:v13+s4+$0x0], $0xffff  }
0x1d8: {  	v22 =	vadd.s32 $0x4, v19;
	v34 =	vadd.s32 $0x1, v8;
	v15 =	vld.idx.msk [tilespmem:v15+s4+$0x0], $0xffff  }
0x1d9: {  	v23 =	vadd.s32 $0x1, v19;
	v16 =	vld.idx.msk [tilespmem:v16+s4+$0x0], $0xffff  }
0x1da: {  	v12 =	vadd.s32 $0x2, v8;
	v25 =	vld.idx.msk [tilespmem:v17+s4+$0x0], $0xffff;
	v17 =	vadd.s32 $0x4, v33  }
0x1db: {  	v13 =	vadd.s32 $0x3, v8;
	v26 =	vld.idx.msk [tilespmem:v33+s4+$0x0], $0xffff;
	[tilespmem:v8+s15+$0x0] =	vst.idx.msk $0xffff, v18;
	v18 =	vadd.s32 $0x1, v33  }
0x1dc: {  	v30 =	vld.idx.msk [tilespmem:v19+s12+$0x0], $0xffff;
	[tilespmem:v21+s15+$0x0] =	vst.idx.msk $0xffff, v20;
	v20 =	vadd.s32 $0x2, v33  }
0x1dd: {  	v36 =	vadd.s32 $0x3, v33;
	[tilespmem:v34+s15+$0x0] =	vst.idx.msk $0xffff, v15;
	v35 =	vld.idx.msk [tilespmem:v22+s12+$0x0], $0xffff  }
0x1de: {  	v38 =	vadd.s32 $0x2, v19;
	v37 =	vld.idx.msk [tilespmem:v23+s12+$0x0], $0xffff  }
0x1df: {  	[tilespmem:v12+s15+$0x0] =	vst.idx.msk $0xffff, v16;
	v24 =	vld.idx.msk [tilespmem:v17+s4+$0x0], $0xffff;
	v17 =	vadd.s32 $0x3, v19;
	v22 =	vadd.s32 $0x5, v8  }
0x1e0: {  	[tilespmem:v13+s15+$0x0] =	vst.idx.msk $0xffff, v25;
	v23 =	vadd.s32 $0x5, v19;
	v29 =	vadd.s32 $0x4, v22;
	v27 =	vld.idx.msk [tilespmem:v18+s4+$0x0], $0xffff  }
0x1e1: {  	v33 =	vadd.s32 $0x5, v33;
	v25 =	vadd.s32 $0x1, v22;
	v32 =	vadd.s32 $0x4, v23;
	v28 =	vld.idx.msk [tilespmem:v20+s4+$0x0], $0xffff;
	[tilespmem:v8+s16+$0x0] =	vst.idx.msk $0xffff, v30  }
0x1e2: {  	v16 =	vadd.s32 $0x2, v22;
	v15 =	vadd.s32 $0x3, v22;
	v31 =	vadd.s32 $0x1, v23;
	v19 =	vmovc v25;
	v30 =	vld.idx.msk [tilespmem:v36+s4+$0x0], $0xffff;
	[tilespmem:v21+s16+$0x0] =	vst.idx.msk $0xffff, v35  }
0x1e3: {  	s29 =	simm.s32 $0x5;
	v18 =	vmovc v29;
	v20 =	vmov v22;
	v21 =	vadd.s32 $0x2, v23;
	v35 =	vadd.s32 $0x3, v23;
	[tilespmem:v34+s16+$0x0] =	vst.idx.msk $0xffff, v37;
	v34 =	vld.idx.msk [tilespmem:v38+s12+$0x0], $0xffff  }
.LBB2_6:
0x1e4: {  	v36 =	vadd.s32 $0x1, v33;
	v37 =	vadd.s32 $0x2, v33;
	v38 =	vadd.s32 $0x4, v33;
	s29 =	sadd.s32 $0x5, s29;
	[tilespmem:v22+s15+$0x0] =	vst.idx.msk $0xffff, v26;
	v39 =	vld.idx.msk [tilespmem:v17+s12+$0x0], $0xffff;
	v17 =	vmovc v35  }
0x1e5: {  	v40 =	vadd.s32 $0x3, v33;
	p1 =	slt.u32 s29, $0x14;
	v35 =	vld.idx.msk [tilespmem:v23+s12+$0x0], $0xffff;
	[tilespmem:v29+s15+$0x0] =	vst.idx.msk $0xffff, v24  }
0x1e6: {  	[tilespmem:v25+s15+$0x0] =	vst.idx.msk $0xffff, v27;
	v41 =	vld.idx.msk [tilespmem:v32+s12+$0x0], $0xffff  }
0x1e7: {  	v42 =	vld.idx.msk [tilespmem:v31+s12+$0x0], $0xffff;
	[tilespmem:v16+s15+$0x0] =	vst.idx.msk $0xffff, v28  }
0x1e8: {  	v26 =	vld.idx.msk [tilespmem:v33+s4+$0x0], $0xffff;
	[tilespmem:v15+s15+$0x0] =	vst.idx.msk $0xffff, v30  }
.Ltmp1:
0x1e9: {  	v22 =	vadd.s32 $0x5, v22;
	v24 =	vld.idx.msk [tilespmem:v38+s4+$0x0], $0xffff;
	[tilespmem:v12+s16+$0x0] =	vst.idx.msk $0xffff, v34;
	v12 =	vmov v16;
	(pc) =	sbr.rel @p1 .LBB2_6-.Ltmp1, $4  }
0x1ea: {  	v29 =	vadd.s32 $0x4, v22;
	v23 =	vadd.s32 $0x5, v23;
	v25 =	vadd.s32 $0x1, v22;
	v27 =	vld.idx.msk [tilespmem:v36+s4+$0x0], $0xffff;
	[tilespmem:v13+s16+$0x0] =	vst.idx.msk $0xffff, v39;
	v13 =	vmovc v15  }
0x1eb: {  	v32 =	vadd.s32 $0x4, v23;
	v16 =	vadd.s32 $0x2, v22;
	v15 =	vadd.s32 $0x3, v22;
	v28 =	vld.idx.msk [tilespmem:v37+s4+$0x0], $0xffff;
	[tilespmem:v20+s16+$0x0] =	vst.idx.msk $0xffff, v35;
	v20 =	vmovc v22  }
0x1ec: {  	v31 =	vadd.s32 $0x1, v23;
	v36 =	vadd.s32 $0x2, v23;
	v35 =	vadd.s32 $0x3, v23;
	v30 =	vld.idx.msk [tilespmem:v40+s4+$0x0], $0xffff;
	[tilespmem:v18+s16+$0x0] =	vst.idx.msk $0xffff, v41;
	v18 =	vmovc v29  }
0x1ed: {  	v33 =	vadd.s32 $0x5, v33;
	[tilespmem:v19+s16+$0x0] =	vst.idx.msk $0xffff, v42;
	v34 =	vld.idx.msk [tilespmem:v21+s12+$0x0], $0xffff;
	v19 =	vmov v25;
	v21 =	vmov v36  }
0x1ee: {  	v14 =	vmul.u32 $0x99, v14;
	_ =	sdelay $0x1  }
0x1ef: {  	v14 =	vadd.s32 $0x2, v14  }
0x1f0: {  	v33 =	vcvt.s32.f32 v14;
	_ =	sdelay $0x1  }
0x1f1: {  	v33 =	vmul.f32 $2.000000030e-01, v33;
	_ =	sdelay $0x1  }
0x1f2: {  	v33 =	vtrunc.f32 v33  }
0x1f3: {  	v33 =	vcvt.f32.s32 v33;
	_ =	sdelay $0x1  }
0x1f4: {  	v36 =	vmul.u32 $0xFFFFFFFB, v33;
	_ =	sdelay $0x1  }
0x1f5: {  	v14 =	vadd.s32 v14, v36  }
0x1f6: {  	[tilespmem:v22+s15+$0x0] =	vst.idx.msk $0xffff, v26;
	vm0 =	vlt.s32 v14, $0x0;
	v22 =	vadd.s32 $0x5, v14  }
0x1f7: {  	[tilespmem:v29+s15+$0x0] =	vst.idx.msk $0xffff, v24;
	v17 =	vld.idx.msk [tilespmem:v17+s12+$0x0], $0xffff;
	v22 =	vsel vm0, v22, v14  }
0x1f8: {  	v23 =	vld.idx.msk [tilespmem:v23+s12+$0x0], $0xffff;
	[tilespmem:v25+s15+$0x0] =	vst.idx.msk $0xffff, v27;
	v11 =	vsub.s32 v11, v33;
	v14 =	vshrl.u32 v14, $0x1F;
	vm0 =	vgt.s32 v22, $0x4  }
0x1f9: {  	[tilespmem:v16+s15+$0x0] =	vst.idx.msk $0xffff, v28;
	v22 =	vld.idx.msk [tilespmem:v32+s12+$0x0], $0xffff;
	v11 =	vadd.s32 v14, v11;
	v24 =	vsel vm0, $0xFFFFFFFF, v0  }
0x1fa: {  	[tilespmem:v15+s15+$0x0] =	vst.idx.msk $0xffff, v30;
	v14 =	vld.idx.msk [tilespmem:v31+s12+$0x0], $0xffff;
	v11 =	vadd.s32 v24, v11  }
0x1fb: {  	[tilespmem:v12+s16+$0x0] =	vst.idx.msk $0xffff, v34;
	v12 =	vld.idx.msk [tilespmem:v21+s12+$0x0], $0xffff;
	v11 =	vmul.u32 $0x19, v11  }
0x1fc: {  	[tilespmem:v13+s16+$0x0] =	vst.idx.msk $0xffff, v17;
	v13 =	vld.idx.msk [tilespmem:v35+s12+$0x0], $0xffff  }
0x1fd: {  	[tilespmem:v20+s16+$0x0] =	vst.idx.msk $0xffff, v23;
	v17 =	vadd.s32 $0x12C, v11  }
0x1fe: {  	[tilespmem:v18+s16+$0x0] =	vst.idx.msk $0xffff, v22;
	v18 =	vadd.s32 $0x4, v17  }
0x1ff: {  	[tilespmem:v19+s16+$0x0] =	vst.idx.msk $0xffff, v14;
	v14 =	vadd.s32 $0x1, v17  }
0x200: {  	[tilespmem:v16+s16+$0x0] =	vst.idx.msk $0xffff, v12;
	v12 =	vadd.s32 $0x2, v17  }
0x201: {  	[tilespmem:v15+s16+$0x0] =	vst.idx.msk $0xffff, v13;
	v15 =	vadd.s32 $0x3, v17  }
0x202: {  	v31 =	vadd.s32 $0x5, v17;
	v16 =	vld.idx.msk [tilespmem:v17+s4+$0x0], $0xffff  }
0x203: {  	v13 =	vor.u32 $0x19, v8;
	v25 =	vadd.s32 $0x1, v31;
	v18 =	vld.idx.msk [tilespmem:v18+s4+$0x0], $0xffff  }
0x204: {  	v20 =	vadd.s32 $0x4, v13;
	v19 =	vsub.s32 v4, v11;
	v14 =	vld.idx.msk [tilespmem:v14+s4+$0x0], $0xffff  }
0x205: {  	v62 =	vadd.s32 $0x1, v13;
	v21 =	vadd.s32 $0x4, v19;
	v23 =	vld.idx.msk [tilespmem:v12+s4+$0x0], $0xffff  }
0x206: {  	v22 =	vadd.s32 $0x1, v19;
	v17 =	vld.idx.msk [tilespmem:v15+s4+$0x0], $0xffff  }
0x207: {  	v11 =	vadd.s32 $0x2, v13;
	v15 =	vadd.s32 $0x4, v31;
	v24 =	vld.idx.msk [tilespmem:v31+s4+$0x0], $0xffff  }
0x208: {  	v29 =	vadd.s32 $0x3, v31;
	v12 =	vadd.s32 $0x3, v13;
	v25 =	vld.idx.msk [tilespmem:v25+s4+$0x0], $0xffff;
	[tilespmem:v13+s15+$0x0] =	vst.idx.msk $0xffff, v16  }
0x209: {  	v63 =	vadd.s32 $0x2, v19;
	v28 =	vld.idx.msk [tilespmem:v19+s12+$0x0], $0xffff;
	[tilespmem:v20+s15+$0x0] =	vst.idx.msk $0xffff, v18  }
0x20a: {  	v18 =	vadd.s32 $0x2, v31;
	[tilespmem:v62+s15+$0x0] =	vst.idx.msk $0xffff, v14;
	v21 =	vld.idx.msk [tilespmem:v21+s12+$0x0], $0xffff  }
0x20b: {  	v34 =	vld.idx.msk [tilespmem:v22+s12+$0x0], $0xffff  }
0x20c: {  	v16 =	vadd.s32 $0x5, v13;
	[tilespmem:v11+s15+$0x0] =	vst.idx.msk $0xffff, v23;
	v22 =	vld.idx.msk [tilespmem:v15+s4+$0x0], $0xffff;
	v15 =	vadd.s32 $0x3, v19  }
0x20d: {  	v29 =	vld.idx.msk [tilespmem:v29+s4+$0x0], $0xffff;
	[tilespmem:v12+s15+$0x0] =	vst.idx.msk $0xffff, v17;
	v27 =	vadd.s32 $0x4, v16;
	v17 =	vadd.s32 $0x5, v19  }
0x20e: {  	v23 =	vadd.s32 $0x1, v16;
	v14 =	vadd.s32 $0x2, v16;
	v32 =	vld.idx.msk [tilespmem:v63+s12+$0x0], $0xffff;
	[tilespmem:v13+s16+$0x0] =	vst.idx.msk $0xffff, v28;
	v28 =	vadd.s32 $0x4, v17  }
0x20f: {  	v31 =	vadd.s32 $0x5, v31;
	v30 =	vadd.s32 $0x1, v17;
	v33 =	vadd.s32 $0x3, v17;
	v26 =	vld.idx.msk [tilespmem:v18+s4+$0x0], $0xffff;
	[tilespmem:v20+s16+$0x0] =	vst.idx.msk $0xffff, v21  }
0x210: {  	s29 =	simm.s32 $0x5;
	v19 =	vmovc v23;
	v13 =	vadd.s32 $0x3, v16;
	v18 =	vmovc v27;
	v21 =	vadd.s32 $0x2, v17;
	[tilespmem:v62+s16+$0x0] =	vst.idx.msk $0xffff, v34;
	v20 =	vmov v16  }
.LBB2_8:
0x211: {  	v34 =	vadd.s32 $0x1, v31;
	v35 =	vadd.s32 $0x2, v31;
	v36 =	vadd.s32 $0x4, v31;
	s29 =	sadd.s32 $0x5, s29;
	[tilespmem:v16+s15+$0x0] =	vst.idx.msk $0xffff, v24;
	v37 =	vld.idx.msk [tilespmem:v15+s12+$0x0], $0xffff;
	v15 =	vmovc v33  }
0x212: {  	v38 =	vadd.s32 $0x3, v31;
	p1 =	slt.u32 s29, $0x14;
	v33 =	vld.idx.msk [tilespmem:v17+s12+$0x0], $0xffff;
	[tilespmem:v27+s15+$0x0] =	vst.idx.msk $0xffff, v22  }
0x213: {  	[tilespmem:v23+s15+$0x0] =	vst.idx.msk $0xffff, v25;
	v39 =	vld.idx.msk [tilespmem:v28+s12+$0x0], $0xffff  }
0x214: {  	v40 =	vld.idx.msk [tilespmem:v30+s12+$0x0], $0xffff;
	[tilespmem:v14+s15+$0x0] =	vst.idx.msk $0xffff, v26  }
0x215: {  	v24 =	vld.idx.msk [tilespmem:v31+s4+$0x0], $0xffff;
	[tilespmem:v13+s15+$0x0] =	vst.idx.msk $0xffff, v29  }
.Ltmp2:
0x216: {  	v16 =	vadd.s32 $0x5, v16;
	v22 =	vld.idx.msk [tilespmem:v36+s4+$0x0], $0xffff;
	[tilespmem:v11+s16+$0x0] =	vst.idx.msk $0xffff, v32;
	v11 =	vmov v14;
	(pc) =	sbr.rel @p1 .LBB2_8-.Ltmp2, $4  }
0x217: {  	v27 =	vadd.s32 $0x4, v16;
	v17 =	vadd.s32 $0x5, v17;
	v23 =	vadd.s32 $0x1, v16;
	v25 =	vld.idx.msk [tilespmem:v34+s4+$0x0], $0xffff;
	[tilespmem:v12+s16+$0x0] =	vst.idx.msk $0xffff, v37;
	v12 =	vmovc v13  }
0x218: {  	v28 =	vadd.s32 $0x4, v17;
	v14 =	vadd.s32 $0x2, v16;
	v13 =	vadd.s32 $0x3, v16;
	v26 =	vld.idx.msk [tilespmem:v35+s4+$0x0], $0xffff;
	[tilespmem:v20+s16+$0x0] =	vst.idx.msk $0xffff, v33;
	v20 =	vmovc v16  }
0x219: {  	v30 =	vadd.s32 $0x1, v17;
	v34 =	vadd.s32 $0x2, v17;
	v33 =	vadd.s32 $0x3, v17;
	v29 =	vld.idx.msk [tilespmem:v38+s4+$0x0], $0xffff;
	[tilespmem:v18+s16+$0x0] =	vst.idx.msk $0xffff, v39;
	v18 =	vmovc v27  }
0x21a: {  	v31 =	vadd.s32 $0x5, v31;
	[tilespmem:v19+s16+$0x0] =	vst.idx.msk $0xffff, v40;
	v32 =	vld.idx.msk [tilespmem:v21+s12+$0x0], $0xffff;
	v19 =	vmov v23;
	v21 =	vmov v34  }
0x21b: {  	v31 =	vadd.s32 $0x3, v10  }
0x21c: {  	v34 =	vcvt.s32.f32 v31;
	_ =	sdelay $0x1  }
0x21d: {  	v34 =	vmul.f32 $1.428571490e-01, v34;
	_ =	sdelay $0x1  }
0x21e: {  	v34 =	vtrunc.f32 v34  }
0x21f: {  	v34 =	vcvt.f32.s32 v34;
	_ =	sdelay $0x1  }
0x220: {  	v35 =	vmul.u32 $0xFFFFFFF9, v34;
	_ =	sdelay $0x1  }
0x221: {  	v35 =	vadd.s32 v31, v35  }
0x222: {  	vm0 =	vlt.s32 v35, $0x0;
	v36 =	vadd.s32 $0x7, v35  }
0x223: {  	v36 =	vsel vm0, v36, v35  }
0x224: {  	v35 =	vshra.s32 v35, $0x1F;
	vm0 =	vgt.s32 v36, $0x6  }
0x225: {  	[tilespmem:v16+s15+$0x0] =	vst.idx.msk $0xffff, v24;
	v16 =	vadd.s32 v34, v35;
	v24 =	vsel vm0, $0x1, v0  }
0x226: {  	v15 =	vld.idx.msk [tilespmem:v15+s12+$0x0], $0xffff;
	[tilespmem:v27+s15+$0x0] =	vst.idx.msk $0xffff, v22;
	v16 =	vadd.s32 v24, v16  }
0x227: {  	v17 =	vld.idx.msk [tilespmem:v17+s12+$0x0], $0xffff;
	[tilespmem:v23+s15+$0x0] =	vst.idx.msk $0xffff, v25;
	v16 =	vmul.u32 $0xFFFFFFF9, v16  }
0x228: {  	v22 =	vld.idx.msk [tilespmem:v28+s12+$0x0], $0xffff;
	[tilespmem:v14+s15+$0x0] =	vst.idx.msk $0xffff, v26  }
0x229: {  	v23 =	vld.idx.msk [tilespmem:v30+s12+$0x0], $0xffff;
	[tilespmem:v13+s15+$0x0] =	vst.idx.msk $0xffff, v29;
	v16 =	vadd.s32 v31, v16  }
0x22a: {  	[tilespmem:v11+s16+$0x0] =	vst.idx.msk $0xffff, v32;
	v11 =	vld.idx.msk [tilespmem:v21+s12+$0x0], $0xffff;
	v16 =	vmul.u32 $0x19, v16  }
0x22b: {  	[tilespmem:v12+s16+$0x0] =	vst.idx.msk $0xffff, v15;
	v12 =	vld.idx.msk [tilespmem:v33+s12+$0x0], $0xffff  }
0x22c: {  	[tilespmem:v20+s16+$0x0] =	vst.idx.msk $0xffff, v17;
	v15 =	vadd.s32 $0x433, v16  }
0x22d: {  	[tilespmem:v18+s16+$0x0] =	vst.idx.msk $0xffff, v22;
	v17 =	vadd.s32 $0x4, v15  }
0x22e: {  	[tilespmem:v19+s16+$0x0] =	vst.idx.msk $0xffff, v23;
	v18 =	vadd.s32 $0x1, v15  }
0x22f: {  	[tilespmem:v14+s16+$0x0] =	vst.idx.msk $0xffff, v11;
	v11 =	vadd.s32 $0x2, v15  }
0x230: {  	[tilespmem:v13+s16+$0x0] =	vst.idx.msk $0xffff, v12;
	v12 =	vadd.s32 $0x3, v15  }
0x231: {  	v13 =	vor.u32 $0x32, v8;
	v31 =	vadd.s32 $0x5, v15;
	v14 =	vld.idx.msk [tilespmem:v15+s4+$0x0], $0xffff  }
0x232: {  	v19 =	vadd.s32 $0x4, v13;
	v16 =	vsub.s32 v5, v16;
	v17 =	vld.idx.msk [tilespmem:v17+s4+$0x0], $0xffff  }
0x233: {  	v60 =	vadd.s32 $0x1, v13;
	v20 =	vadd.s32 $0x4, v16;
	v18 =	vld.idx.msk [tilespmem:v18+s4+$0x0], $0xffff  }
0x234: {  	v21 =	vadd.s32 $0x1, v16;
	v22 =	vld.idx.msk [tilespmem:v11+s4+$0x0], $0xffff  }
0x235: {  	v15 =	vadd.s32 $0x4, v31;
	v11 =	vadd.s32 $0x2, v13;
	v23 =	vld.idx.msk [tilespmem:v12+s4+$0x0], $0xffff  }
0x236: {  	v63 =	vadd.s32 $0x2, v16;
	v12 =	vadd.s32 $0x3, v13;
	v24 =	vld.idx.msk [tilespmem:v31+s4+$0x0], $0xffff;
	[tilespmem:v13+s15+$0x0] =	vst.idx.msk $0xffff, v14  }
0x237: {  	v14 =	vadd.s32 $0x1, v31;
	v28 =	vld.idx.msk [tilespmem:v16+s12+$0x0], $0xffff;
	[tilespmem:v19+s15+$0x0] =	vst.idx.msk $0xffff, v17  }
0x238: {  	v17 =	vadd.s32 $0x2, v31;
	[tilespmem:v60+s15+$0x0] =	vst.idx.msk $0xffff, v18;
	v18 =	vld.idx.msk [tilespmem:v20+s12+$0x0], $0xffff  }
0x239: {  	v61 =	vadd.s32 $0x3, v31;
	v62 =	vld.idx.msk [tilespmem:v21+s12+$0x0], $0xffff  }
0x23a: {  	[tilespmem:v11+s15+$0x0] =	vst.idx.msk $0xffff, v22;
	v22 =	vld.idx.msk [tilespmem:v15+s4+$0x0], $0xffff;
	v15 =	vadd.s32 $0x3, v16;
	v20 =	vadd.s32 $0x5, v13  }
0x23b: {  	[tilespmem:v12+s15+$0x0] =	vst.idx.msk $0xffff, v23;
	v21 =	vadd.s32 $0x5, v16;
	v32 =	vld.idx.msk [tilespmem:v63+s12+$0x0], $0xffff;
	v27 =	vadd.s32 $0x4, v20  }
0x23c: {  	v31 =	vadd.s32 $0x5, v31;
	v23 =	vadd.s32 $0x1, v20;
	v30 =	vadd.s32 $0x4, v21;
	v25 =	vld.idx.msk [tilespmem:v14+s4+$0x0], $0xffff;
	[tilespmem:v13+s16+$0x0] =	vst.idx.msk $0xffff, v28  }
0x23d: {  	v29 =	vadd.s32 $0x1, v21;
	v33 =	vadd.s32 $0x3, v21;
	v16 =	vmovc v27;
	v14 =	vadd.s32 $0x2, v20;
	v26 =	vld.idx.msk [tilespmem:v17+s4+$0x0], $0xffff;
	[tilespmem:v19+s16+$0x0] =	vst.idx.msk $0xffff, v18  }
0x23e: {  	s29 =	simm.s32 $0x5;
	v13 =	vadd.s32 $0x3, v20;
	v28 =	vld.idx.msk [tilespmem:v61+s4+$0x0], $0xffff;
	v17 =	vmovc v23;
	v19 =	vadd.s32 $0x2, v21;
	[tilespmem:v60+s16+$0x0] =	vst.idx.msk $0xffff, v62;
	v18 =	vmov v20  }
.LBB2_10:
0x23f: {  	v34 =	vadd.s32 $0x1, v31;
	v35 =	vadd.s32 $0x2, v31;
	v36 =	vadd.s32 $0x4, v31;
	s29 =	sadd.s32 $0x5, s29;
	[tilespmem:v20+s15+$0x0] =	vst.idx.msk $0xffff, v24;
	v37 =	vld.idx.msk [tilespmem:v15+s12+$0x0], $0xffff;
	v15 =	vmovc v33  }
0x240: {  	v38 =	vadd.s32 $0x3, v31;
	p1 =	slt.u32 s29, $0x14;
	v33 =	vld.idx.msk [tilespmem:v21+s12+$0x0], $0xffff;
	[tilespmem:v27+s15+$0x0] =	vst.idx.msk $0xffff, v22  }
0x241: {  	[tilespmem:v23+s15+$0x0] =	vst.idx.msk $0xffff, v25;
	v39 =	vld.idx.msk [tilespmem:v30+s12+$0x0], $0xffff  }
0x242: {  	v40 =	vld.idx.msk [tilespmem:v29+s12+$0x0], $0xffff;
	[tilespmem:v14+s15+$0x0] =	vst.idx.msk $0xffff, v26  }
0x243: {  	v24 =	vld.idx.msk [tilespmem:v31+s4+$0x0], $0xffff;
	[tilespmem:v13+s15+$0x0] =	vst.idx.msk $0xffff, v28  }
.Ltmp3:
0x244: {  	v20 =	vadd.s32 $0x5, v20;
	v22 =	vld.idx.msk [tilespmem:v36+s4+$0x0], $0xffff;
	[tilespmem:v11+s16+$0x0] =	vst.idx.msk $0xffff, v32;
	v11 =	vmov v14;
	(pc) =	sbr.rel @p1 .LBB2_10-.Ltmp3, $4  }
0x245: {  	v27 =	vadd.s32 $0x4, v20;
	v21 =	vadd.s32 $0x5, v21;
	v23 =	vadd.s32 $0x1, v20;
	v25 =	vld.idx.msk [tilespmem:v34+s4+$0x0], $0xffff;
	[tilespmem:v12+s16+$0x0] =	vst.idx.msk $0xffff, v37;
	v12 =	vmovc v13  }
0x246: {  	v30 =	vadd.s32 $0x4, v21;
	v14 =	vadd.s32 $0x2, v20;
	v13 =	vadd.s32 $0x3, v20;
	v26 =	vld.idx.msk [tilespmem:v35+s4+$0x0], $0xffff;
	[tilespmem:v18+s16+$0x0] =	vst.idx.msk $0xffff, v33;
	v18 =	vmovc v20  }
0x247: {  	v29 =	vadd.s32 $0x1, v21;
	v34 =	vadd.s32 $0x2, v21;
	v33 =	vadd.s32 $0x3, v21;
	v28 =	vld.idx.msk [tilespmem:v38+s4+$0x0], $0xffff;
	[tilespmem:v16+s16+$0x0] =	vst.idx.msk $0xffff, v39;
	v16 =	vmovc v27  }
0x248: {  	v31 =	vadd.s32 $0x5, v31;
	[tilespmem:v17+s16+$0x0] =	vst.idx.msk $0xffff, v40;
	v32 =	vld.idx.msk [tilespmem:v19+s12+$0x0], $0xffff;
	v17 =	vmov v23;
	v19 =	vmov v34  }
0x249: {  	v10 =	vmul.u32 $0xFFFEAE80, v10;
	_ =	sdelay $0x1  }
0x24a: {  	v9 =	vadd.s32 v9, v10  }
0x24b: {  	v10 =	vcvt.s32.f32 v9;
	_ =	sdelay $0x1  }
0x24c: {  	v10 =	vmul.f32 $2.777777850e-04, v10;
	_ =	sdelay $0x1  }
0x24d: {  	v10 =	vtrunc.f32 v10  }
0x24e: {  	v10 =	vcvt.f32.s32 v10;
	_ =	sdelay $0x1  }
0x24f: {  	v31 =	vmul.u32 $0xFFFFF1F0, v10;
	_ =	sdelay $0x1  }
0x250: {  	v31 =	vadd.s32 v9, v31  }
0x251: {  	[tilespmem:v20+s15+$0x0] =	vst.idx.msk $0xffff, v24;
	vm0 =	vlt.s32 v31, $0x0;
	v20 =	vadd.s32 $0xE10, v31  }
0x252: {  	v15 =	vld.idx.msk [tilespmem:v15+s12+$0x0], $0xffff;
	[tilespmem:v27+s15+$0x0] =	vst.idx.msk $0xffff, v22;
	v20 =	vsel vm0, v20, v31  }
0x253: {  	v21 =	vld.idx.msk [tilespmem:v21+s12+$0x0], $0xffff;
	[tilespmem:v23+s15+$0x0] =	vst.idx.msk $0xffff, v25;
	v22 =	vshra.s32 v31, $0x1F;
	vm0 =	vgt.s32 v20, $0xE0F  }
0x254: {  	[tilespmem:v14+s15+$0x0] =	vst.idx.msk $0xffff, v26;
	v10 =	vadd.s32 v10, v22;
	v20 =	vld.idx.msk [tilespmem:v30+s12+$0x0], $0xffff;
	v22 =	vsel vm0, $0x1, v0  }
0x255: {  	v23 =	vld.idx.msk [tilespmem:v29+s12+$0x0], $0xffff;
	[tilespmem:v13+s15+$0x0] =	vst.idx.msk $0xffff, v28;
	v10 =	vadd.s32 v22, v10  }
0x256: {  	[tilespmem:v11+s16+$0x0] =	vst.idx.msk $0xffff, v32;
	v11 =	vld.idx.msk [tilespmem:v19+s12+$0x0], $0xffff;
	v19 =	vmul.u32 $0x19, v10  }
0x257: {  	[tilespmem:v12+s16+$0x0] =	vst.idx.msk $0xffff, v15;
	v12 =	vld.idx.msk [tilespmem:v33+s12+$0x0], $0xffff  }
0x258: {  	[tilespmem:v18+s16+$0x0] =	vst.idx.msk $0xffff, v21;
	v15 =	vadd.s32 $0x4E2, v19  }
0x259: {  	[tilespmem:v16+s16+$0x0] =	vst.idx.msk $0xffff, v20;
	v16 =	vadd.s32 $0x4, v15  }
0x25a: {  	[tilespmem:v17+s16+$0x0] =	vst.idx.msk $0xffff, v23;
	v17 =	vadd.s32 $0x1, v15  }
0x25b: {  	[tilespmem:v14+s16+$0x0] =	vst.idx.msk $0xffff, v11;
	v11 =	vadd.s32 $0x2, v15  }
0x25c: {  	[tilespmem:v13+s16+$0x0] =	vst.idx.msk $0xffff, v12;
	v12 =	vadd.s32 $0x3, v15  }
0x25d: {  	v13 =	vor.u32 $0x4B, v8;
	v31 =	vadd.s32 $0x5, v15;
	v14 =	vld.idx.msk [tilespmem:v15+s4+$0x0], $0xffff  }
0x25e: {  	v18 =	vsub.s32 v6, v19;
	v19 =	vadd.s32 $0x4, v13;
	v16 =	vld.idx.msk [tilespmem:v16+s4+$0x0], $0xffff  }
0x25f: {  	v20 =	vadd.s32 $0x1, v13;
	v21 =	vadd.s32 $0x4, v18;
	v17 =	vld.idx.msk [tilespmem:v17+s4+$0x0], $0xffff  }
0x260: {  	v22 =	vadd.s32 $0x1, v18;
	v23 =	vld.idx.msk [tilespmem:v11+s4+$0x0], $0xffff  }
0x261: {  	v15 =	vadd.s32 $0x4, v31;
	v11 =	vadd.s32 $0x2, v13;
	v25 =	vld.idx.msk [tilespmem:v12+s4+$0x0], $0xffff  }
0x262: {  	v35 =	vadd.s32 $0x2, v18;
	v12 =	vadd.s32 $0x3, v13;
	v24 =	vld.idx.msk [tilespmem:v31+s4+$0x0], $0xffff;
	[tilespmem:v13+s15+$0x0] =	vst.idx.msk $0xffff, v14  }
0x263: {  	v14 =	vadd.s32 $0x1, v31;
	v28 =	vld.idx.msk [tilespmem:v18+s12+$0x0], $0xffff;
	[tilespmem:v19+s15+$0x0] =	vst.idx.msk $0xffff, v16  }
0x264: {  	v16 =	vadd.s32 $0x2, v31;
	[tilespmem:v20+s15+$0x0] =	vst.idx.msk $0xffff, v17;
	v21 =	vld.idx.msk [tilespmem:v21+s12+$0x0], $0xffff  }
0x265: {  	v63 =	vadd.s32 $0x3, v31;
	v34 =	vld.idx.msk [tilespmem:v22+s12+$0x0], $0xffff  }
0x266: {  	[tilespmem:v11+s15+$0x0] =	vst.idx.msk $0xffff, v23;
	v17 =	vadd.s32 $0x5, v13;
	v22 =	vld.idx.msk [tilespmem:v15+s4+$0x0], $0xffff;
	v15 =	vadd.s32 $0x3, v18  }
0x267: {  	[tilespmem:v12+s15+$0x0] =	vst.idx.msk $0xffff, v25;
	v31 =	vadd.s32 $0x5, v31;
	v27 =	vadd.s32 $0x4, v17;
	v18 =	vadd.s32 $0x5, v18;
	v32 =	vld.idx.msk [tilespmem:v35+s12+$0x0], $0xffff  }
0x268: {  	v23 =	vadd.s32 $0x1, v17;
	v29 =	vadd.s32 $0x4, v18;
	v30 =	vadd.s32 $0x1, v18;
	v25 =	vld.idx.msk [tilespmem:v14+s4+$0x0], $0xffff;
	[tilespmem:v13+s16+$0x0] =	vst.idx.msk $0xffff, v28  }
0x269: {  	v33 =	vadd.s32 $0x3, v18;
	v14 =	vadd.s32 $0x2, v17;
	v26 =	vld.idx.msk [tilespmem:v16+s4+$0x0], $0xffff;
	v13 =	vadd.s32 $0x3, v17;
	[tilespmem:v19+s16+$0x0] =	vst.idx.msk $0xffff, v21  }
0x26a: {  	s29 =	simm.s32 $0x5;
	v28 =	vld.idx.msk [tilespmem:v63+s4+$0x0], $0xffff;
	v16 =	vmovc v27;
	v21 =	vadd.s32 $0x2, v18;
	[tilespmem:v20+s16+$0x0] =	vst.idx.msk $0xffff, v34;
	v19 =	vmov v17;
	v20 =	vmov v23  }
.LBB2_12:
0x26b: {  	v34 =	vadd.s32 $0x1, v31;
	v35 =	vadd.s32 $0x2, v31;
	v36 =	vadd.s32 $0x4, v31;
	s29 =	sadd.s32 $0x5, s29;
	[tilespmem:v17+s15+$0x0] =	vst.idx.msk $0xffff, v24;
	v37 =	vld.idx.msk [tilespmem:v15+s12+$0x0], $0xffff;
	v15 =	vmovc v33  }
0x26c: {  	v38 =	vadd.s32 $0x3, v31;
	p1 =	slt.u32 s29, $0x14;
	v33 =	vld.idx.msk [tilespmem:v18+s12+$0x0], $0xffff;
	[tilespmem:v27+s15+$0x0] =	vst.idx.msk $0xffff, v22  }
0x26d: {  	[tilespmem:v23+s15+$0x0] =	vst.idx.msk $0xffff, v25;
	v39 =	vld.idx.msk [tilespmem:v29+s12+$0x0], $0xffff  }
0x26e: {  	v40 =	vld.idx.msk [tilespmem:v30+s12+$0x0], $0xffff;
	[tilespmem:v14+s15+$0x0] =	vst.idx.msk $0xffff, v26  }
0x26f: {  	v24 =	vld.idx.msk [tilespmem:v31+s4+$0x0], $0xffff;
	[tilespmem:v13+s15+$0x0] =	vst.idx.msk $0xffff, v28  }
.Ltmp4:
0x270: {  	v17 =	vadd.s32 $0x5, v17;
	v22 =	vld.idx.msk [tilespmem:v36+s4+$0x0], $0xffff;
	[tilespmem:v11+s16+$0x0] =	vst.idx.msk $0xffff, v32;
	v11 =	vmov v14;
	(pc) =	sbr.rel @p1 .LBB2_12-.Ltmp4, $4  }
0x271: {  	v27 =	vadd.s32 $0x4, v17;
	v18 =	vadd.s32 $0x5, v18;
	v23 =	vadd.s32 $0x1, v17;
	v25 =	vld.idx.msk [tilespmem:v34+s4+$0x0], $0xffff;
	[tilespmem:v12+s16+$0x0] =	vst.idx.msk $0xffff, v37;
	v12 =	vmovc v13  }
0x272: {  	v29 =	vadd.s32 $0x4, v18;
	v14 =	vadd.s32 $0x2, v17;
	v13 =	vadd.s32 $0x3, v17;
	v26 =	vld.idx.msk [tilespmem:v35+s4+$0x0], $0xffff;
	[tilespmem:v19+s16+$0x0] =	vst.idx.msk $0xffff, v33;
	v19 =	vmovc v17  }
0x273: {  	v30 =	vadd.s32 $0x1, v18;
	v34 =	vadd.s32 $0x2, v18;
	v33 =	vadd.s32 $0x3, v18;
	v28 =	vld.idx.msk [tilespmem:v38+s4+$0x0], $0xffff;
	[tilespmem:v16+s16+$0x0] =	vst.idx.msk $0xffff, v39;
	v16 =	vmovc v27  }
0x274: {  	v31 =	vadd.s32 $0x5, v31;
	[tilespmem:v20+s16+$0x0] =	vst.idx.msk $0xffff, v40;
	v32 =	vld.idx.msk [tilespmem:v21+s12+$0x0], $0xffff;
	v20 =	vmov v23;
	v21 =	vmov v34  }
0x275: {  	v10 =	vmul.u32 $0xFFFFF1F0, v10;
	_ =	sdelay $0x1  }
0x276: {  	v9 =	vadd.s32 v9, v10  }
0x277: {  	v10 =	vcvt.s32.f32 v9;
	_ =	sdelay $0x1  }
0x278: {  	v10 =	vmul.f32 $1.666666750e-02, v10;
	_ =	sdelay $0x1  }
0x279: {  	v10 =	vtrunc.f32 v10  }
0x27a: {  	v10 =	vcvt.f32.s32 v10;
	_ =	sdelay $0x1  }
0x27b: {  	v31 =	vmul.u32 $0xFFFFFFC4, v10;
	_ =	sdelay $0x1  }
0x27c: {  	v15 =	vld.idx.msk [tilespmem:v15+s12+$0x0], $0xffff;
	v9 =	vadd.s32 v9, v31  }
0x27d: {  	[tilespmem:v17+s15+$0x0] =	vst.idx.msk $0xffff, v24;
	vm0 =	vlt.s32 v9, $0x0;
	v31 =	vadd.s32 $0x3C, v9  }
0x27e: {  	[tilespmem:v14+s15+$0x0] =	vst.idx.msk $0xffff, v26;
	v17 =	vsel vm0, v31, v9  }
0x27f: {  	[tilespmem:v13+s15+$0x0] =	vst.idx.msk $0xffff, v28;
	v9 =	vshra.s32 v9, $0x1F;
	vm0 =	vgt.s32 v17, $0x3B  }
0x280: {  	[tilespmem:v11+s16+$0x0] =	vst.idx.msk $0xffff, v32;
	v11 =	vld.idx.msk [tilespmem:v21+s12+$0x0], $0xffff;
	v9 =	vadd.s32 v10, v9;
	v10 =	vsel vm0, $0x1, v0  }
0x281: {  	[tilespmem:v12+s16+$0x0] =	vst.idx.msk $0xffff, v15;
	v12 =	vld.idx.msk [tilespmem:v33+s12+$0x0], $0xffff;
	v9 =	vadd.s32 v10, v9  }
0x282: {  	[tilespmem:v23+s15+$0x0] =	vst.idx.msk $0xffff, v25;
	v17 =	vld.idx.msk [tilespmem:v18+s12+$0x0], $0xffff;
	v9 =	vmul.u32 $0x1C, v9  }
0x283: {  	[tilespmem:v27+s15+$0x0] =	vst.idx.msk $0xffff, v22;
	v10 =	vld.idx.msk [tilespmem:v30+s12+$0x0], $0xffff  }
0x284: {  	v18 =	vld.idx.msk [tilespmem:v29+s12+$0x0], $0xffff;
	v21 =	vadd.s32 $0x73A, v9  }
0x285: {  	[tilespmem:v14+s16+$0x0] =	vst.idx.msk $0xffff, v11;
	v15 =	vadd.s32 $0x3, v21  }
0x286: {  	[tilespmem:v13+s16+$0x0] =	vst.idx.msk $0xffff, v12  }
0x287: {  	[tilespmem:v19+s16+$0x0] =	vst.idx.msk $0xffff, v17;
	v11 =	vadd.s32 $0x2, v21  }
0x288: {  	[tilespmem:v20+s16+$0x0] =	vst.idx.msk $0xffff, v10;
	v10 =	vor.u32 $0x1, v21  }
0x289: {  	v8 =	vor.u32 $0x64, v8;
	[tilespmem:v16+s16+$0x0] =	vst.idx.msk $0xffff, v18;
	v17 =	vadd.s32 $0x4, v21  }
0x28a: {  	v14 =	vsub.s32 v7, v9;
	v16 =	vor.u32 $0x3, v8;
	v13 =	vadd.s32 $0x3, v17;
	v9 =	vld.idx.msk [tilespmem:v15+s4+$0x0], $0xffff  }
0x28b: {  	v12 =	vadd.s32 $0x3, v14;
	v20 =	vld.idx.msk [tilespmem:v21+s4+$0x0], $0xffff  }
0x28c: {  	v19 =	vadd.s32 $0x2, v17;
	v11 =	vld.idx.msk [tilespmem:v11+s4+$0x0], $0xffff  }
0x28d: {  	v31 =	vor.u32 $0x1, v8;
	v18 =	vor.u32 $0x1, v17;
	v10 =	vld.idx.msk [tilespmem:v10+s4+$0x0], $0xffff  }
0x28e: {  	v26 =	vadd.s32 $0x4, v17;
	v15 =	vor.u32 $0x2, v8;
	v17 =	vld.idx.msk [tilespmem:v17+s4+$0x0], $0xffff  }
0x28f: {  	v21 =	vadd.s32 $0x1, v14;
	v25 =	vld.idx.msk [tilespmem:v13+s4+$0x0], $0xffff;
	[tilespmem:v16+s15+$0x0] =	vst.idx.msk $0xffff, v9;
	v9 =	vadd.s32 $0x4, v8  }
0x290: {  	v23 =	vadd.s32 $0x2, v14;
	v22 =	vld.idx.msk [tilespmem:v12+s12+$0x0], $0xffff;
	v13 =	vor.u32 $0x3, v9;
	v12 =	vadd.s32 $0x4, v14  }
0x291: {  	v28 =	vld.idx.msk [tilespmem:v19+s4+$0x0], $0xffff;
	[tilespmem:v8+s15+$0x0] =	vst.idx.msk $0xffff, v20;
	v19 =	vadd.s32 $0x3, v12  }
0x292: {  	v18 =	vld.idx.msk [tilespmem:v18+s4+$0x0], $0xffff;
	v20 =	vor.u32 $0x1, v26;
	[tilespmem:v31+s15+$0x0] =	vst.idx.msk $0xffff, v10;
	v10 =	vor.u32 $0x1, v9  }
0x293: {  	v29 =	vadd.s32 $0x3, v26;
	[tilespmem:v15+s15+$0x0] =	vst.idx.msk $0xffff, v11;
	v27 =	vld.idx.msk [tilespmem:v14+s12+$0x0], $0xffff;
	v11 =	vor.u32 $0x2, v9  }
0x294: {  	v30 =	vadd.s32 $0x2, v26;
	v32 =	vld.idx.msk [tilespmem:v21+s12+$0x0], $0xffff;
	[tilespmem:v9+s15+$0x0] =	vst.idx.msk $0xffff, v17  }
0x295: {  	v24 =	vld.idx.msk [tilespmem:v23+s12+$0x0], $0xffff;
	[tilespmem:v13+s15+$0x0] =	vst.idx.msk $0xffff, v25  }
0x296: {  	[tilespmem:v16+s16+$0x0] =	vst.idx.msk $0xffff, v22;
	v25 =	vld.idx.msk [tilespmem:v19+s12+$0x0], $0xffff;
	v19 =	vadd.s32 $0x1, v12  }
0x297: {  	v14 =	vadd.s32 $0x4, v9;
	v23 =	vld.idx.msk [tilespmem:v20+s4+$0x0], $0xffff;
	[tilespmem:v10+s15+$0x0] =	vst.idx.msk $0xffff, v18;
	v18 =	vadd.s32 $0x2, v12  }
0x298: {  	v21 =	vor.u32 $0x3, v14;
	v20 =	vor.u32 $0x2, v14;
	v17 =	vadd.s32 $0x4, v12;
	v22 =	vld.idx.msk [tilespmem:v29+s4+$0x0], $0xffff;
	[tilespmem:v11+s15+$0x0] =	vst.idx.msk $0xffff, v28  }
0x299: {  	s29 =	simm.s32 $0x8;
	v16 =	vor.u32 $0x1, v14;
	v28 =	vld.idx.msk [tilespmem:v30+s4+$0x0], $0xffff;
	v30 =	vadd.s32 $0x3, v17;
	v29 =	vadd.s32 $0x4, v26;
	[tilespmem:v31+s16+$0x0] =	vst.idx.msk $0xffff, v32  }
.LBB2_14:
0x29a: {  	v31 =	vor.u32 $0x1, v29;
	v32 =	vadd.s32 $0x2, v29;
	v33 =	vadd.s32 $0x3, v29;
	s29 =	sadd.s32 $0x4, s29;
	v34 =	vld.idx.msk [tilespmem:v26+s4+$0x0], $0xffff;
	[tilespmem:v15+s16+$0x0] =	vst.idx.msk $0xffff, v24;
	v35 =	vmovc v16  }
0x29b: {  	v37 =	vadd.s32 $0x2, v17;
	p1 =	slt.u32 s29, $0x18;
	v36 =	vld.idx.msk [tilespmem:v19+s12+$0x0], $0xffff;
	v19 =	vadd.s32 $0x1, v17;
	[tilespmem:v8+s16+$0x0] =	vst.idx.msk $0xffff, v27;
	v8 =	vmovc v9;
	v9 =	vmov v14  }
0x29c: {  	v15 =	vmovc v11;
	v11 =	vmov v20;
	v24 =	vld.idx.msk [tilespmem:v18+s12+$0x0], $0xffff;
	[tilespmem:v13+s16+$0x0] =	vst.idx.msk $0xffff, v25;
	v18 =	vmov v37;
	v13 =	vmov v21  }
.Ltmp5:
0x29d: {  	v26 =	vmov v29;
	[tilespmem:v21+s15+$0x0] =	vst.idx.msk $0xffff, v22;
	v27 =	vld.idx.msk [tilespmem:v12+s12+$0x0], $0xffff;
	v12 =	vmov v17;
	(pc) =	sbr.rel @p1 .LBB2_14-.Ltmp5, $4  }
0x29e: {  	[tilespmem:v16+s15+$0x0] =	vst.idx.msk $0xffff, v23;
	v25 =	vld.idx.msk [tilespmem:v30+s12+$0x0], $0xffff  }
0x29f: {  	v14 =	vadd.s32 $0x4, v14;
	v22 =	vld.idx.msk [tilespmem:v33+s4+$0x0], $0xffff;
	[tilespmem:v20+s15+$0x0] =	vst.idx.msk $0xffff, v28  }
0x2a0: {  	v21 =	vor.u32 $0x3, v14;
	v17 =	vadd.s32 $0x4, v17;
	v16 =	vor.u32 $0x1, v14;
	v23 =	vld.idx.msk [tilespmem:v31+s4+$0x0], $0xffff;
	[tilespmem:v9+s15+$0x0] =	vst.idx.msk $0xffff, v34  }
0x2a1: {  	v29 =	vadd.s32 $0x4, v29;
	v30 =	vadd.s32 $0x3, v17;
	v20 =	vor.u32 $0x2, v14;
	v28 =	vld.idx.msk [tilespmem:v32+s4+$0x0], $0xffff;
	[tilespmem:v10+s16+$0x0] =	vst.idx.msk $0xffff, v36;
	v10 =	vmovc v35  }
0x2a2: {  	_ =	sdelay $0x3  }
0x2a3: {  	[tilespmem:v15+s16+$0x0] =	vst.idx.msk $0xffff, v24  }
0x2a4: {  	v58 =	vld.idx.msk [tilespmem:v26+s4+$0x0], $0xffff;
	v59 =	vadd.s32 $0x1, v17;
	[tilespmem:v8+s16+$0x0] =	vst.idx.msk $0xffff, v27  }
0x2a5: {  	v8 =	vadd.s32 $0x2, v17;
	v19 =	vld.idx.msk [tilespmem:v19+s12+$0x0], $0xffff;
	[tilespmem:v13+s16+$0x0] =	vst.idx.msk $0xffff, v25  }
0x2a6: {  	v60 =	vld.idx.msk [tilespmem:v18+s12+$0x0], $0xffff;
	[tilespmem:v21+s15+$0x0] =	vst.idx.msk $0xffff, v22  }
0x2a7: {  	v12 =	vld.idx.msk [tilespmem:v12+s12+$0x0], $0xffff;
	[tilespmem:v16+s15+$0x0] =	vst.idx.msk $0xffff, v23  }
0x2a8: {  	v61 =	vld.idx.msk [tilespmem:v30+s12+$0x0], $0xffff;
	[tilespmem:v20+s15+$0x0] =	vst.idx.msk $0xffff, v28  }
0x2a9: {  	[tilespmem:v14+s15+$0x0] =	vst.idx.msk $0xffff, v58;
	v62 =	vld.idx.msk [tilespmem:v59+s12+$0x0], $0xffff  }
0x2aa: {  	s28 =	sadd.s32 $0x1, s28;
	[tilespmem:v10+s16+$0x0] =	vst.idx.msk $0xffff, v19;
	v8 =	vld.idx.msk [tilespmem:v8+s12+$0x0], $0xffff  }
0x2ab: {  	p1 =	sne.s32 s28, $0xD;
	[tilespmem:v11+s16+$0x0] =	vst.idx.msk $0xffff, v60;
	v63 =	vld.idx.msk [tilespmem:v17+s12+$0x0], $0xffff  }
.Ltmp6:
0x2ac: {  	[tilespmem:v9+s16+$0x0] =	vst.idx.msk $0xffff, v12;
	(pc) =	sbr.rel @p1 .LBB2_5-.Ltmp6, $4  }
0x2ad: {  	[tilespmem:v21+s16+$0x0] =	vst.idx.msk $0xffff, v61  }
0x2ae: {  	[tilespmem:v16+s16+$0x0] =	vst.idx.msk $0xffff, v62  }
0x2af: {  	[tilespmem:v20+s16+$0x0] =	vst.idx.msk $0xffff, v8  }
0x2b0: {  	[tilespmem:v14+s16+$0x0] =	vst.idx.msk $0xffff, v63  }
0x2b1: {  	p1 =	sne.s32 s24, $0x0  }
0x2b2: {  	s24 =	smul.u32 @!p1 $0xD00, s23  }
0x2b3: {  	s25 =	simm.s32 @!p1 $0x0  }
0x2b4: {  	s26 =	simm.s32 @!p1 $0x4D00;
	s28 =	smul.u32 @!p1 $0xC80, s23;
	s24 =	sadd.s32 @!p1 s8, s24  }
0x2b5: {  	[hbm4b:s24+s25] =	stream.linear.scatter @!p1 [tilespmem:s26], [sflag:$0x1], $0x6480, $0x38;
	[tilespmem:$0x1ED00] =	vst v63  }
0x2b6: {  	s24 =	sadd.s32 @!p1 s3, s28;
	s28 =	smul.u32 @p0 $0xD00, s23  }
0x2b7: {  	s26 =	simm.s32 @!p1 $0x11D00;
	s23 =	smul.u32 @p0 $0xC80, s23  }
0x2b8: {  	[hbm4b:s24+s25] =	stream.linear.scatter @!p1 [tilespmem:s26], [sflag:$0x3], $0x6400, $0x38;
	[tilespmem:$0x1ED00] =	vst v63  }
0x2b9: {  	s24 =	sadd.s32 @p0 s8, s28;
	s25 =	simm.s32 @p0 $0x0;
	s26 =	simm.s32 @p0 $0xB500  }
0x2ba: {  	[hbm4b:s24+s25] =	stream.linear.scatter @p0 [tilespmem:s26], [sflag:$0x2], $0x6480, $0x38;
	[tilespmem:$0x1ED00] =	vst v63  }
0x2bb: {  	s22 =	sadd.s32 $0x1, s22;
	s23 =	sadd.s32 @p0 s3, s23;
	s24 =	simm.s32 @p0 $0x18500  }
0x2bc: {  	[hbm4b:s23+s25] =	stream.linear.scatter @p0 [tilespmem:s24], [sflag:$0x4], $0x6400, $0x38;
	[tilespmem:$0x1ED00] =	vst v63  }
0x2bd: {  	p0 =	sne.s32 s22, $0x80  }
.Ltmp7:
0x2be: {  	_ = 	snop;
	(pc) =	sbr.rel @p0 .LBB2_4-.Ltmp7, $1  }
0x2bf: {  	_ =	sdelay $0x3  }
0x2c0: {  	_ =	swait.ge [sflag:s17], $0x6480  }
0x2c1: {  	[sflag:s17] =	ssyncset.done $0x0  }
0x2c2: {  	[sflag:s17] =	ssyncadd.s32 $0xFFFF9B80  }
0x2c3: {  	_ =	swait.ge [sflag:s18], $0x6400  }
0x2c4: {  	[sflag:s18] =	ssyncset.done $0x0  }
0x2c5: {  	s21 =	sadd.s32 $0x1, s21;
	[sflag:s18] =	ssyncadd.s32 $0xFFFF9C00  }
0x2c6: {  	p0 =	sne.s32 s21, s10;
	_ =	swait.ge [sflag:s19], $0x6480  }
.Ltmp8:
0x2c7: {  	[sflag:s19] =	ssyncset.done $0x0;
	(pc) =	sbr.rel @p0 .LBB2_1-.Ltmp8, $4  }
0x2c8: {  	[sflag:s19] =	ssyncadd.s32 $0xFFFF9B80  }
0x2c9: {  	_ =	swait.ge [sflag:s20], $0x6400  }
0x2ca: {  	[sflag:s20] =	ssyncset.done $0x0  }
0x2cb: {  	[sflag:s20] =	ssyncadd.s32 $0xFFFF9C00  }
0x2cc: {  	_ =	sfence.sel $0x180000  }
0x2cd: {  	[bflag:$0x0] =	sbarrier.arrive $0xFFFF  }
0x2ce: {  	p0 =	sne.s32 s0, $0x0;
	_ =	strace $0x90000047  }
0x2cf: {  	s0 =	sadd.s32 @!p0 $0x100000, s2;
	[bflag:$0x2] =	sbarrier.arrive $0xFFFF  }
0x2d0: {  	[sflag:s0] =	ssyncadd.tile.s32 @!p0 $0x1;
	_ =	shalt  }
.Lfunc_end2:
_tile_overlayer_lowered:
.L_overlay_start_2:
0x2d1: {  	(tag) =	ssettag $0x2  }
0x2d2: {  	s0 =	rddreg [dreg:$0x0];
	s2 =	stileid.u32  }
0x2d3: {  	s1 =	rddreg [dreg:$0x1];
	p0 =	sne.s32 s2, $0x0  }
0x2d4: {  	s3 =	rddreg [dreg:$0x2];
	[bflag:$0x3] =	sbarrier.arrive $0xFFFF;
	s2 =	simm.s32 @!p0 $0x1C05  }
0x2d5: {  	[timem:s3], [sflag:s2] =	dma.local @!p0 [hbm:s0], s1  }
0x2d6: {  	s0 =	simm.s32 @!p0 $0x5  }
0x2d7: {  	_ =	swait.ge @!p0 [sflag:s0], s1  }
0x2d8: {  	s1 =	ssub.s32 @!p0 $0x0, s1;
	[sflag:s0] =	ssyncset.done @!p0 $0x0  }
0x2d9: {  	[sflag:s0] =	ssyncadd.s32 @!p0 s1  }
0x2da: {  	[bflag:$0x3] =	sbarrier.arrive $0xFFFF  }
0x2db: {  	_ =	shalt  }

</sc_bundles>
